<compile_context>
chip_gen: v7x
topology: tpu7x:2x2x1
jax: 0.10.2.dev20260603
libtpu: 0.0.44.dev20260713+nightly
codegen_flags: <defaults>
</compile_context>

<pallas_src>
import functools

import jax
import jax.numpy as jnp
from jax import lax
from jax.experimental import pallas as pl
from jax.experimental.pallas import tpu as pltpu
from jax.experimental.pallas import tpu_sc as plsc

N_ATOMS = 100000
N_PAIRS = 3200000
E_TYPES = 3
N_R = 8192
N_RHO = 4096
R_MAX = 6.0
INV_DR = (N_R - 1) / R_MAX
RMAX_C = R_MAX * (1.0 - 1e-07)
RHO_CLIP_HI = N_RHO - 1 - 1e-04

NC = 2
NS = 16
NW = NC * NS
L = 16

NA_PAD = 100352
AT_W = NA_PAD // NW
AT_ROWS = AT_W // L
AT_SC = NA_PAD // NS

PAIRS_T = N_PAIRS // NS
CHUNK_A = 800
VECS_A = CHUNK_A // L
NCHUNK_A = PAIRS_T // CHUNK_A

PAIRS_W = N_PAIRS // NW
CHUNK_C = 800
VECS_C = CHUNK_C // L
NCHUNK_C = PAIRS_W // CHUNK_C

DENS_N = E_TYPES * N_R
PAIR_N = E_TYPES * E_TYPES * N_R
OUT_LEN = N_ATOMS + N_PAIRS
ECHUNKS = N_ATOMS // CHUNK_C

f32 = jnp.float32
i32 = jnp.int32


def _rbin(rr):
    rc = jnp.minimum(jnp.maximum(rr, 0.0), RMAX_C)
    idxf = rc * INV_DR
    idx = idxf.astype(i32)
    frac = idxf - idx.astype(f32)
    return idx, frac


def _vloop(n, body):
    def wrap(i, carry):
        body(i)
        return carry
    lax.fori_loop(0, n, wrap, 0)


def _ploop(n, body, unroll=4):
    plsc.parallel_loop(0, n, unroll=unroll)(body)


def _zero_fill(ref, nwords):
    zeros16 = jnp.zeros((L,), f32)

    def zf(i):
        ref[pl.ds(i * L, L)] = zeros16

    _vloop(nwords // L, zf)


def _pair_pass1_body(r1, s1, d1, tpad, dflat, pflat,
                     rho_out, pe_out, dbi_out, dbj_out,
                     type_s, dens_ts, pair_ts, acc,
                     r_b0, s_b0, d_b0, r_b1, s_b1, d_b1,
                     ti_b, tj_b, i0_b, i1_b, v0_b, v1_b,
                     sem_in, sem_t, sem_v, sem_o):
    c = lax.axis_index("c")
    s = lax.axis_index("s")

    sl = pl.ds(s * AT_SC, AT_SC)
    pltpu.sync_copy(tpad.at[sl], type_s.at[sl])
    dsl = pl.ds(s * (DENS_N // NS), DENS_N // NS)
    pltpu.sync_copy(dflat.at[dsl], dens_ts.at[dsl])
    psl = pl.ds(s * (PAIR_N // NS), PAIR_N // NS)
    pltpu.sync_copy(pflat.at[psl], pair_ts.at[psl])
    _zero_fill(acc, NA_PAD)
    plsc.subcore_barrier()

    bufs = ((r_b0, s_b0, d_b0), (r_b1, s_b1, d_b1))

    def issue_stage(k, bset):
        base = s * PAIRS_T + k * CHUNK_A
        pltpu.async_copy(r1.at[pl.ds(base, CHUNK_A)], bset[0], sem_in)
        pltpu.async_copy(s1.at[pl.ds(base, CHUNK_A)], bset[1], sem_in)
        pltpu.async_copy(d1.at[pl.ds(base, CHUNK_A)], bset[2], sem_in)

    def wait_stage(bset):
        pltpu.make_async_copy(r1.at[pl.ds(0, CHUNK_A)], bset[0],
                              sem_in).wait()
        pltpu.make_async_copy(s1.at[pl.ds(0, CHUNK_A)], bset[1],
                              sem_in).wait()
        pltpu.make_async_copy(d1.at[pl.ds(0, CHUNK_A)], bset[2],
                              sem_in).wait()

    @pl.when(c == 0)
    def _():
        def issue_types(bset):
            pltpu.async_copy(type_s.at[bset[1]], ti_b, sem_t)
            pltpu.async_copy(type_s.at[bset[2]], tj_b, sem_t)

        def wait_types(bset):
            pltpu.make_async_copy(type_s.at[bset[1]], ti_b, sem_t).wait()
            pltpu.make_async_copy(type_s.at[bset[2]], tj_b, sem_t).wait()

        def subbody(k, cur, nxt):
            next_k = k + 1

            @pl.when(next_k < NCHUNK_A)
            def _():
                issue_stage(next_k, nxt)

            wait_types(cur)

            def idxrow(i):
                rsl = pl.ds(i * L, L)
                idx, _ = _rbin(cur[0][rsl])
                dbi = ti_b[rsl] * N_R
                dbj = tj_b[rsl] * N_R
                fi = dbi * E_TYPES + dbj + idx
                i0_b[rsl] = fi
                i1_b[rsl] = fi + 1
                ti_b[rsl] = dbi
                tj_b[rsl] = dbj

            _ploop(VECS_A, idxrow)
            base = s * PAIRS_T + k * CHUNK_A
            pltpu.async_copy(pair_ts.at[i0_b], v0_b, sem_v)
            pltpu.async_copy(pair_ts.at[i1_b], v1_b, sem_v)
            pltpu.async_copy(ti_b, dbi_out.at[pl.ds(base, CHUNK_A)], sem_o)
            pltpu.async_copy(tj_b, dbj_out.at[pl.ds(base, CHUNK_A)], sem_o)

            def wait_o():
                pltpu.make_async_copy(
                    ti_b, dbi_out.at[pl.ds(0, CHUNK_A)], sem_o).wait()
                pltpu.make_async_copy(
                    tj_b, dbj_out.at[pl.ds(0, CHUNK_A)], sem_o).wait()

            @pl.when(next_k < NCHUNK_A)
            def _():
                wait_stage(nxt)
                wait_o()
                issue_types(nxt)

            @pl.when(next_k >= NCHUNK_A)
            def _():
                wait_o()

            pltpu.make_async_copy(pair_ts.at[i0_b], v0_b, sem_v).wait()
            pltpu.make_async_copy(pair_ts.at[i1_b], v1_b, sem_v).wait()

            def accrow(i):
                rsl = pl.ds(i * L, L)
                _, frac = _rbin(cur[0][rsl])
                v0 = v0_b[rsl]
                phi = v0 + frac * (v1_b[rsl] - v0)
                plsc.addupdate_scatter(acc, [cur[1][rsl]], 0.5 * phi)

            _ploop(VECS_A, accrow)

        issue_stage(0, bufs[0])
        wait_stage(bufs[0])
        issue_types(bufs[0])

        def pair_iter(kk):
            subbody(2 * kk, bufs[0], bufs[1])
            subbody(2 * kk + 1, bufs[1], bufs[0])

        _vloop(NCHUNK_A // 2, pair_iter)
        pltpu.sync_copy(acc, pe_out.at[pl.ds(s * NA_PAD, NA_PAD)])

    @pl.when(c == 1)
    def _():
        def issue_types(bset):
            pltpu.async_copy(type_s.at[bset[2]], tj_b, sem_t)

        def wait_types(bset):
            pltpu.make_async_copy(type_s.at[bset[2]], tj_b, sem_t).wait()

        def subbody(k, cur, nxt):
            next_k = k + 1

            @pl.when(next_k < NCHUNK_A)
            def _():
                issue_stage(next_k, nxt)

            wait_types(cur)

            def idxrow(i):
                rsl = pl.ds(i * L, L)
                idx, _ = _rbin(cur[0][rsl])
                fi = tj_b[rsl] * N_R + idx
                i0_b[rsl] = fi
                i1_b[rsl] = fi + 1

            _ploop(VECS_A, idxrow)
            pltpu.async_copy(dens_ts.at[i0_b], v0_b, sem_v)
            pltpu.async_copy(dens_ts.at[i1_b], v1_b, sem_v)

            @pl.when(next_k < NCHUNK_A)
            def _():
                wait_stage(nxt)
                issue_types(nxt)

            pltpu.make_async_copy(dens_ts.at[i0_b], v0_b, sem_v).wait()
            pltpu.make_async_copy(dens_ts.at[i1_b], v1_b, sem_v).wait()

            def accrow(i):
                rsl = pl.ds(i * L, L)
                _, frac = _rbin(cur[0][rsl])
                v0 = v0_b[rsl]
                dens = v0 + frac * (v1_b[rsl] - v0)
                plsc.addupdate_scatter(acc, [cur[1][rsl]], dens)

            _ploop(VECS_A, accrow)

        issue_stage(0, bufs[0])
        wait_stage(bufs[0])
        issue_types(bufs[0])

        def pair_iter(kk):
            subbody(2 * kk, bufs[0], bufs[1])
            subbody(2 * kk + 1, bufs[1], bufs[0])

        _vloop(NCHUNK_A // 2, pair_iter)
        pltpu.sync_copy(acc, rho_out.at[pl.ds(s * NA_PAD, NA_PAD)])


def _atom_pass_body(rho_part, pe_part, tpad, eflat, epflat, rmin16, idr16,
                    en_out, fp_out,
                    embed_t, embedp_t, rmin_t, idr_t,
                    rho_b, pe_b, tmp_b, tmp2_b, tb, en_b, fp_b, sem_r):
    c = lax.axis_index("c")
    s = lax.axis_index("s")
    w = c * NS + s
    base = pl.ds(w * AT_W, AT_W)

    pltpu.sync_copy(eflat, embed_t)
    pltpu.sync_copy(epflat, embedp_t)
    pltpu.sync_copy(rmin16, rmin_t)
    pltpu.sync_copy(idr16, idr_t)
    pltpu.sync_copy(tpad.at[base], tb)

    pltpu.sync_copy(rho_part.at[pl.ds(w * AT_W, AT_W)], rho_b)
    pltpu.sync_copy(pe_part.at[pl.ds(w * AT_W, AT_W)], pe_b)

    def red(p):
        cp_r = pltpu.async_copy(
            rho_part.at[pl.ds(p * NA_PAD + w * AT_W, AT_W)], tmp_b, sem_r)
        cp_p = pltpu.async_copy(
            pe_part.at[pl.ds(p * NA_PAD + w * AT_W, AT_W)], tmp2_b, sem_r)
        cp_r.wait()

        def addrow_r(j):
            jsl = pl.ds(j * L, L)
            rho_b[jsl] = rho_b[jsl] + tmp_b[jsl]

        _ploop(AT_ROWS, addrow_r)
        cp_p.wait()

        def addrow_p(j):
            jsl = pl.ds(j * L, L)
            pe_b[jsl] = pe_b[jsl] + tmp2_b[jsl]

        _ploop(AT_ROWS, addrow_p)

    def redwrap(p, carry):
        red(p + 1)
        return carry

    lax.fori_loop(0, NS - 1, redwrap, 0)

    def row(j):
        jsl = pl.ds(j * L, L)
        t = tb[jsl]
        rho = rho_b[jsl]
        rm = plsc.load_gather(rmin_t, [t])
        iv = plsc.load_gather(idr_t, [t])
        idxf = jnp.minimum(jnp.maximum((rho - rm) * iv, 0.0), RHO_CLIP_HI)
        idx = idxf.astype(i32)
        frac = idxf - idx.astype(f32)
        eb = t * N_RHO + idx
        F0 = plsc.load_gather(embed_t, [eb])
        F1 = plsc.load_gather(embed_t, [eb + 1])
        G0 = plsc.load_gather(embedp_t, [eb])
        G1 = plsc.load_gather(embedp_t, [eb + 1])
        en_b[jsl] = F0 + frac * (F1 - F0) + pe_b[jsl]
        fp_b[jsl] = G0 + frac * (G1 - G0)

    _ploop(AT_ROWS, row)
    pltpu.sync_copy(en_b, en_out.at[base])
    pltpu.sync_copy(fp_b, fp_out.at[base])


def _pair_pass2_body(r1, s1, d1, dbi, dbj, fp_pad, dpflat, ppflat, en_pad,
                     out1,
                     fp_s, densp_t, pairp_t,
                     r_b0, s_b0, d_b0, bi_b0, bj_b0, fs_b0, fd_b0,
                     r_b1, s_b1, d_b1, bi_b1, bj_b1, fs_b1, fd_b1,
                     f_b0, f_b1,
                     sem_in, sem_st, sem_out):
    c = lax.axis_index("c")
    s = lax.axis_index("s")
    w = c * NS + s

    sl = pl.ds(s * AT_SC, AT_SC)
    pltpu.sync_copy(fp_pad.at[sl], fp_s.at[sl])
    pltpu.sync_copy(dpflat, densp_t)
    pltpu.sync_copy(ppflat, pairp_t)

    nch = ECHUNKS // NW + jnp.where(w < ECHUNKS % NW, 1, 0)

    def ecopy(k):
        ebase = (w + k * NW) * CHUNK_C
        pltpu.sync_copy(en_pad.at[pl.ds(ebase, CHUNK_C)], f_b0)
        pltpu.sync_copy(f_b0, out1.at[pl.ds(ebase, CHUNK_C)])

    _vloop(nch, ecopy)
    plsc.subcore_barrier()

    bufs = ((r_b0, s_b0, d_b0, bi_b0, bj_b0, fs_b0, fd_b0, f_b0),
            (r_b1, s_b1, d_b1, bi_b1, bj_b1, fs_b1, fd_b1, f_b1))

    def issue_stage(k, bset):
        base = w * PAIRS_W + k * CHUNK_C
        pltpu.async_copy(r1.at[pl.ds(base, CHUNK_C)], bset[0], sem_in)
        pltpu.async_copy(s1.at[pl.ds(base, CHUNK_C)], bset[1], sem_in)
        pltpu.async_copy(d1.at[pl.ds(base, CHUNK_C)], bset[2], sem_in)
        pltpu.async_copy(dbi.at[pl.ds(base, CHUNK_C)], bset[3], sem_in)
        pltpu.async_copy(dbj.at[pl.ds(base, CHUNK_C)], bset[4], sem_in)

    def wait_stage(bset):
        for ref, hb in ((bset[0], r1), (bset[1], s1), (bset[2], d1),
                        (bset[3], dbi), (bset[4], dbj)):
            pltpu.make_async_copy(hb.at[pl.ds(0, CHUNK_C)], ref,
                                  sem_in).wait()

    def issue_fp(bset):
        pltpu.async_copy(fp_s.at[bset[1]], bset[5], sem_st)
        pltpu.async_copy(fp_s.at[bset[2]], bset[6], sem_st)

    def wait_fp(bset):
        pltpu.make_async_copy(fp_s.at[bset[1]], bset[5], sem_st).wait()
        pltpu.make_async_copy(fp_s.at[bset[2]], bset[6], sem_st).wait()

    def subbody(k, cur, nxt):
        next_k = k + 1

        @pl.when(next_k < NCHUNK_C)
        def _():
            issue_stage(next_k, nxt)

        @pl.when(k >= 2)
        def _():
            pltpu.make_async_copy(
                cur[7], out1.at[pl.ds(N_ATOMS, CHUNK_C)], sem_out).wait()

        wait_fp(cur)

        @pl.when(next_k < NCHUNK_C)
        def _():
            wait_stage(nxt)
            issue_fp(nxt)

        def row(i):
            rsl = pl.ds(i * L, L)
            idx, frac = _rbin(cur[0][rsl])
            bi = cur[3][rsl]
            bj = cur[4][rsl]
            pb = bi * E_TYPES + bj + idx
            p0 = plsc.load_gather(pairp_t, [pb])
            p1 = plsc.load_gather(pairp_t, [pb + 1])
            phip = p0 + frac * (p1 - p0)
            j0 = plsc.load_gather(densp_t, [bj + idx])
            j1 = plsc.load_gather(densp_t, [bj + idx + 1])
            rhop_j = j0 + frac * (j1 - j0)
            q0 = plsc.load_gather(densp_t, [bi + idx])
            q1 = plsc.load_gather(densp_t, [bi + idx + 1])
            rhop_i = q0 + frac * (q1 - q0)
            cur[7][rsl] = phip + cur[5][rsl] * rhop_j + cur[6][rsl] * rhop_i

        _ploop(VECS_C, row)
        base = w * PAIRS_W + k * CHUNK_C
        pltpu.async_copy(cur[7], out1.at[pl.ds(N_ATOMS + base, CHUNK_C)],
                         sem_out)

    issue_stage(0, bufs[0])
    wait_stage(bufs[0])
    issue_fp(bufs[0])

    def pair_iter(kk):
        subbody(2 * kk, bufs[0], bufs[1])
        subbody(2 * kk + 1, bufs[1], bufs[0])

    _vloop(NCHUNK_C // 2, pair_iter)
    if NCHUNK_C % 2:
        subbody(NCHUNK_C - 1, bufs[0], bufs[1])
    pltpu.make_async_copy(f_b0, out1.at[pl.ds(N_ATOMS, CHUNK_C)],
                          sem_out).wait()
    pltpu.make_async_copy(f_b1, out1.at[pl.ds(N_ATOMS, CHUNK_C)],
                          sem_out).wait()


@functools.cache
def _build():
    def mesh():
        return plsc.VectorSubcoreMesh(core_axis_name="c",
                                      subcore_axis_name="s")

    params = pltpu.CompilerParams(needs_layout_passes=False)

    pass1 = pl.kernel(
        _pair_pass1_body,
        out_type=(
            jax.ShapeDtypeStruct((NS * NA_PAD,), f32),
            jax.ShapeDtypeStruct((NS * NA_PAD,), f32),
            jax.ShapeDtypeStruct((N_PAIRS,), i32),
            jax.ShapeDtypeStruct((N_PAIRS,), i32),
        ),
        mesh=mesh(),
        compiler_params=params,
        scratch_types=[
            pltpu.VMEM_SHARED((NA_PAD,), i32),
            pltpu.VMEM_SHARED((DENS_N,), f32),
            pltpu.VMEM_SHARED((PAIR_N,), f32),
            pltpu.VMEM((NA_PAD,), f32),
            pltpu.VMEM((CHUNK_A,), f32),
            pltpu.VMEM((CHUNK_A,), i32),
            pltpu.VMEM((CHUNK_A,), i32),
            pltpu.VMEM((CHUNK_A,), f32),
            pltpu.VMEM((CHUNK_A,), i32),
            pltpu.VMEM((CHUNK_A,), i32),
            pltpu.VMEM((CHUNK_A,), i32),
            pltpu.VMEM((CHUNK_A,), i32),
            pltpu.VMEM((CHUNK_A,), i32),
            pltpu.VMEM((CHUNK_A,), i32),
            pltpu.VMEM((CHUNK_A,), f32),
            pltpu.VMEM((CHUNK_A,), f32),
            pltpu.SemaphoreType.DMA,
            pltpu.SemaphoreType.DMA,
            pltpu.SemaphoreType.DMA,
            pltpu.SemaphoreType.DMA,
        ],
    )

    pass_b = pl.kernel(
        _atom_pass_body,
        out_type=(
            jax.ShapeDtypeStruct((NA_PAD,), f32),
            jax.ShapeDtypeStruct((NA_PAD,), f32),
        ),
        mesh=mesh(),
        compiler_params=params,
        scratch_types=[
            pltpu.VMEM((E_TYPES * N_RHO,), f32),
            pltpu.VMEM((E_TYPES * N_RHO,), f32),
            pltpu.VMEM((L,), f32),
            pltpu.VMEM((L,), f32),
            pltpu.VMEM((AT_W,), f32),
            pltpu.VMEM((AT_W,), f32),
            pltpu.VMEM((AT_W,), f32),
            pltpu.VMEM((AT_W,), f32),
            pltpu.VMEM((AT_W,), i32),
            pltpu.VMEM((AT_W,), f32),
            pltpu.VMEM((AT_W,), f32),
            pltpu.SemaphoreType.DMA,
        ],
    )

    pass2 = pl.kernel(
        _pair_pass2_body,
        out_type=jax.ShapeDtypeStruct((OUT_LEN,), f32),
        mesh=mesh(),
        compiler_params=params,
        scratch_types=[
            pltpu.VMEM_SHARED((NA_PAD,), f32),
            pltpu.VMEM((DENS_N,), f32),
            pltpu.VMEM((PAIR_N,), f32),
            pltpu.VMEM((CHUNK_C,), f32),
            pltpu.VMEM((CHUNK_C,), i32),
            pltpu.VMEM((CHUNK_C,), i32),
            pltpu.VMEM((CHUNK_C,), i32),
            pltpu.VMEM((CHUNK_C,), i32),
            pltpu.VMEM((CHUNK_C,), f32),
            pltpu.VMEM((CHUNK_C,), f32),
            pltpu.VMEM((CHUNK_C,), f32),
            pltpu.VMEM((CHUNK_C,), i32),
            pltpu.VMEM((CHUNK_C,), i32),
            pltpu.VMEM((CHUNK_C,), i32),
            pltpu.VMEM((CHUNK_C,), i32),
            pltpu.VMEM((CHUNK_C,), f32),
            pltpu.VMEM((CHUNK_C,), f32),
            pltpu.VMEM((CHUNK_C,), f32),
            pltpu.VMEM((CHUNK_C,), f32),
            pltpu.SemaphoreType.DMA,
            pltpu.SemaphoreType.DMA,
            pltpu.SemaphoreType.DMA,
        ],
    )
    return pass1, pass_b, pass2


def _run(r, edge_index, atom_type_indices, density_table,
         density_deriv_table, pair_table, pair_deriv_table,
         embed_table, embed_deriv_table, embed_rho_min, embed_inv_drho):
    pass1, pass_b, pass2 = _build()
    src1 = edge_index[0]
    dst1 = edge_index[1]
    tpad = jnp.pad(atom_type_indices, (0, NA_PAD - N_ATOMS))
    rmin16 = jnp.pad(embed_rho_min, (0, L - E_TYPES))
    idr16 = jnp.pad(embed_inv_drho, (0, L - E_TYPES))

    rho_part, pe_part, dbi, dbj = pass1(
        r, src1, dst1, tpad,
        density_table.reshape(-1), pair_table.reshape(-1))
    en_pad, fp_pad = pass_b(
        rho_part, pe_part, tpad,
        embed_table.reshape(-1), embed_deriv_table.reshape(-1),
        rmin16, idr16)
    return pass2(
        r, src1, dst1, dbi, dbj, fp_pad,
        density_deriv_table.reshape(-1), pair_deriv_table.reshape(-1),
        en_pad)


def kernel(r, edge_index, atom_type_indices, density_table,
           density_deriv_table, pair_table, pair_deriv_table,
           embed_table, embed_deriv_table, embed_rho_min, embed_inv_drho):
    return _run(r, edge_index, atom_type_indices, density_table,
                density_deriv_table, pair_table, pair_deriv_table,
                embed_table, embed_deriv_table, embed_rho_min,
                embed_inv_drho)

# --- scband reference (transcript-rebuilt; emitter-appended) ---
"""Pipeline reference for scband-eamforce-11854109737005 (READ-ONLY COPY).

The authoritative reference and input builder live on the scoring server;
editing this copy changes nothing except your own understanding.
"""

import jax, jax.numpy as jnp
import numpy as np

N_ATOMS = 100000
N_PAIRS = 3200000
E_TYPES = 3
N_R = 8192
N_RHO = 4096
R_MAX = 6.0
INV_DR = (N_R - 1) / R_MAX
RHO_MIN = -100.0
RHO_MAX = 100.0
INV_DRHO = (N_RHO - 1) / (RHO_MAX - RHO_MIN)


def setup_inputs(seed: int = 0) -> dict:
    key = jax.random.key(seed)
    ks = jax.random.split(key, 12)
    r = jax.random.uniform(ks[0], (N_PAIRS,), minval=0.05, maxval=R_MAX, dtype=jnp.float32)
    edge_index = jax.random.randint(ks[1], (2, N_PAIRS), 0, N_ATOMS, dtype=jnp.int32)
    atom_type_indices = jax.random.randint(ks[2], (N_ATOMS,), 0, E_TYPES, dtype=jnp.int32)
    density_table = jax.random.normal(ks[3], (E_TYPES, N_R), dtype=jnp.float32) * 0.1
    density_deriv_table = jax.random.normal(ks[4], (E_TYPES, N_R), dtype=jnp.float32) * 0.1
    pair_table = jax.random.normal(ks[5], (E_TYPES, E_TYPES, N_R), dtype=jnp.float32) * 0.1
    pair_deriv_table = jax.random.normal(ks[6], (E_TYPES, E_TYPES, N_R), dtype=jnp.float32) * 0.1
    embed_table = jax.random.normal(ks[7], (E_TYPES, N_RHO), dtype=jnp.float32) * 0.1
    embed_deriv_table = jax.random.normal(ks[8], (E_TYPES, N_RHO), dtype=jnp.float32) * 0.1
    embed_rho_min = jnp.full((E_TYPES,), RHO_MIN, dtype=jnp.float32)
    embed_inv_drho = jnp.full((E_TYPES,), INV_DRHO, dtype=jnp.float32)
    return {
        'r': r,
        'edge_index': edge_index,
        'atom_type_indices': atom_type_indices,
        'density_table': density_table,
        'density_deriv_table': density_deriv_table,
        'pair_table': pair_table,
        'pair_deriv_table': pair_deriv_table,
        'embed_table': embed_table,
        'embed_deriv_table': embed_deriv_table,
        'embed_rho_min': embed_rho_min,
        'embed_inv_drho': embed_inv_drho,
    }


def _r_bin(r):
    rc = jnp.clip(r, 0.0, R_MAX * (1.0 - 1e-07))
    idx_f = rc * INV_DR
    idx = idx_f.astype(jnp.int32)
    frac = idx_f - idx.astype(jnp.float32)
    nidx = jnp.minimum(idx + 1, N_R - 1)
    return idx, nidx, frac


def _interp_r1(table, t, r):
    idx, nidx, frac = _r_bin(r)
    v0 = table[t, idx]
    v1 = table[t, nidx]
    return v0 + frac * (v1 - v0)


def _interp_r2(table, ti, tj, r):
    idx, nidx, frac = _r_bin(r)
    v0 = table[ti, tj, idx]
    v1 = table[ti, tj, nidx]
    return v0 + frac * (v1 - v0)


def _interp_rho(table, t, rho, rho_min, inv_drho):
    rm = rho_min[t]
    iv = inv_drho[t]
    idx_f = jnp.clip((rho - rm) * iv, 0.0, N_RHO - 1 - 1e-04)
    idx = idx_f.astype(jnp.int32)
    frac = idx_f - idx.astype(jnp.float32)
    nidx = jnp.minimum(idx + 1, N_RHO - 1)
    v0 = table[t, idx]
    v1 = table[t, nidx]
    return v0 + frac * (v1 - v0)


def reference(r, edge_index, atom_type_indices, density_table, density_deriv_table, pair_table, pair_deriv_table, embed_table, embed_deriv_table, embed_rho_min, embed_inv_drho):
    src = edge_index[0]
    dst = edge_index[1]
    ti = atom_type_indices[src]
    tj = atom_type_indices[dst]
    # electron density contributions from neighbors (histogram-bin + linear interp lookup)
    dens = _interp_r1(density_table, tj, r)
    rho = jax.ops.segment_sum(dens, src, num_segments=N_ATOMS)
    # embedding energy F(rho) and its derivative F'(rho)
    Fe = _interp_rho(embed_table, atom_type_indices, rho, embed_rho_min, embed_inv_drho)
    Fp = _interp_rho(embed_deriv_table, atom_type_indices, rho, embed_rho_min, embed_inv_drho)
    # pair potential energy
    phi = _interp_r2(pair_table, ti, tj, r)
    pair_e = 0.5 * jax.ops.segment_sum(phi, src, num_segments=N_ATOMS)
    energy = Fe + pair_e
    # radial force magnitude per pair: phi'(r) + F'(rho_i) rho_j'(r) + F'(rho_j) rho_i'(r)
    phip = _interp_r2(pair_deriv_table, ti, tj, r)
    rhop_j = _interp_r1(density_deriv_table, tj, r)
    rhop_i = _interp_r1(density_deriv_table, ti, r)
    f_edge = phip + Fp[src] * rhop_j + Fp[dst] * rhop_i
    return jnp.concatenate([energy, f_edge])

if __name__ == "__main__":
    import jax
    _d = setup_inputs()
    print(jax.jit(kernel)(*tuple(_d.values())))

</pallas_src>

<mosaic_0001>
#map = affine_map<(d0, d1) -> (0)>
module attributes {stable_mosaic.version = 14 : i64} {
  func.func @_atom_pass_body(%arg0: i32, %arg1: i32, %arg2: memref<1605632xf32, #tpu.memory_space<hbm>>, %arg3: memref<1605632xf32, #tpu.memory_space<hbm>>, %arg4: memref<100352xi32, #tpu.memory_space<hbm>>, %arg5: memref<12288xf32, #tpu.memory_space<hbm>>, %arg6: memref<12288xf32, #tpu.memory_space<hbm>>, %arg7: memref<16xf32, #tpu.memory_space<hbm>>, %arg8: memref<16xf32, #tpu.memory_space<hbm>>, %arg9: memref<100352xf32, #tpu.memory_space<hbm>>, %arg10: memref<100352xf32, #tpu.memory_space<hbm>>, %arg11: memref<12288xf32, #tpu.memory_space<vmem>>, %arg12: memref<12288xf32, #tpu.memory_space<vmem>>, %arg13: memref<16xf32, #tpu.memory_space<vmem>>, %arg14: memref<16xf32, #tpu.memory_space<vmem>>, %arg15: memref<3136xf32, #tpu.memory_space<vmem>>, %arg16: memref<3136xf32, #tpu.memory_space<vmem>>, %arg17: memref<3136xf32, #tpu.memory_space<vmem>>, %arg18: memref<3136xf32, #tpu.memory_space<vmem>>, %arg19: memref<3136xi32, #tpu.memory_space<vmem>>, %arg20: memref<3136xf32, #tpu.memory_space<vmem>>, %arg21: memref<3136xf32, #tpu.memory_space<vmem>>, %arg22: memref<!tpu.dma_semaphore, #tpu.memory_space<semaphore_mem>>) attributes {dimension_semantics = [#tpu.dimension_semantics<core_parallel>, #tpu.dimension_semantics<subcore_parallel>], iteration_bounds = array<i64: 2, 16>, scalar_prefetch = 0 : i64, scratch_operands = 12 : i64, tpu.core_type = #tpu.core_type<sc_vector_subcore>, window_params = [{transform_indices = #map}, {transform_indices = #map}, {transform_indices = #map}, {transform_indices = #map}, {transform_indices = #map}, {transform_indices = #map}, {transform_indices = #map}, {transform_indices = #map}, {transform_indices = #map}]} {
    %mul3A = arith.constant 16 : i32
    %mul3A_0 = arith.muli %arg0, %mul3A : i32
    %add3A = arith.addi %mul3A_0, %arg1 : i32
    %mul3A_1 = arith.constant 3136 : i32
    %mul3A_2 = arith.muli %add3A, %mul3A_1 : i32
    "tpu.region"() ({
      %run_scoped3A = tpu.sem_alloc : memref<!tpu.dma_semaphore, #tpu.memory_space<semaphore_mem>>
      tpu.enqueue_dma source(%arg5 : memref<12288xf32, #tpu.memory_space<hbm>>) target(%arg11 : memref<12288xf32, #tpu.memory_space<vmem>>) target_semaphore(%run_scoped3A : memref<!tpu.dma_semaphore, #tpu.memory_space<semaphore_mem>>)
      tpu.wait_dma2 semaphore(%run_scoped3A : memref<!tpu.dma_semaphore, #tpu.memory_space<semaphore_mem>>) src(%arg5 : memref<12288xf32, #tpu.memory_space<hbm>>) dst(%arg11 : memref<12288xf32, #tpu.memory_space<vmem>>)
      tpu.yield
    }) : () -> ()
    "tpu.region"() ({
      %run_scoped3A = tpu.sem_alloc : memref<!tpu.dma_semaphore, #tpu.memory_space<semaphore_mem>>
      tpu.enqueue_dma source(%arg6 : memref<12288xf32, #tpu.memory_space<hbm>>) target(%arg12 : memref<12288xf32, #tpu.memory_space<vmem>>) target_semaphore(%run_scoped3A : memref<!tpu.dma_semaphore, #tpu.memory_space<semaphore_mem>>)
      tpu.wait_dma2 semaphore(%run_scoped3A : memref<!tpu.dma_semaphore, #tpu.memory_space<semaphore_mem>>) src(%arg6 : memref<12288xf32, #tpu.memory_space<hbm>>) dst(%arg12 : memref<12288xf32, #tpu.memory_space<vmem>>)
      tpu.yield
    }) : () -> ()
    "tpu.region"() ({
      %run_scoped3A = tpu.sem_alloc : memref<!tpu.dma_semaphore, #tpu.memory_space<semaphore_mem>>
      tpu.enqueue_dma source(%arg7 : memref<16xf32, #tpu.memory_space<hbm>>) target(%arg13 : memref<16xf32, #tpu.memory_space<vmem>>) target_semaphore(%run_scoped3A : memref<!tpu.dma_semaphore, #tpu.memory_space<semaphore_mem>>)
      tpu.wait_dma2 semaphore(%run_scoped3A : memref<!tpu.dma_semaphore, #tpu.memory_space<semaphore_mem>>) src(%arg7 : memref<16xf32, #tpu.memory_space<hbm>>) dst(%arg13 : memref<16xf32, #tpu.memory_space<vmem>>)
      tpu.yield
    }) : () -> ()
    "tpu.region"() ({
      %run_scoped3A = tpu.sem_alloc : memref<!tpu.dma_semaphore, #tpu.memory_space<semaphore_mem>>
      tpu.enqueue_dma source(%arg8 : memref<16xf32, #tpu.memory_space<hbm>>) target(%arg14 : memref<16xf32, #tpu.memory_space<vmem>>) target_semaphore(%run_scoped3A : memref<!tpu.dma_semaphore, #tpu.memory_space<semaphore_mem>>)
      tpu.wait_dma2 semaphore(%run_scoped3A : memref<!tpu.dma_semaphore, #tpu.memory_space<semaphore_mem>>) src(%arg8 : memref<16xf32, #tpu.memory_space<hbm>>) dst(%arg14 : memref<16xf32, #tpu.memory_space<vmem>>)
      tpu.yield
    }) : () -> ()
    "tpu.region"() ({
      %run_scoped3A = tpu.sem_alloc : memref<!tpu.dma_semaphore, #tpu.memory_space<semaphore_mem>>
      %dma_start3A = tpu.memref_slice %arg4[%mul3A_2] : memref<100352xi32, #tpu.memory_space<hbm>> -> memref<3136xi32, #tpu.memory_space<hbm>>
      %dma_start3A_14 = tpu.memref_slice %arg4[%mul3A_2] : memref<100352xi32, #tpu.memory_space<hbm>> -> memref<3136xi32, #tpu.memory_space<hbm>>
      tpu.enqueue_dma source(%dma_start3A_14 : memref<3136xi32, #tpu.memory_space<hbm>>) target(%arg19 : memref<3136xi32, #tpu.memory_space<vmem>>) target_semaphore(%run_scoped3A : memref<!tpu.dma_semaphore, #tpu.memory_space<semaphore_mem>>)
      %dma_wait3A = tpu.memref_slice %arg4[%mul3A_2] : memref<100352xi32, #tpu.memory_space<hbm>> -> memref<3136xi32, #tpu.memory_space<hbm>>
      %dma_wait3A_15 = tpu.memref_slice %arg4[%mul3A_2] : memref<100352xi32, #tpu.memory_space<hbm>> -> memref<3136xi32, #tpu.memory_space<hbm>>
      tpu.wait_dma2 semaphore(%run_scoped3A : memref<!tpu.dma_semaphore, #tpu.memory_space<semaphore_mem>>) src(%dma_wait3A_15 : memref<3136xi32, #tpu.memory_space<hbm>>) dst(%arg19 : memref<3136xi32, #tpu.memory_space<vmem>>)
      tpu.yield
    }) : () -> ()
    %mul3A_3 = arith.constant 3136 : i32
    %mul3A_4 = arith.muli %add3A, %mul3A_3 : i32
    "tpu.region"() ({
      %run_scoped3A = tpu.sem_alloc : memref<!tpu.dma_semaphore, #tpu.memory_space<semaphore_mem>>
      %dma_start3A = tpu.memref_slice %arg2[%mul3A_4] : memref<1605632xf32, #tpu.memory_space<hbm>> -> memref<3136xf32, #tpu.memory_space<hbm>>
      %dma_start3A_14 = tpu.memref_slice %arg2[%mul3A_4] : memref<1605632xf32, #tpu.memory_space<hbm>> -> memref<3136xf32, #tpu.memory_space<hbm>>
      tpu.enqueue_dma source(%dma_start3A_14 : memref<3136xf32, #tpu.memory_space<hbm>>) target(%arg15 : memref<3136xf32, #tpu.memory_space<vmem>>) target_semaphore(%run_scoped3A : memref<!tpu.dma_semaphore, #tpu.memory_space<semaphore_mem>>)
      %dma_wait3A = tpu.memref_slice %arg2[%mul3A_4] : memref<1605632xf32, #tpu.memory_space<hbm>> -> memref<3136xf32, #tpu.memory_space<hbm>>
      %dma_wait3A_15 = tpu.memref_slice %arg2[%mul3A_4] : memref<1605632xf32, #tpu.memory_space<hbm>> -> memref<3136xf32, #tpu.memory_space<hbm>>
      tpu.wait_dma2 semaphore(%run_scoped3A : memref<!tpu.dma_semaphore, #tpu.memory_space<semaphore_mem>>) src(%dma_wait3A_15 : memref<3136xf32, #tpu.memory_space<hbm>>) dst(%arg15 : memref<3136xf32, #tpu.memory_space<vmem>>)
      tpu.yield
    }) : () -> ()
    %mul3A_5 = arith.constant 3136 : i32
    %mul3A_6 = arith.muli %add3A, %mul3A_5 : i32
    "tpu.region"() ({
      %run_scoped3A = tpu.sem_alloc : memref<!tpu.dma_semaphore, #tpu.memory_space<semaphore_mem>>
      %dma_start3A = tpu.memref_slice %arg3[%mul3A_6] : memref<1605632xf32, #tpu.memory_space<hbm>> -> memref<3136xf32, #tpu.memory_space<hbm>>
      %dma_start3A_14 = tpu.memref_slice %arg3[%mul3A_6] : memref<1605632xf32, #tpu.memory_space<hbm>> -> memref<3136xf32, #tpu.memory_space<hbm>>
      tpu.enqueue_dma source(%dma_start3A_14 : memref<3136xf32, #tpu.memory_space<hbm>>) target(%arg16 : memref<3136xf32, #tpu.memory_space<vmem>>) target_semaphore(%run_scoped3A : memref<!tpu.dma_semaphore, #tpu.memory_space<semaphore_mem>>)
      %dma_wait3A = tpu.memref_slice %arg3[%mul3A_6] : memref<1605632xf32, #tpu.memory_space<hbm>> -> memref<3136xf32, #tpu.memory_space<hbm>>
      %dma_wait3A_15 = tpu.memref_slice %arg3[%mul3A_6] : memref<1605632xf32, #tpu.memory_space<hbm>> -> memref<3136xf32, #tpu.memory_space<hbm>>
      tpu.wait_dma2 semaphore(%run_scoped3A : memref<!tpu.dma_semaphore, #tpu.memory_space<semaphore_mem>>) src(%dma_wait3A_15 : memref<3136xf32, #tpu.memory_space<hbm>>) dst(%arg16 : memref<3136xf32, #tpu.memory_space<vmem>>)
      tpu.yield
    }) : () -> ()
    %scan3A = arith.constant 0 : i32
    %scan3A_7 = arith.constant 0 : i32
    %scan3A_8 = arith.constant 15 : i32
    %scan3A_9 = arith.addi %scan3A_7, %scan3A_8 : i32
    %scan3A_10 = arith.constant 1 : i32
    scf.for %scan3A_14 = %scan3A_7 to %scan3A_9 step %scan3A_10  : i32 {
      %add3A_15 = arith.constant 1 : i32
      %add3A_16 = arith.addi %scan3A_14, %add3A_15 : i32
      %mul3A_17 = arith.constant 100352 : i32
      %mul3A_18 = arith.muli %add3A_16, %mul3A_17 : i32
      %mul3A_19 = arith.constant 3136 : i32
      %mul3A_20 = arith.muli %add3A, %mul3A_19 : i32
      %add3A_21 = arith.addi %mul3A_18, %mul3A_20 : i32
      %dma_start3A = tpu.memref_slice %arg2[%add3A_21] : memref<1605632xf32, #tpu.memory_space<hbm>> -> memref<3136xf32, #tpu.memory_space<hbm>>
      %dma_start3A_22 = tpu.memref_slice %arg2[%add3A_21] : memref<1605632xf32, #tpu.memory_space<hbm>> -> memref<3136xf32, #tpu.memory_space<hbm>>
      tpu.enqueue_dma source(%dma_start3A_22 : memref<3136xf32, #tpu.memory_space<hbm>>) target(%arg17 : memref<3136xf32, #tpu.memory_space<vmem>>) target_semaphore(%arg22 : memref<!tpu.dma_semaphore, #tpu.memory_space<semaphore_mem>>)
      %mul3A_23 = arith.constant 100352 : i32
      %mul3A_24 = arith.muli %add3A_16, %mul3A_23 : i32
      %mul3A_25 = arith.constant 3136 : i32
      %mul3A_26 = arith.muli %add3A, %mul3A_25 : i32
      %add3A_27 = arith.addi %mul3A_24, %mul3A_26 : i32
      %dma_start3A_28 = tpu.memref_slice %arg3[%add3A_27] : memref<1605632xf32, #tpu.memory_space<hbm>> -> memref<3136xf32, #tpu.memory_space<hbm>>
      %dma_start3A_29 = tpu.memref_slice %arg3[%add3A_27] : memref<1605632xf32, #tpu.memory_space<hbm>> -> memref<3136xf32, #tpu.memory_space<hbm>>
      tpu.enqueue_dma source(%dma_start3A_29 : memref<3136xf32, #tpu.memory_space<hbm>>) target(%arg18 : memref<3136xf32, #tpu.memory_space<vmem>>) target_semaphore(%arg22 : memref<!tpu.dma_semaphore, #tpu.memory_space<semaphore_mem>>)
      %dma_wait3A = tpu.memref_slice %arg2[%add3A_21] : memref<1605632xf32, #tpu.memory_space<hbm>> -> memref<3136xf32, #tpu.memory_space<hbm>>
      %dma_wait3A_30 = tpu.memref_slice %arg2[%add3A_21] : memref<1605632xf32, #tpu.memory_space<hbm>> -> memref<3136xf32, #tpu.memory_space<hbm>>
      tpu.wait_dma2 semaphore(%arg22 : memref<!tpu.dma_semaphore, #tpu.memory_space<semaphore_mem>>) src(%dma_wait3A_30 : memref<3136xf32, #tpu.memory_space<hbm>>) dst(%arg17 : memref<3136xf32, #tpu.memory_space<vmem>>)
      %parallel_loop3A_31 = arith.constant 0 : i32
      %parallel_loop3A_32 = arith.constant 196 : i32
      %parallel_loop3A_33 = arith.constant 1 : i32
      scf.for %parallel_loop3A_39 = %parallel_loop3A_31 to %parallel_loop3A_32 step %parallel_loop3A_33  : i32 {
        %parallel_loop3A_40 = arith.constant 16 : i32
        %parallel_loop3A_41 = arith.muli %parallel_loop3A_39, %parallel_loop3A_40 : i32
        %parallel_loop3A_42 = arith.index_cast %parallel_loop3A_41 : i32 to index
        %parallel_loop3A_43 = tpu.vector_load %arg15[%parallel_loop3A_42] {strides = array<i32>} : memref<3136xf32, #tpu.memory_space<vmem>>, vector<16xf32>,
        %parallel_loop3A_44 = arith.index_cast %parallel_loop3A_41 : i32 to index
        %parallel_loop3A_45 = tpu.vector_load %arg17[%parallel_loop3A_44] {strides = array<i32>} : memref<3136xf32, #tpu.memory_space<vmem>>, vector<16xf32>,
        %parallel_loop3A_46 = arith.addf %parallel_loop3A_43, %parallel_loop3A_45 : vector<16xf32>
        %parallel_loop3A_47 = arith.index_cast %parallel_loop3A_41 : i32 to index
        %parallel_loop3A_48 = tpu.vector_load %arg15[%parallel_loop3A_47] {strides = array<i32>} : memref<3136xf32, #tpu.memory_space<vmem>>, vector<16xf32>,
        tpu.vector_store %arg15[%parallel_loop3A_47], %parallel_loop3A_46 {strides = array<i32>} : memref<3136xf32, #tpu.memory_space<vmem>>, vector<16xf32>,
      } {sc.loop_unroll_factor = 4 : i64, sc.parallel_access}
      %dma_wait3A_34 = tpu.memref_slice %arg3[%add3A_27] : memref<1605632xf32, #tpu.memory_space<hbm>> -> memref<3136xf32, #tpu.memory_space<hbm>>
      %dma_wait3A_35 = tpu.memref_slice %arg3[%add3A_27] : memref<1605632xf32, #tpu.memory_space<hbm>> -> memref<3136xf32, #tpu.memory_space<hbm>>
      tpu.wait_dma2 semaphore(%arg22 : memref<!tpu.dma_semaphore, #tpu.memory_space<semaphore_mem>>) src(%dma_wait3A_35 : memref<3136xf32, #tpu.memory_space<hbm>>) dst(%arg18 : memref<3136xf32, #tpu.memory_space<vmem>>)
      %parallel_loop3A_36 = arith.constant 0 : i32
      %parallel_loop3A_37 = arith.constant 196 : i32
      %parallel_loop3A_38 = arith.constant 1 : i32
      scf.for %parallel_loop3A_39 = %parallel_loop3A_36 to %parallel_loop3A_37 step %parallel_loop3A_38  : i32 {
        %parallel_loop3A_40 = arith.constant 16 : i32
        %parallel_loop3A_41 = arith.muli %parallel_loop3A_39, %parallel_loop3A_40 : i32
        %parallel_loop3A_42 = arith.index_cast %parallel_loop3A_41 : i32 to index
        %parallel_loop3A_43 = tpu.vector_load %arg16[%parallel_loop3A_42] {strides = array<i32>} : memref<3136xf32, #tpu.memory_space<vmem>>, vector<16xf32>,
        %parallel_loop3A_44 = arith.index_cast %parallel_loop3A_41 : i32 to index
        %parallel_loop3A_45 = tpu.vector_load %arg18[%parallel_loop3A_44] {strides = array<i32>} : memref<3136xf32, #tpu.memory_space<vmem>>, vector<16xf32>,
        %parallel_loop3A_46 = arith.addf %parallel_loop3A_43, %parallel_loop3A_45 : vector<16xf32>
        %parallel_loop3A_47 = arith.index_cast %parallel_loop3A_41 : i32 to index
        %parallel_loop3A_48 = tpu.vector_load %arg16[%parallel_loop3A_47] {strides = array<i32>} : memref<3136xf32, #tpu.memory_space<vmem>>, vector<16xf32>,
        tpu.vector_store %arg16[%parallel_loop3A_47], %parallel_loop3A_46 {strides = array<i32>} : memref<3136xf32, #tpu.memory_space<vmem>>, vector<16xf32>,
      } {sc.loop_unroll_factor = 4 : i64, sc.parallel_access}
    }
    %scan3A_11 = arith.constant 15 : i32
    %parallel_loop3A = arith.constant 0 : i32
    %parallel_loop3A_12 = arith.constant 196 : i32
    %parallel_loop3A_13 = arith.constant 1 : i32
    scf.for %parallel_loop3A_14 = %parallel_loop3A to %parallel_loop3A_12 step %parallel_loop3A_13  : i32 {
      %parallel_loop3A_15 = arith.constant 16 : i32
      %parallel_loop3A_16 = arith.muli %parallel_loop3A_14, %parallel_loop3A_15 : i32
      %parallel_loop3A_17 = arith.index_cast %parallel_loop3A_16 : i32 to index
      %parallel_loop3A_18 = tpu.vector_load %arg19[%parallel_loop3A_17] {strides = array<i32>} : memref<3136xi32, #tpu.memory_space<vmem>>, vector<16xi32>,
      %parallel_loop3A_19 = arith.index_cast %parallel_loop3A_16 : i32 to index
      %parallel_loop3A_20 = tpu.vector_load %arg15[%parallel_loop3A_19] {strides = array<i32>} : memref<3136xf32, #tpu.memory_space<vmem>>, vector<16xf32>,
      %parallel_loop3A_21 = tpu.vector_load_idx %arg13[%parallel_loop3A_18] : memref<16xf32, #tpu.memory_space<vmem>>[vector<16xi32>], vector<16xf32>,
      %parallel_loop3A_22 = tpu.vector_load_idx %arg14[%parallel_loop3A_18] : memref<16xf32, #tpu.memory_space<vmem>>[vector<16xi32>], vector<16xf32>,
      %parallel_loop3A_23 = arith.subf %parallel_loop3A_20, %parallel_loop3A_21 : vector<16xf32>
      %parallel_loop3A_24 = arith.mulf %parallel_loop3A_23, %parallel_loop3A_22 : vector<16xf32>
      %parallel_loop3A_25 = arith.constant 0.000000e+00 : f32
      %parallel_loop3A_26 = vector.broadcast %parallel_loop3A_25 : f32 to vector<16xf32>
      %parallel_loop3A_27 = arith.maximumf %parallel_loop3A_24, %parallel_loop3A_26 : vector<16xf32>
      %parallel_loop3A_28 = arith.constant 4.095000e+03 : f32
      %parallel_loop3A_29 = vector.broadcast %parallel_loop3A_28 : f32 to vector<16xf32>
      %parallel_loop3A_30 = arith.minimumf %parallel_loop3A_27, %parallel_loop3A_29 : vector<16xf32>
      %parallel_loop3A_31 = arith.fptosi %parallel_loop3A_30 : vector<16xf32> to vector<16xi32>
      %parallel_loop3A_32 = arith.sitofp %parallel_loop3A_31 : vector<16xi32> to vector<16xf32>
      %parallel_loop3A_33 = arith.subf %parallel_loop3A_30, %parallel_loop3A_32 : vector<16xf32>
      %parallel_loop3A_34 = arith.constant 4096 : i32
      %parallel_loop3A_35 = vector.broadcast %parallel_loop3A_34 : i32 to vector<16xi32>
      %parallel_loop3A_36 = arith.muli %parallel_loop3A_18, %parallel_loop3A_35 : vector<16xi32>
      %parallel_loop3A_37 = arith.addi %parallel_loop3A_36, %parallel_loop3A_31 : vector<16xi32>
      %parallel_loop3A_38 = tpu.vector_load_idx %arg11[%parallel_loop3A_37] : memref<12288xf32, #tpu.memory_space<vmem>>[vector<16xi32>], vector<16xf32>,
      %parallel_loop3A_39 = arith.constant 1 : i32
      %parallel_loop3A_40 = vector.broadcast %parallel_loop3A_39 : i32 to vector<16xi32>
      %parallel_loop3A_41 = arith.addi %parallel_loop3A_37, %parallel_loop3A_40 : vector<16xi32>
      %parallel_loop3A_42 = tpu.vector_load_idx %arg11[%parallel_loop3A_41] : memref<12288xf32, #tpu.memory_space<vmem>>[vector<16xi32>], vector<16xf32>,
      %parallel_loop3A_43 = tpu.vector_load_idx %arg12[%parallel_loop3A_37] : memref<12288xf32, #tpu.memory_space<vmem>>[vector<16xi32>], vector<16xf32>,
      %parallel_loop3A_44 = arith.constant 1 : i32
      %parallel_loop3A_45 = vector.broadcast %parallel_loop3A_44 : i32 to vector<16xi32>
      %parallel_loop3A_46 = arith.addi %parallel_loop3A_37, %parallel_loop3A_45 : vector<16xi32>
      %parallel_loop3A_47 = tpu.vector_load_idx %arg12[%parallel_loop3A_46] : memref<12288xf32, #tpu.memory_space<vmem>>[vector<16xi32>], vector<16xf32>,
      %parallel_loop3A_48 = arith.subf %parallel_loop3A_42, %parallel_loop3A_38 : vector<16xf32>
      %parallel_loop3A_49 = arith.mulf %parallel_loop3A_33, %parallel_loop3A_48 : vector<16xf32>
      %parallel_loop3A_50 = arith.addf %parallel_loop3A_38, %parallel_loop3A_49 : vector<16xf32>
      %parallel_loop3A_51 = arith.index_cast %parallel_loop3A_16 : i32 to index
      %parallel_loop3A_52 = tpu.vector_load %arg16[%parallel_loop3A_51] {strides = array<i32>} : memref<3136xf32, #tpu.memory_space<vmem>>, vector<16xf32>,
      %parallel_loop3A_53 = arith.addf %parallel_loop3A_50, %parallel_loop3A_52 : vector<16xf32>
      %parallel_loop3A_54 = arith.index_cast %parallel_loop3A_16 : i32 to index
      %parallel_loop3A_55 = tpu.vector_load %arg20[%parallel_loop3A_54] {strides = array<i32>} : memref<3136xf32, #tpu.memory_space<vmem>>, vector<16xf32>,
      tpu.vector_store %arg20[%parallel_loop3A_54], %parallel_loop3A_53 {strides = array<i32>} : memref<3136xf32, #tpu.memory_space<vmem>>, vector<16xf32>,
      %parallel_loop3A_56 = arith.subf %parallel_loop3A_47, %parallel_loop3A_43 : vector<16xf32>
      %parallel_loop3A_57 = arith.mulf %parallel_loop3A_33, %parallel_loop3A_56 : vector<16xf32>
      %parallel_loop3A_58 = arith.addf %parallel_loop3A_43, %parallel_loop3A_57 : vector<16xf32>
      %parallel_loop3A_59 = arith.index_cast %parallel_loop3A_16 : i32 to index
      %parallel_loop3A_60 = tpu.vector_load %arg21[%parallel_loop3A_59] {strides = array<i32>} : memref<3136xf32, #tpu.memory_space<vmem>>, vector<16xf32>,
      tpu.vector_store %arg21[%parallel_loop3A_59], %parallel_loop3A_58 {strides = array<i32>} : memref<3136xf32, #tpu.memory_space<vmem>>, vector<16xf32>,
    } {sc.loop_unroll_factor = 4 : i64, sc.parallel_access}
    "tpu.region"() ({
      %run_scoped3A = tpu.sem_alloc : memref<!tpu.dma_semaphore, #tpu.memory_space<semaphore_mem>>
      %dma_start3A = tpu.memref_slice %arg9[%mul3A_2] : memref<100352xf32, #tpu.memory_space<hbm>> -> memref<3136xf32, #tpu.memory_space<hbm>>
      %dma_start3A_14 = tpu.memref_slice %arg9[%mul3A_2] : memref<100352xf32, #tpu.memory_space<hbm>> -> memref<3136xf32, #tpu.memory_space<hbm>>
      tpu.enqueue_dma source(%arg20 : memref<3136xf32, #tpu.memory_space<vmem>>) target(%dma_start3A_14 : memref<3136xf32, #tpu.memory_space<hbm>>) target_semaphore(%run_scoped3A : memref<!tpu.dma_semaphore, #tpu.memory_space<semaphore_mem>>)
      %dma_wait3A = tpu.memref_slice %arg9[%mul3A_2] : memref<100352xf32, #tpu.memory_space<hbm>> -> memref<3136xf32, #tpu.memory_space<hbm>>
      %dma_wait3A_15 = tpu.memref_slice %arg9[%mul3A_2] : memref<100352xf32, #tpu.memory_space<hbm>> -> memref<3136xf32, #tpu.memory_space<hbm>>
      tpu.wait_dma2 semaphore(%run_scoped3A : memref<!tpu.dma_semaphore, #tpu.memory_space<semaphore_mem>>) src(%arg20 : memref<3136xf32, #tpu.memory_space<vmem>>) dst(%dma_wait3A_15 : memref<3136xf32, #tpu.memory_space<hbm>>)
      tpu.yield
    }) : () -> ()
    "tpu.region"() ({
      %run_scoped3A = tpu.sem_alloc : memref<!tpu.dma_semaphore, #tpu.memory_space<semaphore_mem>>
      %dma_start3A = tpu.memref_slice %arg10[%mul3A_2] : memref<100352xf32, #tpu.memory_space<hbm>> -> memref<3136xf32, #tpu.memory_space<hbm>>
      %dma_start3A_14 = tpu.memref_slice %arg10[%mul3A_2] : memref<100352xf32, #tpu.memory_space<hbm>> -> memref<3136xf32, #tpu.memory_space<hbm>>
      tpu.enqueue_dma source(%arg21 : memref<3136xf32, #tpu.memory_space<vmem>>) target(%dma_start3A_14 : memref<3136xf32, #tpu.memory_space<hbm>>) target_semaphore(%run_scoped3A : memref<!tpu.dma_semaphore, #tpu.memory_space<semaphore_mem>>)
      %dma_wait3A = tpu.memref_slice %arg10[%mul3A_2] : memref<100352xf32, #tpu.memory_space<hbm>> -> memref<3136xf32, #tpu.memory_space<hbm>>
      %dma_wait3A_15 = tpu.memref_slice %arg10[%mul3A_2] : memref<100352xf32, #tpu.memory_space<hbm>> -> memref<3136xf32, #tpu.memory_space<hbm>>
      tpu.wait_dma2 semaphore(%run_scoped3A : memref<!tpu.dma_semaphore, #tpu.memory_space<semaphore_mem>>) src(%arg21 : memref<3136xf32, #tpu.memory_space<vmem>>) dst(%dma_wait3A_15 : memref<3136xf32, #tpu.memory_space<hbm>>)
      tpu.yield
    }) : () -> ()
    return
  }
}

#map = affine_map<(d0, d1) -> (0)>
module attributes {stable_mosaic.version = 14 : i64} {
  func.func @_pair_pass1_body(%arg0: i32, %arg1: i32, %arg2: memref<3200000xf32, #tpu.memory_space<hbm>>, %arg3: memref<3200000xi32, #tpu.memory_space<hbm>>, %arg4: memref<3200000xi32, #tpu.memory_space<hbm>>, %arg5: memref<100352xi32, #tpu.memory_space<hbm>>, %arg6: memref<24576xf32, #tpu.memory_space<hbm>>, %arg7: memref<73728xf32, #tpu.memory_space<hbm>>, %arg8: memref<1605632xf32, #tpu.memory_space<hbm>>, %arg9: memref<1605632xf32, #tpu.memory_space<hbm>>, %arg10: memref<3200000xi32, #tpu.memory_space<hbm>>, %arg11: memref<3200000xi32, #tpu.memory_space<hbm>>, %arg12: memref<100352xi32, #tpu.memory_space<vmem_shared>>, %arg13: memref<24576xf32, #tpu.memory_space<vmem_shared>>, %arg14: memref<73728xf32, #tpu.memory_space<vmem_shared>>, %arg15: memref<100352xf32, #tpu.memory_space<vmem>>, %arg16: memref<800xf32, #tpu.memory_space<vmem>>, %arg17: memref<800xi32, #tpu.memory_space<vmem>>, %arg18: memref<800xi32, #tpu.memory_space<vmem>>, %arg19: memref<800xf32, #tpu.memory_space<vmem>>, %arg20: memref<800xi32, #tpu.memory_space<vmem>>, %arg21: memref<800xi32, #tpu.memory_space<vmem>>, %arg22: memref<800xi32, #tpu.memory_space<vmem>>, %arg23: memref<800xi32, #tpu.memory_space<vmem>>, %arg24: memref<800xi32, #tpu.memory_space<vmem>>, %arg25: memref<800xi32, #tpu.memory_space<vmem>>, %arg26: memref<800xf32, #tpu.memory_space<vmem>>, %arg27: memref<800xf32, #tpu.memory_space<vmem>>, %arg28: memref<!tpu.dma_semaphore, #tpu.memory_space<semaphore_mem>>, %arg29: memref<!tpu.dma_semaphore, #tpu.memory_space<semaphore_mem>>, %arg30: memref<!tpu.dma_semaphore, #tpu.memory_space<semaphore_mem>>, %arg31: memref<!tpu.dma_semaphore, #tpu.memory_space<semaphore_mem>>) attributes {dimension_semantics = [#tpu.dimension_semantics<core_parallel>, #tpu.dimension_semantics<subcore_parallel>], iteration_bounds = array<i64: 2, 16>, scalar_prefetch = 0 : i64, scratch_operands = 20 : i64, tpu.core_type = #tpu.core_type<sc_vector_subcore>, window_params = [{transform_indices = #map}, {transform_indices = #map}, {transform_indices = #map}, {transform_indices = #map}, {transform_indices = #map}, {transform_indices = #map}, {transform_indices = #map}, {transform_indices = #map}, {transform_indices = #map}, {transform_indices = #map}]} {
    %mul3A = arith.constant 6272 : i32
    %mul3A_0 = arith.muli %arg1, %mul3A : i32
    "tpu.region"() ({
      %run_scoped3A = tpu.sem_alloc : memref<!tpu.dma_semaphore, #tpu.memory_space<semaphore_mem>>
      %dma_start3A = tpu.memref_slice %arg12[%mul3A_0] : memref<100352xi32, #tpu.memory_space<vmem_shared>> -> memref<6272xi32, #tpu.memory_space<vmem_shared>>
      %dma_start3A_18 = tpu.memref_slice %arg5[%mul3A_0] : memref<100352xi32, #tpu.memory_space<hbm>> -> memref<6272xi32, #tpu.memory_space<hbm>>
      tpu.enqueue_dma source(%dma_start3A_18 : memref<6272xi32, #tpu.memory_space<hbm>>) target(%dma_start3A : memref<6272xi32, #tpu.memory_space<vmem_shared>>) target_semaphore(%run_scoped3A : memref<!tpu.dma_semaphore, #tpu.memory_space<semaphore_mem>>)
      %dma_wait3A = tpu.memref_slice %arg12[%mul3A_0] : memref<100352xi32, #tpu.memory_space<vmem_shared>> -> memref<6272xi32, #tpu.memory_space<vmem_shared>>
      %dma_wait3A_19 = tpu.memref_slice %arg5[%mul3A_0] : memref<100352xi32, #tpu.memory_space<hbm>> -> memref<6272xi32, #tpu.memory_space<hbm>>
      tpu.wait_dma2 semaphore(%run_scoped3A : memref<!tpu.dma_semaphore, #tpu.memory_space<semaphore_mem>>) src(%dma_wait3A_19 : memref<6272xi32, #tpu.memory_space<hbm>>) dst(%dma_wait3A : memref<6272xi32, #tpu.memory_space<vmem_shared>>)
      tpu.yield
    }) : () -> ()
    %mul3A_1 = arith.constant 1536 : i32
    %mul3A_2 = arith.muli %arg1, %mul3A_1 : i32
    "tpu.region"() ({
      %run_scoped3A = tpu.sem_alloc : memref<!tpu.dma_semaphore, #tpu.memory_space<semaphore_mem>>
      %dma_start3A = tpu.memref_slice %arg13[%mul3A_2] : memref<24576xf32, #tpu.memory_space<vmem_shared>> -> memref<1536xf32, #tpu.memory_space<vmem_shared>>
      %dma_start3A_18 = tpu.memref_slice %arg6[%mul3A_2] : memref<24576xf32, #tpu.memory_space<hbm>> -> memref<1536xf32, #tpu.memory_space<hbm>>
      tpu.enqueue_dma source(%dma_start3A_18 : memref<1536xf32, #tpu.memory_space<hbm>>) target(%dma_start3A : memref<1536xf32, #tpu.memory_space<vmem_shared>>) target_semaphore(%run_scoped3A : memref<!tpu.dma_semaphore, #tpu.memory_space<semaphore_mem>>)
      %dma_wait3A = tpu.memref_slice %arg13[%mul3A_2] : memref<24576xf32, #tpu.memory_space<vmem_shared>> -> memref<1536xf32, #tpu.memory_space<vmem_shared>>
      %dma_wait3A_19 = tpu.memref_slice %arg6[%mul3A_2] : memref<24576xf32, #tpu.memory_space<hbm>> -> memref<1536xf32, #tpu.memory_space<hbm>>
      tpu.wait_dma2 semaphore(%run_scoped3A : memref<!tpu.dma_semaphore, #tpu.memory_space<semaphore_mem>>) src(%dma_wait3A_19 : memref<1536xf32, #tpu.memory_space<hbm>>) dst(%dma_wait3A : memref<1536xf32, #tpu.memory_space<vmem_shared>>)
      tpu.yield
    }) : () -> ()
    %mul3A_3 = arith.constant 4608 : i32
    %mul3A_4 = arith.muli %arg1, %mul3A_3 : i32
    "tpu.region"() ({
      %run_scoped3A = tpu.sem_alloc : memref<!tpu.dma_semaphore, #tpu.memory_space<semaphore_mem>>
      %dma_start3A = tpu.memref_slice %arg14[%mul3A_4] : memref<73728xf32, #tpu.memory_space<vmem_shared>> -> memref<4608xf32, #tpu.memory_space<vmem_shared>>
      %dma_start3A_18 = tpu.memref_slice %arg7[%mul3A_4] : memref<73728xf32, #tpu.memory_space<hbm>> -> memref<4608xf32, #tpu.memory_space<hbm>>
      tpu.enqueue_dma source(%dma_start3A_18 : memref<4608xf32, #tpu.memory_space<hbm>>) target(%dma_start3A : memref<4608xf32, #tpu.memory_space<vmem_shared>>) target_semaphore(%run_scoped3A : memref<!tpu.dma_semaphore, #tpu.memory_space<semaphore_mem>>)
      %dma_wait3A = tpu.memref_slice %arg14[%mul3A_4] : memref<73728xf32, #tpu.memory_space<vmem_shared>> -> memref<4608xf32, #tpu.memory_space<vmem_shared>>
      %dma_wait3A_19 = tpu.memref_slice %arg7[%mul3A_4] : memref<73728xf32, #tpu.memory_space<hbm>> -> memref<4608xf32, #tpu.memory_space<hbm>>
      tpu.wait_dma2 semaphore(%run_scoped3A : memref<!tpu.dma_semaphore, #tpu.memory_space<semaphore_mem>>) src(%dma_wait3A_19 : memref<4608xf32, #tpu.memory_space<hbm>>) dst(%dma_wait3A : memref<4608xf32, #tpu.memory_space<vmem_shared>>)
      tpu.yield
    }) : () -> ()
    %broadcast_in_dim3A = arith.constant 0.000000e+00 : f32
    %broadcast_in_dim3A_5 = vector.broadcast %broadcast_in_dim3A : f32 to vector<16xf32>
    %scan3A = arith.constant 0 : i32
    %scan3A_6 = arith.constant 0 : i32
    %scan3A_7 = arith.constant 6272 : i32
    %scan3A_8 = arith.addi %scan3A_6, %scan3A_7 : i32
    %scan3A_9 = arith.constant 1 : i32
    scf.for %scan3A_18 = %scan3A_6 to %scan3A_8 step %scan3A_9  : i32 {
      %mul3A_19 = arith.constant 16 : i32
      %mul3A_20 = arith.muli %scan3A_18, %mul3A_19 : i32
      %swap3A = arith.index_cast %mul3A_20 : i32 to index
      %swap3A_21 = tpu.vector_load %arg15[%swap3A] {strides = array<i32>} : memref<100352xf32, #tpu.memory_space<vmem>>, vector<16xf32>,
      tpu.vector_store %arg15[%swap3A], %broadcast_in_dim3A_5 {strides = array<i32>} : memref<100352xf32, #tpu.memory_space<vmem>>, vector<16xf32>,
    }
    %scan3A_10 = arith.constant 6272 : i32
    %barrier3A = arith.constant 0 : index
    tpu.barrier barrier_id(%barrier3A)
    %eq3A = arith.constant 0 : i32
    %eq3A_11 = arith.cmpi eq, %arg0, %eq3A : i32
    %convert_element_type3A = arith.extui %eq3A_11 : i1 to i32
    %cond3A = arith.constant 0 : i32
    %cond3A_12 = arith.cmpi ne, %convert_element_type3A, %cond3A : i32
    scf.if %cond3A_12 {
      %mul3A_18 = arith.constant 200000 : i32
      %mul3A_19 = arith.muli %arg1, %mul3A_18 : i32
      %add3A = arith.constant 0 : i32
      %add3A_20 = arith.addi %mul3A_19, %add3A : i32
      %dma_start3A = tpu.memref_slice %arg2[%add3A_20] : memref<3200000xf32, #tpu.memory_space<hbm>> -> memref<800xf32, #tpu.memory_space<hbm>>
      %dma_start3A_21 = tpu.memref_slice %arg2[%add3A_20] : memref<3200000xf32, #tpu.memory_space<hbm>> -> memref<800xf32, #tpu.memory_space<hbm>>
      tpu.enqueue_dma source(%dma_start3A_21 : memref<800xf32, #tpu.memory_space<hbm>>) target(%arg16 : memref<800xf32, #tpu.memory_space<vmem>>) target_semaphore(%arg28 : memref<!tpu.dma_semaphore, #tpu.memory_space<semaphore_mem>>)
      %dma_start3A_22 = tpu.memref_slice %arg3[%add3A_20] : memref<3200000xi32, #tpu.memory_space<hbm>> -> memref<800xi32, #tpu.memory_space<hbm>>
      %dma_start3A_23 = tpu.memref_slice %arg3[%add3A_20] : memref<3200000xi32, #tpu.memory_space<hbm>> -> memref<800xi32, #tpu.memory_space<hbm>>
      tpu.enqueue_dma source(%dma_start3A_23 : memref<800xi32, #tpu.memory_space<hbm>>) target(%arg17 : memref<800xi32, #tpu.memory_space<vmem>>) target_semaphore(%arg28 : memref<!tpu.dma_semaphore, #tpu.memory_space<semaphore_mem>>)
      %dma_start3A_24 = tpu.memref_slice %arg4[%add3A_20] : memref<3200000xi32, #tpu.memory_space<hbm>> -> memref<800xi32, #tpu.memory_space<hbm>>
      %dma_start3A_25 = tpu.memref_slice %arg4[%add3A_20] : memref<3200000xi32, #tpu.memory_space<hbm>> -> memref<800xi32, #tpu.memory_space<hbm>>
      tpu.enqueue_dma source(%dma_start3A_25 : memref<800xi32, #tpu.memory_space<hbm>>) target(%arg18 : memref<800xi32, #tpu.memory_space<vmem>>) target_semaphore(%arg28 : memref<!tpu.dma_semaphore, #tpu.memory_space<semaphore_mem>>)
      %dma_wait3A = arith.constant 0 : i32
      %dma_wait3A_26 = tpu.memref_slice %arg2[%dma_wait3A] : memref<3200000xf32, #tpu.memory_space<hbm>> -> memref<800xf32, #tpu.memory_space<hbm>>
      %dma_wait3A_27 = arith.constant 0 : i32
      %dma_wait3A_28 = tpu.memref_slice %arg2[%dma_wait3A_27] : memref<3200000xf32, #tpu.memory_space<hbm>> -> memref<800xf32, #tpu.memory_space<hbm>>
      tpu.wait_dma2 semaphore(%arg28 : memref<!tpu.dma_semaphore, #tpu.memory_space<semaphore_mem>>) src(%dma_wait3A_28 : memref<800xf32, #tpu.memory_space<hbm>>) dst(%arg16 : memref<800xf32, #tpu.memory_space<vmem>>)
      %dma_wait3A_29 = arith.constant 0 : i32
      %dma_wait3A_30 = tpu.memref_slice %arg3[%dma_wait3A_29] : memref<3200000xi32, #tpu.memory_space<hbm>> -> memref<800xi32, #tpu.memory_space<hbm>>
      %dma_wait3A_31 = arith.constant 0 : i32
      %dma_wait3A_32 = tpu.memref_slice %arg3[%dma_wait3A_31] : memref<3200000xi32, #tpu.memory_space<hbm>> -> memref<800xi32, #tpu.memory_space<hbm>>
      tpu.wait_dma2 semaphore(%arg28 : memref<!tpu.dma_semaphore, #tpu.memory_space<semaphore_mem>>) src(%dma_wait3A_32 : memref<800xi32, #tpu.memory_space<hbm>>) dst(%arg17 : memref<800xi32, #tpu.memory_space<vmem>>)
      %dma_wait3A_33 = arith.constant 0 : i32
      %dma_wait3A_34 = tpu.memref_slice %arg4[%dma_wait3A_33] : memref<3200000xi32, #tpu.memory_space<hbm>> -> memref<800xi32, #tpu.memory_space<hbm>>
      %dma_wait3A_35 = arith.constant 0 : i32
      %dma_wait3A_36 = tpu.memref_slice %arg4[%dma_wait3A_35] : memref<3200000xi32, #tpu.memory_space<hbm>> -> memref<800xi32, #tpu.memory_space<hbm>>
      tpu.wait_dma2 semaphore(%arg28 : memref<!tpu.dma_semaphore, #tpu.memory_space<semaphore_mem>>) src(%dma_wait3A_36 : memref<800xi32, #tpu.memory_space<hbm>>) dst(%arg18 : memref<800xi32, #tpu.memory_space<vmem>>)
      %dma_start3A_37 = arith.constant 0 : i32
      %dma_start3A_38 = tpu.memref_slice %arg12[%dma_start3A_37] : memref<100352xi32, #tpu.memory_space<vmem_shared>> -> memref<100352xi32, #tpu.memory_space<vmem_shared>>
      tpu.enqueue_indirect_dma source(%dma_start3A_38 : memref<100352xi32, #tpu.memory_space<vmem_shared>>) target(%arg22 : memref<800xi32, #tpu.memory_space<vmem>>) offsets(%arg17 : memref<800xi32, #tpu.memory_space<vmem>>) semaphore(%arg29 : memref<!tpu.dma_semaphore, #tpu.memory_space<semaphore_mem>>)
      %dma_start3A_39 = arith.constant 0 : i32
      %dma_start3A_40 = tpu.memref_slice %arg12[%dma_start3A_39] : memref<100352xi32, #tpu.memory_space<vmem_shared>> -> memref<100352xi32, #tpu.memory_space<vmem_shared>>
      tpu.enqueue_indirect_dma source(%dma_start3A_40 : memref<100352xi32, #tpu.memory_space<vmem_shared>>) target(%arg23 : memref<800xi32, #tpu.memory_space<vmem>>) offsets(%arg18 : memref<800xi32, #tpu.memory_space<vmem>>) semaphore(%arg29 : memref<!tpu.dma_semaphore, #tpu.memory_space<semaphore_mem>>)
      %scan3A_41 = arith.constant 0 : i32
      %scan3A_42 = arith.constant 0 : i32
      %scan3A_43 = arith.constant 125 : i32
      %scan3A_44 = arith.addi %scan3A_42, %scan3A_43 : i32
      %scan3A_45 = arith.constant 1 : i32
      scf.for %scan3A_49 = %scan3A_42 to %scan3A_44 step %scan3A_45  : i32 {
        %mul3A_50 = arith.constant 2 : i32
        %mul3A_51 = arith.muli %mul3A_50, %scan3A_49 : i32
        %add3A_52 = arith.constant 1 : i32
        %add3A_53 = arith.addi %mul3A_51, %add3A_52 : i32
        %lt3A = arith.constant 250 : i32
        %lt3A_54 = arith.cmpi slt, %add3A_53, %lt3A : i32
        %convert_element_type3A_55 = arith.extui %lt3A_54 : i1 to i32
        %cond3A_56 = arith.constant 0 : i32
        %cond3A_57 = arith.cmpi ne, %convert_element_type3A_55, %cond3A_56 : i32
        scf.if %cond3A_57 {
          %mul3A_141 = arith.constant 200000 : i32
          %mul3A_142 = arith.muli %arg1, %mul3A_141 : i32
          %mul3A_143 = arith.constant 800 : i32
          %mul3A_144 = arith.muli %add3A_53, %mul3A_143 : i32
          %add3A_145 = arith.addi %mul3A_142, %mul3A_144 : i32
          %dma_start3A_146 = tpu.memref_slice %arg2[%add3A_145] : memref<3200000xf32, #tpu.memory_space<hbm>> -> memref<800xf32, #tpu.memory_space<hbm>>
          %dma_start3A_147 = tpu.memref_slice %arg2[%add3A_145] : memref<3200000xf32, #tpu.memory_space<hbm>> -> memref<800xf32, #tpu.memory_space<hbm>>
          tpu.enqueue_dma source(%dma_start3A_147 : memref<800xf32, #tpu.memory_space<hbm>>) target(%arg19 : memref<800xf32, #tpu.memory_space<vmem>>) target_semaphore(%arg28 : memref<!tpu.dma_semaphore, #tpu.memory_space<semaphore_mem>>)
          %dma_start3A_148 = tpu.memref_slice %arg3[%add3A_145] : memref<3200000xi32, #tpu.memory_space<hbm>> -> memref<800xi32, #tpu.memory_space<hbm>>
          %dma_start3A_149 = tpu.memref_slice %arg3[%add3A_145] : memref<3200000xi32, #tpu.memory_space<hbm>> -> memref<800xi32, #tpu.memory_space<hbm>>
          tpu.enqueue_dma source(%dma_start3A_149 : memref<800xi32, #tpu.memory_space<hbm>>) target(%arg20 : memref<800xi32, #tpu.memory_space<vmem>>) target_semaphore(%arg28 : memref<!tpu.dma_semaphore, #tpu.memory_space<semaphore_mem>>)
          %dma_start3A_150 = tpu.memref_slice %arg4[%add3A_145] : memref<3200000xi32, #tpu.memory_space<hbm>> -> memref<800xi32, #tpu.memory_space<hbm>>
          %dma_start3A_151 = tpu.memref_slice %arg4[%add3A_145] : memref<3200000xi32, #tpu.memory_space<hbm>> -> memref<800xi32, #tpu.memory_space<hbm>>
          tpu.enqueue_dma source(%dma_start3A_151 : memref<800xi32, #tpu.memory_space<hbm>>) target(%arg21 : memref<800xi32, #tpu.memory_space<vmem>>) target_semaphore(%arg28 : memref<!tpu.dma_semaphore, #tpu.memory_space<semaphore_mem>>)
        } else {
        }
        %dma_wait3A_58 = arith.constant 0 : i32
        %dma_wait3A_59 = tpu.memref_slice %arg12[%dma_wait3A_58] : memref<100352xi32, #tpu.memory_space<vmem_shared>> -> memref<100352xi32, #tpu.memory_space<vmem_shared>>
        tpu.wait_indirect_dma semaphore(%arg29 : memref<!tpu.dma_semaphore, #tpu.memory_space<semaphore_mem>>) src(%dma_wait3A_59 : memref<100352xi32, #tpu.memory_space<vmem_shared>>) dst(%arg22 : memref<800xi32, #tpu.memory_space<vmem>>)
        %dma_wait3A_60 = arith.constant 0 : i32
        %dma_wait3A_61 = tpu.memref_slice %arg12[%dma_wait3A_60] : memref<100352xi32, #tpu.memory_space<vmem_shared>> -> memref<100352xi32, #tpu.memory_space<vmem_shared>>
        tpu.wait_indirect_dma semaphore(%arg29 : memref<!tpu.dma_semaphore, #tpu.memory_space<semaphore_mem>>) src(%dma_wait3A_61 : memref<100352xi32, #tpu.memory_space<vmem_shared>>) dst(%arg23 : memref<800xi32, #tpu.memory_space<vmem>>)
        %parallel_loop3A = arith.constant 0 : i32
        %parallel_loop3A_62 = arith.constant 50 : i32
        %parallel_loop3A_63 = arith.constant 1 : i32
        scf.for %parallel_loop3A_141 = %parallel_loop3A to %parallel_loop3A_62 step %parallel_loop3A_63  : i32 {
          %parallel_loop3A_142 = arith.constant 16 : i32
          %parallel_loop3A_143 = arith.muli %parallel_loop3A_141, %parallel_loop3A_142 : i32
          %parallel_loop3A_144 = arith.index_cast %parallel_loop3A_143 : i32 to index
          %parallel_loop3A_145 = tpu.vector_load %arg16[%parallel_loop3A_144] {strides = array<i32>} : memref<800xf32, #tpu.memory_space<vmem>>, vector<16xf32>,
          %parallel_loop3A_146 = arith.constant 0.000000e+00 : f32
          %parallel_loop3A_147 = vector.broadcast %parallel_loop3A_146 : f32 to vector<16xf32>
          %parallel_loop3A_148 = arith.maximumf %parallel_loop3A_145, %parallel_loop3A_147 : vector<16xf32>
          %parallel_loop3A_149 = arith.constant 5.99999952 : f32
          %parallel_loop3A_150 = vector.broadcast %parallel_loop3A_149 : f32 to vector<16xf32>
          %parallel_loop3A_151 = arith.minimumf %parallel_loop3A_148, %parallel_loop3A_150 : vector<16xf32>
          %parallel_loop3A_152 = arith.constant 1365.16663 : f32
          %parallel_loop3A_153 = vector.broadcast %parallel_loop3A_152 : f32 to vector<16xf32>
          %parallel_loop3A_154 = arith.mulf %parallel_loop3A_151, %parallel_loop3A_153 : vector<16xf32>
          %parallel_loop3A_155 = arith.fptosi %parallel_loop3A_154 : vector<16xf32> to vector<16xi32>
          %parallel_loop3A_156 = arith.sitofp %parallel_loop3A_155 : vector<16xi32> to vector<16xf32>
          %parallel_loop3A_157 = arith.subf %parallel_loop3A_154, %parallel_loop3A_156 : vector<16xf32>
          %parallel_loop3A_158 = arith.index_cast %parallel_loop3A_143 : i32 to index
          %parallel_loop3A_159 = tpu.vector_load %arg22[%parallel_loop3A_158] {strides = array<i32>} : memref<800xi32, #tpu.memory_space<vmem>>, vector<16xi32>,
          %parallel_loop3A_160 = arith.constant 8192 : i32
          %parallel_loop3A_161 = vector.broadcast %parallel_loop3A_160 : i32 to vector<16xi32>
          %parallel_loop3A_162 = arith.muli %parallel_loop3A_159, %parallel_loop3A_161 : vector<16xi32>
          %parallel_loop3A_163 = arith.index_cast %parallel_loop3A_143 : i32 to index
          %parallel_loop3A_164 = tpu.vector_load %arg23[%parallel_loop3A_163] {strides = array<i32>} : memref<800xi32, #tpu.memory_space<vmem>>, vector<16xi32>,
          %parallel_loop3A_165 = arith.constant 8192 : i32
          %parallel_loop3A_166 = vector.broadcast %parallel_loop3A_165 : i32 to vector<16xi32>
          %parallel_loop3A_167 = arith.muli %parallel_loop3A_164, %parallel_loop3A_166 : vector<16xi32>
          %parallel_loop3A_168 = arith.constant 3 : i32
          %parallel_loop3A_169 = vector.broadcast %parallel_loop3A_168 : i32 to vector<16xi32>
          %parallel_loop3A_170 = arith.muli %parallel_loop3A_162, %parallel_loop3A_169 : vector<16xi32>
          %parallel_loop3A_171 = arith.addi %parallel_loop3A_170, %parallel_loop3A_167 : vector<16xi32>
          %parallel_loop3A_172 = arith.addi %parallel_loop3A_171, %parallel_loop3A_155 : vector<16xi32>
          %parallel_loop3A_173 = arith.index_cast %parallel_loop3A_143 : i32 to index
          %parallel_loop3A_174 = tpu.vector_load %arg24[%parallel_loop3A_173] {strides = array<i32>} : memref<800xi32, #tpu.memory_space<vmem>>, vector<16xi32>,
          tpu.vector_store %arg24[%parallel_loop3A_173], %parallel_loop3A_172 {strides = array<i32>} : memref<800xi32, #tpu.memory_space<vmem>>, vector<16xi32>,
          %parallel_loop3A_175 = arith.constant 1 : i32
          %parallel_loop3A_176 = vector.broadcast %parallel_loop3A_175 : i32 to vector<16xi32>
          %parallel_loop3A_177 = arith.addi %parallel_loop3A_172, %parallel_loop3A_176 : vector<16xi32>
          %parallel_loop3A_178 = arith.index_cast %parallel_loop3A_143 : i32 to index
          %parallel_loop3A_179 = tpu.vector_load %arg25[%parallel_loop3A_178] {strides = array<i32>} : memref<800xi32, #tpu.memory_space<vmem>>, vector<16xi32>,
          tpu.vector_store %arg25[%parallel_loop3A_178], %parallel_loop3A_177 {strides = array<i32>} : memref<800xi32, #tpu.memory_space<vmem>>, vector<16xi32>,
          %parallel_loop3A_180 = arith.index_cast %parallel_loop3A_143 : i32 to index
          %parallel_loop3A_181 = tpu.vector_load %arg22[%parallel_loop3A_180] {strides = array<i32>} : memref<800xi32, #tpu.memory_space<vmem>>, vector<16xi32>,
          tpu.vector_store %arg22[%parallel_loop3A_180], %parallel_loop3A_162 {strides = array<i32>} : memref<800xi32, #tpu.memory_space<vmem>>, vector<16xi32>,
          %parallel_loop3A_182 = arith.index_cast %parallel_loop3A_143 : i32 to index
          %parallel_loop3A_183 = tpu.vector_load %arg23[%parallel_loop3A_182] {strides = array<i32>} : memref<800xi32, #tpu.memory_space<vmem>>, vector<16xi32>,
          tpu.vector_store %arg23[%parallel_loop3A_182], %parallel_loop3A_167 {strides = array<i32>} : memref<800xi32, #tpu.memory_space<vmem>>, vector<16xi32>,
        } {sc.loop_unroll_factor = 4 : i64, sc.parallel_access}
        %mul3A_64 = arith.constant 200000 : i32
        %mul3A_65 = arith.muli %arg1, %mul3A_64 : i32
        %mul3A_66 = arith.constant 800 : i32
        %mul3A_67 = arith.muli %mul3A_51, %mul3A_66 : i32
        %add3A_68 = arith.addi %mul3A_65, %mul3A_67 : i32
        %dma_start3A_69 = arith.constant 0 : i32
        %dma_start3A_70 = tpu.memref_slice %arg14[%dma_start3A_69] : memref<73728xf32, #tpu.memory_space<vmem_shared>> -> memref<73728xf32, #tpu.memory_space<vmem_shared>>
        tpu.enqueue_indirect_dma source(%dma_start3A_70 : memref<73728xf32, #tpu.memory_space<vmem_shared>>) target(%arg26 : memref<800xf32, #tpu.memory_space<vmem>>) offsets(%arg24 : memref<800xi32, #tpu.memory_space<vmem>>) semaphore(%arg30 : memref<!tpu.dma_semaphore, #tpu.memory_space<semaphore_mem>>)
        %dma_start3A_71 = arith.constant 0 : i32
        %dma_start3A_72 = tpu.memref_slice %arg14[%dma_start3A_71] : memref<73728xf32, #tpu.memory_space<vmem_shared>> -> memref<73728xf32, #tpu.memory_space<vmem_shared>>
        tpu.enqueue_indirect_dma source(%dma_start3A_72 : memref<73728xf32, #tpu.memory_space<vmem_shared>>) target(%arg27 : memref<800xf32, #tpu.memory_space<vmem>>) offsets(%arg25 : memref<800xi32, #tpu.memory_space<vmem>>) semaphore(%arg30 : memref<!tpu.dma_semaphore, #tpu.memory_space<semaphore_mem>>)
        %dma_start3A_73 = tpu.memref_slice %arg10[%add3A_68] : memref<3200000xi32, #tpu.memory_space<hbm>> -> memref<800xi32, #tpu.memory_space<hbm>>
        %dma_start3A_74 = tpu.memref_slice %arg10[%add3A_68] : memref<3200000xi32, #tpu.memory_space<hbm>> -> memref<800xi32, #tpu.memory_space<hbm>>
        tpu.enqueue_dma source(%arg22 : memref<800xi32, #tpu.memory_space<vmem>>) target(%dma_start3A_74 : memref<800xi32, #tpu.memory_space<hbm>>) target_semaphore(%arg31 : memref<!tpu.dma_semaphore, #tpu.memory_space<semaphore_mem>>)
        %dma_start3A_75 = tpu.memref_slice %arg11[%add3A_68] : memref<3200000xi32, #tpu.memory_space<hbm>> -> memref<800xi32, #tpu.memory_space<hbm>>
        %dma_start3A_76 = tpu.memref_slice %arg11[%add3A_68] : memref<3200000xi32, #tpu.memory_space<hbm>> -> memref<800xi32, #tpu.memory_space<hbm>>
        tpu.enqueue_dma source(%arg23 : memref<800xi32, #tpu.memory_space<vmem>>) target(%dma_start3A_76 : memref<800xi32, #tpu.memory_space<hbm>>) target_semaphore(%arg31 : memref<!tpu.dma_semaphore, #tpu.memory_space<semaphore_mem>>)
        %lt3A_77 = arith.constant 250 : i32
        %lt3A_78 = arith.cmpi slt, %add3A_53, %lt3A_77 : i32
        %convert_element_type3A_79 = arith.extui %lt3A_78 : i1 to i32
        %cond3A_80 = arith.constant 0 : i32
        %cond3A_81 = arith.cmpi ne, %convert_element_type3A_79, %cond3A_80 : i32
        scf.if %cond3A_81 {
          %dma_wait3A_141 = arith.constant 0 : i32
          %dma_wait3A_142 = tpu.memref_slice %arg2[%dma_wait3A_141] : memref<3200000xf32, #tpu.memory_space<hbm>> -> memref<800xf32, #tpu.memory_space<hbm>>
          %dma_wait3A_143 = arith.constant 0 : i32
          %dma_wait3A_144 = tpu.memref_slice %arg2[%dma_wait3A_143] : memref<3200000xf32, #tpu.memory_space<hbm>> -> memref<800xf32, #tpu.memory_space<hbm>>
          tpu.wait_dma2 semaphore(%arg28 : memref<!tpu.dma_semaphore, #tpu.memory_space<semaphore_mem>>) src(%dma_wait3A_144 : memref<800xf32, #tpu.memory_space<hbm>>) dst(%arg19 : memref<800xf32, #tpu.memory_space<vmem>>)
          %dma_wait3A_145 = arith.constant 0 : i32
          %dma_wait3A_146 = tpu.memref_slice %arg3[%dma_wait3A_145] : memref<3200000xi32, #tpu.memory_space<hbm>> -> memref<800xi32, #tpu.memory_space<hbm>>
          %dma_wait3A_147 = arith.constant 0 : i32
          %dma_wait3A_148 = tpu.memref_slice %arg3[%dma_wait3A_147] : memref<3200000xi32, #tpu.memory_space<hbm>> -> memref<800xi32, #tpu.memory_space<hbm>>
          tpu.wait_dma2 semaphore(%arg28 : memref<!tpu.dma_semaphore, #tpu.memory_space<semaphore_mem>>) src(%dma_wait3A_148 : memref<800xi32, #tpu.memory_space<hbm>>) dst(%arg20 : memref<800xi32, #tpu.memory_space<vmem>>)
          %dma_wait3A_149 = arith.constant 0 : i32
          %dma_wait3A_150 = tpu.memref_slice %arg4[%dma_wait3A_149] : memref<3200000xi32, #tpu.memory_space<hbm>> -> memref<800xi32, #tpu.memory_space<hbm>>
          %dma_wait3A_151 = arith.constant 0 : i32
          %dma_wait3A_152 = tpu.memref_slice %arg4[%dma_wait3A_151] : memref<3200000xi32, #tpu.memory_space<hbm>> -> memref<800xi32, #tpu.memory_space<hbm>>
          tpu.wait_dma2 semaphore(%arg28 : memref<!tpu.dma_semaphore, #tpu.memory_space<semaphore_mem>>) src(%dma_wait3A_152 : memref<800xi32, #tpu.memory_space<hbm>>) dst(%arg21 : memref<800xi32, #tpu.memory_space<vmem>>)
          %dma_wait3A_153 = arith.constant 0 : i32
          %dma_wait3A_154 = tpu.memref_slice %arg10[%dma_wait3A_153] : memref<3200000xi32, #tpu.memory_space<hbm>> -> memref<800xi32, #tpu.memory_space<hbm>>
          %dma_wait3A_155 = arith.constant 0 : i32
          %dma_wait3A_156 = tpu.memref_slice %arg10[%dma_wait3A_155] : memref<3200000xi32, #tpu.memory_space<hbm>> -> memref<800xi32, #tpu.memory_space<hbm>>
          tpu.wait_dma2 semaphore(%arg31 : memref<!tpu.dma_semaphore, #tpu.memory_space<semaphore_mem>>) src(%arg22 : memref<800xi32, #tpu.memory_space<vmem>>) dst(%dma_wait3A_156 : memref<800xi32, #tpu.memory_space<hbm>>)
          %dma_wait3A_157 = arith.constant 0 : i32
          %dma_wait3A_158 = tpu.memref_slice %arg11[%dma_wait3A_157] : memref<3200000xi32, #tpu.memory_space<hbm>> -> memref<800xi32, #tpu.memory_space<hbm>>
          %dma_wait3A_159 = arith.constant 0 : i32
          %dma_wait3A_160 = tpu.memref_slice %arg11[%dma_wait3A_159] : memref<3200000xi32, #tpu.memory_space<hbm>> -> memref<800xi32, #tpu.memory_space<hbm>>
          tpu.wait_dma2 semaphore(%arg31 : memref<!tpu.dma_semaphore, #tpu.memory_space<semaphore_mem>>) src(%arg23 : memref<800xi32, #tpu.memory_space<vmem>>) dst(%dma_wait3A_160 : memref<800xi32, #tpu.memory_space<hbm>>)
          %dma_start3A_161 = arith.constant 0 : i32
          %dma_start3A_162 = tpu.memref_slice %arg12[%dma_start3A_161] : memref<100352xi32, #tpu.memory_space<vmem_shared>> -> memref<100352xi32, #tpu.memory_space<vmem_shared>>
          tpu.enqueue_indirect_dma source(%dma_start3A_162 : memref<100352xi32, #tpu.memory_space<vmem_shared>>) target(%arg22 : memref<800xi32, #tpu.memory_space<vmem>>) offsets(%arg20 : memref<800xi32, #tpu.memory_space<vmem>>) semaphore(%arg29 : memref<!tpu.dma_semaphore, #tpu.memory_space<semaphore_mem>>)
          %dma_start3A_163 = arith.constant 0 : i32
          %dma_start3A_164 = tpu.memref_slice %arg12[%dma_start3A_163] : memref<100352xi32, #tpu.memory_space<vmem_shared>> -> memref<100352xi32, #tpu.memory_space<vmem_shared>>
          tpu.enqueue_indirect_dma source(%dma_start3A_164 : memref<100352xi32, #tpu.memory_space<vmem_shared>>) target(%arg23 : memref<800xi32, #tpu.memory_space<vmem>>) offsets(%arg21 : memref<800xi32, #tpu.memory_space<vmem>>) semaphore(%arg29 : memref<!tpu.dma_semaphore, #tpu.memory_space<semaphore_mem>>)
        } else {
        }
        %ge3A = arith.constant 250 : i32
        %ge3A_82 = arith.cmpi sge, %add3A_53, %ge3A : i32
        %convert_element_type3A_83 = arith.extui %ge3A_82 : i1 to i32
        %cond3A_84 = arith.constant 0 : i32
        %cond3A_85 = arith.cmpi ne, %convert_element_type3A_83, %cond3A_84 : i32
        scf.if %cond3A_85 {
          %dma_wait3A_141 = arith.constant 0 : i32
          %dma_wait3A_142 = tpu.memref_slice %arg10[%dma_wait3A_141] : memref<3200000xi32, #tpu.memory_space<hbm>> -> memref<800xi32, #tpu.memory_space<hbm>>
          %dma_wait3A_143 = arith.constant 0 : i32
          %dma_wait3A_144 = tpu.memref_slice %arg10[%dma_wait3A_143] : memref<3200000xi32, #tpu.memory_space<hbm>> -> memref<800xi32, #tpu.memory_space<hbm>>
          tpu.wait_dma2 semaphore(%arg31 : memref<!tpu.dma_semaphore, #tpu.memory_space<semaphore_mem>>) src(%arg22 : memref<800xi32, #tpu.memory_space<vmem>>) dst(%dma_wait3A_144 : memref<800xi32, #tpu.memory_space<hbm>>)
          %dma_wait3A_145 = arith.constant 0 : i32
          %dma_wait3A_146 = tpu.memref_slice %arg11[%dma_wait3A_145] : memref<3200000xi32, #tpu.memory_space<hbm>> -> memref<800xi32, #tpu.memory_space<hbm>>
          %dma_wait3A_147 = arith.constant 0 : i32
          %dma_wait3A_148 = tpu.memref_slice %arg11[%dma_wait3A_147] : memref<3200000xi32, #tpu.memory_space<hbm>> -> memref<800xi32, #tpu.memory_space<hbm>>
          tpu.wait_dma2 semaphore(%arg31 : memref<!tpu.dma_semaphore, #tpu.memory_space<semaphore_mem>>) src(%arg23 : memref<800xi32, #tpu.memory_space<vmem>>) dst(%dma_wait3A_148 : memref<800xi32, #tpu.memory_space<hbm>>)
        } else {
        }
        %dma_wait3A_86 = arith.constant 0 : i32
        %dma_wait3A_87 = tpu.memref_slice %arg14[%dma_wait3A_86] : memref<73728xf32, #tpu.memory_space<vmem_shared>> -> memref<73728xf32, #tpu.memory_space<vmem_shared>>
        tpu.wait_indirect_dma semaphore(%arg30 : memref<!tpu.dma_semaphore, #tpu.memory_space<semaphore_mem>>) src(%dma_wait3A_87 : memref<73728xf32, #tpu.memory_space<vmem_shared>>) dst(%arg26 : memref<800xf32, #tpu.memory_space<vmem>>)
        %dma_wait3A_88 = arith.constant 0 : i32
        %dma_wait3A_89 = tpu.memref_slice %arg14[%dma_wait3A_88] : memref<73728xf32, #tpu.memory_space<vmem_shared>> -> memref<73728xf32, #tpu.memory_space<vmem_shared>>
        tpu.wait_indirect_dma semaphore(%arg30 : memref<!tpu.dma_semaphore, #tpu.memory_space<semaphore_mem>>) src(%dma_wait3A_89 : memref<73728xf32, #tpu.memory_space<vmem_shared>>) dst(%arg27 : memref<800xf32, #tpu.memory_space<vmem>>)
        %parallel_loop3A_90 = arith.constant 0 : i32
        %parallel_loop3A_91 = arith.constant 50 : i32
        %parallel_loop3A_92 = arith.constant 1 : i32
        scf.for %parallel_loop3A_141 = %parallel_loop3A_90 to %parallel_loop3A_91 step %parallel_loop3A_92  : i32 {
          %parallel_loop3A_142 = arith.constant 16 : i32
          %parallel_loop3A_143 = arith.muli %parallel_loop3A_141, %parallel_loop3A_142 : i32
          %parallel_loop3A_144 = arith.index_cast %parallel_loop3A_143 : i32 to index
          %parallel_loop3A_145 = tpu.vector_load %arg16[%parallel_loop3A_144] {strides = array<i32>} : memref<800xf32, #tpu.memory_space<vmem>>, vector<16xf32>,
          %parallel_loop3A_146 = arith.constant 0.000000e+00 : f32
          %parallel_loop3A_147 = vector.broadcast %parallel_loop3A_146 : f32 to vector<16xf32>
          %parallel_loop3A_148 = arith.maximumf %parallel_loop3A_145, %parallel_loop3A_147 : vector<16xf32>
          %parallel_loop3A_149 = arith.constant 5.99999952 : f32
          %parallel_loop3A_150 = vector.broadcast %parallel_loop3A_149 : f32 to vector<16xf32>
          %parallel_loop3A_151 = arith.minimumf %parallel_loop3A_148, %parallel_loop3A_150 : vector<16xf32>
          %parallel_loop3A_152 = arith.constant 1365.16663 : f32
          %parallel_loop3A_153 = vector.broadcast %parallel_loop3A_152 : f32 to vector<16xf32>
          %parallel_loop3A_154 = arith.mulf %parallel_loop3A_151, %parallel_loop3A_153 : vector<16xf32>
          %parallel_loop3A_155 = arith.fptosi %parallel_loop3A_154 : vector<16xf32> to vector<16xi32>
          %parallel_loop3A_156 = arith.sitofp %parallel_loop3A_155 : vector<16xi32> to vector<16xf32>
          %parallel_loop3A_157 = arith.subf %parallel_loop3A_154, %parallel_loop3A_156 : vector<16xf32>
          %parallel_loop3A_158 = arith.index_cast %parallel_loop3A_143 : i32 to index
          %parallel_loop3A_159 = tpu.vector_load %arg26[%parallel_loop3A_158] {strides = array<i32>} : memref<800xf32, #tpu.memory_space<vmem>>, vector<16xf32>,
          %parallel_loop3A_160 = arith.index_cast %parallel_loop3A_143 : i32 to index
          %parallel_loop3A_161 = tpu.vector_load %arg27[%parallel_loop3A_160] {strides = array<i32>} : memref<800xf32, #tpu.memory_space<vmem>>, vector<16xf32>,
          %parallel_loop3A_162 = arith.subf %parallel_loop3A_161, %parallel_loop3A_159 : vector<16xf32>
          %parallel_loop3A_163 = arith.mulf %parallel_loop3A_157, %parallel_loop3A_162 : vector<16xf32>
          %parallel_loop3A_164 = arith.addf %parallel_loop3A_159, %parallel_loop3A_163 : vector<16xf32>
          %parallel_loop3A_165 = arith.index_cast %parallel_loop3A_143 : i32 to index
          %parallel_loop3A_166 = tpu.vector_load %arg17[%parallel_loop3A_165] {strides = array<i32>} : memref<800xi32, #tpu.memory_space<vmem>>, vector<16xi32>,
          %parallel_loop3A_167 = arith.constant 5.000000e-01 : f32
          %parallel_loop3A_168 = vector.broadcast %parallel_loop3A_167 : f32 to vector<16xf32>
          %parallel_loop3A_169 = arith.mulf %parallel_loop3A_168, %parallel_loop3A_164 : vector<16xf32>
          tpu.vector_store_idx %arg15[%parallel_loop3A_166], %parallel_loop3A_169 {add = true} : memref<100352xf32, #tpu.memory_space<vmem>>[vector<16xi32>], vector<16xf32>,
        } {sc.loop_unroll_factor = 4 : i64, sc.parallel_access}
        %mul3A_93 = arith.constant 2 : i32
        %mul3A_94 = arith.muli %mul3A_93, %scan3A_49 : i32
        %add3A_95 = arith.constant 1 : i32
        %add3A_96 = arith.addi %mul3A_94, %add3A_95 : i32
        %add3A_97 = arith.constant 1 : i32
        %add3A_98 = arith.addi %add3A_96, %add3A_97 : i32
        %lt3A_99 = arith.constant 250 : i32
        %lt3A_100 = arith.cmpi slt, %add3A_98, %lt3A_99 : i32
        %convert_element_type3A_101 = arith.extui %lt3A_100 : i1 to i32
        %cond3A_102 = arith.constant 0 : i32
        %cond3A_103 = arith.cmpi ne, %convert_element_type3A_101, %cond3A_102 : i32
        scf.if %cond3A_103 {
          %mul3A_141 = arith.constant 200000 : i32
          %mul3A_142 = arith.muli %arg1, %mul3A_141 : i32
          %mul3A_143 = arith.constant 800 : i32
          %mul3A_144 = arith.muli %add3A_98, %mul3A_143 : i32
          %add3A_145 = arith.addi %mul3A_142, %mul3A_144 : i32
          %dma_start3A_146 = tpu.memref_slice %arg2[%add3A_145] : memref<3200000xf32, #tpu.memory_space<hbm>> -> memref<800xf32, #tpu.memory_space<hbm>>
          %dma_start3A_147 = tpu.memref_slice %arg2[%add3A_145] : memref<3200000xf32, #tpu.memory_space<hbm>> -> memref<800xf32, #tpu.memory_space<hbm>>
          tpu.enqueue_dma source(%dma_start3A_147 : memref<800xf32, #tpu.memory_space<hbm>>) target(%arg16 : memref<800xf32, #tpu.memory_space<vmem>>) target_semaphore(%arg28 : memref<!tpu.dma_semaphore, #tpu.memory_space<semaphore_mem>>)
          %dma_start3A_148 = tpu.memref_slice %arg3[%add3A_145] : memref<3200000xi32, #tpu.memory_space<hbm>> -> memref<800xi32, #tpu.memory_space<hbm>>
          %dma_start3A_149 = tpu.memref_slice %arg3[%add3A_145] : memref<3200000xi32, #tpu.memory_space<hbm>> -> memref<800xi32, #tpu.memory_space<hbm>>
          tpu.enqueue_dma source(%dma_start3A_149 : memref<800xi32, #tpu.memory_space<hbm>>) target(%arg17 : memref<800xi32, #tpu.memory_space<vmem>>) target_semaphore(%arg28 : memref<!tpu.dma_semaphore, #tpu.memory_space<semaphore_mem>>)
          %dma_start3A_150 = tpu.memref_slice %arg4[%add3A_145] : memref<3200000xi32, #tpu.memory_space<hbm>> -> memref<800xi32, #tpu.memory_space<hbm>>
          %dma_start3A_151 = tpu.memref_slice %arg4[%add3A_145] : memref<3200000xi32, #tpu.memory_space<hbm>> -> memref<800xi32, #tpu.memory_space<hbm>>
          tpu.enqueue_dma source(%dma_start3A_151 : memref<800xi32, #tpu.memory_space<hbm>>) target(%arg18 : memref<800xi32, #tpu.memory_space<vmem>>) target_semaphore(%arg28 : memref<!tpu.dma_semaphore, #tpu.memory_space<semaphore_mem>>)
        } else {
        }
        %dma_wait3A_104 = arith.constant 0 : i32
        %dma_wait3A_105 = tpu.memref_slice %arg12[%dma_wait3A_104] : memref<100352xi32, #tpu.memory_space<vmem_shared>> -> memref<100352xi32, #tpu.memory_space<vmem_shared>>
        tpu.wait_indirect_dma semaphore(%arg29 : memref<!tpu.dma_semaphore, #tpu.memory_space<semaphore_mem>>) src(%dma_wait3A_105 : memref<100352xi32, #tpu.memory_space<vmem_shared>>) dst(%arg22 : memref<800xi32, #tpu.memory_space<vmem>>)
        %dma_wait3A_106 = arith.constant 0 : i32
        %dma_wait3A_107 = tpu.memref_slice %arg12[%dma_wait3A_106] : memref<100352xi32, #tpu.memory_space<vmem_shared>> -> memref<100352xi32, #tpu.memory_space<vmem_shared>>
        tpu.wait_indirect_dma semaphore(%arg29 : memref<!tpu.dma_semaphore, #tpu.memory_space<semaphore_mem>>) src(%dma_wait3A_107 : memref<100352xi32, #tpu.memory_space<vmem_shared>>) dst(%arg23 : memref<800xi32, #tpu.memory_space<vmem>>)
        %parallel_loop3A_108 = arith.constant 0 : i32
        %parallel_loop3A_109 = arith.constant 50 : i32
        %parallel_loop3A_110 = arith.constant 1 : i32
        scf.for %parallel_loop3A_141 = %parallel_loop3A_108 to %parallel_loop3A_109 step %parallel_loop3A_110  : i32 {
          %parallel_loop3A_142 = arith.constant 16 : i32
          %parallel_loop3A_143 = arith.muli %parallel_loop3A_141, %parallel_loop3A_142 : i32
          %parallel_loop3A_144 = arith.index_cast %parallel_loop3A_143 : i32 to index
          %parallel_loop3A_145 = tpu.vector_load %arg19[%parallel_loop3A_144] {strides = array<i32>} : memref<800xf32, #tpu.memory_space<vmem>>, vector<16xf32>,
          %parallel_loop3A_146 = arith.constant 0.000000e+00 : f32
          %parallel_loop3A_147 = vector.broadcast %parallel_loop3A_146 : f32 to vector<16xf32>
          %parallel_loop3A_148 = arith.maximumf %parallel_loop3A_145, %parallel_loop3A_147 : vector<16xf32>
          %parallel_loop3A_149 = arith.constant 5.99999952 : f32
          %parallel_loop3A_150 = vector.broadcast %parallel_loop3A_149 : f32 to vector<16xf32>
          %parallel_loop3A_151 = arith.minimumf %parallel_loop3A_148, %parallel_loop3A_150 : vector<16xf32>
          %parallel_loop3A_152 = arith.constant 1365.16663 : f32
          %parallel_loop3A_153 = vector.broadcast %parallel_loop3A_152 : f32 to vector<16xf32>
          %parallel_loop3A_154 = arith.mulf %parallel_loop3A_151, %parallel_loop3A_153 : vector<16xf32>
          %parallel_loop3A_155 = arith.fptosi %parallel_loop3A_154 : vector<16xf32> to vector<16xi32>
          %parallel_loop3A_156 = arith.sitofp %parallel_loop3A_155 : vector<16xi32> to vector<16xf32>
          %parallel_loop3A_157 = arith.subf %parallel_loop3A_154, %parallel_loop3A_156 : vector<16xf32>
          %parallel_loop3A_158 = arith.index_cast %parallel_loop3A_143 : i32 to index
          %parallel_loop3A_159 = tpu.vector_load %arg22[%parallel_loop3A_158] {strides = array<i32>} : memref<800xi32, #tpu.memory_space<vmem>>, vector<16xi32>,
          %parallel_loop3A_160 = arith.constant 8192 : i32
          %parallel_loop3A_161 = vector.broadcast %parallel_loop3A_160 : i32 to vector<16xi32>
          %parallel_loop3A_162 = arith.muli %parallel_loop3A_159, %parallel_loop3A_161 : vector<16xi32>
          %parallel_loop3A_163 = arith.index_cast %parallel_loop3A_143 : i32 to index
          %parallel_loop3A_164 = tpu.vector_load %arg23[%parallel_loop3A_163] {strides = array<i32>} : memref<800xi32, #tpu.memory_space<vmem>>, vector<16xi32>,
          %parallel_loop3A_165 = arith.constant 8192 : i32
          %parallel_loop3A_166 = vector.broadcast %parallel_loop3A_165 : i32 to vector<16xi32>
          %parallel_loop3A_167 = arith.muli %parallel_loop3A_164, %parallel_loop3A_166 : vector<16xi32>
          %parallel_loop3A_168 = arith.constant 3 : i32
          %parallel_loop3A_169 = vector.broadcast %parallel_loop3A_168 : i32 to vector<16xi32>
          %parallel_loop3A_170 = arith.muli %parallel_loop3A_162, %parallel_loop3A_169 : vector<16xi32>
          %parallel_loop3A_171 = arith.addi %parallel_loop3A_170, %parallel_loop3A_167 : vector<16xi32>
          %parallel_loop3A_172 = arith.addi %parallel_loop3A_171, %parallel_loop3A_155 : vector<16xi32>
          %parallel_loop3A_173 = arith.index_cast %parallel_loop3A_143 : i32 to index
          %parallel_loop3A_174 = tpu.vector_load %arg24[%parallel_loop3A_173] {strides = array<i32>} : memref<800xi32, #tpu.memory_space<vmem>>, vector<16xi32>,
          tpu.vector_store %arg24[%parallel_loop3A_173], %parallel_loop3A_172 {strides = array<i32>} : memref<800xi32, #tpu.memory_space<vmem>>, vector<16xi32>,
          %parallel_loop3A_175 = arith.constant 1 : i32
          %parallel_loop3A_176 = vector.broadcast %parallel_loop3A_175 : i32 to vector<16xi32>
          %parallel_loop3A_177 = arith.addi %parallel_loop3A_172, %parallel_loop3A_176 : vector<16xi32>
          %parallel_loop3A_178 = arith.index_cast %parallel_loop3A_143 : i32 to index
          %parallel_loop3A_179 = tpu.vector_load %arg25[%parallel_loop3A_178] {strides = array<i32>} : memref<800xi32, #tpu.memory_space<vmem>>, vector<16xi32>,
          tpu.vector_store %arg25[%parallel_loop3A_178], %parallel_loop3A_177 {strides = array<i32>} : memref<800xi32, #tpu.memory_space<vmem>>, vector<16xi32>,
          %parallel_loop3A_180 = arith.index_cast %parallel_loop3A_143 : i32 to index
          %parallel_loop3A_181 = tpu.vector_load %arg22[%parallel_loop3A_180] {strides = array<i32>} : memref<800xi32, #tpu.memory_space<vmem>>, vector<16xi32>,
          tpu.vector_store %arg22[%parallel_loop3A_180], %parallel_loop3A_162 {strides = array<i32>} : memref<800xi32, #tpu.memory_space<vmem>>, vector<16xi32>,
          %parallel_loop3A_182 = arith.index_cast %parallel_loop3A_143 : i32 to index
          %parallel_loop3A_183 = tpu.vector_load %arg23[%parallel_loop3A_182] {strides = array<i32>} : memref<800xi32, #tpu.memory_space<vmem>>, vector<16xi32>,
          tpu.vector_store %arg23[%parallel_loop3A_182], %parallel_loop3A_167 {strides = array<i32>} : memref<800xi32, #tpu.memory_space<vmem>>, vector<16xi32>,
        } {sc.loop_unroll_factor = 4 : i64, sc.parallel_access}
        %mul3A_111 = arith.constant 200000 : i32
        %mul3A_112 = arith.muli %arg1, %mul3A_111 : i32
        %mul3A_113 = arith.constant 800 : i32
        %mul3A_114 = arith.muli %add3A_96, %mul3A_113 : i32
        %add3A_115 = arith.addi %mul3A_112, %mul3A_114 : i32
        %dma_start3A_116 = arith.constant 0 : i32
        %dma_start3A_117 = tpu.memref_slice %arg14[%dma_start3A_116] : memref<73728xf32, #tpu.memory_space<vmem_shared>> -> memref<73728xf32, #tpu.memory_space<vmem_shared>>
        tpu.enqueue_indirect_dma source(%dma_start3A_117 : memref<73728xf32, #tpu.memory_space<vmem_shared>>) target(%arg26 : memref<800xf32, #tpu.memory_space<vmem>>) offsets(%arg24 : memref<800xi32, #tpu.memory_space<vmem>>) semaphore(%arg30 : memref<!tpu.dma_semaphore, #tpu.memory_space<semaphore_mem>>)
        %dma_start3A_118 = arith.constant 0 : i32
        %dma_start3A_119 = tpu.memref_slice %arg14[%dma_start3A_118] : memref<73728xf32, #tpu.memory_space<vmem_shared>> -> memref<73728xf32, #tpu.memory_space<vmem_shared>>
        tpu.enqueue_indirect_dma source(%dma_start3A_119 : memref<73728xf32, #tpu.memory_space<vmem_shared>>) target(%arg27 : memref<800xf32, #tpu.memory_space<vmem>>) offsets(%arg25 : memref<800xi32, #tpu.memory_space<vmem>>) semaphore(%arg30 : memref<!tpu.dma_semaphore, #tpu.memory_space<semaphore_mem>>)
        %dma_start3A_120 = tpu.memref_slice %arg10[%add3A_115] : memref<3200000xi32, #tpu.memory_space<hbm>> -> memref<800xi32, #tpu.memory_space<hbm>>
        %dma_start3A_121 = tpu.memref_slice %arg10[%add3A_115] : memref<3200000xi32, #tpu.memory_space<hbm>> -> memref<800xi32, #tpu.memory_space<hbm>>
        tpu.enqueue_dma source(%arg22 : memref<800xi32, #tpu.memory_space<vmem>>) target(%dma_start3A_121 : memref<800xi32, #tpu.memory_space<hbm>>) target_semaphore(%arg31 : memref<!tpu.dma_semaphore, #tpu.memory_space<semaphore_mem>>)
        %dma_start3A_122 = tpu.memref_slice %arg11[%add3A_115] : memref<3200000xi32, #tpu.memory_space<hbm>> -> memref<800xi32, #tpu.memory_space<hbm>>
        %dma_start3A_123 = tpu.memref_slice %arg11[%add3A_115] : memref<3200000xi32, #tpu.memory_space<hbm>> -> memref<800xi32, #tpu.memory_space<hbm>>
        tpu.enqueue_dma source(%arg23 : memref<800xi32, #tpu.memory_space<vmem>>) target(%dma_start3A_123 : memref<800xi32, #tpu.memory_space<hbm>>) target_semaphore(%arg31 : memref<!tpu.dma_semaphore, #tpu.memory_space<semaphore_mem>>)
        %lt3A_124 = arith.constant 250 : i32
        %lt3A_125 = arith.cmpi slt, %add3A_98, %lt3A_124 : i32
        %convert_element_type3A_126 = arith.extui %lt3A_125 : i1 to i32
        %cond3A_127 = arith.constant 0 : i32
        %cond3A_128 = arith.cmpi ne, %convert_element_type3A_126, %cond3A_127 : i32
        scf.if %cond3A_128 {
          %dma_wait3A_141 = arith.constant 0 : i32
          %dma_wait3A_142 = tpu.memref_slice %arg2[%dma_wait3A_141] : memref<3200000xf32, #tpu.memory_space<hbm>> -> memref<800xf32, #tpu.memory_space<hbm>>
          %dma_wait3A_143 = arith.constant 0 : i32
          %dma_wait3A_144 = tpu.memref_slice %arg2[%dma_wait3A_143] : memref<3200000xf32, #tpu.memory_space<hbm>> -> memref<800xf32, #tpu.memory_space<hbm>>
          tpu.wait_dma2 semaphore(%arg28 : memref<!tpu.dma_semaphore, #tpu.memory_space<semaphore_mem>>) src(%dma_wait3A_144 : memref<800xf32, #tpu.memory_space<hbm>>) dst(%arg16 : memref<800xf32, #tpu.memory_space<vmem>>)
          %dma_wait3A_145 = arith.constant 0 : i32
          %dma_wait3A_146 = tpu.memref_slice %arg3[%dma_wait3A_145] : memref<3200000xi32, #tpu.memory_space<hbm>> -> memref<800xi32, #tpu.memory_space<hbm>>
          %dma_wait3A_147 = arith.constant 0 : i32
          %dma_wait3A_148 = tpu.memref_slice %arg3[%dma_wait3A_147] : memref<3200000xi32, #tpu.memory_space<hbm>> -> memref<800xi32, #tpu.memory_space<hbm>>
          tpu.wait_dma2 semaphore(%arg28 : memref<!tpu.dma_semaphore, #tpu.memory_space<semaphore_mem>>) src(%dma_wait3A_148 : memref<800xi32, #tpu.memory_space<hbm>>) dst(%arg17 : memref<800xi32, #tpu.memory_space<vmem>>)
          %dma_wait3A_149 = arith.constant 0 : i32
          %dma_wait3A_150 = tpu.memref_slice %arg4[%dma_wait3A_149] : memref<3200000xi32, #tpu.memory_space<hbm>> -> memref<800xi32, #tpu.memory_space<hbm>>
          %dma_wait3A_151 = arith.constant 0 : i32
          %dma_wait3A_152 = tpu.memref_slice %arg4[%dma_wait3A_151] : memref<3200000xi32, #tpu.memory_space<hbm>> -> memref<800xi32, #tpu.memory_space<hbm>>
          tpu.wait_dma2 semaphore(%arg28 : memref<!tpu.dma_semaphore, #tpu.memory_space<semaphore_mem>>) src(%dma_wait3A_152 : memref<800xi32, #tpu.memory_space<hbm>>) dst(%arg18 : memref<800xi32, #tpu.memory_space<vmem>>)
          %dma_wait3A_153 = arith.constant 0 : i32
          %dma_wait3A_154 = tpu.memref_slice %arg10[%dma_wait3A_153] : memref<3200000xi32, #tpu.memory_space<hbm>> -> memref<800xi32, #tpu.memory_space<hbm>>
          %dma_wait3A_155 = arith.constant 0 : i32
          %dma_wait3A_156 = tpu.memref_slice %arg10[%dma_wait3A_155] : memref<3200000xi32, #tpu.memory_space<hbm>> -> memref<800xi32, #tpu.memory_space<hbm>>
          tpu.wait_dma2 semaphore(%arg31 : memref<!tpu.dma_semaphore, #tpu.memory_space<semaphore_mem>>) src(%arg22 : memref<800xi32, #tpu.memory_space<vmem>>) dst(%dma_wait3A_156 : memref<800xi32, #tpu.memory_space<hbm>>)
          %dma_wait3A_157 = arith.constant 0 : i32
          %dma_wait3A_158 = tpu.memref_slice %arg11[%dma_wait3A_157] : memref<3200000xi32, #tpu.memory_space<hbm>> -> memref<800xi32, #tpu.memory_space<hbm>>
          %dma_wait3A_159 = arith.constant 0 : i32
          %dma_wait3A_160 = tpu.memref_slice %arg11[%dma_wait3A_159] : memref<3200000xi32, #tpu.memory_space<hbm>> -> memref<800xi32, #tpu.memory_space<hbm>>
          tpu.wait_dma2 semaphore(%arg31 : memref<!tpu.dma_semaphore, #tpu.memory_space<semaphore_mem>>) src(%arg23 : memref<800xi32, #tpu.memory_space<vmem>>) dst(%dma_wait3A_160 : memref<800xi32, #tpu.memory_space<hbm>>)
          %dma_start3A_161 = arith.constant 0 : i32
          %dma_start3A_162 = tpu.memref_slice %arg12[%dma_start3A_161] : memref<100352xi32, #tpu.memory_space<vmem_shared>> -> memref<100352xi32, #tpu.memory_space<vmem_shared>>
          tpu.enqueue_indirect_dma source(%dma_start3A_162 : memref<100352xi32, #tpu.memory_space<vmem_shared>>) target(%arg22 : memref<800xi32, #tpu.memory_space<vmem>>) offsets(%arg17 : memref<800xi32, #tpu.memory_space<vmem>>) semaphore(%arg29 : memref<!tpu.dma_semaphore, #tpu.memory_space<semaphore_mem>>)
          %dma_start3A_163 = arith.constant 0 : i32
          %dma_start3A_164 = tpu.memref_slice %arg12[%dma_start3A_163] : memref<100352xi32, #tpu.memory_space<vmem_shared>> -> memref<100352xi32, #tpu.memory_space<vmem_shared>>
          tpu.enqueue_indirect_dma source(%dma_start3A_164 : memref<100352xi32, #tpu.memory_space<vmem_shared>>) target(%arg23 : memref<800xi32, #tpu.memory_space<vmem>>) offsets(%arg18 : memref<800xi32, #tpu.memory_space<vmem>>) semaphore(%arg29 : memref<!tpu.dma_semaphore, #tpu.memory_space<semaphore_mem>>)
        } else {
        }
        %ge3A_129 = arith.constant 250 : i32
        %ge3A_130 = arith.cmpi sge, %add3A_98, %ge3A_129 : i32
        %convert_element_type3A_131 = arith.extui %ge3A_130 : i1 to i32
        %cond3A_132 = arith.constant 0 : i32
        %cond3A_133 = arith.cmpi ne, %convert_element_type3A_131, %cond3A_132 : i32
        scf.if %cond3A_133 {
          %dma_wait3A_141 = arith.constant 0 : i32
          %dma_wait3A_142 = tpu.memref_slice %arg10[%dma_wait3A_141] : memref<3200000xi32, #tpu.memory_space<hbm>> -> memref<800xi32, #tpu.memory_space<hbm>>
          %dma_wait3A_143 = arith.constant 0 : i32
          %dma_wait3A_144 = tpu.memref_slice %arg10[%dma_wait3A_143] : memref<3200000xi32, #tpu.memory_space<hbm>> -> memref<800xi32, #tpu.memory_space<hbm>>
          tpu.wait_dma2 semaphore(%arg31 : memref<!tpu.dma_semaphore, #tpu.memory_space<semaphore_mem>>) src(%arg22 : memref<800xi32, #tpu.memory_space<vmem>>) dst(%dma_wait3A_144 : memref<800xi32, #tpu.memory_space<hbm>>)
          %dma_wait3A_145 = arith.constant 0 : i32
          %dma_wait3A_146 = tpu.memref_slice %arg11[%dma_wait3A_145] : memref<3200000xi32, #tpu.memory_space<hbm>> -> memref<800xi32, #tpu.memory_space<hbm>>
          %dma_wait3A_147 = arith.constant 0 : i32
          %dma_wait3A_148 = tpu.memref_slice %arg11[%dma_wait3A_147] : memref<3200000xi32, #tpu.memory_space<hbm>> -> memref<800xi32, #tpu.memory_space<hbm>>
          tpu.wait_dma2 semaphore(%arg31 : memref<!tpu.dma_semaphore, #tpu.memory_space<semaphore_mem>>) src(%arg23 : memref<800xi32, #tpu.memory_space<vmem>>) dst(%dma_wait3A_148 : memref<800xi32, #tpu.memory_space<hbm>>)
        } else {
        }
        %dma_wait3A_134 = arith.constant 0 : i32
        %dma_wait3A_135 = tpu.memref_slice %arg14[%dma_wait3A_134] : memref<73728xf32, #tpu.memory_space<vmem_shared>> -> memref<73728xf32, #tpu.memory_space<vmem_shared>>
        tpu.wait_indirect_dma semaphore(%arg30 : memref<!tpu.dma_semaphore, #tpu.memory_space<semaphore_mem>>) src(%dma_wait3A_135 : memref<73728xf32, #tpu.memory_space<vmem_shared>>) dst(%arg26 : memref<800xf32, #tpu.memory_space<vmem>>)
        %dma_wait3A_136 = arith.constant 0 : i32
        %dma_wait3A_137 = tpu.memref_slice %arg14[%dma_wait3A_136] : memref<73728xf32, #tpu.memory_space<vmem_shared>> -> memref<73728xf32, #tpu.memory_space<vmem_shared>>
        tpu.wait_indirect_dma semaphore(%arg30 : memref<!tpu.dma_semaphore, #tpu.memory_space<semaphore_mem>>) src(%dma_wait3A_137 : memref<73728xf32, #tpu.memory_space<vmem_shared>>) dst(%arg27 : memref<800xf32, #tpu.memory_space<vmem>>)
        %parallel_loop3A_138 = arith.constant 0 : i32
        %parallel_loop3A_139 = arith.constant 50 : i32
        %parallel_loop3A_140 = arith.constant 1 : i32
        scf.for %parallel_loop3A_141 = %parallel_loop3A_138 to %parallel_loop3A_139 step %parallel_loop3A_140  : i32 {
          %parallel_loop3A_142 = arith.constant 16 : i32
          %parallel_loop3A_143 = arith.muli %parallel_loop3A_141, %parallel_loop3A_142 : i32
          %parallel_loop3A_144 = arith.index_cast %parallel_loop3A_143 : i32 to index
          %parallel_loop3A_145 = tpu.vector_load %arg19[%parallel_loop3A_144] {strides = array<i32>} : memref<800xf32, #tpu.memory_space<vmem>>, vector<16xf32>,
          %parallel_loop3A_146 = arith.constant 0.000000e+00 : f32
          %parallel_loop3A_147 = vector.broadcast %parallel_loop3A_146 : f32 to vector<16xf32>
          %parallel_loop3A_148 = arith.maximumf %parallel_loop3A_145, %parallel_loop3A_147 : vector<16xf32>
          %parallel_loop3A_149 = arith.constant 5.99999952 : f32
          %parallel_loop3A_150 = vector.broadcast %parallel_loop3A_149 : f32 to vector<16xf32>
          %parallel_loop3A_151 = arith.minimumf %parallel_loop3A_148, %parallel_loop3A_150 : vector<16xf32>
          %parallel_loop3A_152 = arith.constant 1365.16663 : f32
          %parallel_loop3A_153 = vector.broadcast %parallel_loop3A_152 : f32 to vector<16xf32>
          %parallel_loop3A_154 = arith.mulf %parallel_loop3A_151, %parallel_loop3A_153 : vector<16xf32>
          %parallel_loop3A_155 = arith.fptosi %parallel_loop3A_154 : vector<16xf32> to vector<16xi32>
          %parallel_loop3A_156 = arith.sitofp %parallel_loop3A_155 : vector<16xi32> to vector<16xf32>
          %parallel_loop3A_157 = arith.subf %parallel_loop3A_154, %parallel_loop3A_156 : vector<16xf32>
          %parallel_loop3A_158 = arith.index_cast %parallel_loop3A_143 : i32 to index
          %parallel_loop3A_159 = tpu.vector_load %arg26[%parallel_loop3A_158] {strides = array<i32>} : memref<800xf32, #tpu.memory_space<vmem>>, vector<16xf32>,
          %parallel_loop3A_160 = arith.index_cast %parallel_loop3A_143 : i32 to index
          %parallel_loop3A_161 = tpu.vector_load %arg27[%parallel_loop3A_160] {strides = array<i32>} : memref<800xf32, #tpu.memory_space<vmem>>, vector<16xf32>,
          %parallel_loop3A_162 = arith.subf %parallel_loop3A_161, %parallel_loop3A_159 : vector<16xf32>
          %parallel_loop3A_163 = arith.mulf %parallel_loop3A_157, %parallel_loop3A_162 : vector<16xf32>
          %parallel_loop3A_164 = arith.addf %parallel_loop3A_159, %parallel_loop3A_163 : vector<16xf32>
          %parallel_loop3A_165 = arith.index_cast %parallel_loop3A_143 : i32 to index
          %parallel_loop3A_166 = tpu.vector_load %arg20[%parallel_loop3A_165] {strides = array<i32>} : memref<800xi32, #tpu.memory_space<vmem>>, vector<16xi32>,
          %parallel_loop3A_167 = arith.constant 5.000000e-01 : f32
          %parallel_loop3A_168 = vector.broadcast %parallel_loop3A_167 : f32 to vector<16xf32>
          %parallel_loop3A_169 = arith.mulf %parallel_loop3A_168, %parallel_loop3A_164 : vector<16xf32>
          tpu.vector_store_idx %arg15[%parallel_loop3A_166], %parallel_loop3A_169 {add = true} : memref<100352xf32, #tpu.memory_space<vmem>>[vector<16xi32>], vector<16xf32>,
        } {sc.loop_unroll_factor = 4 : i64, sc.parallel_access}
      }
      %scan3A_46 = arith.constant 125 : i32
      %mul3A_47 = arith.constant 100352 : i32
      %mul3A_48 = arith.muli %arg1, %mul3A_47 : i32
      "tpu.region"() ({
        %run_scoped3A = tpu.sem_alloc : memref<!tpu.dma_semaphore, #tpu.memory_space<semaphore_mem>>
        %dma_start3A_49 = tpu.memref_slice %arg9[%mul3A_48] : memref<1605632xf32, #tpu.memory_space<hbm>> -> memref<100352xf32, #tpu.memory_space<hbm>>
        %dma_start3A_50 = tpu.memref_slice %arg9[%mul3A_48] : memref<1605632xf32, #tpu.memory_space<hbm>> -> memref<100352xf32, #tpu.memory_space<hbm>>
        tpu.enqueue_dma source(%arg15 : memref<100352xf32, #tpu.memory_space<vmem>>) target(%dma_start3A_50 : memref<100352xf32, #tpu.memory_space<hbm>>) target_semaphore(%run_scoped3A : memref<!tpu.dma_semaphore, #tpu.memory_space<semaphore_mem>>)
        %dma_wait3A_51 = tpu.memref_slice %arg9[%mul3A_48] : memref<1605632xf32, #tpu.memory_space<hbm>> -> memref<100352xf32, #tpu.memory_space<hbm>>
        %dma_wait3A_52 = tpu.memref_slice %arg9[%mul3A_48] : memref<1605632xf32, #tpu.memory_space<hbm>> -> memref<100352xf32, #tpu.memory_space<hbm>>
        tpu.wait_dma2 semaphore(%run_scoped3A : memref<!tpu.dma_semaphore, #tpu.memory_space<semaphore_mem>>) src(%arg15 : memref<100352xf32, #tpu.memory_space<vmem>>) dst(%dma_wait3A_52 : memref<100352xf32, #tpu.memory_space<hbm>>)
        tpu.yield
      }) : () -> ()
    } else {
    }
    %eq3A_13 = arith.constant 1 : i32
    %eq3A_14 = arith.cmpi eq, %arg0, %eq3A_13 : i32
    %convert_element_type3A_15 = arith.extui %eq3A_14 : i1 to i32
    %cond3A_16 = arith.constant 0 : i32
    %cond3A_17 = arith.cmpi ne, %convert_element_type3A_15, %cond3A_16 : i32
    scf.if %cond3A_17 {
      %mul3A_18 = arith.constant 200000 : i32
      %mul3A_19 = arith.muli %arg1, %mul3A_18 : i32
      %add3A = arith.constant 0 : i32
      %add3A_20 = arith.addi %mul3A_19, %add3A : i32
      %dma_start3A = tpu.memref_slice %arg2[%add3A_20] : memref<3200000xf32, #tpu.memory_space<hbm>> -> memref<800xf32, #tpu.memory_space<hbm>>
      %dma_start3A_21 = tpu.memref_slice %arg2[%add3A_20] : memref<3200000xf32, #tpu.memory_space<hbm>> -> memref<800xf32, #tpu.memory_space<hbm>>
      tpu.enqueue_dma source(%dma_start3A_21 : memref<800xf32, #tpu.memory_space<hbm>>) target(%arg16 : memref<800xf32, #tpu.memory_space<vmem>>) target_semaphore(%arg28 : memref<!tpu.dma_semaphore, #tpu.memory_space<semaphore_mem>>)
      %dma_start3A_22 = tpu.memref_slice %arg3[%add3A_20] : memref<3200000xi32, #tpu.memory_space<hbm>> -> memref<800xi32, #tpu.memory_space<hbm>>
      %dma_start3A_23 = tpu.memref_slice %arg3[%add3A_20] : memref<3200000xi32, #tpu.memory_space<hbm>> -> memref<800xi32, #tpu.memory_space<hbm>>
      tpu.enqueue_dma source(%dma_start3A_23 : memref<800xi32, #tpu.memory_space<hbm>>) target(%arg17 : memref<800xi32, #tpu.memory_space<vmem>>) target_semaphore(%arg28 : memref<!tpu.dma_semaphore, #tpu.memory_space<semaphore_mem>>)
      %dma_start3A_24 = tpu.memref_slice %arg4[%add3A_20] : memref<3200000xi32, #tpu.memory_space<hbm>> -> memref<800xi32, #tpu.memory_space<hbm>>
      %dma_start3A_25 = tpu.memref_slice %arg4[%add3A_20] : memref<3200000xi32, #tpu.memory_space<hbm>> -> memref<800xi32, #tpu.memory_space<hbm>>
      tpu.enqueue_dma source(%dma_start3A_25 : memref<800xi32, #tpu.memory_space<hbm>>) target(%arg18 : memref<800xi32, #tpu.memory_space<vmem>>) target_semaphore(%arg28 : memref<!tpu.dma_semaphore, #tpu.memory_space<semaphore_mem>>)
      %dma_wait3A = arith.constant 0 : i32
      %dma_wait3A_26 = tpu.memref_slice %arg2[%dma_wait3A] : memref<3200000xf32, #tpu.memory_space<hbm>> -> memref<800xf32, #tpu.memory_space<hbm>>
      %dma_wait3A_27 = arith.constant 0 : i32
      %dma_wait3A_28 = tpu.memref_slice %arg2[%dma_wait3A_27] : memref<3200000xf32, #tpu.memory_space<hbm>> -> memref<800xf32, #tpu.memory_space<hbm>>
      tpu.wait_dma2 semaphore(%arg28 : memref<!tpu.dma_semaphore, #tpu.memory_space<semaphore_mem>>) src(%dma_wait3A_28 : memref<800xf32, #tpu.memory_space<hbm>>) dst(%arg16 : memref<800xf32, #tpu.memory_space<vmem>>)
      %dma_wait3A_29 = arith.constant 0 : i32
      %dma_wait3A_30 = tpu.memref_slice %arg3[%dma_wait3A_29] : memref<3200000xi32, #tpu.memory_space<hbm>> -> memref<800xi32, #tpu.memory_space<hbm>>
      %dma_wait3A_31 = arith.constant 0 : i32
      %dma_wait3A_32 = tpu.memref_slice %arg3[%dma_wait3A_31] : memref<3200000xi32, #tpu.memory_space<hbm>> -> memref<800xi32, #tpu.memory_space<hbm>>
      tpu.wait_dma2 semaphore(%arg28 : memref<!tpu.dma_semaphore, #tpu.memory_space<semaphore_mem>>) src(%dma_wait3A_32 : memref<800xi32, #tpu.memory_space<hbm>>) dst(%arg17 : memref<800xi32, #tpu.memory_space<vmem>>)
      %dma_wait3A_33 = arith.constant 0 : i32
      %dma_wait3A_34 = tpu.memref_slice %arg4[%dma_wait3A_33] : memref<3200000xi32, #tpu.memory_space<hbm>> -> memref<800xi32, #tpu.memory_space<hbm>>
      %dma_wait3A_35 = arith.constant 0 : i32
      %dma_wait3A_36 = tpu.memref_slice %arg4[%dma_wait3A_35] : memref<3200000xi32, #tpu.memory_space<hbm>> -> memref<800xi32, #tpu.memory_space<hbm>>
      tpu.wait_dma2 semaphore(%arg28 : memref<!tpu.dma_semaphore, #tpu.memory_space<semaphore_mem>>) src(%dma_wait3A_36 : memref<800xi32, #tpu.memory_space<hbm>>) dst(%arg18 : memref<800xi32, #tpu.memory_space<vmem>>)
      %dma_start3A_37 = arith.constant 0 : i32
      %dma_start3A_38 = tpu.memref_slice %arg12[%dma_start3A_37] : memref<100352xi32, #tpu.memory_space<vmem_shared>> -> memref<100352xi32, #tpu.memory_space<vmem_shared>>
      tpu.enqueue_indirect_dma source(%dma_start3A_38 : memref<100352xi32, #tpu.memory_space<vmem_shared>>) target(%arg23 : memref<800xi32, #tpu.memory_space<vmem>>) offsets(%arg18 : memref<800xi32, #tpu.memory_space<vmem>>) semaphore(%arg29 : memref<!tpu.dma_semaphore, #tpu.memory_space<semaphore_mem>>)
      %scan3A_39 = arith.constant 0 : i32
      %scan3A_40 = arith.constant 0 : i32
      %scan3A_41 = arith.constant 125 : i32
      %scan3A_42 = arith.addi %scan3A_40, %scan3A_41 : i32
      %scan3A_43 = arith.constant 1 : i32
      scf.for %scan3A_47 = %scan3A_40 to %scan3A_42 step %scan3A_43  : i32 {
        %mul3A_48 = arith.constant 2 : i32
        %mul3A_49 = arith.muli %mul3A_48, %scan3A_47 : i32
        %add3A_50 = arith.constant 1 : i32
        %add3A_51 = arith.addi %mul3A_49, %add3A_50 : i32
        %lt3A = arith.constant 250 : i32
        %lt3A_52 = arith.cmpi slt, %add3A_51, %lt3A : i32
        %convert_element_type3A_53 = arith.extui %lt3A_52 : i1 to i32
        %cond3A_54 = arith.constant 0 : i32
        %cond3A_55 = arith.cmpi ne, %convert_element_type3A_53, %cond3A_54 : i32
        scf.if %cond3A_55 {
          %mul3A_108 = arith.constant 200000 : i32
          %mul3A_109 = arith.muli %arg1, %mul3A_108 : i32
          %mul3A_110 = arith.constant 800 : i32
          %mul3A_111 = arith.muli %add3A_51, %mul3A_110 : i32
          %add3A_112 = arith.addi %mul3A_109, %mul3A_111 : i32
          %dma_start3A_113 = tpu.memref_slice %arg2[%add3A_112] : memref<3200000xf32, #tpu.memory_space<hbm>> -> memref<800xf32, #tpu.memory_space<hbm>>
          %dma_start3A_114 = tpu.memref_slice %arg2[%add3A_112] : memref<3200000xf32, #tpu.memory_space<hbm>> -> memref<800xf32, #tpu.memory_space<hbm>>
          tpu.enqueue_dma source(%dma_start3A_114 : memref<800xf32, #tpu.memory_space<hbm>>) target(%arg19 : memref<800xf32, #tpu.memory_space<vmem>>) target_semaphore(%arg28 : memref<!tpu.dma_semaphore, #tpu.memory_space<semaphore_mem>>)
          %dma_start3A_115 = tpu.memref_slice %arg3[%add3A_112] : memref<3200000xi32, #tpu.memory_space<hbm>> -> memref<800xi32, #tpu.memory_space<hbm>>
          %dma_start3A_116 = tpu.memref_slice %arg3[%add3A_112] : memref<3200000xi32, #tpu.memory_space<hbm>> -> memref<800xi32, #tpu.memory_space<hbm>>
          tpu.enqueue_dma source(%dma_start3A_116 : memref<800xi32, #tpu.memory_space<hbm>>) target(%arg20 : memref<800xi32, #tpu.memory_space<vmem>>) target_semaphore(%arg28 : memref<!tpu.dma_semaphore, #tpu.memory_space<semaphore_mem>>)
          %dma_start3A_117 = tpu.memref_slice %arg4[%add3A_112] : memref<3200000xi32, #tpu.memory_space<hbm>> -> memref<800xi32, #tpu.memory_space<hbm>>
          %dma_start3A_118 = tpu.memref_slice %arg4[%add3A_112] : memref<3200000xi32, #tpu.memory_space<hbm>> -> memref<800xi32, #tpu.memory_space<hbm>>
          tpu.enqueue_dma source(%dma_start3A_118 : memref<800xi32, #tpu.memory_space<hbm>>) target(%arg21 : memref<800xi32, #tpu.memory_space<vmem>>) target_semaphore(%arg28 : memref<!tpu.dma_semaphore, #tpu.memory_space<semaphore_mem>>)
        } else {
        }
        %dma_wait3A_56 = arith.constant 0 : i32
        %dma_wait3A_57 = tpu.memref_slice %arg12[%dma_wait3A_56] : memref<100352xi32, #tpu.memory_space<vmem_shared>> -> memref<100352xi32, #tpu.memory_space<vmem_shared>>
        tpu.wait_indirect_dma semaphore(%arg29 : memref<!tpu.dma_semaphore, #tpu.memory_space<semaphore_mem>>) src(%dma_wait3A_57 : memref<100352xi32, #tpu.memory_space<vmem_shared>>) dst(%arg23 : memref<800xi32, #tpu.memory_space<vmem>>)
        %parallel_loop3A = arith.constant 0 : i32
        %parallel_loop3A_58 = arith.constant 50 : i32
        %parallel_loop3A_59 = arith.constant 1 : i32
        scf.for %parallel_loop3A_108 = %parallel_loop3A to %parallel_loop3A_58 step %parallel_loop3A_59  : i32 {
          %parallel_loop3A_109 = arith.constant 16 : i32
          %parallel_loop3A_110 = arith.muli %parallel_loop3A_108, %parallel_loop3A_109 : i32
          %parallel_loop3A_111 = arith.index_cast %parallel_loop3A_110 : i32 to index
          %parallel_loop3A_112 = tpu.vector_load %arg16[%parallel_loop3A_111] {strides = array<i32>} : memref<800xf32, #tpu.memory_space<vmem>>, vector<16xf32>,
          %parallel_loop3A_113 = arith.constant 0.000000e+00 : f32
          %parallel_loop3A_114 = vector.broadcast %parallel_loop3A_113 : f32 to vector<16xf32>
          %parallel_loop3A_115 = arith.maximumf %parallel_loop3A_112, %parallel_loop3A_114 : vector<16xf32>
          %parallel_loop3A_116 = arith.constant 5.99999952 : f32
          %parallel_loop3A_117 = vector.broadcast %parallel_loop3A_116 : f32 to vector<16xf32>
          %parallel_loop3A_118 = arith.minimumf %parallel_loop3A_115, %parallel_loop3A_117 : vector<16xf32>
          %parallel_loop3A_119 = arith.constant 1365.16663 : f32
          %parallel_loop3A_120 = vector.broadcast %parallel_loop3A_119 : f32 to vector<16xf32>
          %parallel_loop3A_121 = arith.mulf %parallel_loop3A_118, %parallel_loop3A_120 : vector<16xf32>
          %parallel_loop3A_122 = arith.fptosi %parallel_loop3A_121 : vector<16xf32> to vector<16xi32>
          %parallel_loop3A_123 = arith.sitofp %parallel_loop3A_122 : vector<16xi32> to vector<16xf32>
          %parallel_loop3A_124 = arith.subf %parallel_loop3A_121, %parallel_loop3A_123 : vector<16xf32>
          %parallel_loop3A_125 = arith.index_cast %parallel_loop3A_110 : i32 to index
          %parallel_loop3A_126 = tpu.vector_load %arg23[%parallel_loop3A_125] {strides = array<i32>} : memref<800xi32, #tpu.memory_space<vmem>>, vector<16xi32>,
          %parallel_loop3A_127 = arith.constant 8192 : i32
          %parallel_loop3A_128 = vector.broadcast %parallel_loop3A_127 : i32 to vector<16xi32>
          %parallel_loop3A_129 = arith.muli %parallel_loop3A_126, %parallel_loop3A_128 : vector<16xi32>
          %parallel_loop3A_130 = arith.addi %parallel_loop3A_129, %parallel_loop3A_122 : vector<16xi32>
          %parallel_loop3A_131 = arith.index_cast %parallel_loop3A_110 : i32 to index
          %parallel_loop3A_132 = tpu.vector_load %arg24[%parallel_loop3A_131] {strides = array<i32>} : memref<800xi32, #tpu.memory_space<vmem>>, vector<16xi32>,
          tpu.vector_store %arg24[%parallel_loop3A_131], %parallel_loop3A_130 {strides = array<i32>} : memref<800xi32, #tpu.memory_space<vmem>>, vector<16xi32>,
          %parallel_loop3A_133 = arith.constant 1 : i32
          %parallel_loop3A_134 = vector.broadcast %parallel_loop3A_133 : i32 to vector<16xi32>
          %parallel_loop3A_135 = arith.addi %parallel_loop3A_130, %parallel_loop3A_134 : vector<16xi32>
          %parallel_loop3A_136 = arith.index_cast %parallel_loop3A_110 : i32 to index
          %parallel_loop3A_137 = tpu.vector_load %arg25[%parallel_loop3A_136] {strides = array<i32>} : memref<800xi32, #tpu.memory_space<vmem>>, vector<16xi32>,
          tpu.vector_store %arg25[%parallel_loop3A_136], %parallel_loop3A_135 {strides = array<i32>} : memref<800xi32, #tpu.memory_space<vmem>>, vector<16xi32>,
        } {sc.loop_unroll_factor = 4 : i64, sc.parallel_access}
        %dma_start3A_60 = arith.constant 0 : i32
        %dma_start3A_61 = tpu.memref_slice %arg13[%dma_start3A_60] : memref<24576xf32, #tpu.memory_space<vmem_shared>> -> memref<24576xf32, #tpu.memory_space<vmem_shared>>
        tpu.enqueue_indirect_dma source(%dma_start3A_61 : memref<24576xf32, #tpu.memory_space<vmem_shared>>) target(%arg26 : memref<800xf32, #tpu.memory_space<vmem>>) offsets(%arg24 : memref<800xi32, #tpu.memory_space<vmem>>) semaphore(%arg30 : memref<!tpu.dma_semaphore, #tpu.memory_space<semaphore_mem>>)
        %dma_start3A_62 = arith.constant 0 : i32
        %dma_start3A_63 = tpu.memref_slice %arg13[%dma_start3A_62] : memref<24576xf32, #tpu.memory_space<vmem_shared>> -> memref<24576xf32, #tpu.memory_space<vmem_shared>>
        tpu.enqueue_indirect_dma source(%dma_start3A_63 : memref<24576xf32, #tpu.memory_space<vmem_shared>>) target(%arg27 : memref<800xf32, #tpu.memory_space<vmem>>) offsets(%arg25 : memref<800xi32, #tpu.memory_space<vmem>>) semaphore(%arg30 : memref<!tpu.dma_semaphore, #tpu.memory_space<semaphore_mem>>)
        %lt3A_64 = arith.constant 250 : i32
        %lt3A_65 = arith.cmpi slt, %add3A_51, %lt3A_64 : i32
        %convert_element_type3A_66 = arith.extui %lt3A_65 : i1 to i32
        %cond3A_67 = arith.constant 0 : i32
        %cond3A_68 = arith.cmpi ne, %convert_element_type3A_66, %cond3A_67 : i32
        scf.if %cond3A_68 {
          %dma_wait3A_108 = arith.constant 0 : i32
          %dma_wait3A_109 = tpu.memref_slice %arg2[%dma_wait3A_108] : memref<3200000xf32, #tpu.memory_space<hbm>> -> memref<800xf32, #tpu.memory_space<hbm>>
          %dma_wait3A_110 = arith.constant 0 : i32
          %dma_wait3A_111 = tpu.memref_slice %arg2[%dma_wait3A_110] : memref<3200000xf32, #tpu.memory_space<hbm>> -> memref<800xf32, #tpu.memory_space<hbm>>
          tpu.wait_dma2 semaphore(%arg28 : memref<!tpu.dma_semaphore, #tpu.memory_space<semaphore_mem>>) src(%dma_wait3A_111 : memref<800xf32, #tpu.memory_space<hbm>>) dst(%arg19 : memref<800xf32, #tpu.memory_space<vmem>>)
          %dma_wait3A_112 = arith.constant 0 : i32
          %dma_wait3A_113 = tpu.memref_slice %arg3[%dma_wait3A_112] : memref<3200000xi32, #tpu.memory_space<hbm>> -> memref<800xi32, #tpu.memory_space<hbm>>
          %dma_wait3A_114 = arith.constant 0 : i32
          %dma_wait3A_115 = tpu.memref_slice %arg3[%dma_wait3A_114] : memref<3200000xi32, #tpu.memory_space<hbm>> -> memref<800xi32, #tpu.memory_space<hbm>>
          tpu.wait_dma2 semaphore(%arg28 : memref<!tpu.dma_semaphore, #tpu.memory_space<semaphore_mem>>) src(%dma_wait3A_115 : memref<800xi32, #tpu.memory_space<hbm>>) dst(%arg20 : memref<800xi32, #tpu.memory_space<vmem>>)
          %dma_wait3A_116 = arith.constant 0 : i32
          %dma_wait3A_117 = tpu.memref_slice %arg4[%dma_wait3A_116] : memref<3200000xi32, #tpu.memory_space<hbm>> -> memref<800xi32, #tpu.memory_space<hbm>>
          %dma_wait3A_118 = arith.constant 0 : i32
          %dma_wait3A_119 = tpu.memref_slice %arg4[%dma_wait3A_118] : memref<3200000xi32, #tpu.memory_space<hbm>> -> memref<800xi32, #tpu.memory_space<hbm>>
          tpu.wait_dma2 semaphore(%arg28 : memref<!tpu.dma_semaphore, #tpu.memory_space<semaphore_mem>>) src(%dma_wait3A_119 : memref<800xi32, #tpu.memory_space<hbm>>) dst(%arg21 : memref<800xi32, #tpu.memory_space<vmem>>)
          %dma_start3A_120 = arith.constant 0 : i32
          %dma_start3A_121 = tpu.memref_slice %arg12[%dma_start3A_120] : memref<100352xi32, #tpu.memory_space<vmem_shared>> -> memref<100352xi32, #tpu.memory_space<vmem_shared>>
          tpu.enqueue_indirect_dma source(%dma_start3A_121 : memref<100352xi32, #tpu.memory_space<vmem_shared>>) target(%arg23 : memref<800xi32, #tpu.memory_space<vmem>>) offsets(%arg21 : memref<800xi32, #tpu.memory_space<vmem>>) semaphore(%arg29 : memref<!tpu.dma_semaphore, #tpu.memory_space<semaphore_mem>>)
        } else {
        }
        %dma_wait3A_69 = arith.constant 0 : i32
        %dma_wait3A_70 = tpu.memref_slice %arg13[%dma_wait3A_69] : memref<24576xf32, #tpu.memory_space<vmem_shared>> -> memref<24576xf32, #tpu.memory_space<vmem_shared>>
        tpu.wait_indirect_dma semaphore(%arg30 : memref<!tpu.dma_semaphore, #tpu.memory_space<semaphore_mem>>) src(%dma_wait3A_70 : memref<24576xf32, #tpu.memory_space<vmem_shared>>) dst(%arg26 : memref<800xf32, #tpu.memory_space<vmem>>)
        %dma_wait3A_71 = arith.constant 0 : i32
        %dma_wait3A_72 = tpu.memref_slice %arg13[%dma_wait3A_71] : memref<24576xf32, #tpu.memory_space<vmem_shared>> -> memref<24576xf32, #tpu.memory_space<vmem_shared>>
        tpu.wait_indirect_dma semaphore(%arg30 : memref<!tpu.dma_semaphore, #tpu.memory_space<semaphore_mem>>) src(%dma_wait3A_72 : memref<24576xf32, #tpu.memory_space<vmem_shared>>) dst(%arg27 : memref<800xf32, #tpu.memory_space<vmem>>)
        %parallel_loop3A_73 = arith.constant 0 : i32
        %parallel_loop3A_74 = arith.constant 50 : i32
        %parallel_loop3A_75 = arith.constant 1 : i32
        scf.for %parallel_loop3A_108 = %parallel_loop3A_73 to %parallel_loop3A_74 step %parallel_loop3A_75  : i32 {
          %parallel_loop3A_109 = arith.constant 16 : i32
          %parallel_loop3A_110 = arith.muli %parallel_loop3A_108, %parallel_loop3A_109 : i32
          %parallel_loop3A_111 = arith.index_cast %parallel_loop3A_110 : i32 to index
          %parallel_loop3A_112 = tpu.vector_load %arg16[%parallel_loop3A_111] {strides = array<i32>} : memref<800xf32, #tpu.memory_space<vmem>>, vector<16xf32>,
          %parallel_loop3A_113 = arith.constant 0.000000e+00 : f32
          %parallel_loop3A_114 = vector.broadcast %parallel_loop3A_113 : f32 to vector<16xf32>
          %parallel_loop3A_115 = arith.maximumf %parallel_loop3A_112, %parallel_loop3A_114 : vector<16xf32>
          %parallel_loop3A_116 = arith.constant 5.99999952 : f32
          %parallel_loop3A_117 = vector.broadcast %parallel_loop3A_116 : f32 to vector<16xf32>
          %parallel_loop3A_118 = arith.minimumf %parallel_loop3A_115, %parallel_loop3A_117 : vector<16xf32>
          %parallel_loop3A_119 = arith.constant 1365.16663 : f32
          %parallel_loop3A_120 = vector.broadcast %parallel_loop3A_119 : f32 to vector<16xf32>
          %parallel_loop3A_121 = arith.mulf %parallel_loop3A_118, %parallel_loop3A_120 : vector<16xf32>
          %parallel_loop3A_122 = arith.fptosi %parallel_loop3A_121 : vector<16xf32> to vector<16xi32>
          %parallel_loop3A_123 = arith.sitofp %parallel_loop3A_122 : vector<16xi32> to vector<16xf32>
          %parallel_loop3A_124 = arith.subf %parallel_loop3A_121, %parallel_loop3A_123 : vector<16xf32>
          %parallel_loop3A_125 = arith.index_cast %parallel_loop3A_110 : i32 to index
          %parallel_loop3A_126 = tpu.vector_load %arg26[%parallel_loop3A_125] {strides = array<i32>} : memref<800xf32, #tpu.memory_space<vmem>>, vector<16xf32>,
          %parallel_loop3A_127 = arith.index_cast %parallel_loop3A_110 : i32 to index
          %parallel_loop3A_128 = tpu.vector_load %arg27[%parallel_loop3A_127] {strides = array<i32>} : memref<800xf32, #tpu.memory_space<vmem>>, vector<16xf32>,
          %parallel_loop3A_129 = arith.subf %parallel_loop3A_128, %parallel_loop3A_126 : vector<16xf32>
          %parallel_loop3A_130 = arith.mulf %parallel_loop3A_124, %parallel_loop3A_129 : vector<16xf32>
          %parallel_loop3A_131 = arith.addf %parallel_loop3A_126, %parallel_loop3A_130 : vector<16xf32>
          %parallel_loop3A_132 = arith.index_cast %parallel_loop3A_110 : i32 to index
          %parallel_loop3A_133 = tpu.vector_load %arg17[%parallel_loop3A_132] {strides = array<i32>} : memref<800xi32, #tpu.memory_space<vmem>>, vector<16xi32>,
          tpu.vector_store_idx %arg15[%parallel_loop3A_133], %parallel_loop3A_131 {add = true} : memref<100352xf32, #tpu.memory_space<vmem>>[vector<16xi32>], vector<16xf32>,
        } {sc.loop_unroll_factor = 4 : i64, sc.parallel_access}
        %mul3A_76 = arith.constant 2 : i32
        %mul3A_77 = arith.muli %mul3A_76, %scan3A_47 : i32
        %add3A_78 = arith.constant 1 : i32
        %add3A_79 = arith.addi %mul3A_77, %add3A_78 : i32
        %add3A_80 = arith.constant 1 : i32
        %add3A_81 = arith.addi %add3A_79, %add3A_80 : i32
        %lt3A_82 = arith.constant 250 : i32
        %lt3A_83 = arith.cmpi slt, %add3A_81, %lt3A_82 : i32
        %convert_element_type3A_84 = arith.extui %lt3A_83 : i1 to i32
        %cond3A_85 = arith.constant 0 : i32
        %cond3A_86 = arith.cmpi ne, %convert_element_type3A_84, %cond3A_85 : i32
        scf.if %cond3A_86 {
          %mul3A_108 = arith.constant 200000 : i32
          %mul3A_109 = arith.muli %arg1, %mul3A_108 : i32
          %mul3A_110 = arith.constant 800 : i32
          %mul3A_111 = arith.muli %add3A_81, %mul3A_110 : i32
          %add3A_112 = arith.addi %mul3A_109, %mul3A_111 : i32
          %dma_start3A_113 = tpu.memref_slice %arg2[%add3A_112] : memref<3200000xf32, #tpu.memory_space<hbm>> -> memref<800xf32, #tpu.memory_space<hbm>>
          %dma_start3A_114 = tpu.memref_slice %arg2[%add3A_112] : memref<3200000xf32, #tpu.memory_space<hbm>> -> memref<800xf32, #tpu.memory_space<hbm>>
          tpu.enqueue_dma source(%dma_start3A_114 : memref<800xf32, #tpu.memory_space<hbm>>) target(%arg16 : memref<800xf32, #tpu.memory_space<vmem>>) target_semaphore(%arg28 : memref<!tpu.dma_semaphore, #tpu.memory_space<semaphore_mem>>)
          %dma_start3A_115 = tpu.memref_slice %arg3[%add3A_112] : memref<3200000xi32, #tpu.memory_space<hbm>> -> memref<800xi32, #tpu.memory_space<hbm>>
          %dma_start3A_116 = tpu.memref_slice %arg3[%add3A_112] : memref<3200000xi32, #tpu.memory_space<hbm>> -> memref<800xi32, #tpu.memory_space<hbm>>
          tpu.enqueue_dma source(%dma_start3A_116 : memref<800xi32, #tpu.memory_space<hbm>>) target(%arg17 : memref<800xi32, #tpu.memory_space<vmem>>) target_semaphore(%arg28 : memref<!tpu.dma_semaphore, #tpu.memory_space<semaphore_mem>>)
          %dma_start3A_117 = tpu.memref_slice %arg4[%add3A_112] : memref<3200000xi32, #tpu.memory_space<hbm>> -> memref<800xi32, #tpu.memory_space<hbm>>
          %dma_start3A_118 = tpu.memref_slice %arg4[%add3A_112] : memref<3200000xi32, #tpu.memory_space<hbm>> -> memref<800xi32, #tpu.memory_space<hbm>>
          tpu.enqueue_dma source(%dma_start3A_118 : memref<800xi32, #tpu.memory_space<hbm>>) target(%arg18 : memref<800xi32, #tpu.memory_space<vmem>>) target_semaphore(%arg28 : memref<!tpu.dma_semaphore, #tpu.memory_space<semaphore_mem>>)
        } else {
        }
        %dma_wait3A_87 = arith.constant 0 : i32
        %dma_wait3A_88 = tpu.memref_slice %arg12[%dma_wait3A_87] : memref<100352xi32, #tpu.memory_space<vmem_shared>> -> memref<100352xi32, #tpu.memory_space<vmem_shared>>
        tpu.wait_indirect_dma semaphore(%arg29 : memref<!tpu.dma_semaphore, #tpu.memory_space<semaphore_mem>>) src(%dma_wait3A_88 : memref<100352xi32, #tpu.memory_space<vmem_shared>>) dst(%arg23 : memref<800xi32, #tpu.memory_space<vmem>>)
        %parallel_loop3A_89 = arith.constant 0 : i32
        %parallel_loop3A_90 = arith.constant 50 : i32
        %parallel_loop3A_91 = arith.constant 1 : i32
        scf.for %parallel_loop3A_108 = %parallel_loop3A_89 to %parallel_loop3A_90 step %parallel_loop3A_91  : i32 {
          %parallel_loop3A_109 = arith.constant 16 : i32
          %parallel_loop3A_110 = arith.muli %parallel_loop3A_108, %parallel_loop3A_109 : i32
          %parallel_loop3A_111 = arith.index_cast %parallel_loop3A_110 : i32 to index
          %parallel_loop3A_112 = tpu.vector_load %arg19[%parallel_loop3A_111] {strides = array<i32>} : memref<800xf32, #tpu.memory_space<vmem>>, vector<16xf32>,
          %parallel_loop3A_113 = arith.constant 0.000000e+00 : f32
          %parallel_loop3A_114 = vector.broadcast %parallel_loop3A_113 : f32 to vector<16xf32>
          %parallel_loop3A_115 = arith.maximumf %parallel_loop3A_112, %parallel_loop3A_114 : vector<16xf32>
          %parallel_loop3A_116 = arith.constant 5.99999952 : f32
          %parallel_loop3A_117 = vector.broadcast %parallel_loop3A_116 : f32 to vector<16xf32>
          %parallel_loop3A_118 = arith.minimumf %parallel_loop3A_115, %parallel_loop3A_117 : vector<16xf32>
          %parallel_loop3A_119 = arith.constant 1365.16663 : f32
          %parallel_loop3A_120 = vector.broadcast %parallel_loop3A_119 : f32 to vector<16xf32>
          %parallel_loop3A_121 = arith.mulf %parallel_loop3A_118, %parallel_loop3A_120 : vector<16xf32>
          %parallel_loop3A_122 = arith.fptosi %parallel_loop3A_121 : vector<16xf32> to vector<16xi32>
          %parallel_loop3A_123 = arith.sitofp %parallel_loop3A_122 : vector<16xi32> to vector<16xf32>
          %parallel_loop3A_124 = arith.subf %parallel_loop3A_121, %parallel_loop3A_123 : vector<16xf32>
          %parallel_loop3A_125 = arith.index_cast %parallel_loop3A_110 : i32 to index
          %parallel_loop3A_126 = tpu.vector_load %arg23[%parallel_loop3A_125] {strides = array<i32>} : memref<800xi32, #tpu.memory_space<vmem>>, vector<16xi32>,
          %parallel_loop3A_127 = arith.constant 8192 : i32
          %parallel_loop3A_128 = vector.broadcast %parallel_loop3A_127 : i32 to vector<16xi32>
          %parallel_loop3A_129 = arith.muli %parallel_loop3A_126, %parallel_loop3A_128 : vector<16xi32>
          %parallel_loop3A_130 = arith.addi %parallel_loop3A_129, %parallel_loop3A_122 : vector<16xi32>
          %parallel_loop3A_131 = arith.index_cast %parallel_loop3A_110 : i32 to index
          %parallel_loop3A_132 = tpu.vector_load %arg24[%parallel_loop3A_131] {strides = array<i32>} : memref<800xi32, #tpu.memory_space<vmem>>, vector<16xi32>,
          tpu.vector_store %arg24[%parallel_loop3A_131], %parallel_loop3A_130 {strides = array<i32>} : memref<800xi32, #tpu.memory_space<vmem>>, vector<16xi32>,
          %parallel_loop3A_133 = arith.constant 1 : i32
          %parallel_loop3A_134 = vector.broadcast %parallel_loop3A_133 : i32 to vector<16xi32>
          %parallel_loop3A_135 = arith.addi %parallel_loop3A_130, %parallel_loop3A_134 : vector<16xi32>
          %parallel_loop3A_136 = arith.index_cast %parallel_loop3A_110 : i32 to index
          %parallel_loop3A_137 = tpu.vector_load %arg25[%parallel_loop3A_136] {strides = array<i32>} : memref<800xi32, #tpu.memory_space<vmem>>, vector<16xi32>,
          tpu.vector_store %arg25[%parallel_loop3A_136], %parallel_loop3A_135 {strides = array<i32>} : memref<800xi32, #tpu.memory_space<vmem>>, vector<16xi32>,
        } {sc.loop_unroll_factor = 4 : i64, sc.parallel_access}
        %dma_start3A_92 = arith.constant 0 : i32
        %dma_start3A_93 = tpu.memref_slice %arg13[%dma_start3A_92] : memref<24576xf32, #tpu.memory_space<vmem_shared>> -> memref<24576xf32, #tpu.memory_space<vmem_shared>>
        tpu.enqueue_indirect_dma source(%dma_start3A_93 : memref<24576xf32, #tpu.memory_space<vmem_shared>>) target(%arg26 : memref<800xf32, #tpu.memory_space<vmem>>) offsets(%arg24 : memref<800xi32, #tpu.memory_space<vmem>>) semaphore(%arg30 : memref<!tpu.dma_semaphore, #tpu.memory_space<semaphore_mem>>)
        %dma_start3A_94 = arith.constant 0 : i32
        %dma_start3A_95 = tpu.memref_slice %arg13[%dma_start3A_94] : memref<24576xf32, #tpu.memory_space<vmem_shared>> -> memref<24576xf32, #tpu.memory_space<vmem_shared>>
        tpu.enqueue_indirect_dma source(%dma_start3A_95 : memref<24576xf32, #tpu.memory_space<vmem_shared>>) target(%arg27 : memref<800xf32, #tpu.memory_space<vmem>>) offsets(%arg25 : memref<800xi32, #tpu.memory_space<vmem>>) semaphore(%arg30 : memref<!tpu.dma_semaphore, #tpu.memory_space<semaphore_mem>>)
        %lt3A_96 = arith.constant 250 : i32
        %lt3A_97 = arith.cmpi slt, %add3A_81, %lt3A_96 : i32
        %convert_element_type3A_98 = arith.extui %lt3A_97 : i1 to i32
        %cond3A_99 = arith.constant 0 : i32
        %cond3A_100 = arith.cmpi ne, %convert_element_type3A_98, %cond3A_99 : i32
        scf.if %cond3A_100 {
          %dma_wait3A_108 = arith.constant 0 : i32
          %dma_wait3A_109 = tpu.memref_slice %arg2[%dma_wait3A_108] : memref<3200000xf32, #tpu.memory_space<hbm>> -> memref<800xf32, #tpu.memory_space<hbm>>
          %dma_wait3A_110 = arith.constant 0 : i32
          %dma_wait3A_111 = tpu.memref_slice %arg2[%dma_wait3A_110] : memref<3200000xf32, #tpu.memory_space<hbm>> -> memref<800xf32, #tpu.memory_space<hbm>>
          tpu.wait_dma2 semaphore(%arg28 : memref<!tpu.dma_semaphore, #tpu.memory_space<semaphore_mem>>) src(%dma_wait3A_111 : memref<800xf32, #tpu.memory_space<hbm>>) dst(%arg16 : memref<800xf32, #tpu.memory_space<vmem>>)
          %dma_wait3A_112 = arith.constant 0 : i32
          %dma_wait3A_113 = tpu.memref_slice %arg3[%dma_wait3A_112] : memref<3200000xi32, #tpu.memory_space<hbm>> -> memref<800xi32, #tpu.memory_space<hbm>>
          %dma_wait3A_114 = arith.constant 0 : i32
          %dma_wait3A_115 = tpu.memref_slice %arg3[%dma_wait3A_114] : memref<3200000xi32, #tpu.memory_space<hbm>> -> memref<800xi32, #tpu.memory_space<hbm>>
          tpu.wait_dma2 semaphore(%arg28 : memref<!tpu.dma_semaphore, #tpu.memory_space<semaphore_mem>>) src(%dma_wait3A_115 : memref<800xi32, #tpu.memory_space<hbm>>) dst(%arg17 : memref<800xi32, #tpu.memory_space<vmem>>)
          %dma_wait3A_116 = arith.constant 0 : i32
          %dma_wait3A_117 = tpu.memref_slice %arg4[%dma_wait3A_116] : memref<3200000xi32, #tpu.memory_space<hbm>> -> memref<800xi32, #tpu.memory_space<hbm>>
          %dma_wait3A_118 = arith.constant 0 : i32
          %dma_wait3A_119 = tpu.memref_slice %arg4[%dma_wait3A_118] : memref<3200000xi32, #tpu.memory_space<hbm>> -> memref<800xi32, #tpu.memory_space<hbm>>
          tpu.wait_dma2 semaphore(%arg28 : memref<!tpu.dma_semaphore, #tpu.memory_space<semaphore_mem>>) src(%dma_wait3A_119 : memref<800xi32, #tpu.memory_space<hbm>>) dst(%arg18 : memref<800xi32, #tpu.memory_space<vmem>>)
          %dma_start3A_120 = arith.constant 0 : i32
          %dma_start3A_121 = tpu.memref_slice %arg12[%dma_start3A_120] : memref<100352xi32, #tpu.memory_space<vmem_shared>> -> memref<100352xi32, #tpu.memory_space<vmem_shared>>
          tpu.enqueue_indirect_dma source(%dma_start3A_121 : memref<100352xi32, #tpu.memory_space<vmem_shared>>) target(%arg23 : memref<800xi32, #tpu.memory_space<vmem>>) offsets(%arg18 : memref<800xi32, #tpu.memory_space<vmem>>) semaphore(%arg29 : memref<!tpu.dma_semaphore, #tpu.memory_space<semaphore_mem>>)
        } else {
        }
        %dma_wait3A_101 = arith.constant 0 : i32
        %dma_wait3A_102 = tpu.memref_slice %arg13[%dma_wait3A_101] : memref<24576xf32, #tpu.memory_space<vmem_shared>> -> memref<24576xf32, #tpu.memory_space<vmem_shared>>
        tpu.wait_indirect_dma semaphore(%arg30 : memref<!tpu.dma_semaphore, #tpu.memory_space<semaphore_mem>>) src(%dma_wait3A_102 : memref<24576xf32, #tpu.memory_space<vmem_shared>>) dst(%arg26 : memref<800xf32, #tpu.memory_space<vmem>>)
        %dma_wait3A_103 = arith.constant 0 : i32
        %dma_wait3A_104 = tpu.memref_slice %arg13[%dma_wait3A_103] : memref<24576xf32, #tpu.memory_space<vmem_shared>> -> memref<24576xf32, #tpu.memory_space<vmem_shared>>
        tpu.wait_indirect_dma semaphore(%arg30 : memref<!tpu.dma_semaphore, #tpu.memory_space<semaphore_mem>>) src(%dma_wait3A_104 : memref<24576xf32, #tpu.memory_space<vmem_shared>>) dst(%arg27 : memref<800xf32, #tpu.memory_space<vmem>>)
        %parallel_loop3A_105 = arith.constant 0 : i32
        %parallel_loop3A_106 = arith.constant 50 : i32
        %parallel_loop3A_107 = arith.constant 1 : i32
        scf.for %parallel_loop3A_108 = %parallel_loop3A_105 to %parallel_loop3A_106 step %parallel_loop3A_107  : i32 {
          %parallel_loop3A_109 = arith.constant 16 : i32
          %parallel_loop3A_110 = arith.muli %parallel_loop3A_108, %parallel_loop3A_109 : i32
          %parallel_loop3A_111 = arith.index_cast %parallel_loop3A_110 : i32 to index
          %parallel_loop3A_112 = tpu.vector_load %arg19[%parallel_loop3A_111] {strides = array<i32>} : memref<800xf32, #tpu.memory_space<vmem>>, vector<16xf32>,
          %parallel_loop3A_113 = arith.constant 0.000000e+00 : f32
          %parallel_loop3A_114 = vector.broadcast %parallel_loop3A_113 : f32 to vector<16xf32>
          %parallel_loop3A_115 = arith.maximumf %parallel_loop3A_112, %parallel_loop3A_114 : vector<16xf32>
          %parallel_loop3A_116 = arith.constant 5.99999952 : f32
          %parallel_loop3A_117 = vector.broadcast %parallel_loop3A_116 : f32 to vector<16xf32>
          %parallel_loop3A_118 = arith.minimumf %parallel_loop3A_115, %parallel_loop3A_117 : vector<16xf32>
          %parallel_loop3A_119 = arith.constant 1365.16663 : f32
          %parallel_loop3A_120 = vector.broadcast %parallel_loop3A_119 : f32 to vector<16xf32>
          %parallel_loop3A_121 = arith.mulf %parallel_loop3A_118, %parallel_loop3A_120 : vector<16xf32>
          %parallel_loop3A_122 = arith.fptosi %parallel_loop3A_121 : vector<16xf32> to vector<16xi32>
          %parallel_loop3A_123 = arith.sitofp %parallel_loop3A_122 : vector<16xi32> to vector<16xf32>
          %parallel_loop3A_124 = arith.subf %parallel_loop3A_121, %parallel_loop3A_123 : vector<16xf32>
          %parallel_loop3A_125 = arith.index_cast %parallel_loop3A_110 : i32 to index
          %parallel_loop3A_126 = tpu.vector_load %arg26[%parallel_loop3A_125] {strides = array<i32>} : memref<800xf32, #tpu.memory_space<vmem>>, vector<16xf32>,
          %parallel_loop3A_127 = arith.index_cast %parallel_loop3A_110 : i32 to index
          %parallel_loop3A_128 = tpu.vector_load %arg27[%parallel_loop3A_127] {strides = array<i32>} : memref<800xf32, #tpu.memory_space<vmem>>, vector<16xf32>,
          %parallel_loop3A_129 = arith.subf %parallel_loop3A_128, %parallel_loop3A_126 : vector<16xf32>
          %parallel_loop3A_130 = arith.mulf %parallel_loop3A_124, %parallel_loop3A_129 : vector<16xf32>
          %parallel_loop3A_131 = arith.addf %parallel_loop3A_126, %parallel_loop3A_130 : vector<16xf32>
          %parallel_loop3A_132 = arith.index_cast %parallel_loop3A_110 : i32 to index
          %parallel_loop3A_133 = tpu.vector_load %arg20[%parallel_loop3A_132] {strides = array<i32>} : memref<800xi32, #tpu.memory_space<vmem>>, vector<16xi32>,
          tpu.vector_store_idx %arg15[%parallel_loop3A_133], %parallel_loop3A_131 {add = true} : memref<100352xf32, #tpu.memory_space<vmem>>[vector<16xi32>], vector<16xf32>,
        } {sc.loop_unroll_factor = 4 : i64, sc.parallel_access}
      }
      %scan3A_44 = arith.constant 125 : i32
      %mul3A_45 = arith.constant 100352 : i32
      %mul3A_46 = arith.muli %arg1, %mul3A_45 : i32
      "tpu.region"() ({
        %run_scoped3A = tpu.sem_alloc : memref<!tpu.dma_semaphore, #tpu.memory_space<semaphore_mem>>
        %dma_start3A_47 = tpu.memref_slice %arg8[%mul3A_46] : memref<1605632xf32, #tpu.memory_space<hbm>> -> memref<100352xf32, #tpu.memory_space<hbm>>
        %dma_start3A_48 = tpu.memref_slice %arg8[%mul3A_46] : memref<1605632xf32, #tpu.memory_space<hbm>> -> memref<100352xf32, #tpu.memory_space<hbm>>
        tpu.enqueue_dma source(%arg15 : memref<100352xf32, #tpu.memory_space<vmem>>) target(%dma_start3A_48 : memref<100352xf32, #tpu.memory_space<hbm>>) target_semaphore(%run_scoped3A : memref<!tpu.dma_semaphore, #tpu.memory_space<semaphore_mem>>)
        %dma_wait3A_49 = tpu.memref_slice %arg8[%mul3A_46] : memref<1605632xf32, #tpu.memory_space<hbm>> -> memref<100352xf32, #tpu.memory_space<hbm>>
        %dma_wait3A_50 = tpu.memref_slice %arg8[%mul3A_46] : memref<1605632xf32, #tpu.memory_space<hbm>> -> memref<100352xf32, #tpu.memory_space<hbm>>
        tpu.wait_dma2 semaphore(%run_scoped3A : memref<!tpu.dma_semaphore, #tpu.memory_space<semaphore_mem>>) src(%arg15 : memref<100352xf32, #tpu.memory_space<vmem>>) dst(%dma_wait3A_50 : memref<100352xf32, #tpu.memory_space<hbm>>)
        tpu.yield
      }) : () -> ()
    } else {
    }
    return
  }
}

#map = affine_map<(d0, d1) -> (0)>
module attributes {stable_mosaic.version = 14 : i64} {
  func.func @_pair_pass2_body(%arg0: i32, %arg1: i32, %arg2: memref<3200000xf32, #tpu.memory_space<hbm>>, %arg3: memref<3200000xi32, #tpu.memory_space<hbm>>, %arg4: memref<3200000xi32, #tpu.memory_space<hbm>>, %arg5: memref<3200000xi32, #tpu.memory_space<hbm>>, %arg6: memref<3200000xi32, #tpu.memory_space<hbm>>, %arg7: memref<100352xf32, #tpu.memory_space<hbm>>, %arg8: memref<24576xf32, #tpu.memory_space<hbm>>, %arg9: memref<73728xf32, #tpu.memory_space<hbm>>, %arg10: memref<100352xf32, #tpu.memory_space<hbm>>, %arg11: memref<3300000xf32, #tpu.memory_space<hbm>>, %arg12: memref<100352xf32, #tpu.memory_space<vmem_shared>>, %arg13: memref<24576xf32, #tpu.memory_space<vmem>>, %arg14: memref<73728xf32, #tpu.memory_space<vmem>>, %arg15: memref<800xf32, #tpu.memory_space<vmem>>, %arg16: memref<800xi32, #tpu.memory_space<vmem>>, %arg17: memref<800xi32, #tpu.memory_space<vmem>>, %arg18: memref<800xi32, #tpu.memory_space<vmem>>, %arg19: memref<800xi32, #tpu.memory_space<vmem>>, %arg20: memref<800xf32, #tpu.memory_space<vmem>>, %arg21: memref<800xf32, #tpu.memory_space<vmem>>, %arg22: memref<800xf32, #tpu.memory_space<vmem>>, %arg23: memref<800xi32, #tpu.memory_space<vmem>>, %arg24: memref<800xi32, #tpu.memory_space<vmem>>, %arg25: memref<800xi32, #tpu.memory_space<vmem>>, %arg26: memref<800xi32, #tpu.memory_space<vmem>>, %arg27: memref<800xf32, #tpu.memory_space<vmem>>, %arg28: memref<800xf32, #tpu.memory_space<vmem>>, %arg29: memref<800xf32, #tpu.memory_space<vmem>>, %arg30: memref<800xf32, #tpu.memory_space<vmem>>, %arg31: memref<!tpu.dma_semaphore, #tpu.memory_space<semaphore_mem>>, %arg32: memref<!tpu.dma_semaphore, #tpu.memory_space<semaphore_mem>>, %arg33: memref<!tpu.dma_semaphore, #tpu.memory_space<semaphore_mem>>) attributes {dimension_semantics = [#tpu.dimension_semantics<core_parallel>, #tpu.dimension_semantics<subcore_parallel>], iteration_bounds = array<i64: 2, 16>, scalar_prefetch = 0 : i64, scratch_operands = 22 : i64, tpu.core_type = #tpu.core_type<sc_vector_subcore>, window_params = [{transform_indices = #map}, {transform_indices = #map}, {transform_indices = #map}, {transform_indices = #map}, {transform_indices = #map}, {transform_indices = #map}, {transform_indices = #map}, {transform_indices = #map}, {transform_indices = #map}, {transform_indices = #map}]} {
    %mul3A = arith.constant 16 : i32
    %mul3A_0 = arith.muli %arg0, %mul3A : i32
    %add3A = arith.addi %mul3A_0, %arg1 : i32
    %mul3A_1 = arith.constant 6272 : i32
    %mul3A_2 = arith.muli %arg1, %mul3A_1 : i32
    "tpu.region"() ({
      %run_scoped3A = tpu.sem_alloc : memref<!tpu.dma_semaphore, #tpu.memory_space<semaphore_mem>>
      %dma_start3A_83 = tpu.memref_slice %arg12[%mul3A_2] : memref<100352xf32, #tpu.memory_space<vmem_shared>> -> memref<6272xf32, #tpu.memory_space<vmem_shared>>
      %dma_start3A_84 = tpu.memref_slice %arg7[%mul3A_2] : memref<100352xf32, #tpu.memory_space<hbm>> -> memref<6272xf32, #tpu.memory_space<hbm>>
      tpu.enqueue_dma source(%dma_start3A_84 : memref<6272xf32, #tpu.memory_space<hbm>>) target(%dma_start3A_83 : memref<6272xf32, #tpu.memory_space<vmem_shared>>) target_semaphore(%run_scoped3A : memref<!tpu.dma_semaphore, #tpu.memory_space<semaphore_mem>>)
      %dma_wait3A_85 = tpu.memref_slice %arg12[%mul3A_2] : memref<100352xf32, #tpu.memory_space<vmem_shared>> -> memref<6272xf32, #tpu.memory_space<vmem_shared>>
      %dma_wait3A_86 = tpu.memref_slice %arg7[%mul3A_2] : memref<100352xf32, #tpu.memory_space<hbm>> -> memref<6272xf32, #tpu.memory_space<hbm>>
      tpu.wait_dma2 semaphore(%run_scoped3A : memref<!tpu.dma_semaphore, #tpu.memory_space<semaphore_mem>>) src(%dma_wait3A_86 : memref<6272xf32, #tpu.memory_space<hbm>>) dst(%dma_wait3A_85 : memref<6272xf32, #tpu.memory_space<vmem_shared>>)
      tpu.yield
    }) : () -> ()
    "tpu.region"() ({
      %run_scoped3A = tpu.sem_alloc : memref<!tpu.dma_semaphore, #tpu.memory_space<semaphore_mem>>
      tpu.enqueue_dma source(%arg8 : memref<24576xf32, #tpu.memory_space<hbm>>) target(%arg13 : memref<24576xf32, #tpu.memory_space<vmem>>) target_semaphore(%run_scoped3A : memref<!tpu.dma_semaphore, #tpu.memory_space<semaphore_mem>>)
      tpu.wait_dma2 semaphore(%run_scoped3A : memref<!tpu.dma_semaphore, #tpu.memory_space<semaphore_mem>>) src(%arg8 : memref<24576xf32, #tpu.memory_space<hbm>>) dst(%arg13 : memref<24576xf32, #tpu.memory_space<vmem>>)
      tpu.yield
    }) : () -> ()
    "tpu.region"() ({
      %run_scoped3A = tpu.sem_alloc : memref<!tpu.dma_semaphore, #tpu.memory_space<semaphore_mem>>
      tpu.enqueue_dma source(%arg9 : memref<73728xf32, #tpu.memory_space<hbm>>) target(%arg14 : memref<73728xf32, #tpu.memory_space<vmem>>) target_semaphore(%run_scoped3A : memref<!tpu.dma_semaphore, #tpu.memory_space<semaphore_mem>>)
      tpu.wait_dma2 semaphore(%run_scoped3A : memref<!tpu.dma_semaphore, #tpu.memory_space<semaphore_mem>>) src(%arg9 : memref<73728xf32, #tpu.memory_space<hbm>>) dst(%arg14 : memref<73728xf32, #tpu.memory_space<vmem>>)
      tpu.yield
    }) : () -> ()
    %lt3A = arith.constant 29 : i32
    %lt3A_3 = arith.cmpi slt, %add3A, %lt3A : i32
    %jit3A = arith.constant 1 : i32
    %jit3A_4 = arith.constant 0 : i32
    %select_n3A = arith.select %lt3A_3, %jit3A, %jit3A_4 : i32
    %add3A_5 = arith.constant 3 : i32
    %add3A_6 = arith.addi %add3A_5, %select_n3A : i32
    %while3A = arith.constant 0 : i32
    %while3A_7 = arith.constant 0 : i32
    %while3A_8 = arith.subi %add3A_6, %while3A_7 : i32
    %while3A_9 = arith.addi %while3A_7, %while3A_8 : i32
    %while3A_10 = arith.constant 1 : i32
    %while3A_11 = arith.divsi %while3A_8, %while3A_10 : i32
    %while3A_12 = arith.muli %while3A_11, %while3A_10 : i32
    %while3A_13 = arith.addi %while3A_7, %while3A_12 : i32
    %while3A_14 = arith.constant 1 : i32
    scf.for %while3A_83 = %while3A_7 to %while3A_13 step %while3A_14  : i32 {
      %mul3A_84 = arith.constant 32 : i32
      %mul3A_85 = arith.muli %while3A_83, %mul3A_84 : i32
      %add3A_86 = arith.addi %add3A, %mul3A_85 : i32
      %mul3A_87 = arith.constant 800 : i32
      %mul3A_88 = arith.muli %add3A_86, %mul3A_87 : i32
      "tpu.region"() ({
        %run_scoped3A = tpu.sem_alloc : memref<!tpu.dma_semaphore, #tpu.memory_space<semaphore_mem>>
        %dma_start3A_89 = tpu.memref_slice %arg10[%mul3A_88] : memref<100352xf32, #tpu.memory_space<hbm>> -> memref<800xf32, #tpu.memory_space<hbm>>
        %dma_start3A_90 = tpu.memref_slice %arg10[%mul3A_88] : memref<100352xf32, #tpu.memory_space<hbm>> -> memref<800xf32, #tpu.memory_space<hbm>>
        tpu.enqueue_dma source(%dma_start3A_90 : memref<800xf32, #tpu.memory_space<hbm>>) target(%arg29 : memref<800xf32, #tpu.memory_space<vmem>>) target_semaphore(%run_scoped3A : memref<!tpu.dma_semaphore, #tpu.memory_space<semaphore_mem>>)
        %dma_wait3A_91 = tpu.memref_slice %arg10[%mul3A_88] : memref<100352xf32, #tpu.memory_space<hbm>> -> memref<800xf32, #tpu.memory_space<hbm>>
        %dma_wait3A_92 = tpu.memref_slice %arg10[%mul3A_88] : memref<100352xf32, #tpu.memory_space<hbm>> -> memref<800xf32, #tpu.memory_space<hbm>>
        tpu.wait_dma2 semaphore(%run_scoped3A : memref<!tpu.dma_semaphore, #tpu.memory_space<semaphore_mem>>) src(%dma_wait3A_92 : memref<800xf32, #tpu.memory_space<hbm>>) dst(%arg29 : memref<800xf32, #tpu.memory_space<vmem>>)
        tpu.yield
      }) : () -> ()
      "tpu.region"() ({
        %run_scoped3A = tpu.sem_alloc : memref<!tpu.dma_semaphore, #tpu.memory_space<semaphore_mem>>
        %dma_start3A_89 = tpu.memref_slice %arg11[%mul3A_88] : memref<3300000xf32, #tpu.memory_space<hbm>> -> memref<800xf32, #tpu.memory_space<hbm>>
        %dma_start3A_90 = tpu.memref_slice %arg11[%mul3A_88] : memref<3300000xf32, #tpu.memory_space<hbm>> -> memref<800xf32, #tpu.memory_space<hbm>>
        tpu.enqueue_dma source(%arg29 : memref<800xf32, #tpu.memory_space<vmem>>) target(%dma_start3A_90 : memref<800xf32, #tpu.memory_space<hbm>>) target_semaphore(%run_scoped3A : memref<!tpu.dma_semaphore, #tpu.memory_space<semaphore_mem>>)
        %dma_wait3A_91 = tpu.memref_slice %arg11[%mul3A_88] : memref<3300000xf32, #tpu.memory_space<hbm>> -> memref<800xf32, #tpu.memory_space<hbm>>
        %dma_wait3A_92 = tpu.memref_slice %arg11[%mul3A_88] : memref<3300000xf32, #tpu.memory_space<hbm>> -> memref<800xf32, #tpu.memory_space<hbm>>
        tpu.wait_dma2 semaphore(%run_scoped3A : memref<!tpu.dma_semaphore, #tpu.memory_space<semaphore_mem>>) src(%arg29 : memref<800xf32, #tpu.memory_space<vmem>>) dst(%dma_wait3A_92 : memref<800xf32, #tpu.memory_space<hbm>>)
        tpu.yield
      }) : () -> ()
    }
    %while3A_15 = arith.constant 1 : i32
    scf.for %while3A_83 = %while3A_13 to %while3A_9 step %while3A_15  : i32 {
      %mul3A_84 = arith.constant 32 : i32
      %mul3A_85 = arith.muli %while3A_83, %mul3A_84 : i32
      %add3A_86 = arith.addi %add3A, %mul3A_85 : i32
      %mul3A_87 = arith.constant 800 : i32
      %mul3A_88 = arith.muli %add3A_86, %mul3A_87 : i32
      "tpu.region"() ({
        %run_scoped3A = tpu.sem_alloc : memref<!tpu.dma_semaphore, #tpu.memory_space<semaphore_mem>>
        %dma_start3A_89 = tpu.memref_slice %arg10[%mul3A_88] : memref<100352xf32, #tpu.memory_space<hbm>> -> memref<800xf32, #tpu.memory_space<hbm>>
        %dma_start3A_90 = tpu.memref_slice %arg10[%mul3A_88] : memref<100352xf32, #tpu.memory_space<hbm>> -> memref<800xf32, #tpu.memory_space<hbm>>
        tpu.enqueue_dma source(%dma_start3A_90 : memref<800xf32, #tpu.memory_space<hbm>>) target(%arg29 : memref<800xf32, #tpu.memory_space<vmem>>) target_semaphore(%run_scoped3A : memref<!tpu.dma_semaphore, #tpu.memory_space<semaphore_mem>>)
        %dma_wait3A_91 = tpu.memref_slice %arg10[%mul3A_88] : memref<100352xf32, #tpu.memory_space<hbm>> -> memref<800xf32, #tpu.memory_space<hbm>>
        %dma_wait3A_92 = tpu.memref_slice %arg10[%mul3A_88] : memref<100352xf32, #tpu.memory_space<hbm>> -> memref<800xf32, #tpu.memory_space<hbm>>
        tpu.wait_dma2 semaphore(%run_scoped3A : memref<!tpu.dma_semaphore, #tpu.memory_space<semaphore_mem>>) src(%dma_wait3A_92 : memref<800xf32, #tpu.memory_space<hbm>>) dst(%arg29 : memref<800xf32, #tpu.memory_space<vmem>>)
        tpu.yield
      }) : () -> ()
      "tpu.region"() ({
        %run_scoped3A = tpu.sem_alloc : memref<!tpu.dma_semaphore, #tpu.memory_space<semaphore_mem>>
        %dma_start3A_89 = tpu.memref_slice %arg11[%mul3A_88] : memref<3300000xf32, #tpu.memory_space<hbm>> -> memref<800xf32, #tpu.memory_space<hbm>>
        %dma_start3A_90 = tpu.memref_slice %arg11[%mul3A_88] : memref<3300000xf32, #tpu.memory_space<hbm>> -> memref<800xf32, #tpu.memory_space<hbm>>
        tpu.enqueue_dma source(%arg29 : memref<800xf32, #tpu.memory_space<vmem>>) target(%dma_start3A_90 : memref<800xf32, #tpu.memory_space<hbm>>) target_semaphore(%run_scoped3A : memref<!tpu.dma_semaphore, #tpu.memory_space<semaphore_mem>>)
        %dma_wait3A_91 = tpu.memref_slice %arg11[%mul3A_88] : memref<3300000xf32, #tpu.memory_space<hbm>> -> memref<800xf32, #tpu.memory_space<hbm>>
        %dma_wait3A_92 = tpu.memref_slice %arg11[%mul3A_88] : memref<3300000xf32, #tpu.memory_space<hbm>> -> memref<800xf32, #tpu.memory_space<hbm>>
        tpu.wait_dma2 semaphore(%run_scoped3A : memref<!tpu.dma_semaphore, #tpu.memory_space<semaphore_mem>>) src(%arg29 : memref<800xf32, #tpu.memory_space<vmem>>) dst(%dma_wait3A_92 : memref<800xf32, #tpu.memory_space<hbm>>)
        tpu.yield
      }) : () -> ()
    }
    %barrier3A = arith.constant 0 : index
    tpu.barrier barrier_id(%barrier3A)
    %mul3A_16 = arith.constant 100000 : i32
    %mul3A_17 = arith.muli %add3A, %mul3A_16 : i32
    %add3A_18 = arith.constant 0 : i32
    %add3A_19 = arith.addi %mul3A_17, %add3A_18 : i32
    %dma_start3A = tpu.memref_slice %arg2[%add3A_19] : memref<3200000xf32, #tpu.memory_space<hbm>> -> memref<800xf32, #tpu.memory_space<hbm>>
    %dma_start3A_20 = tpu.memref_slice %arg2[%add3A_19] : memref<3200000xf32, #tpu.memory_space<hbm>> -> memref<800xf32, #tpu.memory_space<hbm>>
    tpu.enqueue_dma source(%dma_start3A_20 : memref<800xf32, #tpu.memory_space<hbm>>) target(%arg15 : memref<800xf32, #tpu.memory_space<vmem>>) target_semaphore(%arg31 : memref<!tpu.dma_semaphore, #tpu.memory_space<semaphore_mem>>)
    %dma_start3A_21 = tpu.memref_slice %arg3[%add3A_19] : memref<3200000xi32, #tpu.memory_space<hbm>> -> memref<800xi32, #tpu.memory_space<hbm>>
    %dma_start3A_22 = tpu.memref_slice %arg3[%add3A_19] : memref<3200000xi32, #tpu.memory_space<hbm>> -> memref<800xi32, #tpu.memory_space<hbm>>
    tpu.enqueue_dma source(%dma_start3A_22 : memref<800xi32, #tpu.memory_space<hbm>>) target(%arg16 : memref<800xi32, #tpu.memory_space<vmem>>) target_semaphore(%arg31 : memref<!tpu.dma_semaphore, #tpu.memory_space<semaphore_mem>>)
    %dma_start3A_23 = tpu.memref_slice %arg4[%add3A_19] : memref<3200000xi32, #tpu.memory_space<hbm>> -> memref<800xi32, #tpu.memory_space<hbm>>
    %dma_start3A_24 = tpu.memref_slice %arg4[%add3A_19] : memref<3200000xi32, #tpu.memory_space<hbm>> -> memref<800xi32, #tpu.memory_space<hbm>>
    tpu.enqueue_dma source(%dma_start3A_24 : memref<800xi32, #tpu.memory_space<hbm>>) target(%arg17 : memref<800xi32, #tpu.memory_space<vmem>>) target_semaphore(%arg31 : memref<!tpu.dma_semaphore, #tpu.memory_space<semaphore_mem>>)
    %dma_start3A_25 = tpu.memref_slice %arg5[%add3A_19] : memref<3200000xi32, #tpu.memory_space<hbm>> -> memref<800xi32, #tpu.memory_space<hbm>>
    %dma_start3A_26 = tpu.memref_slice %arg5[%add3A_19] : memref<3200000xi32, #tpu.memory_space<hbm>> -> memref<800xi32, #tpu.memory_space<hbm>>
    tpu.enqueue_dma source(%dma_start3A_26 : memref<800xi32, #tpu.memory_space<hbm>>) target(%arg18 : memref<800xi32, #tpu.memory_space<vmem>>) target_semaphore(%arg31 : memref<!tpu.dma_semaphore, #tpu.memory_space<semaphore_mem>>)
    %dma_start3A_27 = tpu.memref_slice %arg6[%add3A_19] : memref<3200000xi32, #tpu.memory_space<hbm>> -> memref<800xi32, #tpu.memory_space<hbm>>
    %dma_start3A_28 = tpu.memref_slice %arg6[%add3A_19] : memref<3200000xi32, #tpu.memory_space<hbm>> -> memref<800xi32, #tpu.memory_space<hbm>>
    tpu.enqueue_dma source(%dma_start3A_28 : memref<800xi32, #tpu.memory_space<hbm>>) target(%arg19 : memref<800xi32, #tpu.memory_space<vmem>>) target_semaphore(%arg31 : memref<!tpu.dma_semaphore, #tpu.memory_space<semaphore_mem>>)
    %dma_wait3A = arith.constant 0 : i32
    %dma_wait3A_29 = tpu.memref_slice %arg2[%dma_wait3A] : memref<3200000xf32, #tpu.memory_space<hbm>> -> memref<800xf32, #tpu.memory_space<hbm>>
    %dma_wait3A_30 = arith.constant 0 : i32
    %dma_wait3A_31 = tpu.memref_slice %arg2[%dma_wait3A_30] : memref<3200000xf32, #tpu.memory_space<hbm>> -> memref<800xf32, #tpu.memory_space<hbm>>
    tpu.wait_dma2 semaphore(%arg31 : memref<!tpu.dma_semaphore, #tpu.memory_space<semaphore_mem>>) src(%dma_wait3A_31 : memref<800xf32, #tpu.memory_space<hbm>>) dst(%arg15 : memref<800xf32, #tpu.memory_space<vmem>>)
    %dma_wait3A_32 = arith.constant 0 : i32
    %dma_wait3A_33 = tpu.memref_slice %arg3[%dma_wait3A_32] : memref<3200000xi32, #tpu.memory_space<hbm>> -> memref<800xi32, #tpu.memory_space<hbm>>
    %dma_wait3A_34 = arith.constant 0 : i32
    %dma_wait3A_35 = tpu.memref_slice %arg3[%dma_wait3A_34] : memref<3200000xi32, #tpu.memory_space<hbm>> -> memref<800xi32, #tpu.memory_space<hbm>>
    tpu.wait_dma2 semaphore(%arg31 : memref<!tpu.dma_semaphore, #tpu.memory_space<semaphore_mem>>) src(%dma_wait3A_35 : memref<800xi32, #tpu.memory_space<hbm>>) dst(%arg16 : memref<800xi32, #tpu.memory_space<vmem>>)
    %dma_wait3A_36 = arith.constant 0 : i32
    %dma_wait3A_37 = tpu.memref_slice %arg4[%dma_wait3A_36] : memref<3200000xi32, #tpu.memory_space<hbm>> -> memref<800xi32, #tpu.memory_space<hbm>>
    %dma_wait3A_38 = arith.constant 0 : i32
    %dma_wait3A_39 = tpu.memref_slice %arg4[%dma_wait3A_38] : memref<3200000xi32, #tpu.memory_space<hbm>> -> memref<800xi32, #tpu.memory_space<hbm>>
    tpu.wait_dma2 semaphore(%arg31 : memref<!tpu.dma_semaphore, #tpu.memory_space<semaphore_mem>>) src(%dma_wait3A_39 : memref<800xi32, #tpu.memory_space<hbm>>) dst(%arg17 : memref<800xi32, #tpu.memory_space<vmem>>)
    %dma_wait3A_40 = arith.constant 0 : i32
    %dma_wait3A_41 = tpu.memref_slice %arg5[%dma_wait3A_40] : memref<3200000xi32, #tpu.memory_space<hbm>> -> memref<800xi32, #tpu.memory_space<hbm>>
    %dma_wait3A_42 = arith.constant 0 : i32
    %dma_wait3A_43 = tpu.memref_slice %arg5[%dma_wait3A_42] : memref<3200000xi32, #tpu.memory_space<hbm>> -> memref<800xi32, #tpu.memory_space<hbm>>
    tpu.wait_dma2 semaphore(%arg31 : memref<!tpu.dma_semaphore, #tpu.memory_space<semaphore_mem>>) src(%dma_wait3A_43 : memref<800xi32, #tpu.memory_space<hbm>>) dst(%arg18 : memref<800xi32, #tpu.memory_space<vmem>>)
    %dma_wait3A_44 = arith.constant 0 : i32
    %dma_wait3A_45 = tpu.memref_slice %arg6[%dma_wait3A_44] : memref<3200000xi32, #tpu.memory_space<hbm>> -> memref<800xi32, #tpu.memory_space<hbm>>
    %dma_wait3A_46 = arith.constant 0 : i32
    %dma_wait3A_47 = tpu.memref_slice %arg6[%dma_wait3A_46] : memref<3200000xi32, #tpu.memory_space<hbm>> -> memref<800xi32, #tpu.memory_space<hbm>>
    tpu.wait_dma2 semaphore(%arg31 : memref<!tpu.dma_semaphore, #tpu.memory_space<semaphore_mem>>) src(%dma_wait3A_47 : memref<800xi32, #tpu.memory_space<hbm>>) dst(%arg19 : memref<800xi32, #tpu.memory_space<vmem>>)
    %dma_start3A_48 = arith.constant 0 : i32
    %dma_start3A_49 = tpu.memref_slice %arg12[%dma_start3A_48] : memref<100352xf32, #tpu.memory_space<vmem_shared>> -> memref<100352xf32, #tpu.memory_space<vmem_shared>>
    tpu.enqueue_indirect_dma source(%dma_start3A_49 : memref<100352xf32, #tpu.memory_space<vmem_shared>>) target(%arg20 : memref<800xf32, #tpu.memory_space<vmem>>) offsets(%arg16 : memref<800xi32, #tpu.memory_space<vmem>>) semaphore(%arg32 : memref<!tpu.dma_semaphore, #tpu.memory_space<semaphore_mem>>)
    %dma_start3A_50 = arith.constant 0 : i32
    %dma_start3A_51 = tpu.memref_slice %arg12[%dma_start3A_50] : memref<100352xf32, #tpu.memory_space<vmem_shared>> -> memref<100352xf32, #tpu.memory_space<vmem_shared>>
    tpu.enqueue_indirect_dma source(%dma_start3A_51 : memref<100352xf32, #tpu.memory_space<vmem_shared>>) target(%arg21 : memref<800xf32, #tpu.memory_space<vmem>>) offsets(%arg17 : memref<800xi32, #tpu.memory_space<vmem>>) semaphore(%arg32 : memref<!tpu.dma_semaphore, #tpu.memory_space<semaphore_mem>>)
    %scan3A = arith.constant 0 : i32
    %scan3A_52 = arith.constant 0 : i32
    %scan3A_53 = arith.constant 62 : i32
    %scan3A_54 = arith.addi %scan3A_52, %scan3A_53 : i32
    %scan3A_55 = arith.constant 1 : i32
    scf.for %scan3A_83 = %scan3A_52 to %scan3A_54 step %scan3A_55  : i32 {
      %mul3A_84 = arith.constant 2 : i32
      %mul3A_85 = arith.muli %mul3A_84, %scan3A_83 : i32
      %add3A_86 = arith.constant 1 : i32
      %add3A_87 = arith.addi %mul3A_85, %add3A_86 : i32
      %lt3A_88 = arith.constant 125 : i32
      %lt3A_89 = arith.cmpi slt, %add3A_87, %lt3A_88 : i32
      %convert_element_type3A = arith.extui %lt3A_89 : i1 to i32
      %cond3A = arith.constant 0 : i32
      %cond3A_90 = arith.cmpi ne, %convert_element_type3A, %cond3A : i32
      scf.if %cond3A_90 {
        %mul3A_153 = arith.constant 100000 : i32
        %mul3A_154 = arith.muli %add3A, %mul3A_153 : i32
        %mul3A_155 = arith.constant 800 : i32
        %mul3A_156 = arith.muli %add3A_87, %mul3A_155 : i32
        %add3A_157 = arith.addi %mul3A_154, %mul3A_156 : i32
        %dma_start3A_158 = tpu.memref_slice %arg2[%add3A_157] : memref<3200000xf32, #tpu.memory_space<hbm>> -> memref<800xf32, #tpu.memory_space<hbm>>
        %dma_start3A_159 = tpu.memref_slice %arg2[%add3A_157] : memref<3200000xf32, #tpu.memory_space<hbm>> -> memref<800xf32, #tpu.memory_space<hbm>>
        tpu.enqueue_dma source(%dma_start3A_159 : memref<800xf32, #tpu.memory_space<hbm>>) target(%arg22 : memref<800xf32, #tpu.memory_space<vmem>>) target_semaphore(%arg31 : memref<!tpu.dma_semaphore, #tpu.memory_space<semaphore_mem>>)
        %dma_start3A_160 = tpu.memref_slice %arg3[%add3A_157] : memref<3200000xi32, #tpu.memory_space<hbm>> -> memref<800xi32, #tpu.memory_space<hbm>>
        %dma_start3A_161 = tpu.memref_slice %arg3[%add3A_157] : memref<3200000xi32, #tpu.memory_space<hbm>> -> memref<800xi32, #tpu.memory_space<hbm>>
        tpu.enqueue_dma source(%dma_start3A_161 : memref<800xi32, #tpu.memory_space<hbm>>) target(%arg23 : memref<800xi32, #tpu.memory_space<vmem>>) target_semaphore(%arg31 : memref<!tpu.dma_semaphore, #tpu.memory_space<semaphore_mem>>)
        %dma_start3A_162 = tpu.memref_slice %arg4[%add3A_157] : memref<3200000xi32, #tpu.memory_space<hbm>> -> memref<800xi32, #tpu.memory_space<hbm>>
        %dma_start3A_163 = tpu.memref_slice %arg4[%add3A_157] : memref<3200000xi32, #tpu.memory_space<hbm>> -> memref<800xi32, #tpu.memory_space<hbm>>
        tpu.enqueue_dma source(%dma_start3A_163 : memref<800xi32, #tpu.memory_space<hbm>>) target(%arg24 : memref<800xi32, #tpu.memory_space<vmem>>) target_semaphore(%arg31 : memref<!tpu.dma_semaphore, #tpu.memory_space<semaphore_mem>>)
        %dma_start3A_164 = tpu.memref_slice %arg5[%add3A_157] : memref<3200000xi32, #tpu.memory_space<hbm>> -> memref<800xi32, #tpu.memory_space<hbm>>
        %dma_start3A_165 = tpu.memref_slice %arg5[%add3A_157] : memref<3200000xi32, #tpu.memory_space<hbm>> -> memref<800xi32, #tpu.memory_space<hbm>>
        tpu.enqueue_dma source(%dma_start3A_165 : memref<800xi32, #tpu.memory_space<hbm>>) target(%arg25 : memref<800xi32, #tpu.memory_space<vmem>>) target_semaphore(%arg31 : memref<!tpu.dma_semaphore, #tpu.memory_space<semaphore_mem>>)
        %dma_start3A_166 = tpu.memref_slice %arg6[%add3A_157] : memref<3200000xi32, #tpu.memory_space<hbm>> -> memref<800xi32, #tpu.memory_space<hbm>>
        %dma_start3A_167 = tpu.memref_slice %arg6[%add3A_157] : memref<3200000xi32, #tpu.memory_space<hbm>> -> memref<800xi32, #tpu.memory_space<hbm>>
        tpu.enqueue_dma source(%dma_start3A_167 : memref<800xi32, #tpu.memory_space<hbm>>) target(%arg26 : memref<800xi32, #tpu.memory_space<vmem>>) target_semaphore(%arg31 : memref<!tpu.dma_semaphore, #tpu.memory_space<semaphore_mem>>)
      } else {
      }
      %ge3A = arith.constant 2 : i32
      %ge3A_91 = arith.cmpi sge, %mul3A_85, %ge3A : i32
      %convert_element_type3A_92 = arith.extui %ge3A_91 : i1 to i32
      %cond3A_93 = arith.constant 0 : i32
      %cond3A_94 = arith.cmpi ne, %convert_element_type3A_92, %cond3A_93 : i32
      scf.if %cond3A_94 {
        %dma_wait3A_153 = arith.constant 100000 : i32
        %dma_wait3A_154 = tpu.memref_slice %arg11[%dma_wait3A_153] : memref<3300000xf32, #tpu.memory_space<hbm>> -> memref<800xf32, #tpu.memory_space<hbm>>
        %dma_wait3A_155 = arith.constant 100000 : i32
        %dma_wait3A_156 = tpu.memref_slice %arg11[%dma_wait3A_155] : memref<3300000xf32, #tpu.memory_space<hbm>> -> memref<800xf32, #tpu.memory_space<hbm>>
        tpu.wait_dma2 semaphore(%arg33 : memref<!tpu.dma_semaphore, #tpu.memory_space<semaphore_mem>>) src(%arg29 : memref<800xf32, #tpu.memory_space<vmem>>) dst(%dma_wait3A_156 : memref<800xf32, #tpu.memory_space<hbm>>)
      } else {
      }
      %dma_wait3A_95 = arith.constant 0 : i32
      %dma_wait3A_96 = tpu.memref_slice %arg12[%dma_wait3A_95] : memref<100352xf32, #tpu.memory_space<vmem_shared>> -> memref<100352xf32, #tpu.memory_space<vmem_shared>>
      tpu.wait_indirect_dma semaphore(%arg32 : memref<!tpu.dma_semaphore, #tpu.memory_space<semaphore_mem>>) src(%dma_wait3A_96 : memref<100352xf32, #tpu.memory_space<vmem_shared>>) dst(%arg20 : memref<800xf32, #tpu.memory_space<vmem>>)
      %dma_wait3A_97 = arith.constant 0 : i32
      %dma_wait3A_98 = tpu.memref_slice %arg12[%dma_wait3A_97] : memref<100352xf32, #tpu.memory_space<vmem_shared>> -> memref<100352xf32, #tpu.memory_space<vmem_shared>>
      tpu.wait_indirect_dma semaphore(%arg32 : memref<!tpu.dma_semaphore, #tpu.memory_space<semaphore_mem>>) src(%dma_wait3A_98 : memref<100352xf32, #tpu.memory_space<vmem_shared>>) dst(%arg21 : memref<800xf32, #tpu.memory_space<vmem>>)
      %lt3A_99 = arith.constant 125 : i32
      %lt3A_100 = arith.cmpi slt, %add3A_87, %lt3A_99 : i32
      %convert_element_type3A_101 = arith.extui %lt3A_100 : i1 to i32
      %cond3A_102 = arith.constant 0 : i32
      %cond3A_103 = arith.cmpi ne, %convert_element_type3A_101, %cond3A_102 : i32
      scf.if %cond3A_103 {
        %dma_wait3A_153 = arith.constant 0 : i32
        %dma_wait3A_154 = tpu.memref_slice %arg2[%dma_wait3A_153] : memref<3200000xf32, #tpu.memory_space<hbm>> -> memref<800xf32, #tpu.memory_space<hbm>>
        %dma_wait3A_155 = arith.constant 0 : i32
        %dma_wait3A_156 = tpu.memref_slice %arg2[%dma_wait3A_155] : memref<3200000xf32, #tpu.memory_space<hbm>> -> memref<800xf32, #tpu.memory_space<hbm>>
        tpu.wait_dma2 semaphore(%arg31 : memref<!tpu.dma_semaphore, #tpu.memory_space<semaphore_mem>>) src(%dma_wait3A_156 : memref<800xf32, #tpu.memory_space<hbm>>) dst(%arg22 : memref<800xf32, #tpu.memory_space<vmem>>)
        %dma_wait3A_157 = arith.constant 0 : i32
        %dma_wait3A_158 = tpu.memref_slice %arg3[%dma_wait3A_157] : memref<3200000xi32, #tpu.memory_space<hbm>> -> memref<800xi32, #tpu.memory_space<hbm>>
        %dma_wait3A_159 = arith.constant 0 : i32
        %dma_wait3A_160 = tpu.memref_slice %arg3[%dma_wait3A_159] : memref<3200000xi32, #tpu.memory_space<hbm>> -> memref<800xi32, #tpu.memory_space<hbm>>
        tpu.wait_dma2 semaphore(%arg31 : memref<!tpu.dma_semaphore, #tpu.memory_space<semaphore_mem>>) src(%dma_wait3A_160 : memref<800xi32, #tpu.memory_space<hbm>>) dst(%arg23 : memref<800xi32, #tpu.memory_space<vmem>>)
        %dma_wait3A_161 = arith.constant 0 : i32
        %dma_wait3A_162 = tpu.memref_slice %arg4[%dma_wait3A_161] : memref<3200000xi32, #tpu.memory_space<hbm>> -> memref<800xi32, #tpu.memory_space<hbm>>
        %dma_wait3A_163 = arith.constant 0 : i32
        %dma_wait3A_164 = tpu.memref_slice %arg4[%dma_wait3A_163] : memref<3200000xi32, #tpu.memory_space<hbm>> -> memref<800xi32, #tpu.memory_space<hbm>>
        tpu.wait_dma2 semaphore(%arg31 : memref<!tpu.dma_semaphore, #tpu.memory_space<semaphore_mem>>) src(%dma_wait3A_164 : memref<800xi32, #tpu.memory_space<hbm>>) dst(%arg24 : memref<800xi32, #tpu.memory_space<vmem>>)
        %dma_wait3A_165 = arith.constant 0 : i32
        %dma_wait3A_166 = tpu.memref_slice %arg5[%dma_wait3A_165] : memref<3200000xi32, #tpu.memory_space<hbm>> -> memref<800xi32, #tpu.memory_space<hbm>>
        %dma_wait3A_167 = arith.constant 0 : i32
        %dma_wait3A_168 = tpu.memref_slice %arg5[%dma_wait3A_167] : memref<3200000xi32, #tpu.memory_space<hbm>> -> memref<800xi32, #tpu.memory_space<hbm>>
        tpu.wait_dma2 semaphore(%arg31 : memref<!tpu.dma_semaphore, #tpu.memory_space<semaphore_mem>>) src(%dma_wait3A_168 : memref<800xi32, #tpu.memory_space<hbm>>) dst(%arg25 : memref<800xi32, #tpu.memory_space<vmem>>)
        %dma_wait3A_169 = arith.constant 0 : i32
        %dma_wait3A_170 = tpu.memref_slice %arg6[%dma_wait3A_169] : memref<3200000xi32, #tpu.memory_space<hbm>> -> memref<800xi32, #tpu.memory_space<hbm>>
        %dma_wait3A_171 = arith.constant 0 : i32
        %dma_wait3A_172 = tpu.memref_slice %arg6[%dma_wait3A_171] : memref<3200000xi32, #tpu.memory_space<hbm>> -> memref<800xi32, #tpu.memory_space<hbm>>
        tpu.wait_dma2 semaphore(%arg31 : memref<!tpu.dma_semaphore, #tpu.memory_space<semaphore_mem>>) src(%dma_wait3A_172 : memref<800xi32, #tpu.memory_space<hbm>>) dst(%arg26 : memref<800xi32, #tpu.memory_space<vmem>>)
        %dma_start3A_173 = arith.constant 0 : i32
        %dma_start3A_174 = tpu.memref_slice %arg12[%dma_start3A_173] : memref<100352xf32, #tpu.memory_space<vmem_shared>> -> memref<100352xf32, #tpu.memory_space<vmem_shared>>
        tpu.enqueue_indirect_dma source(%dma_start3A_174 : memref<100352xf32, #tpu.memory_space<vmem_shared>>) target(%arg27 : memref<800xf32, #tpu.memory_space<vmem>>) offsets(%arg23 : memref<800xi32, #tpu.memory_space<vmem>>) semaphore(%arg32 : memref<!tpu.dma_semaphore, #tpu.memory_space<semaphore_mem>>)
        %dma_start3A_175 = arith.constant 0 : i32
        %dma_start3A_176 = tpu.memref_slice %arg12[%dma_start3A_175] : memref<100352xf32, #tpu.memory_space<vmem_shared>> -> memref<100352xf32, #tpu.memory_space<vmem_shared>>
        tpu.enqueue_indirect_dma source(%dma_start3A_176 : memref<100352xf32, #tpu.memory_space<vmem_shared>>) target(%arg28 : memref<800xf32, #tpu.memory_space<vmem>>) offsets(%arg24 : memref<800xi32, #tpu.memory_space<vmem>>) semaphore(%arg32 : memref<!tpu.dma_semaphore, #tpu.memory_space<semaphore_mem>>)
      } else {
      }
      %parallel_loop3A_104 = arith.constant 0 : i32
      %parallel_loop3A_105 = arith.constant 50 : i32
      %parallel_loop3A_106 = arith.constant 1 : i32
      scf.for %parallel_loop3A_153 = %parallel_loop3A_104 to %parallel_loop3A_105 step %parallel_loop3A_106  : i32 {
        %parallel_loop3A_154 = arith.constant 16 : i32
        %parallel_loop3A_155 = arith.muli %parallel_loop3A_153, %parallel_loop3A_154 : i32
        %parallel_loop3A_156 = arith.index_cast %parallel_loop3A_155 : i32 to index
        %parallel_loop3A_157 = tpu.vector_load %arg15[%parallel_loop3A_156] {strides = array<i32>} : memref<800xf32, #tpu.memory_space<vmem>>, vector<16xf32>,
        %parallel_loop3A_158 = arith.constant 0.000000e+00 : f32
        %parallel_loop3A_159 = vector.broadcast %parallel_loop3A_158 : f32 to vector<16xf32>
        %parallel_loop3A_160 = arith.maximumf %parallel_loop3A_157, %parallel_loop3A_159 : vector<16xf32>
        %parallel_loop3A_161 = arith.constant 5.99999952 : f32
        %parallel_loop3A_162 = vector.broadcast %parallel_loop3A_161 : f32 to vector<16xf32>
        %parallel_loop3A_163 = arith.minimumf %parallel_loop3A_160, %parallel_loop3A_162 : vector<16xf32>
        %parallel_loop3A_164 = arith.constant 1365.16663 : f32
        %parallel_loop3A_165 = vector.broadcast %parallel_loop3A_164 : f32 to vector<16xf32>
        %parallel_loop3A_166 = arith.mulf %parallel_loop3A_163, %parallel_loop3A_165 : vector<16xf32>
        %parallel_loop3A_167 = arith.fptosi %parallel_loop3A_166 : vector<16xf32> to vector<16xi32>
        %parallel_loop3A_168 = arith.sitofp %parallel_loop3A_167 : vector<16xi32> to vector<16xf32>
        %parallel_loop3A_169 = arith.subf %parallel_loop3A_166, %parallel_loop3A_168 : vector<16xf32>
        %parallel_loop3A_170 = arith.index_cast %parallel_loop3A_155 : i32 to index
        %parallel_loop3A_171 = tpu.vector_load %arg18[%parallel_loop3A_170] {strides = array<i32>} : memref<800xi32, #tpu.memory_space<vmem>>, vector<16xi32>,
        %parallel_loop3A_172 = arith.index_cast %parallel_loop3A_155 : i32 to index
        %parallel_loop3A_173 = tpu.vector_load %arg19[%parallel_loop3A_172] {strides = array<i32>} : memref<800xi32, #tpu.memory_space<vmem>>, vector<16xi32>,
        %parallel_loop3A_174 = arith.constant 3 : i32
        %parallel_loop3A_175 = vector.broadcast %parallel_loop3A_174 : i32 to vector<16xi32>
        %parallel_loop3A_176 = arith.muli %parallel_loop3A_171, %parallel_loop3A_175 : vector<16xi32>
        %parallel_loop3A_177 = arith.addi %parallel_loop3A_176, %parallel_loop3A_173 : vector<16xi32>
        %parallel_loop3A_178 = arith.addi %parallel_loop3A_177, %parallel_loop3A_167 : vector<16xi32>
        %parallel_loop3A_179 = tpu.vector_load_idx %arg14[%parallel_loop3A_178] : memref<73728xf32, #tpu.memory_space<vmem>>[vector<16xi32>], vector<16xf32>,
        %parallel_loop3A_180 = arith.constant 1 : i32
        %parallel_loop3A_181 = vector.broadcast %parallel_loop3A_180 : i32 to vector<16xi32>
        %parallel_loop3A_182 = arith.addi %parallel_loop3A_178, %parallel_loop3A_181 : vector<16xi32>
        %parallel_loop3A_183 = tpu.vector_load_idx %arg14[%parallel_loop3A_182] : memref<73728xf32, #tpu.memory_space<vmem>>[vector<16xi32>], vector<16xf32>,
        %parallel_loop3A_184 = arith.subf %parallel_loop3A_183, %parallel_loop3A_179 : vector<16xf32>
        %parallel_loop3A_185 = arith.mulf %parallel_loop3A_169, %parallel_loop3A_184 : vector<16xf32>
        %parallel_loop3A_186 = arith.addf %parallel_loop3A_179, %parallel_loop3A_185 : vector<16xf32>
        %parallel_loop3A_187 = arith.addi %parallel_loop3A_173, %parallel_loop3A_167 : vector<16xi32>
        %parallel_loop3A_188 = tpu.vector_load_idx %arg13[%parallel_loop3A_187] : memref<24576xf32, #tpu.memory_space<vmem>>[vector<16xi32>], vector<16xf32>,
        %parallel_loop3A_189 = arith.addi %parallel_loop3A_173, %parallel_loop3A_167 : vector<16xi32>
        %parallel_loop3A_190 = arith.constant 1 : i32
        %parallel_loop3A_191 = vector.broadcast %parallel_loop3A_190 : i32 to vector<16xi32>
        %parallel_loop3A_192 = arith.addi %parallel_loop3A_189, %parallel_loop3A_191 : vector<16xi32>
        %parallel_loop3A_193 = tpu.vector_load_idx %arg13[%parallel_loop3A_192] : memref<24576xf32, #tpu.memory_space<vmem>>[vector<16xi32>], vector<16xf32>,
        %parallel_loop3A_194 = arith.subf %parallel_loop3A_193, %parallel_loop3A_188 : vector<16xf32>
        %parallel_loop3A_195 = arith.mulf %parallel_loop3A_169, %parallel_loop3A_194 : vector<16xf32>
        %parallel_loop3A_196 = arith.addf %parallel_loop3A_188, %parallel_loop3A_195 : vector<16xf32>
        %parallel_loop3A_197 = arith.addi %parallel_loop3A_171, %parallel_loop3A_167 : vector<16xi32>
        %parallel_loop3A_198 = tpu.vector_load_idx %arg13[%parallel_loop3A_197] : memref<24576xf32, #tpu.memory_space<vmem>>[vector<16xi32>], vector<16xf32>,
        %parallel_loop3A_199 = arith.addi %parallel_loop3A_171, %parallel_loop3A_167 : vector<16xi32>
        %parallel_loop3A_200 = arith.constant 1 : i32
        %parallel_loop3A_201 = vector.broadcast %parallel_loop3A_200 : i32 to vector<16xi32>
        %parallel_loop3A_202 = arith.addi %parallel_loop3A_199, %parallel_loop3A_201 : vector<16xi32>
        %parallel_loop3A_203 = tpu.vector_load_idx %arg13[%parallel_loop3A_202] : memref<24576xf32, #tpu.memory_space<vmem>>[vector<16xi32>], vector<16xf32>,
        %parallel_loop3A_204 = arith.subf %parallel_loop3A_203, %parallel_loop3A_198 : vector<16xf32>
        %parallel_loop3A_205 = arith.mulf %parallel_loop3A_169, %parallel_loop3A_204 : vector<16xf32>
        %parallel_loop3A_206 = arith.addf %parallel_loop3A_198, %parallel_loop3A_205 : vector<16xf32>
        %parallel_loop3A_207 = arith.index_cast %parallel_loop3A_155 : i32 to index
        %parallel_loop3A_208 = tpu.vector_load %arg20[%parallel_loop3A_207] {strides = array<i32>} : memref<800xf32, #tpu.memory_space<vmem>>, vector<16xf32>,
        %parallel_loop3A_209 = arith.mulf %parallel_loop3A_208, %parallel_loop3A_196 : vector<16xf32>
        %parallel_loop3A_210 = arith.addf %parallel_loop3A_186, %parallel_loop3A_209 : vector<16xf32>
        %parallel_loop3A_211 = arith.index_cast %parallel_loop3A_155 : i32 to index
        %parallel_loop3A_212 = tpu.vector_load %arg21[%parallel_loop3A_211] {strides = array<i32>} : memref<800xf32, #tpu.memory_space<vmem>>, vector<16xf32>,
        %parallel_loop3A_213 = arith.mulf %parallel_loop3A_212, %parallel_loop3A_206 : vector<16xf32>
        %parallel_loop3A_214 = arith.addf %parallel_loop3A_210, %parallel_loop3A_213 : vector<16xf32>
        %parallel_loop3A_215 = arith.index_cast %parallel_loop3A_155 : i32 to index
        %parallel_loop3A_216 = tpu.vector_load %arg29[%parallel_loop3A_215] {strides = array<i32>} : memref<800xf32, #tpu.memory_space<vmem>>, vector<16xf32>,
        tpu.vector_store %arg29[%parallel_loop3A_215], %parallel_loop3A_214 {strides = array<i32>} : memref<800xf32, #tpu.memory_space<vmem>>, vector<16xf32>,
      } {sc.loop_unroll_factor = 4 : i64, sc.parallel_access}
      %mul3A_107 = arith.constant 100000 : i32
      %mul3A_108 = arith.muli %add3A, %mul3A_107 : i32
      %mul3A_109 = arith.constant 800 : i32
      %mul3A_110 = arith.muli %mul3A_85, %mul3A_109 : i32
      %add3A_111 = arith.addi %mul3A_108, %mul3A_110 : i32
      %add3A_112 = arith.constant 100000 : i32
      %add3A_113 = arith.addi %add3A_112, %add3A_111 : i32
      %dma_start3A_114 = tpu.memref_slice %arg11[%add3A_113] : memref<3300000xf32, #tpu.memory_space<hbm>> -> memref<800xf32, #tpu.memory_space<hbm>>
      %dma_start3A_115 = tpu.memref_slice %arg11[%add3A_113] : memref<3300000xf32, #tpu.memory_space<hbm>> -> memref<800xf32, #tpu.memory_space<hbm>>
      tpu.enqueue_dma source(%arg29 : memref<800xf32, #tpu.memory_space<vmem>>) target(%dma_start3A_115 : memref<800xf32, #tpu.memory_space<hbm>>) target_semaphore(%arg33 : memref<!tpu.dma_semaphore, #tpu.memory_space<semaphore_mem>>)
      %mul3A_116 = arith.constant 2 : i32
      %mul3A_117 = arith.muli %mul3A_116, %scan3A_83 : i32
      %add3A_118 = arith.constant 1 : i32
      %add3A_119 = arith.addi %mul3A_117, %add3A_118 : i32
      %add3A_120 = arith.constant 1 : i32
      %add3A_121 = arith.addi %add3A_119, %add3A_120 : i32
      %lt3A_122 = arith.constant 125 : i32
      %lt3A_123 = arith.cmpi slt, %add3A_121, %lt3A_122 : i32
      %convert_element_type3A_124 = arith.extui %lt3A_123 : i1 to i32
      %cond3A_125 = arith.constant 0 : i32
      %cond3A_126 = arith.cmpi ne, %convert_element_type3A_124, %cond3A_125 : i32
      scf.if %cond3A_126 {
        %mul3A_153 = arith.constant 100000 : i32
        %mul3A_154 = arith.muli %add3A, %mul3A_153 : i32
        %mul3A_155 = arith.constant 800 : i32
        %mul3A_156 = arith.muli %add3A_121, %mul3A_155 : i32
        %add3A_157 = arith.addi %mul3A_154, %mul3A_156 : i32
        %dma_start3A_158 = tpu.memref_slice %arg2[%add3A_157] : memref<3200000xf32, #tpu.memory_space<hbm>> -> memref<800xf32, #tpu.memory_space<hbm>>
        %dma_start3A_159 = tpu.memref_slice %arg2[%add3A_157] : memref<3200000xf32, #tpu.memory_space<hbm>> -> memref<800xf32, #tpu.memory_space<hbm>>
        tpu.enqueue_dma source(%dma_start3A_159 : memref<800xf32, #tpu.memory_space<hbm>>) target(%arg15 : memref<800xf32, #tpu.memory_space<vmem>>) target_semaphore(%arg31 : memref<!tpu.dma_semaphore, #tpu.memory_space<semaphore_mem>>)
        %dma_start3A_160 = tpu.memref_slice %arg3[%add3A_157] : memref<3200000xi32, #tpu.memory_space<hbm>> -> memref<800xi32, #tpu.memory_space<hbm>>
        %dma_start3A_161 = tpu.memref_slice %arg3[%add3A_157] : memref<3200000xi32, #tpu.memory_space<hbm>> -> memref<800xi32, #tpu.memory_space<hbm>>
        tpu.enqueue_dma source(%dma_start3A_161 : memref<800xi32, #tpu.memory_space<hbm>>) target(%arg16 : memref<800xi32, #tpu.memory_space<vmem>>) target_semaphore(%arg31 : memref<!tpu.dma_semaphore, #tpu.memory_space<semaphore_mem>>)
        %dma_start3A_162 = tpu.memref_slice %arg4[%add3A_157] : memref<3200000xi32, #tpu.memory_space<hbm>> -> memref<800xi32, #tpu.memory_space<hbm>>
        %dma_start3A_163 = tpu.memref_slice %arg4[%add3A_157] : memref<3200000xi32, #tpu.memory_space<hbm>> -> memref<800xi32, #tpu.memory_space<hbm>>
        tpu.enqueue_dma source(%dma_start3A_163 : memref<800xi32, #tpu.memory_space<hbm>>) target(%arg17 : memref<800xi32, #tpu.memory_space<vmem>>) target_semaphore(%arg31 : memref<!tpu.dma_semaphore, #tpu.memory_space<semaphore_mem>>)
        %dma_start3A_164 = tpu.memref_slice %arg5[%add3A_157] : memref<3200000xi32, #tpu.memory_space<hbm>> -> memref<800xi32, #tpu.memory_space<hbm>>
        %dma_start3A_165 = tpu.memref_slice %arg5[%add3A_157] : memref<3200000xi32, #tpu.memory_space<hbm>> -> memref<800xi32, #tpu.memory_space<hbm>>
        tpu.enqueue_dma source(%dma_start3A_165 : memref<800xi32, #tpu.memory_space<hbm>>) target(%arg18 : memref<800xi32, #tpu.memory_space<vmem>>) target_semaphore(%arg31 : memref<!tpu.dma_semaphore, #tpu.memory_space<semaphore_mem>>)
        %dma_start3A_166 = tpu.memref_slice %arg6[%add3A_157] : memref<3200000xi32, #tpu.memory_space<hbm>> -> memref<800xi32, #tpu.memory_space<hbm>>
        %dma_start3A_167 = tpu.memref_slice %arg6[%add3A_157] : memref<3200000xi32, #tpu.memory_space<hbm>> -> memref<800xi32, #tpu.memory_space<hbm>>
        tpu.enqueue_dma source(%dma_start3A_167 : memref<800xi32, #tpu.memory_space<hbm>>) target(%arg19 : memref<800xi32, #tpu.memory_space<vmem>>) target_semaphore(%arg31 : memref<!tpu.dma_semaphore, #tpu.memory_space<semaphore_mem>>)
      } else {
      }
      %ge3A_127 = arith.constant 2 : i32
      %ge3A_128 = arith.cmpi sge, %add3A_119, %ge3A_127 : i32
      %convert_element_type3A_129 = arith.extui %ge3A_128 : i1 to i32
      %cond3A_130 = arith.constant 0 : i32
      %cond3A_131 = arith.cmpi ne, %convert_element_type3A_129, %cond3A_130 : i32
      scf.if %cond3A_131 {
        %dma_wait3A_153 = arith.constant 100000 : i32
        %dma_wait3A_154 = tpu.memref_slice %arg11[%dma_wait3A_153] : memref<3300000xf32, #tpu.memory_space<hbm>> -> memref<800xf32, #tpu.memory_space<hbm>>
        %dma_wait3A_155 = arith.constant 100000 : i32
        %dma_wait3A_156 = tpu.memref_slice %arg11[%dma_wait3A_155] : memref<3300000xf32, #tpu.memory_space<hbm>> -> memref<800xf32, #tpu.memory_space<hbm>>
        tpu.wait_dma2 semaphore(%arg33 : memref<!tpu.dma_semaphore, #tpu.memory_space<semaphore_mem>>) src(%arg30 : memref<800xf32, #tpu.memory_space<vmem>>) dst(%dma_wait3A_156 : memref<800xf32, #tpu.memory_space<hbm>>)
      } else {
      }
      %dma_wait3A_132 = arith.constant 0 : i32
      %dma_wait3A_133 = tpu.memref_slice %arg12[%dma_wait3A_132] : memref<100352xf32, #tpu.memory_space<vmem_shared>> -> memref<100352xf32, #tpu.memory_space<vmem_shared>>
      tpu.wait_indirect_dma semaphore(%arg32 : memref<!tpu.dma_semaphore, #tpu.memory_space<semaphore_mem>>) src(%dma_wait3A_133 : memref<100352xf32, #tpu.memory_space<vmem_shared>>) dst(%arg27 : memref<800xf32, #tpu.memory_space<vmem>>)
      %dma_wait3A_134 = arith.constant 0 : i32
      %dma_wait3A_135 = tpu.memref_slice %arg12[%dma_wait3A_134] : memref<100352xf32, #tpu.memory_space<vmem_shared>> -> memref<100352xf32, #tpu.memory_space<vmem_shared>>
      tpu.wait_indirect_dma semaphore(%arg32 : memref<!tpu.dma_semaphore, #tpu.memory_space<semaphore_mem>>) src(%dma_wait3A_135 : memref<100352xf32, #tpu.memory_space<vmem_shared>>) dst(%arg28 : memref<800xf32, #tpu.memory_space<vmem>>)
      %lt3A_136 = arith.constant 125 : i32
      %lt3A_137 = arith.cmpi slt, %add3A_121, %lt3A_136 : i32
      %convert_element_type3A_138 = arith.extui %lt3A_137 : i1 to i32
      %cond3A_139 = arith.constant 0 : i32
      %cond3A_140 = arith.cmpi ne, %convert_element_type3A_138, %cond3A_139 : i32
      scf.if %cond3A_140 {
        %dma_wait3A_153 = arith.constant 0 : i32
        %dma_wait3A_154 = tpu.memref_slice %arg2[%dma_wait3A_153] : memref<3200000xf32, #tpu.memory_space<hbm>> -> memref<800xf32, #tpu.memory_space<hbm>>
        %dma_wait3A_155 = arith.constant 0 : i32
        %dma_wait3A_156 = tpu.memref_slice %arg2[%dma_wait3A_155] : memref<3200000xf32, #tpu.memory_space<hbm>> -> memref<800xf32, #tpu.memory_space<hbm>>
        tpu.wait_dma2 semaphore(%arg31 : memref<!tpu.dma_semaphore, #tpu.memory_space<semaphore_mem>>) src(%dma_wait3A_156 : memref<800xf32, #tpu.memory_space<hbm>>) dst(%arg15 : memref<800xf32, #tpu.memory_space<vmem>>)
        %dma_wait3A_157 = arith.constant 0 : i32
        %dma_wait3A_158 = tpu.memref_slice %arg3[%dma_wait3A_157] : memref<3200000xi32, #tpu.memory_space<hbm>> -> memref<800xi32, #tpu.memory_space<hbm>>
        %dma_wait3A_159 = arith.constant 0 : i32
        %dma_wait3A_160 = tpu.memref_slice %arg3[%dma_wait3A_159] : memref<3200000xi32, #tpu.memory_space<hbm>> -> memref<800xi32, #tpu.memory_space<hbm>>
        tpu.wait_dma2 semaphore(%arg31 : memref<!tpu.dma_semaphore, #tpu.memory_space<semaphore_mem>>) src(%dma_wait3A_160 : memref<800xi32, #tpu.memory_space<hbm>>) dst(%arg16 : memref<800xi32, #tpu.memory_space<vmem>>)
        %dma_wait3A_161 = arith.constant 0 : i32
        %dma_wait3A_162 = tpu.memref_slice %arg4[%dma_wait3A_161] : memref<3200000xi32, #tpu.memory_space<hbm>> -> memref<800xi32, #tpu.memory_space<hbm>>
        %dma_wait3A_163 = arith.constant 0 : i32
        %dma_wait3A_164 = tpu.memref_slice %arg4[%dma_wait3A_163] : memref<3200000xi32, #tpu.memory_space<hbm>> -> memref<800xi32, #tpu.memory_space<hbm>>
        tpu.wait_dma2 semaphore(%arg31 : memref<!tpu.dma_semaphore, #tpu.memory_space<semaphore_mem>>) src(%dma_wait3A_164 : memref<800xi32, #tpu.memory_space<hbm>>) dst(%arg17 : memref<800xi32, #tpu.memory_space<vmem>>)
        %dma_wait3A_165 = arith.constant 0 : i32
        %dma_wait3A_166 = tpu.memref_slice %arg5[%dma_wait3A_165] : memref<3200000xi32, #tpu.memory_space<hbm>> -> memref<800xi32, #tpu.memory_space<hbm>>
        %dma_wait3A_167 = arith.constant 0 : i32
        %dma_wait3A_168 = tpu.memref_slice %arg5[%dma_wait3A_167] : memref<3200000xi32, #tpu.memory_space<hbm>> -> memref<800xi32, #tpu.memory_space<hbm>>
        tpu.wait_dma2 semaphore(%arg31 : memref<!tpu.dma_semaphore, #tpu.memory_space<semaphore_mem>>) src(%dma_wait3A_168 : memref<800xi32, #tpu.memory_space<hbm>>) dst(%arg18 : memref<800xi32, #tpu.memory_space<vmem>>)
        %dma_wait3A_169 = arith.constant 0 : i32
        %dma_wait3A_170 = tpu.memref_slice %arg6[%dma_wait3A_169] : memref<3200000xi32, #tpu.memory_space<hbm>> -> memref<800xi32, #tpu.memory_space<hbm>>
        %dma_wait3A_171 = arith.constant 0 : i32
        %dma_wait3A_172 = tpu.memref_slice %arg6[%dma_wait3A_171] : memref<3200000xi32, #tpu.memory_space<hbm>> -> memref<800xi32, #tpu.memory_space<hbm>>
        tpu.wait_dma2 semaphore(%arg31 : memref<!tpu.dma_semaphore, #tpu.memory_space<semaphore_mem>>) src(%dma_wait3A_172 : memref<800xi32, #tpu.memory_space<hbm>>) dst(%arg19 : memref<800xi32, #tpu.memory_space<vmem>>)
        %dma_start3A_173 = arith.constant 0 : i32
        %dma_start3A_174 = tpu.memref_slice %arg12[%dma_start3A_173] : memref<100352xf32, #tpu.memory_space<vmem_shared>> -> memref<100352xf32, #tpu.memory_space<vmem_shared>>
        tpu.enqueue_indirect_dma source(%dma_start3A_174 : memref<100352xf32, #tpu.memory_space<vmem_shared>>) target(%arg20 : memref<800xf32, #tpu.memory_space<vmem>>) offsets(%arg16 : memref<800xi32, #tpu.memory_space<vmem>>) semaphore(%arg32 : memref<!tpu.dma_semaphore, #tpu.memory_space<semaphore_mem>>)
        %dma_start3A_175 = arith.constant 0 : i32
        %dma_start3A_176 = tpu.memref_slice %arg12[%dma_start3A_175] : memref<100352xf32, #tpu.memory_space<vmem_shared>> -> memref<100352xf32, #tpu.memory_space<vmem_shared>>
        tpu.enqueue_indirect_dma source(%dma_start3A_176 : memref<100352xf32, #tpu.memory_space<vmem_shared>>) target(%arg21 : memref<800xf32, #tpu.memory_space<vmem>>) offsets(%arg17 : memref<800xi32, #tpu.memory_space<vmem>>) semaphore(%arg32 : memref<!tpu.dma_semaphore, #tpu.memory_space<semaphore_mem>>)
      } else {
      }
      %parallel_loop3A_141 = arith.constant 0 : i32
      %parallel_loop3A_142 = arith.constant 50 : i32
      %parallel_loop3A_143 = arith.constant 1 : i32
      scf.for %parallel_loop3A_153 = %parallel_loop3A_141 to %parallel_loop3A_142 step %parallel_loop3A_143  : i32 {
        %parallel_loop3A_154 = arith.constant 16 : i32
        %parallel_loop3A_155 = arith.muli %parallel_loop3A_153, %parallel_loop3A_154 : i32
        %parallel_loop3A_156 = arith.index_cast %parallel_loop3A_155 : i32 to index
        %parallel_loop3A_157 = tpu.vector_load %arg22[%parallel_loop3A_156] {strides = array<i32>} : memref<800xf32, #tpu.memory_space<vmem>>, vector<16xf32>,
        %parallel_loop3A_158 = arith.constant 0.000000e+00 : f32
        %parallel_loop3A_159 = vector.broadcast %parallel_loop3A_158 : f32 to vector<16xf32>
        %parallel_loop3A_160 = arith.maximumf %parallel_loop3A_157, %parallel_loop3A_159 : vector<16xf32>
        %parallel_loop3A_161 = arith.constant 5.99999952 : f32
        %parallel_loop3A_162 = vector.broadcast %parallel_loop3A_161 : f32 to vector<16xf32>
        %parallel_loop3A_163 = arith.minimumf %parallel_loop3A_160, %parallel_loop3A_162 : vector<16xf32>
        %parallel_loop3A_164 = arith.constant 1365.16663 : f32
        %parallel_loop3A_165 = vector.broadcast %parallel_loop3A_164 : f32 to vector<16xf32>
        %parallel_loop3A_166 = arith.mulf %parallel_loop3A_163, %parallel_loop3A_165 : vector<16xf32>
        %parallel_loop3A_167 = arith.fptosi %parallel_loop3A_166 : vector<16xf32> to vector<16xi32>
        %parallel_loop3A_168 = arith.sitofp %parallel_loop3A_167 : vector<16xi32> to vector<16xf32>
        %parallel_loop3A_169 = arith.subf %parallel_loop3A_166, %parallel_loop3A_168 : vector<16xf32>
        %parallel_loop3A_170 = arith.index_cast %parallel_loop3A_155 : i32 to index
        %parallel_loop3A_171 = tpu.vector_load %arg25[%parallel_loop3A_170] {strides = array<i32>} : memref<800xi32, #tpu.memory_space<vmem>>, vector<16xi32>,
        %parallel_loop3A_172 = arith.index_cast %parallel_loop3A_155 : i32 to index
        %parallel_loop3A_173 = tpu.vector_load %arg26[%parallel_loop3A_172] {strides = array<i32>} : memref<800xi32, #tpu.memory_space<vmem>>, vector<16xi32>,
        %parallel_loop3A_174 = arith.constant 3 : i32
        %parallel_loop3A_175 = vector.broadcast %parallel_loop3A_174 : i32 to vector<16xi32>
        %parallel_loop3A_176 = arith.muli %parallel_loop3A_171, %parallel_loop3A_175 : vector<16xi32>
        %parallel_loop3A_177 = arith.addi %parallel_loop3A_176, %parallel_loop3A_173 : vector<16xi32>
        %parallel_loop3A_178 = arith.addi %parallel_loop3A_177, %parallel_loop3A_167 : vector<16xi32>
        %parallel_loop3A_179 = tpu.vector_load_idx %arg14[%parallel_loop3A_178] : memref<73728xf32, #tpu.memory_space<vmem>>[vector<16xi32>], vector<16xf32>,
        %parallel_loop3A_180 = arith.constant 1 : i32
        %parallel_loop3A_181 = vector.broadcast %parallel_loop3A_180 : i32 to vector<16xi32>
        %parallel_loop3A_182 = arith.addi %parallel_loop3A_178, %parallel_loop3A_181 : vector<16xi32>
        %parallel_loop3A_183 = tpu.vector_load_idx %arg14[%parallel_loop3A_182] : memref<73728xf32, #tpu.memory_space<vmem>>[vector<16xi32>], vector<16xf32>,
        %parallel_loop3A_184 = arith.subf %parallel_loop3A_183, %parallel_loop3A_179 : vector<16xf32>
        %parallel_loop3A_185 = arith.mulf %parallel_loop3A_169, %parallel_loop3A_184 : vector<16xf32>
        %parallel_loop3A_186 = arith.addf %parallel_loop3A_179, %parallel_loop3A_185 : vector<16xf32>
        %parallel_loop3A_187 = arith.addi %parallel_loop3A_173, %parallel_loop3A_167 : vector<16xi32>
        %parallel_loop3A_188 = tpu.vector_load_idx %arg13[%parallel_loop3A_187] : memref<24576xf32, #tpu.memory_space<vmem>>[vector<16xi32>], vector<16xf32>,
        %parallel_loop3A_189 = arith.addi %parallel_loop3A_173, %parallel_loop3A_167 : vector<16xi32>
        %parallel_loop3A_190 = arith.constant 1 : i32
        %parallel_loop3A_191 = vector.broadcast %parallel_loop3A_190 : i32 to vector<16xi32>
        %parallel_loop3A_192 = arith.addi %parallel_loop3A_189, %parallel_loop3A_191 : vector<16xi32>
        %parallel_loop3A_193 = tpu.vector_load_idx %arg13[%parallel_loop3A_192] : memref<24576xf32, #tpu.memory_space<vmem>>[vector<16xi32>], vector<16xf32>,
        %parallel_loop3A_194 = arith.subf %parallel_loop3A_193, %parallel_loop3A_188 : vector<16xf32>
        %parallel_loop3A_195 = arith.mulf %parallel_loop3A_169, %parallel_loop3A_194 : vector<16xf32>
        %parallel_loop3A_196 = arith.addf %parallel_loop3A_188, %parallel_loop3A_195 : vector<16xf32>
        %parallel_loop3A_197 = arith.addi %parallel_loop3A_171, %parallel_loop3A_167 : vector<16xi32>
        %parallel_loop3A_198 = tpu.vector_load_idx %arg13[%parallel_loop3A_197] : memref<24576xf32, #tpu.memory_space<vmem>>[vector<16xi32>], vector<16xf32>,
        %parallel_loop3A_199 = arith.addi %parallel_loop3A_171, %parallel_loop3A_167 : vector<16xi32>
        %parallel_loop3A_200 = arith.constant 1 : i32
        %parallel_loop3A_201 = vector.broadcast %parallel_loop3A_200 : i32 to vector<16xi32>
        %parallel_loop3A_202 = arith.addi %parallel_loop3A_199, %parallel_loop3A_201 : vector<16xi32>
        %parallel_loop3A_203 = tpu.vector_load_idx %arg13[%parallel_loop3A_202] : memref<24576xf32, #tpu.memory_space<vmem>>[vector<16xi32>], vector<16xf32>,
        %parallel_loop3A_204 = arith.subf %parallel_loop3A_203, %parallel_loop3A_198 : vector<16xf32>
        %parallel_loop3A_205 = arith.mulf %parallel_loop3A_169, %parallel_loop3A_204 : vector<16xf32>
        %parallel_loop3A_206 = arith.addf %parallel_loop3A_198, %parallel_loop3A_205 : vector<16xf32>
        %parallel_loop3A_207 = arith.index_cast %parallel_loop3A_155 : i32 to index
        %parallel_loop3A_208 = tpu.vector_load %arg27[%parallel_loop3A_207] {strides = array<i32>} : memref<800xf32, #tpu.memory_space<vmem>>, vector<16xf32>,
        %parallel_loop3A_209 = arith.mulf %parallel_loop3A_208, %parallel_loop3A_196 : vector<16xf32>
        %parallel_loop3A_210 = arith.addf %parallel_loop3A_186, %parallel_loop3A_209 : vector<16xf32>
        %parallel_loop3A_211 = arith.index_cast %parallel_loop3A_155 : i32 to index
        %parallel_loop3A_212 = tpu.vector_load %arg28[%parallel_loop3A_211] {strides = array<i32>} : memref<800xf32, #tpu.memory_space<vmem>>, vector<16xf32>,
        %parallel_loop3A_213 = arith.mulf %parallel_loop3A_212, %parallel_loop3A_206 : vector<16xf32>
        %parallel_loop3A_214 = arith.addf %parallel_loop3A_210, %parallel_loop3A_213 : vector<16xf32>
        %parallel_loop3A_215 = arith.index_cast %parallel_loop3A_155 : i32 to index
        %parallel_loop3A_216 = tpu.vector_load %arg30[%parallel_loop3A_215] {strides = array<i32>} : memref<800xf32, #tpu.memory_space<vmem>>, vector<16xf32>,
        tpu.vector_store %arg30[%parallel_loop3A_215], %parallel_loop3A_214 {strides = array<i32>} : memref<800xf32, #tpu.memory_space<vmem>>, vector<16xf32>,
      } {sc.loop_unroll_factor = 4 : i64, sc.parallel_access}
      %mul3A_144 = arith.constant 100000 : i32
      %mul3A_145 = arith.muli %add3A, %mul3A_144 : i32
      %mul3A_146 = arith.constant 800 : i32
      %mul3A_147 = arith.muli %add3A_119, %mul3A_146 : i32
      %add3A_148 = arith.addi %mul3A_145, %mul3A_147 : i32
      %add3A_149 = arith.constant 100000 : i32
      %add3A_150 = arith.addi %add3A_149, %add3A_148 : i32
      %dma_start3A_151 = tpu.memref_slice %arg11[%add3A_150] : memref<3300000xf32, #tpu.memory_space<hbm>> -> memref<800xf32, #tpu.memory_space<hbm>>
      %dma_start3A_152 = tpu.memref_slice %arg11[%add3A_150] : memref<3300000xf32, #tpu.memory_space<hbm>> -> memref<800xf32, #tpu.memory_space<hbm>>
      tpu.enqueue_dma source(%arg30 : memref<800xf32, #tpu.memory_space<vmem>>) target(%dma_start3A_152 : memref<800xf32, #tpu.memory_space<hbm>>) target_semaphore(%arg33 : memref<!tpu.dma_semaphore, #tpu.memory_space<semaphore_mem>>)
    }
    %scan3A_56 = arith.constant 62 : i32
    %dma_wait3A_57 = arith.constant 100000 : i32
    %dma_wait3A_58 = tpu.memref_slice %arg11[%dma_wait3A_57] : memref<3300000xf32, #tpu.memory_space<hbm>> -> memref<800xf32, #tpu.memory_space<hbm>>
    %dma_wait3A_59 = arith.constant 100000 : i32
    %dma_wait3A_60 = tpu.memref_slice %arg11[%dma_wait3A_59] : memref<3300000xf32, #tpu.memory_space<hbm>> -> memref<800xf32, #tpu.memory_space<hbm>>
    tpu.wait_dma2 semaphore(%arg33 : memref<!tpu.dma_semaphore, #tpu.memory_space<semaphore_mem>>) src(%arg29 : memref<800xf32, #tpu.memory_space<vmem>>) dst(%dma_wait3A_60 : memref<800xf32, #tpu.memory_space<hbm>>)
    %dma_wait3A_61 = arith.constant 0 : i32
    %dma_wait3A_62 = tpu.memref_slice %arg12[%dma_wait3A_61] : memref<100352xf32, #tpu.memory_space<vmem_shared>> -> memref<100352xf32, #tpu.memory_space<vmem_shared>>
    tpu.wait_indirect_dma semaphore(%arg32 : memref<!tpu.dma_semaphore, #tpu.memory_space<semaphore_mem>>) src(%dma_wait3A_62 : memref<100352xf32, #tpu.memory_space<vmem_shared>>) dst(%arg20 : memref<800xf32, #tpu.memory_space<vmem>>)
    %dma_wait3A_63 = arith.constant 0 : i32
    %dma_wait3A_64 = tpu.memref_slice %arg12[%dma_wait3A_63] : memref<100352xf32, #tpu.memory_space<vmem_shared>> -> memref<100352xf32, #tpu.memory_space<vmem_shared>>
    tpu.wait_indirect_dma semaphore(%arg32 : memref<!tpu.dma_semaphore, #tpu.memory_space<semaphore_mem>>) src(%dma_wait3A_64 : memref<100352xf32, #tpu.memory_space<vmem_shared>>) dst(%arg21 : memref<800xf32, #tpu.memory_space<vmem>>)
    %parallel_loop3A = arith.constant 0 : i32
    %parallel_loop3A_65 = arith.constant 50 : i32
    %parallel_loop3A_66 = arith.constant 1 : i32
    scf.for %parallel_loop3A_83 = %parallel_loop3A to %parallel_loop3A_65 step %parallel_loop3A_66  : i32 {
      %parallel_loop3A_84 = arith.constant 16 : i32
      %parallel_loop3A_85 = arith.muli %parallel_loop3A_83, %parallel_loop3A_84 : i32
      %parallel_loop3A_86 = arith.index_cast %parallel_loop3A_85 : i32 to index
      %parallel_loop3A_87 = tpu.vector_load %arg15[%parallel_loop3A_86] {strides = array<i32>} : memref<800xf32, #tpu.memory_space<vmem>>, vector<16xf32>,
      %parallel_loop3A_88 = arith.constant 0.000000e+00 : f32
      %parallel_loop3A_89 = vector.broadcast %parallel_loop3A_88 : f32 to vector<16xf32>
      %parallel_loop3A_90 = arith.maximumf %parallel_loop3A_87, %parallel_loop3A_89 : vector<16xf32>
      %parallel_loop3A_91 = arith.constant 5.99999952 : f32
      %parallel_loop3A_92 = vector.broadcast %parallel_loop3A_91 : f32 to vector<16xf32>
      %parallel_loop3A_93 = arith.minimumf %parallel_loop3A_90, %parallel_loop3A_92 : vector<16xf32>
      %parallel_loop3A_94 = arith.constant 1365.16663 : f32
      %parallel_loop3A_95 = vector.broadcast %parallel_loop3A_94 : f32 to vector<16xf32>
      %parallel_loop3A_96 = arith.mulf %parallel_loop3A_93, %parallel_loop3A_95 : vector<16xf32>
      %parallel_loop3A_97 = arith.fptosi %parallel_loop3A_96 : vector<16xf32> to vector<16xi32>
      %parallel_loop3A_98 = arith.sitofp %parallel_loop3A_97 : vector<16xi32> to vector<16xf32>
      %parallel_loop3A_99 = arith.subf %parallel_loop3A_96, %parallel_loop3A_98 : vector<16xf32>
      %parallel_loop3A_100 = arith.index_cast %parallel_loop3A_85 : i32 to index
      %parallel_loop3A_101 = tpu.vector_load %arg18[%parallel_loop3A_100] {strides = array<i32>} : memref<800xi32, #tpu.memory_space<vmem>>, vector<16xi32>,
      %parallel_loop3A_102 = arith.index_cast %parallel_loop3A_85 : i32 to index
      %parallel_loop3A_103 = tpu.vector_load %arg19[%parallel_loop3A_102] {strides = array<i32>} : memref<800xi32, #tpu.memory_space<vmem>>, vector<16xi32>,
      %parallel_loop3A_104 = arith.constant 3 : i32
      %parallel_loop3A_105 = vector.broadcast %parallel_loop3A_104 : i32 to vector<16xi32>
      %parallel_loop3A_106 = arith.muli %parallel_loop3A_101, %parallel_loop3A_105 : vector<16xi32>
      %parallel_loop3A_107 = arith.addi %parallel_loop3A_106, %parallel_loop3A_103 : vector<16xi32>
      %parallel_loop3A_108 = arith.addi %parallel_loop3A_107, %parallel_loop3A_97 : vector<16xi32>
      %parallel_loop3A_109 = tpu.vector_load_idx %arg14[%parallel_loop3A_108] : memref<73728xf32, #tpu.memory_space<vmem>>[vector<16xi32>], vector<16xf32>,
      %parallel_loop3A_110 = arith.constant 1 : i32
      %parallel_loop3A_111 = vector.broadcast %parallel_loop3A_110 : i32 to vector<16xi32>
      %parallel_loop3A_112 = arith.addi %parallel_loop3A_108, %parallel_loop3A_111 : vector<16xi32>
      %parallel_loop3A_113 = tpu.vector_load_idx %arg14[%parallel_loop3A_112] : memref<73728xf32, #tpu.memory_space<vmem>>[vector<16xi32>], vector<16xf32>,
      %parallel_loop3A_114 = arith.subf %parallel_loop3A_113, %parallel_loop3A_109 : vector<16xf32>
      %parallel_loop3A_115 = arith.mulf %parallel_loop3A_99, %parallel_loop3A_114 : vector<16xf32>
      %parallel_loop3A_116 = arith.addf %parallel_loop3A_109, %parallel_loop3A_115 : vector<16xf32>
      %parallel_loop3A_117 = arith.addi %parallel_loop3A_103, %parallel_loop3A_97 : vector<16xi32>
      %parallel_loop3A_118 = tpu.vector_load_idx %arg13[%parallel_loop3A_117] : memref<24576xf32, #tpu.memory_space<vmem>>[vector<16xi32>], vector<16xf32>,
      %parallel_loop3A_119 = arith.addi %parallel_loop3A_103, %parallel_loop3A_97 : vector<16xi32>
      %parallel_loop3A_120 = arith.constant 1 : i32
      %parallel_loop3A_121 = vector.broadcast %parallel_loop3A_120 : i32 to vector<16xi32>
      %parallel_loop3A_122 = arith.addi %parallel_loop3A_119, %parallel_loop3A_121 : vector<16xi32>
      %parallel_loop3A_123 = tpu.vector_load_idx %arg13[%parallel_loop3A_122] : memref<24576xf32, #tpu.memory_space<vmem>>[vector<16xi32>], vector<16xf32>,
      %parallel_loop3A_124 = arith.subf %parallel_loop3A_123, %parallel_loop3A_118 : vector<16xf32>
      %parallel_loop3A_125 = arith.mulf %parallel_loop3A_99, %parallel_loop3A_124 : vector<16xf32>
      %parallel_loop3A_126 = arith.addf %parallel_loop3A_118, %parallel_loop3A_125 : vector<16xf32>
      %parallel_loop3A_127 = arith.addi %parallel_loop3A_101, %parallel_loop3A_97 : vector<16xi32>
      %parallel_loop3A_128 = tpu.vector_load_idx %arg13[%parallel_loop3A_127] : memref<24576xf32, #tpu.memory_space<vmem>>[vector<16xi32>], vector<16xf32>,
      %parallel_loop3A_129 = arith.addi %parallel_loop3A_101, %parallel_loop3A_97 : vector<16xi32>
      %parallel_loop3A_130 = arith.constant 1 : i32
      %parallel_loop3A_131 = vector.broadcast %parallel_loop3A_130 : i32 to vector<16xi32>
      %parallel_loop3A_132 = arith.addi %parallel_loop3A_129, %parallel_loop3A_131 : vector<16xi32>
      %parallel_loop3A_133 = tpu.vector_load_idx %arg13[%parallel_loop3A_132] : memref<24576xf32, #tpu.memory_space<vmem>>[vector<16xi32>], vector<16xf32>,
      %parallel_loop3A_134 = arith.subf %parallel_loop3A_133, %parallel_loop3A_128 : vector<16xf32>
      %parallel_loop3A_135 = arith.mulf %parallel_loop3A_99, %parallel_loop3A_134 : vector<16xf32>
      %parallel_loop3A_136 = arith.addf %parallel_loop3A_128, %parallel_loop3A_135 : vector<16xf32>
      %parallel_loop3A_137 = arith.index_cast %parallel_loop3A_85 : i32 to index
      %parallel_loop3A_138 = tpu.vector_load %arg20[%parallel_loop3A_137] {strides = array<i32>} : memref<800xf32, #tpu.memory_space<vmem>>, vector<16xf32>,
      %parallel_loop3A_139 = arith.mulf %parallel_loop3A_138, %parallel_loop3A_126 : vector<16xf32>
      %parallel_loop3A_140 = arith.addf %parallel_loop3A_116, %parallel_loop3A_139 : vector<16xf32>
      %parallel_loop3A_141 = arith.index_cast %parallel_loop3A_85 : i32 to index
      %parallel_loop3A_142 = tpu.vector_load %arg21[%parallel_loop3A_141] {strides = array<i32>} : memref<800xf32, #tpu.memory_space<vmem>>, vector<16xf32>,
      %parallel_loop3A_143 = arith.mulf %parallel_loop3A_142, %parallel_loop3A_136 : vector<16xf32>
      %parallel_loop3A_144 = arith.addf %parallel_loop3A_140, %parallel_loop3A_143 : vector<16xf32>
      %parallel_loop3A_145 = arith.index_cast %parallel_loop3A_85 : i32 to index
      %parallel_loop3A_146 = tpu.vector_load %arg29[%parallel_loop3A_145] {strides = array<i32>} : memref<800xf32, #tpu.memory_space<vmem>>, vector<16xf32>,
      tpu.vector_store %arg29[%parallel_loop3A_145], %parallel_loop3A_144 {strides = array<i32>} : memref<800xf32, #tpu.memory_space<vmem>>, vector<16xf32>,
    } {sc.loop_unroll_factor = 4 : i64, sc.parallel_access}
    %mul3A_67 = arith.constant 100000 : i32
    %mul3A_68 = arith.muli %add3A, %mul3A_67 : i32
    %add3A_69 = arith.constant 99200 : i32
    %add3A_70 = arith.addi %mul3A_68, %add3A_69 : i32
    %add3A_71 = arith.constant 100000 : i32
    %add3A_72 = arith.addi %add3A_71, %add3A_70 : i32
    %dma_start3A_73 = tpu.memref_slice %arg11[%add3A_72] : memref<3300000xf32, #tpu.memory_space<hbm>> -> memref<800xf32, #tpu.memory_space<hbm>>
    %dma_start3A_74 = tpu.memref_slice %arg11[%add3A_72] : memref<3300000xf32, #tpu.memory_space<hbm>> -> memref<800xf32, #tpu.memory_space<hbm>>
    tpu.enqueue_dma source(%arg29 : memref<800xf32, #tpu.memory_space<vmem>>) target(%dma_start3A_74 : memref<800xf32, #tpu.memory_space<hbm>>) target_semaphore(%arg33 : memref<!tpu.dma_semaphore, #tpu.memory_space<semaphore_mem>>)
    %dma_wait3A_75 = arith.constant 100000 : i32
    %dma_wait3A_76 = tpu.memref_slice %arg11[%dma_wait3A_75] : memref<3300000xf32, #tpu.memory_space<hbm>> -> memref<800xf32, #tpu.memory_space<hbm>>
    %dma_wait3A_77 = arith.constant 100000 : i32
    %dma_wait3A_78 = tpu.memref_slice %arg11[%dma_wait3A_77] : memref<3300000xf32, #tpu.memory_space<hbm>> -> memref<800xf32, #tpu.memory_space<hbm>>
    tpu.wait_dma2 semaphore(%arg33 : memref<!tpu.dma_semaphore, #tpu.memory_space<semaphore_mem>>) src(%arg29 : memref<800xf32, #tpu.memory_space<vmem>>) dst(%dma_wait3A_78 : memref<800xf32, #tpu.memory_space<hbm>>)
    %dma_wait3A_79 = arith.constant 100000 : i32
    %dma_wait3A_80 = tpu.memref_slice %arg11[%dma_wait3A_79] : memref<3300000xf32, #tpu.memory_space<hbm>> -> memref<800xf32, #tpu.memory_space<hbm>>
    %dma_wait3A_81 = arith.constant 100000 : i32
    %dma_wait3A_82 = tpu.memref_slice %arg11[%dma_wait3A_81] : memref<3300000xf32, #tpu.memory_space<hbm>> -> memref<800xf32, #tpu.memory_space<hbm>>
    tpu.wait_dma2 semaphore(%arg33 : memref<!tpu.dma_semaphore, #tpu.memory_space<semaphore_mem>>) src(%arg30 : memref<800xf32, #tpu.memory_space<vmem>>) dst(%dma_wait3A_82 : memref<800xf32, #tpu.memory_space<hbm>>)
    return
  }
}

</mosaic_0001>

<sc_bundles>
// kernel: kernel.11.cloned.1.call-start
scs
__scs_entry_jumppad:
0x0: {  	(pc) =	sbr.rel $0x88, $3  }
0x1: {  	(tag) =	ssettag $0x0;
	lr =	simm.s32 $0x1  }
0x2: {  	[smem:$0x3F96] =	sst lr;
	_ =	strace $0xD0000000  }
0x3: {  	_ = 	snop  }
0x4: {  	_ = 	snop  }
0x5: {  	_ = 	snop  }
0x6: {  	_ = 	snop  }
0x7: {  	_ = 	snop  }
__scs_overlays_trampoline_lowered:
0x8: {  	[smem:$0x3FA5] =	sst s0  }
0x9: {  	[smem:$0x3FA6] =	sst s1  }
0xa: {  	[smem:$0x3FA7] =	sst s2  }
0xb: {  	[smem:$0x3FA8] =	sst s3  }
0xc: {  	[smem:$0x3FA9] =	sst s4  }
0xd: {  	[smem:$0x3FAA] =	sst s5  }
0xe: {  	[smem:$0x3FAB] =	sst s6  }
0xf: {  	[smem:$0x3FAC] =	sst s7  }
0x10: {  	[smem:$0x3FAD] =	sst s8  }
0x11: {  	[smem:$0x3FAE] =	sst s9;
	s0 =	simm.s32 @!p0 $0x0  }
0x12: {  	s1 =	sld [smem:$0x3F94];
	s0 =	simm.s32 @p0 $0x1  }
0x13: {  	[smem:$0x3FAF] =	sst s0;
	s0 =	simm.s32 @!p1 $0x0  }
0x14: {  	s2 =	sld [smem:$0x3F93];
	s0 =	simm.s32 @p1 $0x1  }
0x15: {  	[smem:$0x3FB0] =	sst s0;
	s0 =	simm.s32 @!p2 $0x0  }
0x16: {  	s3 =	sld [smem:$0x3FDB];
	s0 =	simm.s32 @p2 $0x1  }
0x17: {  	s4 =	simm.s32 $0x1BF5;
	[smem:$0x3FB2] =	sst s0  }
0x18: {  	s0 =	sld [smem:$0x3F95];
	_ =	swait.ge [sflag:s4], $0x0  }
0x19: {  	s7 =	sld [smem:$0x3F96]  }
0x1a: {  	s8 =	sadd.s32 $0xFFFFE003, lr  }
0x1b: {  	s9 =	sadd.s32 $0xFFFFFEF7, lr;
	s5 =	simm.s32 $0xFFFFFFFF;
	p2 =	slt.u32 s8, $0xFFFFF086  }
0x1c: {  	p1 =	slt.u32 s9, $0xF7A;
	s5 =	simm.s32 @!p2 $0x0  }
0x1d: {  	s5 =	simm.s32 @p1 $0x1;
	p0 =	seq.s32 s7, s2  }
0x1e: {  	s7 =	smul.u32 @!p0 $0xF7A, s2;
	p2 =	seq.s32 @!p0 s5, $0x0  }
0x1f: {  	s9 =	smul.u32 $0xF7A, s1;
	s8 =	simm.s32 @!p0 $0x1BF5;
	p2 =	por !p2, p0  }
0x20: {  	[sflag:s8] =	ssyncset.s32 @!p0 $0xFFFFF086;
	s6 =	sadd.s32 @!p0 s3, s7;
	s7 =	simm.s32 @!p0 $0x108  }
0x21: {  	s3 =	sadd.s32 s3, s9;
	s6 =	sadd.s32 @!p0 $0x88, s6;
	s7 =	simm.s32 @p2 $0x1082  }
0x22: {  	[simem:s7], [sflag:s8] =	dma.local @!p0 [hbm:s6], $0xF7A  }
0x23: {  	s9 =	sor.u32 $0xD0000000, s2;
	s6 =	simm.s32 $0x108;
	_ =	swait.ge @!p0 [sflag:s8], $0x0  }
0x24: {  	s3 =	sadd.s32 $0x88, s3;
	s6 =	simm.s32 @!p1 $0x1082;
	[sflag:s4] =	ssyncset.s32 $0xFFFFF086  }
0x25: {  	[simem:s6], [sflag:s4] =	dma.local [hbm:s3], $0xF7A  }
0x26: {  	[smem:$0x3F96] =	sst s1;
	(tag) =	ssettag s2;
	_ =	strace s9  }
0x27: {  	s1 =	sld [smem:$0x3FA6]  }
0x28: {  	s2 =	sld [smem:$0x3FA7]  }
0x29: {  	s4 =	sld [smem:$0x3FA9]  }
0x2a: {  	p0 =	seq.s32 s5, $0x0;
	s5 =	sld [smem:$0x3FAA]  }
0x2b: {  	s6 =	sld [smem:$0x3FAB]  }
0x2c: {  	s7 =	sld [smem:$0x3FAC]  }
0x2d: {  	s3 =	simm.s32 $0x108;
	s8 =	sld [smem:$0x3FAD]  }
0x2e: {  	s3 =	simm.s32 @!p0 $0x1082;
	s9 =	sld [smem:$0x3FAE]  }
0x2f: {  	lr =	sadd.s32 s0, s3;
	s0 =	sld [smem:$0x3FA5]  }
0x30: {  	s3 =	sld [smem:$0x3FA8]  }
0x31: {  	[smem:$0x3FB1] =	sst s10  }
0x32: {  	s10 =	sld [smem:$0x3FAF];
	_ =	sdelay $0x3  }
0x33: {  	p0 =	seq.s32 s10, $0x1;
	s10 =	sld [smem:$0x3FB1];
	_ =	sdelay $0x3  }
0x34: {  	[smem:$0x3FB1] =	sst s10  }
0x35: {  	s10 =	sld [smem:$0x3FB0];
	_ =	sdelay $0x3  }
0x36: {  	p1 =	seq.s32 s10, $0x1;
	s10 =	sld [smem:$0x3FB1];
	_ =	sdelay $0x3  }
0x37: {  	[smem:$0x3FB1] =	sst s10  }
0x38: {  	s10 =	sld [smem:$0x3FB2]  }
0x39: {  	_ = 	snop;
	(pc) =	sbr.ind lr, $3  }
0x3a: {  	_ = 	snop  }
0x3b: {  	_ = 	snop  }
0x3c: {  	p2 =	seq.s32 s10, $0x1;
	s10 =	sld [smem:$0x3FB1]  }
0x3d: {  	_ =	shalt  }
0x3e: {  	_ =	shalt  }
0x3f: {  	_ =	shalt  }
0x40: {  	_ =	shalt  }
0x41: {  	_ =	shalt  }
0x42: {  	_ =	shalt  }
0x43: {  	_ =	shalt  }
0x44: {  	_ =	shalt  }
0x45: {  	_ =	shalt  }
0x46: {  	_ =	shalt  }
0x47: {  	_ =	shalt  }
0x48: {  	_ =	shalt  }
0x49: {  	_ =	shalt  }
0x4a: {  	_ =	shalt  }
0x4b: {  	_ =	shalt  }
0x4c: {  	_ =	shalt  }
0x4d: {  	_ =	shalt  }
0x4e: {  	_ =	shalt  }
0x4f: {  	_ =	shalt  }
0x50: {  	_ =	shalt  }
0x51: {  	_ =	shalt  }
0x52: {  	_ =	shalt  }
0x53: {  	_ =	shalt  }
0x54: {  	_ =	shalt  }
0x55: {  	_ =	shalt  }
0x56: {  	_ =	shalt  }
0x57: {  	_ =	shalt  }
0x58: {  	_ =	shalt  }
0x59: {  	_ =	shalt  }
0x5a: {  	_ =	shalt  }
0x5b: {  	_ =	shalt  }
0x5c: {  	_ =	shalt  }
0x5d: {  	_ =	shalt  }
0x5e: {  	_ =	shalt  }
0x5f: {  	_ =	shalt  }
0x60: {  	_ =	shalt  }
0x61: {  	_ =	shalt  }
0x62: {  	_ =	shalt  }
0x63: {  	_ =	shalt  }
0x64: {  	_ =	shalt  }
0x65: {  	_ =	shalt  }
0x66: {  	_ =	shalt  }
0x67: {  	_ =	shalt  }
0x68: {  	_ =	shalt  }
0x69: {  	_ =	shalt  }
0x6a: {  	_ =	shalt  }
0x6b: {  	_ =	shalt  }
0x6c: {  	_ =	shalt  }
0x6d: {  	_ =	shalt  }
0x6e: {  	_ =	shalt  }
0x6f: {  	_ =	shalt  }
0x70: {  	_ =	shalt  }
0x71: {  	_ =	shalt  }
0x72: {  	_ =	shalt  }
0x73: {  	_ =	shalt  }
0x74: {  	_ =	shalt  }
0x75: {  	_ =	shalt  }
0x76: {  	_ =	shalt  }
0x77: {  	_ =	shalt  }
0x78: {  	_ =	shalt  }
0x79: {  	_ =	shalt  }
0x7a: {  	_ =	shalt  }
0x7b: {  	_ =	shalt  }
0x7c: {  	_ =	shalt  }
0x7d: {  	_ =	shalt  }
0x7e: {  	_ =	shalt  }
0x7f: {  	_ =	shalt  }
0x80: {  	_ =	shalt  }
0x81: {  	_ =	shalt  }
0x82: {  	_ =	shalt  }
0x83: {  	_ =	shalt  }
0x84: {  	_ =	shalt  }
0x85: {  	_ =	shalt  }
0x86: {  	_ =	shalt  }
0x87: {  	_ =	shalt  }
.Lfunc_end0:
.L_simem_size_0:
called_computation.2_lowered:
.L_overlay_start_0:
0x88: {  	s2 =	sld [smem:$0x3FD9]  }
0x89: {  	s3 =	sld [smem:$0x3FFE];
	_ =	sdelay $0x1  }
0x8a: {  	s1 =	srdreg.scid  }
0x8b: {  	s0 =	sand.u32 $0x1, s1  }
0x8c: {  	s17 =	sshll.u32 s0, $0xA;
	s2 =	sadd.s32 s3, s2  }
0x8d: {  	s2 =	sadd.s32 s2, s17  }
0x8e: {  	[smem:$0x3FBD] =	sst s2  }
0x8f: {  	_ = 	snop  }
0x90: {  	s2 =	sld [smem:$0x3FC9]  }
0x91: {  	s18 =	sld [smem:$0x3FD0];
	(tm) =	ssettm $0x1  }
0x92: {  	s4 =	sld [smem:$0x3FFB];
	_ =	sdelay $0x3  }
0x93: {  	_ =	strace s4  }
0x94: {  	s4 =	sld [smem:$0x3FFC];
	_ =	sdelay $0x3  }
0x95: {  	_ =	strace s4  }
0x96: {  	s4 =	sld [smem:$0x3FFD];
	_ =	sdelay $0x3  }
0x97: {  	_ =	strace s4  }
0x98: {  	_ =	strace $0x8FFFFFFF  }
0x99: {  	s19 =	sld [smem:$0x3FDB];
	_ =	sdelay $0x1  }
0x9a: {  	s5 =	simm.s32 $_scs_section_size  }
0x9b: {  	s6 =	simm.s32 $_size__tile_overlayer_lowered;
	s7 =	simm.s32 $_tile_overlayer_lowered  }
0x9c: {  	s22 =	simm.s32 $0x1BFF;
	s21 =	sshll.u32 s7, $0x1;
	s4 =	sadd.s32 s5, s19  }
0x9d: {  	s8 =	simm.s32 $0x0;
	s20 =	sshll.u32 s6, $0x1;
	s6 =	sadd.s32 s21, s4  }
0x9e: {  	[timem:s8], [sflag:s22] =	dma.local [hbm:s6], s20  }
0x9f: {  	_ =	swait.ge [sflag:s22], s20  }
0xa0: {  	s5 =	ssub.s32 $0x0, s20;
	[sflag:s22] =	ssyncset.done $0x0  }
0xa1: {  	[sflag:s22] =	ssyncadd.s32 s5;
	_ =	sdelay $0x1  }
0xa2: {  	s23 =	simm.s32 $0x1B8B  }
0xa3: {  	_ =	swait.ge [sflag:s23], $0x1  }
0xa4: {  	[sflag:s23] =	ssyncset.done $0x0  }
0xa5: {  	s25 =	simm.s32 $0x1B8E;
	s24 =	sld [smem:$0x3FFE];
	[sflag:s23] =	ssyncadd.s32 $0xFFFFFFFF  }
0xa6: {  	s26 =	simm.s32 $execute0_lowered;
	[smem:$0x3FD2] =	sst s25  }
0xa7: {  	s6 =	sshll.u32 s26, $0x1;
	_ =	strace $0x8000004C;
	[dreg:$0x1] =	wrdreg $0xFFFFFFFF  }
0xa8: {  	s28 =	simm.s32 $_size_execute0_lowered;
	s4 =	sadd.s32 s4, s6;
	[dreg:$0x0] =	wrdreg $0x0  }
0xa9: {  	s6 =	sshll.u32 s28, $0x1;
	[dreg:$0x2] =	wrdreg s4  }
0xaa: {  	[dreg:$0x3] =	wrdreg s6  }
0xab: {  	[dreg:$0x4] =	wrdreg $0xC0  }
0xac: {  	_ =	task [dreg:s8], $0x5FFFF  }
0xad: {  	[dreg:$0x1] =	wrdreg $0xFFFFFFFF  }
0xae: {  	[dreg:$0x0] =	wrdreg $0x60  }
0xaf: {  	[dreg:$0x2] =	wrdreg s2  }
0xb0: {  	[dreg:$0x3] =	wrdreg s24  }
0xb1: {  	[dreg:$0x4] =	wrdreg s18  }
0xb2: {  	[dreg:$0x5] =	wrdreg $0x0  }
0xb3: {  	[dreg:$0x6] =	wrdreg $0x9  }
0xb4: {  	_ =	task.clear_ibuf [dreg:s8], $0x7FFFF;
	_ =	strace $0x9000004C  }
0xb5: {  	s29 =	simm.s32 $0x9;
	_ =	strace $0x8000004E  }
0xb6: {  	_ =	swait.ge [sflag:s29], $0x1  }
0xb7: {  	[sflag:s29] =	ssyncadd.s32 $0xFFFFFFFF  }
0xb8: {  	_ =	strace $0x9000004E  }
0xb9: {  	_ =	sfence  }
0xba: {  	s30 =	sld [smem:$0x0];
	_ =	sdelay $0x2  }
0xbb: {  	s31 =	sshll.u32 s1, $0xD;
	s1 =	sshrl.u32 s1, $0x2  }
0xbc: {  	s3 =	sand.u32 $0x4000, s31;
	s1 =	sadd.s32 s1, s30  }
0xbd: {  	s0 =	sor.u32 s3, s0;
	s1 =	sshll.u32 s1, $0x11  }
0xbe: {  	s0 =	sor.u32 s1, s0  }
0xbf: {  	s0 =	sadd.s32 $0x8F2B, s0  }
0xc0: {  	[sflag:s0] =	ssyncadd.remote.s32 $0x1  }
0xc1: {  	_ =	sfence.sel $0xFFFF  }
0xc2: {  	[dreg:$0x0] =	wrdreg $0xFFFFFFFF;
	(pc) =	sbr.abs _section_cstart, $3  }
0xc3: {  	[dreg:$0x1] =	wrdreg $0xFFFFFFFF  }
0xc4: {  	_ =	task.clear_ibuf [dreg:s8], $0x2FFFF;
	_ =	strace $0x9FFFFFFF  }
0xc5: {  	(tm) =	ssettm $0x7FFFFFFF  }
tec
execute0_lowered:
.L_overlay_start_1:
0x0: {  	(tag) =	ssettag $0x1  }
0x1: {  	s29 =	rddreg [dreg:$0x0]  }
0x2: {  	s0 =	rddreg [dreg:$0x1]  }
0x3: {  	s2 =	rddreg [dreg:$0x2]  }
0x4: {  	s4 =	rddreg [dreg:$0x3];
	s5 =	simm.s32 $0x0  }
0x5: {  	s14 =	stileid.u32;
	s3 =	srdreg.scid;
	s30 =	simm.s32 $0x1880  }
0x6: {  	s31 =	simm.s32 $0x7880;
	[smem:$0x7FF] =	sst s5;
	s1 =	smul.u32 $0x1880, s14  }
0x7: {  	s6 =	sadd.s32 $0x64400, s0;
	s7 =	sadd.s32 $0x2800, s0;
	s8 =	sadd.s32 $0xFD200, s0  }
0x8: {  	s3 =	sand.u32 $0x1, s3;
	s9 =	sadd.s32 $0x15EE00, s0;
	s12 =	sadd.s32 $0xC8400, s0  }
0x9: {  	s23 =	sadd.s32 $0xC6000, s0;
	s26 =	sshll.u32 s14, $0x6;
	s18 =	smul.u32 $0x320, s14  }
0xa: {  	_ =	strace $0x8000004D;
	s11 =	ssub.s32 $0x2, s3;
	[dreg:$0x5] =	wrdreg s12  }
0xb: {  	[dreg:$0x6] =	wrdreg s23;
	s12 =	sadd.s32 $0x1C1A00, s0;
	s25 =	sshll.u32 s3, $0x4  }
0xc: {  	s15 =	sor.u32 $0x1C04, s26;
	s3 =	smul.u32 $0x3200, s3;
	s26 =	simm.s32 $0x4  }
0xd: {  	s10 =	sshrl.u32 s1, $0x3;
	s13 =	sshrl.u32 s11, $0x1;
	s1 =	sadd.s32 s1, s4  }
0xe: {  	[dreg:$0x8] =	wrdreg s15;
	s15 =	simm.s32 $0x0;
	s10 =	sadd.s32 s10, s0  }
0xf: {  	s24 =	ssub.s32 s11, s13;
	s11 =	sor.u32 s14, s25;
	s14 =	sadd.s32 s18, s3  }
0x10: {  	s10 =	sadd.s32 $0x1C4C00, s10;
	s16 =	smul.u32 $0x186A0, s11;
	[dreg:$0xe] =	wrdreg s14  }
0x11: {  	p0 =	slt.u32 s11, $0x1D;
	s0 =	smax.u32 s24, $0x1;
	[dreg:$0x7] =	wrdreg s10  }
0x12: {  	s24 =	sshrl.u32 s1, $0x3;
	s10 =	simm.s32 $0x4;
	[dreg:$0x11] =	wrdreg s0  }
0x13: {  	s18 =	simm.s32 $0x320;
	[dreg:$0x12] =	wrdreg s24;
	s10 =	simm.s32 @!p0 $0x3  }
0x14: {  	s17 =	sshrl.u32 s16, $0x3;
	s25 =	sadd.s32 $0x640, s16;
	[dreg:$0x9] =	wrdreg s10  }
0x15: {  	s11 =	simm.s32 $0x19F80;
	s19 =	sadd.s32 s29, s17;
	[dreg:$0x13] =	wrdreg s25  }
0x16: {  	s0 =	simm.s32 $0x1C980;
	s20 =	sadd.s32 s6, s17;
	[dreg:$0xa] =	wrdreg s19  }
0x17: {  	s28 =	sadd.s32 $0x186A0, s16;
	s21 =	sadd.s32 s7, s17;
	[dreg:$0xb] =	wrdreg s20  }
0x18: {  	s24 =	smov.u32 s16;
	s22 =	sadd.s32 s8, s17;
	[dreg:$0xc] =	wrdreg s21  }
0x19: {  	s23 =	sadd.s32 s2, s17;
	s10 =	sadd.s32 s9, s17;
	[dreg:$0xd] =	wrdreg s22  }
0x1a: {  	s16 =	simm.s32 $0x2;
	[dreg:$0xf] =	wrdreg s10;
	s3 =	sadd.s32 $0x6144, s23  }
0x1b: {  	s17 =	simm.s32 $0x1;
	s10 =	simm.s32 $0x19C00;
	[dreg:$0x10] =	wrdreg s3  }
.LBB2_1:
0x1c: {  	s1 =	rddreg [dreg:$0x7]  }
0x1d: {  	s3 =	rddreg [dreg:$0x8]  }
0x1e: {  	s13 =	rddreg [dreg:$0x12]  }
0x1f: {  	[spmem:s13], [sflag:s3] =	dma.local [hbm:s1], $0x310  }
0x20: {  	_ =	swait.ge [sflag:s26], $0x310  }
0x21: {  	[sflag:s26] =	ssyncset.done $0x0  }
0x22: {  	s22 =	rddreg [dreg:$0x5];
	[sflag:s26] =	ssyncadd.s32 $0xFFFFFCF0  }
0x23: {  	[tilespmem:s30], [sflag:$0x4] =	stream.linear.gather [hbm4b:s22+s5], $0x6000, $0x38;
	[tilespmem:$0x1D080] =	vst v63  }
0x24: {  	_ =	swait.ge [sflag:s26], $0x6000  }
0x25: {  	[sflag:s26] =	ssyncset.done $0x0  }
0x26: {  	s23 =	rddreg [dreg:$0x6];
	[sflag:s26] =	ssyncadd.s32 $0xFFFFA000  }
0x27: {  	[tilespmem:s31], [sflag:$0x4] =	stream.linear.gather [hbm4b:s23+s5], $0x12000, $0x38;
	[tilespmem:$0x1D080] =	vst v63  }
0x28: {  	_ =	swait.ge [sflag:s26], $0x12000  }
0x29: {  	s25 =	rddreg [dreg:$0x9]  }
0x2a: {  	p1 =	sne.s32 s25, $0x1  }
.Ltmp0:
0x2b: {  	_ = 	snop;
	(pc) =	sbr.rel @!p1 .LBB2_4-.Ltmp0, $3  }
0x2c: {  	_ =	sdelay $0x1  }
0x2d: {  	p0 =	por $0x0, $0x0;
	s1 =	sshrl.u32 s14, $0x3;
	[sflag:s26] =	ssyncset.done $0x0  }
0x2e: {  	[dreg:$0x14] =	wrdreg s15;
	[sflag:s26] =	ssyncadd.s32 $0xFFFEE000;
	s3 =	sadd.s32 $0xFFFFFFFF, s25  }
0x2f: {  	s13 =	sadd.s32 s12, s1  }
0x30: {  	[tilespmem:s0], [sflag:$0x4] =	stream.linear.gather [hbm4b:s13+s5], $0x320, $0x38;
	[tilespmem:$0x1D080] =	vst v63  }
0x31: {  	p1 =	sne.s32 s3, $0x1;
	_ =	swait.ge [sflag:s26], $0x320  }
.Ltmp1:
0x32: {  	[sflag:s26] =	ssyncset.done $0x0;
	(pc) =	sbr.rel @!p1 .LBB2_4-.Ltmp1, $4  }
0x33: {  	s25 =	sadd.s32 s2, s1;
	[sflag:s26] =	ssyncadd.s32 $0xFFFFFCE0  }
0x34: {  	[hbm4b:s25+s5] =	stream.linear.scatter [tilespmem:s0], [sflag:$0x4], $0x320, $0x38;
	[tilespmem:$0x1D080] =	vst v63  }
0x35: {  	s3 =	sadd.s32 $0xFFFFFFFF, s3;
	s13 =	sadd.s32 $0x6400, s14;
	_ =	swait.ge [sflag:s26], $0x320  }
0x36: {  	p0 =	por $0x1, $0x1;
	s1 =	sshrl.u32 s13, $0x3;
	[sflag:s26] =	ssyncset.done $0x0  }
.LBB2_3:
0x37: {  	p1 =	sne.s32 s3, $0x1;
	s14 =	sadd.s32 s12, s1;
	[sflag:s26] =	ssyncadd.s32 $0xFFFFFCE0  }
0x38: {  	[tilespmem:s0], [sflag:$0x4] =	stream.linear.gather [hbm4b:s14+s5], $0x320, $0x38;
	[tilespmem:$0x1D080] =	vst v63  }
0x39: {  	s3 =	sadd.s32 $0xFFFFFFFF, s3;
	_ =	swait.ge [sflag:s26], $0x320  }
.Ltmp2:
0x3a: {  	[sflag:s26] =	ssyncset.done $0x0;
	(pc) =	sbr.rel @p1 .LBB2_3-.Ltmp2, $4  }
0x3b: {  	s1 =	sadd.s32 s2, s1;
	[sflag:s26] =	ssyncadd.s32 $0xFFFFFCE0  }
0x3c: {  	[hbm4b:s1+s5] =	stream.linear.scatter [tilespmem:s0], [sflag:$0x4], $0x320, $0x38;
	[tilespmem:$0x1D080] =	vst v63  }
0x3d: {  	s13 =	sadd.s32 $0x6400, s13;
	_ =	swait.ge [sflag:s26], $0x320  }
0x3e: {  	s1 =	sshrl.u32 s13, $0x3;
	[sflag:s26] =	ssyncset.done $0x0  }
.LBB2_4:
0x3f: {  	s3 =	sadd.s32 s12, s1;
	[sflag:s26] =	ssyncadd.s32 @p0 $0xFFFFFCE0  }
0x40: {  	[tilespmem:s0], [sflag:$0x4] =	stream.linear.gather [hbm4b:s3+s5], $0x320, $0x38;
	[tilespmem:$0x1D080] =	vst v63  }
0x41: {  	_ =	swait.ge [sflag:s26], $0x320  }
0x42: {  	[sflag:s26] =	ssyncset.done $0x0  }
0x43: {  	s22 =	sadd.s32 s2, s1;
	[sflag:s26] =	ssyncadd.s32 $0xFFFFFCE0  }
0x44: {  	[hbm4b:s22+s5] =	stream.linear.scatter [tilespmem:s0], [sflag:$0x4], $0x320, $0x38;
	[tilespmem:$0x1D080] =	vst v63  }
0x45: {  	_ =	swait.ge [sflag:s26], $0x320  }
0x46: {  	[sflag:s26] =	ssyncset.done $0x0  }
0x47: {  	[sflag:s26] =	ssyncadd.s32 $0xFFFFFCE0  }
0x48: {  	[bflag:$0x0] =	sbarrier.arrive $0xFFFF  }
0x49: {  	s25 =	simm.s32 $0x19880;
	s22 =	simm.s32 $0x0;
	s23 =	rddreg [dreg:$0xa]  }
0x4a: {  	[tilespmem:s25], [sflag:$0x1] =	stream.linear.gather [hbm4b:s23+s22], $0x320, $0x38;
	[tilespmem:$0x1D080] =	vst v63  }
0x4b: {  	s13 =	rddreg [dreg:$0xb]  }
0x4c: {  	[tilespmem:s10], [sflag:$0x1] =	stream.linear.gather [hbm4b:s13+s22], $0x320, $0x38;
	[tilespmem:$0x1D080] =	vst v63  }
0x4d: {  	s14 =	rddreg [dreg:$0xc]  }
0x4e: {  	[tilespmem:s11], [sflag:$0x1] =	stream.linear.gather [hbm4b:s14+s22], $0x320, $0x38;
	[tilespmem:$0x1D080] =	vst v63  }
0x4f: {  	s19 =	simm.s32 $0x1A300;
	s15 =	rddreg [dreg:$0xd]  }
0x50: {  	[tilespmem:s19], [sflag:$0x1] =	stream.linear.gather [hbm4b:s15+s22], $0x320, $0x38;
	[tilespmem:$0x1D080] =	vst v63  }
0x51: {  	s21 =	simm.s32 $0x1A680;
	s20 =	rddreg [dreg:$0xf]  }
0x52: {  	[tilespmem:s21], [sflag:$0x1] =	stream.linear.gather [hbm4b:s20+s22], $0x320, $0x38;
	[tilespmem:$0x1D080] =	vst v63  }
0x53: {  	_ =	swait.ge [sflag:s17], $0x320  }
0x54: {  	[sflag:s17] =	ssyncset.done $0x0  }
0x55: {  	[sflag:s17] =	ssyncadd.s32 $0xFFFFFCE0  }
0x56: {  	_ =	swait.ge [sflag:s17], $0x320  }
0x57: {  	[sflag:s17] =	ssyncset.done $0x0  }
0x58: {  	[sflag:s17] =	ssyncadd.s32 $0xFFFFFCE0  }
0x59: {  	_ =	swait.ge [sflag:s17], $0x320  }
0x5a: {  	[sflag:s17] =	ssyncset.done $0x0  }
0x5b: {  	[sflag:s17] =	ssyncadd.s32 $0xFFFFFCE0  }
0x5c: {  	_ =	swait.ge [sflag:s17], $0x320  }
0x5d: {  	[sflag:s17] =	ssyncset.done $0x0  }
0x5e: {  	[sflag:s17] =	ssyncadd.s32 $0xFFFFFCE0  }
0x5f: {  	_ =	swait.ge [sflag:s17], $0x320  }
0x60: {  	[sflag:s17] =	ssyncset.done $0x0  }
0x61: {  	s23 =	simm.s32 $0x1AA00;
	[sflag:s17] =	ssyncadd.s32 $0xFFFFFCE0  }
0x62: {  	[tilespmem:s23], [sflag:$0x2] =	stream.indirect.gather [spmem:s4], $0x1, s10, s18, $0xb8;
	[tilespmem:$0x1D080] =	vst v63  }
0x63: {  	s25 =	simm.s32 $0x1AD80  }
0x64: {  	[tilespmem:s25], [sflag:$0x2] =	stream.indirect.gather [spmem:s4], $0x1, s11, s18, $0xb8;
	[tilespmem:$0x1D080] =	vst v63  }
.LBB2_5:
0x65: {  	s21 =	smul.u32 $0x640, s22;
	_ =	sdelay $0x1  }
0x66: {  	s25 =	sadd.s32 $0x320, s21  }
0x67: {  	s1 =	sadd.s32 s24, s25  }
0x68: {  	s1 =	sshrl.u32 s1, $0x3  }
0x69: {  	s13 =	simm.s32 $0x1B100;
	s3 =	sadd.s32 s29, s1  }
0x6a: {  	[tilespmem:s13], [sflag:$0x1] =	stream.linear.gather [hbm4b:s3+s5], $0x320, $0x38;
	[tilespmem:$0x1D080] =	vst v63  }
0x6b: {  	s19 =	sadd.s32 s6, s1;
	s13 =	simm.s32 $0x1B480  }
0x6c: {  	[tilespmem:s13], [sflag:$0x1] =	stream.linear.gather [hbm4b:s19+s5], $0x320, $0x38;
	[tilespmem:$0x1D080] =	vst v63  }
0x6d: {  	s14 =	simm.s32 $0x1B800;
	s20 =	sadd.s32 s7, s1  }
0x6e: {  	[tilespmem:s14], [sflag:$0x1] =	stream.linear.gather [hbm4b:s20+s5], $0x320, $0x38;
	[tilespmem:$0x1D080] =	vst v63  }
0x6f: {  	s23 =	smov.u32 s29;
	s15 =	simm.s32 $0x1BB80;
	s29 =	sadd.s32 s8, s1  }
0x70: {  	[tilespmem:s15], [sflag:$0x1] =	stream.linear.gather [hbm4b:s29+s5], $0x320, $0x38;
	[tilespmem:$0x1D080] =	vst v63  }
0x71: {  	p0 =	seq.s32 s22, $0x0;
	s1 =	sadd.s32 s9, s1;
	s15 =	simm.s32 $0x1BF00  }
0x72: {  	[tilespmem:s15], [sflag:$0x1] =	stream.linear.gather [hbm4b:s1+s5], $0x320, $0x38;
	[tilespmem:$0x1D080] =	vst v63  }
0x73: {  	s1 =	simm.s32 @!p0 $0x3  }
0x74: {  	_ =	swait.ge @!p0 [sflag:s1], $0x320  }
0x75: {  	[sflag:s1] =	ssyncset.done @!p0 $0x0  }
0x76: {  	[sflag:s1] =	ssyncadd.s32 @!p0 $0xFFFFFCE0  }
0x77: {  	_ =	swait.ge [sflag:s16], $0x320  }
0x78: {  	[sflag:s16] =	ssyncset.done $0x0  }
0x79: {  	[sflag:s16] =	ssyncadd.s32 $0xFFFFFCE0  }
0x7a: {  	_ =	swait.ge [sflag:s16], $0x320  }
0x7b: {  	[sflag:s16] =	ssyncset.done $0x0  }
0x7c: {  	[sflag:s16] =	ssyncadd.s32 $0xFFFFFCE0  }
0x7d: {  	_ =	swait.ge [sflag:s17], $0x320  }
0x7e: {  	[sflag:s17] =	ssyncset.done $0x0  }
0x7f: {  	[sflag:s17] =	ssyncadd.s32 $0xFFFFFCE0  }
0x80: {  	_ =	swait.ge [sflag:s17], $0x320  }
0x81: {  	[sflag:s17] =	ssyncset.done $0x0  }
0x82: {  	[sflag:s17] =	ssyncadd.s32 $0xFFFFFCE0  }
0x83: {  	_ =	swait.ge [sflag:s17], $0x320  }
0x84: {  	[sflag:s17] =	ssyncset.done $0x0  }
0x85: {  	[sflag:s17] =	ssyncadd.s32 $0xFFFFFCE0  }
0x86: {  	_ =	swait.ge [sflag:s17], $0x320  }
0x87: {  	[sflag:s17] =	ssyncset.done $0x0  }
0x88: {  	[sflag:s17] =	ssyncadd.s32 $0xFFFFFCE0  }
0x89: {  	_ =	swait.ge [sflag:s17], $0x320  }
0x8a: {  	[sflag:s17] =	ssyncset.done $0x0  }
0x8b: {  	s19 =	simm.s32 $0x1C280;
	[sflag:s17] =	ssyncadd.s32 $0xFFFFFCE0  }
0x8c: {  	[tilespmem:s19], [sflag:$0x2] =	stream.indirect.gather [spmem:s4], $0x1, s13, s18, $0xb8;
	[tilespmem:$0x1D080] =	vst v63  }
0x8d: {  	s20 =	simm.s32 $0x1C600;
	s29 =	simm.s32 $0x198A0  }
0x8e: {  	[tilespmem:s20], [sflag:$0x2] =	stream.indirect.gather [spmem:s4], $0x1, s14, s18, $0xb8;
	[tilespmem:$0x1D080] =	vst v63  }
0x8f: {  	v0 =	vld [tilespmem:s29+$0x10]  }
0x90: {  	v1 =	vld [tilespmem:s29+$0xFFFFFFF0]  }
0x91: {  	v2 =	vld [tilespmem:s29+$0xFFFFFFE0]  }
0x92: {  	v3 =	vld [tilespmem:s29+$0x0];
	_ =	sdelay $0x1  }
0x93: {  	s3 =	simm.s32 $0x1A320;
	v0 =	vmax.f32 v0, $0.0e+00  }
0x94: {  	v4 =	vld [tilespmem:s3+$0x10];
	v0 =	vmin.f32 v0, $5.999999520e+00  }
0x95: {  	s13 =	simm.s32 $0x1A6A0;
	v2 =	vmax.f32 v2, $0.0e+00;
	v0 =	vmul.f32 $1.365166630e+03, v0  }
0x96: {  	v5 =	vld [tilespmem:s13+$0x10];
	v1 =	vmax.f32 v1, $0.0e+00;
	v3 =	vmax.f32 v3, $0.0e+00;
	v2 =	vmin.f32 v2, $5.999999520e+00  }
0x97: {  	v8 =	vld [tilespmem:s13+$0xFFFFFFE0];
	v1 =	vmin.f32 v1, $5.999999520e+00;
	v2 =	vmul.f32 $1.365166630e+03, v2;
	v6 =	vtrunc.f32 v0  }
0x98: {  	v10 =	vld [tilespmem:s13+$0xFFFFFFF0];
	v3 =	vmin.f32 v3, $5.999999520e+00;
	v1 =	vmul.f32 $1.365166630e+03, v1;
	v6 =	vcvt.f32.s32 v6  }
0x99: {  	v12 =	vld [tilespmem:s13+$0x0];
	v9 =	vmul.u32 $0x3, v4;
	v3 =	vmul.f32 $1.365166630e+03, v3;
	v11 =	vtrunc.f32 v2  }
0x9a: {  	v7 =	vld [tilespmem:s3+$0xFFFFFFE0];
	v13 =	vtrunc.f32 v1;
	v11 =	vcvt.f32.s32 v11;
	v4 =	vadd.s32 v6, v4  }
0x9b: {  	v14 =	vld [tilespmem:s3+$0xFFFFFFF0];
	v16 =	vtrunc.f32 v3;
	v13 =	vcvt.f32.s32 v13;
	v5 =	vadd.s32 v6, v5  }
0x9c: {  	s19 =	simm.s32 $0x1AA20;
	v17 =	vld [tilespmem:s3+$0x0];
	v16 =	vcvt.f32.s32 v16;
	v8 =	vadd.s32 v11, v8  }
0x9d: {  	s14 =	simm.s32 $0x1ADA0;
	v63 =	vld [tilespmem:s19+$0x10];
	v10 =	vadd.s32 v13, v10  }
0x9e: {  	v31 =	vld [tilespmem:s14+$0x10];
	v12 =	vadd.s32 v16, v12  }
0x9f: {  	v9 =	vadd.s32 v9, v5;
	v20 =	vld.idx.msk [tilespmem:v4+s30+$0x0], $0xffff  }
0xa0: {  	v15 =	vadd.s32 $0x1, v5;
	v5 =	vld.idx.msk [tilespmem:v5+s30+$0x0], $0xffff  }
0xa1: {  	v18 =	vadd.s32 $0x1, v4;
	v4 =	vadd.s32 $0x1, v8;
	v28 =	vld.idx.msk [tilespmem:v8+s30+$0x0], $0xffff  }
0xa2: {  	v30 =	vld.idx.msk [tilespmem:v10+s30+$0x0], $0xffff  }
0xa3: {  	v19 =	vadd.s32 $0x1, v9;
	v32 =	vld.idx.msk [tilespmem:v12+s30+$0x0], $0xffff  }
0xa4: {  	v21 =	vadd.s32 $0x1, v10;
	v22 =	vld.idx.msk [tilespmem:v9+s31+$0x0], $0xffff  }
0xa5: {  	v23 =	vmul.u32 $0x3, v7;
	v9 =	vadd.s32 $0x1, v12;
	v15 =	vld.idx.msk [tilespmem:v15+s30+$0x0], $0xffff  }
0xa6: {  	v7 =	vadd.s32 v11, v7;
	v24 =	vld.idx.msk [tilespmem:v4+s30+$0x0], $0xffff;
	v4 =	vmul.u32 $0x3, v14  }
0xa7: {  	v6 =	vcvt.s32.f32 v6;
	v23 =	vadd.s32 v23, v8;
	v18 =	vld.idx.msk [tilespmem:v18+s30+$0x0], $0xffff  }
0xa8: {  	v25 =	vmul.u32 $0x3, v17;
	v19 =	vld.idx.msk [tilespmem:v19+s31+$0x0], $0xffff;
	v27 =	vadd.s32 v4, v10;
	v4 =	vadd.s32 $0x1, v23  }
0xa9: {  	v11 =	vcvt.s32.f32 v11;
	v0 =	vsub.f32 v0, v6;
	v21 =	vld.idx.msk [tilespmem:v21+s30+$0x0], $0xffff  }
0xaa: {  	v8 =	vadd.s32 v25, v12;
	v26 =	vld.idx.msk [tilespmem:v9+s30+$0x0], $0xffff;
	v6 =	vsub.f32 v15, v5;
	v9 =	vadd.s32 $0x1, v27  }
0xab: {  	v17 =	vadd.s32 v16, v17;
	v29 =	vadd.s32 $0x1, v8;
	v10 =	vadd.s32 $0x1, v7;
	v7 =	vld.idx.msk [tilespmem:v7+s30+$0x0], $0xffff  }
0xac: {  	v2 =	vsub.f32 v2, v11;
	v14 =	vadd.s32 v13, v14;
	v11 =	vmul.f32 v6, v0;
	v6 =	vld.idx.msk [tilespmem:v23+s31+$0x0], $0xffff  }
0xad: {  	v15 =	vadd.s32 $0x1, v14;
	v12 =	vsub.f32 v18, v20;
	v33 =	vld.idx.msk [tilespmem:v4+s31+$0x0], $0xffff;
	v4 =	vsub.f32 v19, v22  }
0xae: {  	v16 =	vcvt.s32.f32 v16;
	v13 =	vcvt.s32.f32 v13;
	v5 =	vadd.f32 v11, v5;
	v11 =	vld.idx.msk [tilespmem:v27+s31+$0x0], $0xffff  }
0xaf: {  	v18 =	vadd.s32 $0x1, v17;
	v34 =	vld.idx.msk [tilespmem:v9+s31+$0x0], $0xffff;
	v19 =	vmul.f32 v0, v4;
	v0 =	vmul.f32 v12, v0  }
0xb0: {  	v3 =	vsub.f32 v3, v16;
	v9 =	vld.idx.msk [tilespmem:v29+s31+$0x0], $0xffff;
	v4 =	vsub.f32 v1, v13  }
0xb1: {  	v5 =	vmul.f32 v5, v63;
	v12 =	vld.idx.msk [tilespmem:v10+s30+$0x0], $0xffff;
	v1 =	vadd.f32 v19, v22;
	v0 =	vadd.f32 v0, v20  }
0xb2: {  	v16 =	vsub.f32 v24, v28;
	v13 =	vld.idx.msk [tilespmem:v15+s30+$0x0], $0xffff;
	v19 =	vsub.f32 v21, v30  }
0xb3: {  	v10 =	vld.idx.msk [tilespmem:v8+s31+$0x0], $0xffff;
	v1 =	vadd.f32 v5, v1;
	v0 =	vmul.f32 v0, v31;
	v5 =	vsub.f32 v26, v32  }
0xb4: {  	v15 =	vld.idx.msk [tilespmem:v18+s30+$0x0], $0xffff;
	v20 =	vsub.f32 v33, v6;
	v18 =	vmul.f32 v19, v4  }
0xb5: {  	v16 =	vmul.f32 v16, v2;
	v8 =	vld.idx.msk [tilespmem:v14+s30+$0x0], $0xffff;
	v1 =	vadd.f32 v0, v1;
	v19 =	vmul.f32 v5, v3  }
0xb6: {  	s20 =	simm.s32 $0x1C9A0;
	v0 =	vadd.f32 v18, v30;
	v5 =	vld.idx.msk [tilespmem:v17+s30+$0x0], $0xffff;
	v17 =	vmul.f32 v2, v20;
	v18 =	vsub.f32 v34, v11  }
0xb7: {  	s15 =	simm.s32 $0x198E0;
	s1 =	simm.s32 $0x0;
	v14 =	vadd.f32 v16, v28;
	v16 =	vld [tilespmem:s19+$0xFFFFFFE0];
	[tilespmem:s20+$0x10] =	vst v1;
	v1 =	vadd.f32 v19, v32  }
.LBB2_6:
0xb8: {  	v19 =	vld [tilespmem:s15+$0x10];
	v6 =	vadd.f32 v17, v6;
	v17 =	vmul.f32 v4, v18;
	v9 =	vsub.f32 v9, v10  }
0xb9: {  	v18 =	vld [tilespmem:s15+$0xFFFFFFF0]  }
0xba: {  	s1 =	sadd.s32 $0x4, s1;
	v12 =	vsub.f32 v12, v7;
	v20 =	vld [tilespmem:s15+$0x0];
	v11 =	vadd.f32 v17, v11;
	v9 =	vmul.f32 v3, v9  }
0xbb: {  	p1 =	slt.u32 s1, $0x2C;
	v13 =	vsub.f32 v13, v8;
	v17 =	vld [tilespmem:s15+$0xFFFFFFE0]  }
0xbc: {  	v2 =	vmul.f32 v12, v2;
	v15 =	vsub.f32 v15, v5;
	v12 =	vmul.f32 v14, v16;
	v14 =	vld [tilespmem:s19+$0xFFFFFFF0]  }
0xbd: {  	v4 =	vmul.f32 v13, v4;
	v9 =	vadd.f32 v9, v10;
	v16 =	vmax.f32 v19, $0.0e+00;
	v10 =	vld [tilespmem:s19+$0x0]  }
0xbe: {  	s3 =	sadd.s32 $0x40, s3;
	v3 =	vmul.f32 v15, v3;
	v13 =	vmax.f32 v18, $0.0e+00;
	v16 =	vmin.f32 v16, $5.999999520e+00;
	v18 =	vld [tilespmem:s14+$0xFFFFFFE0]  }
0xbf: {  	s13 =	sadd.s32 $0x40, s13;
	v13 =	vmin.f32 v13, $5.999999520e+00;
	v15 =	vmax.f32 v20, $0.0e+00;
	v16 =	vmul.f32 $1.365166630e+03, v16;
	v19 =	vld [tilespmem:s3+$0x10]  }
0xc0: {  	v17 =	vmax.f32 v17, $0.0e+00;
	v13 =	vmul.f32 $1.365166630e+03, v13;
	v15 =	vmin.f32 v15, $5.999999520e+00;
	v20 =	vld [tilespmem:s13+$0x10]  }
0xc1: {  	v17 =	vmin.f32 v17, $5.999999520e+00;
	v21 =	vld [tilespmem:s3+$0xFFFFFFE0];
	v15 =	vmul.f32 $1.365166630e+03, v15;
	v22 =	vtrunc.f32 v16  }
0xc2: {  	v7 =	vadd.f32 v2, v7;
	v17 =	vmul.f32 $1.365166630e+03, v17;
	v23 =	vld [tilespmem:s13+$0xFFFFFFE0];
	v22 =	vcvt.f32.s32 v22  }
0xc3: {  	v8 =	vadd.f32 v4, v8;
	v2 =	vtrunc.f32 v13;
	v24 =	vld [tilespmem:s3+$0xFFFFFFF0];
	v25 =	vtrunc.f32 v15  }
0xc4: {  	v4 =	vtrunc.f32 v17;
	v26 =	vld [tilespmem:s13+$0xFFFFFFF0];
	v27 =	vmul.u32 $0x3, v19;
	v19 =	vadd.s32 v22, v19  }
0xc5: {  	v2 =	vcvt.f32.s32 v2;
	v4 =	vcvt.f32.s32 v4;
	v28 =	vld [tilespmem:s3+$0x0];
	v20 =	vadd.s32 v22, v20  }
0xc6: {  	v25 =	vcvt.f32.s32 v25;
	v29 =	vmul.u32 $0x3, v21;
	v30 =	vld [tilespmem:s13+$0x0];
	v27 =	vadd.s32 v27, v20  }
0xc7: {  	v31 =	vadd.s32 $0x1, v20;
	v23 =	vadd.s32 v4, v23;
	v21 =	vadd.s32 v4, v21;
	v32 =	vld [tilespmem:s14+$0xFFFFFFF0]  }
0xc8: {  	v35 =	vadd.s32 $0x1, v19;
	v33 =	vadd.s32 $0x1, v23;
	v34 =	vmul.u32 $0x3, v24;
	v36 =	vld [tilespmem:s14+$0x0]  }
0xc9: {  	v37 =	vadd.s32 $0x1, v27;
	v29 =	vadd.s32 v29, v23;
	v26 =	vadd.s32 v2, v26;
	v19 =	vld.idx.msk [tilespmem:v19+s30+$0x0], $0xffff  }
0xca: {  	v34 =	vadd.s32 v34, v26;
	v38 =	vadd.s32 $0x1, v26;
	v39 =	vmul.u32 $0x3, v28;
	v20 =	vld.idx.msk [tilespmem:v20+s30+$0x0], $0xffff  }
0xcb: {  	v24 =	vadd.s32 v2, v24;
	v28 =	vadd.s32 v25, v28;
	v30 =	vadd.s32 v25, v30;
	v27 =	vld.idx.msk [tilespmem:v27+s31+$0x0], $0xffff  }
0xcc: {  	v40 =	vadd.s32 $0x1, v29;
	v39 =	vadd.s32 v39, v30;
	v41 =	vadd.s32 $0x1, v30;
	v31 =	vld.idx.msk [tilespmem:v31+s30+$0x0], $0xffff  }
0xcd: {  	v42 =	vadd.s32 $0x1, v21;
	v43 =	vadd.s32 $0x1, v34;
	v44 =	vadd.s32 $0x1, v39;
	v35 =	vld.idx.msk [tilespmem:v35+s30+$0x0], $0xffff  }
0xce: {  	v4 =	vcvt.s32.f32 v4;
	v45 =	vadd.s32 $0x1, v24;
	v46 =	vadd.s32 $0x1, v28;
	v37 =	vld.idx.msk [tilespmem:v37+s31+$0x0], $0xffff  }
0xcf: {  	v5 =	vadd.f32 v3, v5;
	v47 =	vcvt.s32.f32 v2;
	v25 =	vcvt.s32.f32 v25;
	v33 =	vld.idx.msk [tilespmem:v33+s30+$0x0], $0xffff  }
0xd0: {  	v0 =	vmul.f32 v0, v14;
	v22 =	vcvt.s32.f32 v22;
	v2 =	vsub.f32 v17, v4;
	v17 =	vld.idx.msk [tilespmem:v38+s30+$0x0], $0xffff  }
0xd1: {  	v1 =	vmul.f32 v1, v10;
	v4 =	vsub.f32 v13, v47;
	v3 =	vsub.f32 v15, v25;
	v13 =	vld.idx.msk [tilespmem:v41+s30+$0x0], $0xffff  }
0xd2: {  	s19 =	sadd.s32 $0x40, s19;
	v7 =	vmul.f32 v7, v18;
	v14 =	vsub.f32 v16, v22;
	v15 =	vsub.f32 v31, v20;
	v10 =	vld.idx.msk [tilespmem:v23+s30+$0x0], $0xffff  }
0xd3: {  	v6 =	vadd.f32 v12, v6;
	v0 =	vadd.f32 v0, v11;
	v8 =	vmul.f32 v8, v32;
	v16 =	vld [tilespmem:s19+$0x10]  }
0xd4: {  	s14 =	sadd.s32 $0x40, s14;
	v11 =	vsub.f32 v37, v27;
	v12 =	vmul.f32 v15, v14;
	v15 =	vsub.f32 v35, v19;
	v18 =	vld.idx.msk [tilespmem:v26+s30+$0x0], $0xffff  }
0xd5: {  	v1 =	vadd.f32 v1, v9;
	v6 =	vadd.f32 v7, v6;
	v5 =	vmul.f32 v5, v36;
	v22 =	vld [tilespmem:s14+$0x10]  }
0xd6: {  	v7 =	vmul.f32 v14, v11;
	v9 =	vadd.f32 v12, v20;
	v11 =	vmul.f32 v15, v14;
	v23 =	vld.idx.msk [tilespmem:v30+s30+$0x0], $0xffff  }
0xd7: {  	v0 =	vadd.f32 v8, v0;
	v1 =	vadd.f32 v5, v1;
	v20 =	vld.idx.msk [tilespmem:v40+s31+$0x0], $0xffff;
	[tilespmem:s20+$0xFFFFFFE0] =	vst v6  }
0xd8: {  	v7 =	vadd.f32 v7, v27;
	v8 =	vadd.f32 v11, v19;
	v5 =	vld.idx.msk [tilespmem:v43+s31+$0x0], $0xffff;
	v11 =	vmul.f32 v9, v16  }
0xd9: {  	v12 =	vsub.f32 v33, v10;
	v9 =	vld.idx.msk [tilespmem:v44+s31+$0x0], $0xffff;
	[tilespmem:s20+$0xFFFFFFF0] =	vst v0  }
0xda: {  	v0 =	vsub.f32 v17, v18;
	v6 =	vld.idx.msk [tilespmem:v29+s31+$0x0], $0xffff;
	v7 =	vadd.f32 v11, v7;
	v8 =	vmul.f32 v8, v22  }
0xdb: {  	v14 =	vmul.f32 v12, v2;
	v12 =	vld.idx.msk [tilespmem:v42+s30+$0x0], $0xffff;
	[tilespmem:s20+$0x0] =	vst v1  }
0xdc: {  	v0 =	vmul.f32 v0, v4;
	v1 =	vsub.f32 v13, v23;
	v11 =	vld.idx.msk [tilespmem:v34+s31+$0x0], $0xffff;
	v7 =	vadd.f32 v8, v7  }
0xdd: {  	v14 =	vadd.f32 v14, v10;
	s20 =	sadd.s32 $0x40, s20;
	v13 =	vld.idx.msk [tilespmem:v45+s30+$0x0], $0xffff  }
0xde: {  	s29 =	simm.s32 $0x0;
	v0 =	vadd.f32 v0, v18;
	v1 =	vmul.f32 v1, v3;
	v10 =	vld.idx.msk [tilespmem:v39+s31+$0x0], $0xffff;
	[tilespmem:s20+$0x10] =	vst v7  }
.Ltmp3:
0xdf: {  	v15 =	vld.idx.msk [tilespmem:v46+s30+$0x0], $0xffff;
	(pc) =	sbr.rel @p1 .LBB2_6-.Ltmp3, $4  }
0xe0: {  	v16 =	vsub.f32 v20, v6;
	v1 =	vadd.f32 v1, v23;
	v7 =	vld.idx.msk [tilespmem:v21+s30+$0x0], $0xffff  }
0xe1: {  	v8 =	vld.idx.msk [tilespmem:v24+s30+$0x0], $0xffff  }
0xe2: {  	v17 =	vmul.f32 v2, v16;
	v18 =	vsub.f32 v5, v11;
	v5 =	vld.idx.msk [tilespmem:v28+s30+$0x0], $0xffff  }
0xe3: {  	s15 =	sadd.s32 $0x40, s15;
	v16 =	vld [tilespmem:s19+$0xFFFFFFE0]  }
0xe4: {  	v19 =	vld [tilespmem:s19+$0xFFFFFFF0]  }
0xe5: {  	v9 =	vsub.f32 v9, v10;
	v20 =	vld [tilespmem:s19+$0x0];
	v12 =	vsub.f32 v12, v7  }
0xe6: {  	v18 =	vmul.f32 v4, v18;
	v21 =	vld [tilespmem:s14+$0xFFFFFFE0];
	v6 =	vadd.f32 v17, v6;
	v13 =	vsub.f32 v13, v8  }
0xe7: {  	v59 =	vld [tilespmem:s14+$0xFFFFFFF0];
	v9 =	vmul.f32 v3, v9;
	v15 =	vsub.f32 v15, v5;
	v2 =	vmul.f32 v12, v2  }
0xe8: {  	v62 =	vld [tilespmem:s14+$0x0];
	v11 =	vadd.f32 v18, v11;
	v60 =	vmul.f32 v13, v4;
	v14 =	vmul.f32 v14, v16  }
0xe9: {  	v9 =	vadd.f32 v9, v10;
	v61 =	vmul.f32 v15, v3;
	v2 =	vadd.f32 v2, v7  }
0xea: {  	v0 =	vmul.f32 v0, v19;
	v1 =	vmul.f32 v1, v20;
	v4 =	vadd.f32 v60, v8  }
0xeb: {  	v63 =	vadd.f32 v14, v6;
	v3 =	vadd.f32 v61, v5;
	v2 =	vmul.f32 v2, v21  }
0xec: {  	v0 =	vadd.f32 v0, v11;
	v4 =	vmul.f32 v4, v59  }
0xed: {  	v1 =	vadd.f32 v1, v9;
	v2 =	vadd.f32 v2, v63;
	v3 =	vmul.f32 v3, v62  }
0xee: {  	v0 =	vadd.f32 v4, v0  }
0xef: {  	[tilespmem:s20+$0xFFFFFFE0] =	vst v2;
	v1 =	vadd.f32 v3, v1  }
0xf0: {  	[tilespmem:s20+$0xFFFFFFF0] =	vst v0  }
0xf1: {  	[tilespmem:s20+$0x0] =	vst v1  }
.LBB2_8:
0xf2: {  	s1 =	sshra.s32 s29, $0x2  }
0xf3: {  	v0 =	vld [tilespmem:s1+$0x19B80];
	_ =	sdelay $0x4  }
0xf4: {  	v0 =	vmax.f32 v0, $0.0e+00  }
0xf5: {  	v1 =	vld [tilespmem:s1+$0x1A600];
	v0 =	vmin.f32 v0, $5.999999520e+00  }
0xf6: {  	v2 =	vld [tilespmem:s1+$0x1A980];
	v0 =	vmul.f32 $1.365166630e+03, v0;
	_ =	sdelay $0x1  }
0xf7: {  	v3 =	vtrunc.f32 v0  }
0xf8: {  	v3 =	vcvt.f32.s32 v3;
	_ =	sdelay $0x1  }
0xf9: {  	v4 =	vmul.u32 $0x3, v1;
	v2 =	vadd.s32 v3, v2  }
0xfa: {  	v1 =	vadd.s32 v3, v1  }
0xfb: {  	v4 =	vadd.s32 v4, v2  }
0xfc: {  	v6 =	vadd.s32 $0x1, v2  }
0xfd: {  	v7 =	vadd.s32 $0x1, v1  }
0xfe: {  	v5 =	vadd.s32 $0x1, v4;
	v2 =	vld.idx.msk [tilespmem:v2+s30+$0x0], $0xffff  }
0xff: {  	v1 =	vld.idx.msk [tilespmem:v1+s30+$0x0], $0xffff  }
0x100: {  	v4 =	vld.idx.msk [tilespmem:v4+s31+$0x0], $0xffff  }
0x101: {  	v6 =	vld.idx.msk [tilespmem:v6+s30+$0x0], $0xffff  }
0x102: {  	v7 =	vld.idx.msk [tilespmem:v7+s30+$0x0], $0xffff  }
0x103: {  	v5 =	vld.idx.msk [tilespmem:v5+s31+$0x0], $0xffff  }
0x104: {  	v3 =	vcvt.s32.f32 v3;
	_ =	sdelay $0x1  }
0x105: {  	v0 =	vsub.f32 v0, v3;
	v60 =	vsub.f32 v6, v2  }
0x106: {  	v61 =	vld [tilespmem:s1+$0x1AD00]  }
0x107: {  	v7 =	vsub.f32 v7, v1;
	v5 =	vsub.f32 v5, v4;
	v3 =	vmul.f32 v60, v0  }
0x108: {  	v8 =	vld [tilespmem:s1+$0x1B080]  }
0x109: {  	v62 =	vmul.f32 v0, v5;
	v0 =	vmul.f32 v7, v0;
	v2 =	vadd.f32 v3, v2;
	_ =	sdelay $0x1  }
0x10a: {  	v3 =	vadd.f32 v62, v4;
	v0 =	vadd.f32 v0, v1;
	v63 =	vmul.f32 v2, v61  }
0x10b: {  	p1 =	sne.s32 s29, $0x40  }
.Ltmp4:
0x10c: {  	v0 =	vmul.f32 v0, v8;
	v1 =	vadd.f32 v63, v3;
	(pc) =	sbr.rel @p1 .LBB2_8-.Ltmp4, $3  }
0x10d: {  	_ = 	snop  }
0x10e: {  	v0 =	vadd.f32 v0, v1;
	_ =	sdelay $0x1  }
0x10f: {  	s29 =	sadd.s32 $0x40, s29;
	[tilespmem:s1+$0x1CC80] =	vst v0  }
0x110: {  	s1 =	sadd.s32 s21, s28  }
0x111: {  	s1 =	sshrl.u32 s1, $0x3  }
0x112: {  	s20 =	rddreg [dreg:$0x13];
	s1 =	sadd.s32 s2, s1  }
0x113: {  	[hbm4b:s1+s5] =	stream.linear.scatter [tilespmem:s0], [sflag:$0x3], $0x320, $0x38;
	[tilespmem:$0x1D080] =	vst v63  }
0x114: {  	s1 =	sadd.s32 s21, s20  }
0x115: {  	s1 =	sshrl.u32 s1, $0x3  }
0x116: {  	s13 =	simm.s32 $0x19880;
	s3 =	sadd.s32 s23, s1  }
0x117: {  	[tilespmem:s13], [sflag:$0x1] =	stream.linear.gather [hbm4b:s3+s5], $0x320, $0x38;
	[tilespmem:$0x1D080] =	vst v63  }
0x118: {  	s29 =	smov.u32 s23;
	s23 =	sadd.s32 s6, s1  }
0x119: {  	[tilespmem:s10], [sflag:$0x1] =	stream.linear.gather [hbm4b:s23+s5], $0x320, $0x38;
	[tilespmem:$0x1D080] =	vst v63  }
0x11a: {  	s13 =	sadd.s32 s7, s1  }
0x11b: {  	[tilespmem:s11], [sflag:$0x1] =	stream.linear.gather [hbm4b:s13+s5], $0x320, $0x38;
	[tilespmem:$0x1D080] =	vst v63  }
0x11c: {  	s15 =	simm.s32 $0x1A300;
	s14 =	sadd.s32 s8, s1  }
0x11d: {  	[tilespmem:s15], [sflag:$0x1] =	stream.linear.gather [hbm4b:s14+s5], $0x320, $0x38;
	[tilespmem:$0x1D080] =	vst v63  }
0x11e: {  	s19 =	simm.s32 $0x1A680;
	s1 =	sadd.s32 s9, s1  }
0x11f: {  	[tilespmem:s19], [sflag:$0x1] =	stream.linear.gather [hbm4b:s1+s5], $0x320, $0x38;
	[tilespmem:$0x1D080] =	vst v63  }
0x120: {  	s1 =	simm.s32 @!p0 $0x3  }
0x121: {  	_ =	swait.ge @!p0 [sflag:s1], $0x320  }
0x122: {  	[sflag:s1] =	ssyncset.done @!p0 $0x0  }
0x123: {  	[sflag:s1] =	ssyncadd.s32 @!p0 $0xFFFFFCE0  }
0x124: {  	_ =	swait.ge [sflag:s16], $0x320  }
0x125: {  	[sflag:s16] =	ssyncset.done $0x0  }
0x126: {  	[sflag:s16] =	ssyncadd.s32 $0xFFFFFCE0  }
0x127: {  	_ =	swait.ge [sflag:s16], $0x320  }
0x128: {  	[sflag:s16] =	ssyncset.done $0x0  }
0x129: {  	[sflag:s16] =	ssyncadd.s32 $0xFFFFFCE0  }
0x12a: {  	_ =	swait.ge [sflag:s17], $0x320  }
0x12b: {  	[sflag:s17] =	ssyncset.done $0x0  }
0x12c: {  	[sflag:s17] =	ssyncadd.s32 $0xFFFFFCE0  }
0x12d: {  	_ =	swait.ge [sflag:s17], $0x320  }
0x12e: {  	[sflag:s17] =	ssyncset.done $0x0  }
0x12f: {  	[sflag:s17] =	ssyncadd.s32 $0xFFFFFCE0  }
0x130: {  	_ =	swait.ge [sflag:s17], $0x320  }
0x131: {  	[sflag:s17] =	ssyncset.done $0x0  }
0x132: {  	[sflag:s17] =	ssyncadd.s32 $0xFFFFFCE0  }
0x133: {  	_ =	swait.ge [sflag:s17], $0x320  }
0x134: {  	[sflag:s17] =	ssyncset.done $0x0  }
0x135: {  	[sflag:s17] =	ssyncadd.s32 $0xFFFFFCE0  }
0x136: {  	_ =	swait.ge [sflag:s17], $0x320  }
0x137: {  	[sflag:s17] =	ssyncset.done $0x0  }
0x138: {  	s20 =	simm.s32 $0x1AA00;
	[sflag:s17] =	ssyncadd.s32 $0xFFFFFCE0  }
0x139: {  	[tilespmem:s20], [sflag:$0x2] =	stream.indirect.gather [spmem:s4], $0x1, s10, s18, $0xb8;
	[tilespmem:$0x1D080] =	vst v63  }
0x13a: {  	s21 =	simm.s32 $0x1AD80;
	s23 =	simm.s32 $0x1B120  }
0x13b: {  	[tilespmem:s21], [sflag:$0x2] =	stream.indirect.gather [spmem:s4], $0x1, s11, s18, $0xb8;
	[tilespmem:$0x1D080] =	vst v63  }
0x13c: {  	v0 =	vld [tilespmem:s23+$0x10]  }
0x13d: {  	v1 =	vld [tilespmem:s23+$0xFFFFFFF0]  }
0x13e: {  	v2 =	vld [tilespmem:s23+$0xFFFFFFE0]  }
0x13f: {  	v3 =	vld [tilespmem:s23+$0x0];
	_ =	sdelay $0x1  }
0x140: {  	s3 =	simm.s32 $0x1BBA0;
	v0 =	vmax.f32 v0, $0.0e+00  }
0x141: {  	v4 =	vld [tilespmem:s3+$0x10];
	v0 =	vmin.f32 v0, $5.999999520e+00  }
0x142: {  	s13 =	simm.s32 $0x1BF20;
	v2 =	vmax.f32 v2, $0.0e+00;
	v0 =	vmul.f32 $1.365166630e+03, v0  }
0x143: {  	v5 =	vld [tilespmem:s13+$0x10];
	v1 =	vmax.f32 v1, $0.0e+00;
	v3 =	vmax.f32 v3, $0.0e+00;
	v2 =	vmin.f32 v2, $5.999999520e+00  }
0x144: {  	v8 =	vld [tilespmem:s13+$0xFFFFFFE0];
	v1 =	vmin.f32 v1, $5.999999520e+00;
	v2 =	vmul.f32 $1.365166630e+03, v2;
	v6 =	vtrunc.f32 v0  }
0x145: {  	v10 =	vld [tilespmem:s13+$0xFFFFFFF0];
	v3 =	vmin.f32 v3, $5.999999520e+00;
	v1 =	vmul.f32 $1.365166630e+03, v1;
	v6 =	vcvt.f32.s32 v6  }
0x146: {  	v12 =	vld [tilespmem:s13+$0x0];
	v9 =	vmul.u32 $0x3, v4;
	v3 =	vmul.f32 $1.365166630e+03, v3;
	v11 =	vtrunc.f32 v2  }
0x147: {  	v7 =	vld [tilespmem:s3+$0xFFFFFFE0];
	v13 =	vtrunc.f32 v1;
	v11 =	vcvt.f32.s32 v11;
	v4 =	vadd.s32 v6, v4  }
0x148: {  	v14 =	vld [tilespmem:s3+$0xFFFFFFF0];
	v16 =	vtrunc.f32 v3;
	v13 =	vcvt.f32.s32 v13;
	v5 =	vadd.s32 v6, v5  }
0x149: {  	s19 =	simm.s32 $0x1C2A0;
	v17 =	vld [tilespmem:s3+$0x0];
	v16 =	vcvt.f32.s32 v16;
	v8 =	vadd.s32 v11, v8  }
0x14a: {  	s14 =	simm.s32 $0x1C620;
	v63 =	vld [tilespmem:s19+$0x10];
	v10 =	vadd.s32 v13, v10  }
0x14b: {  	v31 =	vld [tilespmem:s14+$0x10];
	v12 =	vadd.s32 v16, v12  }
0x14c: {  	v9 =	vadd.s32 v9, v5;
	v20 =	vld.idx.msk [tilespmem:v4+s30+$0x0], $0xffff  }
0x14d: {  	v15 =	vadd.s32 $0x1, v5;
	v5 =	vld.idx.msk [tilespmem:v5+s30+$0x0], $0xffff  }
0x14e: {  	v18 =	vadd.s32 $0x1, v4;
	v4 =	vadd.s32 $0x1, v8;
	v28 =	vld.idx.msk [tilespmem:v8+s30+$0x0], $0xffff  }
0x14f: {  	v30 =	vld.idx.msk [tilespmem:v10+s30+$0x0], $0xffff  }
0x150: {  	v19 =	vadd.s32 $0x1, v9;
	v32 =	vld.idx.msk [tilespmem:v12+s30+$0x0], $0xffff  }
0x151: {  	v21 =	vadd.s32 $0x1, v10;
	v22 =	vld.idx.msk [tilespmem:v9+s31+$0x0], $0xffff  }
0x152: {  	v23 =	vmul.u32 $0x3, v7;
	v9 =	vadd.s32 $0x1, v12;
	v15 =	vld.idx.msk [tilespmem:v15+s30+$0x0], $0xffff  }
0x153: {  	v7 =	vadd.s32 v11, v7;
	v24 =	vld.idx.msk [tilespmem:v4+s30+$0x0], $0xffff;
	v4 =	vmul.u32 $0x3, v14  }
0x154: {  	v6 =	vcvt.s32.f32 v6;
	v23 =	vadd.s32 v23, v8;
	v18 =	vld.idx.msk [tilespmem:v18+s30+$0x0], $0xffff  }
0x155: {  	v25 =	vmul.u32 $0x3, v17;
	v19 =	vld.idx.msk [tilespmem:v19+s31+$0x0], $0xffff;
	v27 =	vadd.s32 v4, v10;
	v4 =	vadd.s32 $0x1, v23  }
0x156: {  	v11 =	vcvt.s32.f32 v11;
	v0 =	vsub.f32 v0, v6;
	v21 =	vld.idx.msk [tilespmem:v21+s30+$0x0], $0xffff  }
0x157: {  	v8 =	vadd.s32 v25, v12;
	v26 =	vld.idx.msk [tilespmem:v9+s30+$0x0], $0xffff;
	v6 =	vsub.f32 v15, v5;
	v9 =	vadd.s32 $0x1, v27  }
0x158: {  	v17 =	vadd.s32 v16, v17;
	v29 =	vadd.s32 $0x1, v8;
	v10 =	vadd.s32 $0x1, v7;
	v7 =	vld.idx.msk [tilespmem:v7+s30+$0x0], $0xffff  }
0x159: {  	v2 =	vsub.f32 v2, v11;
	v14 =	vadd.s32 v13, v14;
	v11 =	vmul.f32 v6, v0;
	v6 =	vld.idx.msk [tilespmem:v23+s31+$0x0], $0xffff  }
0x15a: {  	v15 =	vadd.s32 $0x1, v14;
	v12 =	vsub.f32 v18, v20;
	v33 =	vld.idx.msk [tilespmem:v4+s31+$0x0], $0xffff;
	v4 =	vsub.f32 v19, v22  }
0x15b: {  	v16 =	vcvt.s32.f32 v16;
	v13 =	vcvt.s32.f32 v13;
	v5 =	vadd.f32 v11, v5;
	v11 =	vld.idx.msk [tilespmem:v27+s31+$0x0], $0xffff  }
0x15c: {  	v18 =	vadd.s32 $0x1, v17;
	v34 =	vld.idx.msk [tilespmem:v9+s31+$0x0], $0xffff;
	v19 =	vmul.f32 v0, v4;
	v0 =	vmul.f32 v12, v0  }
0x15d: {  	v3 =	vsub.f32 v3, v16;
	v9 =	vld.idx.msk [tilespmem:v29+s31+$0x0], $0xffff;
	v4 =	vsub.f32 v1, v13  }
0x15e: {  	v5 =	vmul.f32 v5, v63;
	v12 =	vld.idx.msk [tilespmem:v10+s30+$0x0], $0xffff;
	v1 =	vadd.f32 v19, v22;
	v0 =	vadd.f32 v0, v20  }
0x15f: {  	v16 =	vsub.f32 v24, v28;
	v13 =	vld.idx.msk [tilespmem:v15+s30+$0x0], $0xffff;
	v19 =	vsub.f32 v21, v30  }
0x160: {  	v10 =	vld.idx.msk [tilespmem:v8+s31+$0x0], $0xffff;
	v1 =	vadd.f32 v5, v1;
	v0 =	vmul.f32 v0, v31;
	v5 =	vsub.f32 v26, v32  }
0x161: {  	v15 =	vld.idx.msk [tilespmem:v18+s30+$0x0], $0xffff;
	v20 =	vsub.f32 v33, v6;
	v18 =	vmul.f32 v19, v4  }
0x162: {  	v16 =	vmul.f32 v16, v2;
	v8 =	vld.idx.msk [tilespmem:v14+s30+$0x0], $0xffff;
	v1 =	vadd.f32 v0, v1;
	v19 =	vmul.f32 v5, v3  }
0x163: {  	s20 =	simm.s32 $0x1CD20;
	v0 =	vadd.f32 v18, v30;
	v5 =	vld.idx.msk [tilespmem:v17+s30+$0x0], $0xffff;
	v17 =	vmul.f32 v2, v20;
	v18 =	vsub.f32 v34, v11  }
0x164: {  	s15 =	simm.s32 $0x1B160;
	s1 =	simm.s32 $0x0;
	v14 =	vadd.f32 v16, v28;
	v16 =	vld [tilespmem:s19+$0xFFFFFFE0];
	[tilespmem:s20+$0x10] =	vst v1;
	v1 =	vadd.f32 v19, v32  }
.LBB2_10:
0x165: {  	v19 =	vld [tilespmem:s15+$0x10];
	v6 =	vadd.f32 v17, v6;
	v17 =	vmul.f32 v4, v18;
	v9 =	vsub.f32 v9, v10  }
0x166: {  	v18 =	vld [tilespmem:s15+$0xFFFFFFF0]  }
0x167: {  	s1 =	sadd.s32 $0x4, s1;
	v12 =	vsub.f32 v12, v7;
	v20 =	vld [tilespmem:s15+$0x0];
	v11 =	vadd.f32 v17, v11;
	v9 =	vmul.f32 v3, v9  }
0x168: {  	p0 =	slt.u32 s1, $0x2C;
	v13 =	vsub.f32 v13, v8;
	v17 =	vld [tilespmem:s15+$0xFFFFFFE0]  }
0x169: {  	v2 =	vmul.f32 v12, v2;
	v15 =	vsub.f32 v15, v5;
	v12 =	vmul.f32 v14, v16;
	v14 =	vld [tilespmem:s19+$0xFFFFFFF0]  }
0x16a: {  	v4 =	vmul.f32 v13, v4;
	v9 =	vadd.f32 v9, v10;
	v16 =	vmax.f32 v19, $0.0e+00;
	v10 =	vld [tilespmem:s19+$0x0]  }
0x16b: {  	s3 =	sadd.s32 $0x40, s3;
	v3 =	vmul.f32 v15, v3;
	v13 =	vmax.f32 v18, $0.0e+00;
	v16 =	vmin.f32 v16, $5.999999520e+00;
	v18 =	vld [tilespmem:s14+$0xFFFFFFE0]  }
0x16c: {  	s13 =	sadd.s32 $0x40, s13;
	v13 =	vmin.f32 v13, $5.999999520e+00;
	v15 =	vmax.f32 v20, $0.0e+00;
	v16 =	vmul.f32 $1.365166630e+03, v16;
	v19 =	vld [tilespmem:s3+$0x10]  }
0x16d: {  	v17 =	vmax.f32 v17, $0.0e+00;
	v13 =	vmul.f32 $1.365166630e+03, v13;
	v15 =	vmin.f32 v15, $5.999999520e+00;
	v20 =	vld [tilespmem:s13+$0x10]  }
0x16e: {  	v17 =	vmin.f32 v17, $5.999999520e+00;
	v21 =	vld [tilespmem:s3+$0xFFFFFFE0];
	v15 =	vmul.f32 $1.365166630e+03, v15;
	v22 =	vtrunc.f32 v16  }
0x16f: {  	v7 =	vadd.f32 v2, v7;
	v17 =	vmul.f32 $1.365166630e+03, v17;
	v23 =	vld [tilespmem:s13+$0xFFFFFFE0];
	v22 =	vcvt.f32.s32 v22  }
0x170: {  	v8 =	vadd.f32 v4, v8;
	v2 =	vtrunc.f32 v13;
	v24 =	vld [tilespmem:s3+$0xFFFFFFF0];
	v25 =	vtrunc.f32 v15  }
0x171: {  	v4 =	vtrunc.f32 v17;
	v26 =	vld [tilespmem:s13+$0xFFFFFFF0];
	v27 =	vmul.u32 $0x3, v19;
	v19 =	vadd.s32 v22, v19  }
0x172: {  	v2 =	vcvt.f32.s32 v2;
	v4 =	vcvt.f32.s32 v4;
	v28 =	vld [tilespmem:s3+$0x0];
	v20 =	vadd.s32 v22, v20  }
0x173: {  	v25 =	vcvt.f32.s32 v25;
	v29 =	vmul.u32 $0x3, v21;
	v30 =	vld [tilespmem:s13+$0x0];
	v27 =	vadd.s32 v27, v20  }
0x174: {  	v31 =	vadd.s32 $0x1, v20;
	v23 =	vadd.s32 v4, v23;
	v21 =	vadd.s32 v4, v21;
	v32 =	vld [tilespmem:s14+$0xFFFFFFF0]  }
0x175: {  	v35 =	vadd.s32 $0x1, v19;
	v33 =	vadd.s32 $0x1, v23;
	v34 =	vmul.u32 $0x3, v24;
	v36 =	vld [tilespmem:s14+$0x0]  }
0x176: {  	v37 =	vadd.s32 $0x1, v27;
	v29 =	vadd.s32 v29, v23;
	v26 =	vadd.s32 v2, v26;
	v19 =	vld.idx.msk [tilespmem:v19+s30+$0x0], $0xffff  }
0x177: {  	v34 =	vadd.s32 v34, v26;
	v38 =	vadd.s32 $0x1, v26;
	v39 =	vmul.u32 $0x3, v28;
	v20 =	vld.idx.msk [tilespmem:v20+s30+$0x0], $0xffff  }
0x178: {  	v24 =	vadd.s32 v2, v24;
	v28 =	vadd.s32 v25, v28;
	v30 =	vadd.s32 v25, v30;
	v27 =	vld.idx.msk [tilespmem:v27+s31+$0x0], $0xffff  }
0x179: {  	v40 =	vadd.s32 $0x1, v29;
	v39 =	vadd.s32 v39, v30;
	v41 =	vadd.s32 $0x1, v30;
	v31 =	vld.idx.msk [tilespmem:v31+s30+$0x0], $0xffff  }
0x17a: {  	v42 =	vadd.s32 $0x1, v21;
	v43 =	vadd.s32 $0x1, v34;
	v44 =	vadd.s32 $0x1, v39;
	v35 =	vld.idx.msk [tilespmem:v35+s30+$0x0], $0xffff  }
0x17b: {  	v4 =	vcvt.s32.f32 v4;
	v45 =	vadd.s32 $0x1, v24;
	v46 =	vadd.s32 $0x1, v28;
	v37 =	vld.idx.msk [tilespmem:v37+s31+$0x0], $0xffff  }
0x17c: {  	v5 =	vadd.f32 v3, v5;
	v47 =	vcvt.s32.f32 v2;
	v25 =	vcvt.s32.f32 v25;
	v33 =	vld.idx.msk [tilespmem:v33+s30+$0x0], $0xffff  }
0x17d: {  	v0 =	vmul.f32 v0, v14;
	v22 =	vcvt.s32.f32 v22;
	v2 =	vsub.f32 v17, v4;
	v17 =	vld.idx.msk [tilespmem:v38+s30+$0x0], $0xffff  }
0x17e: {  	v1 =	vmul.f32 v1, v10;
	v4 =	vsub.f32 v13, v47;
	v3 =	vsub.f32 v15, v25;
	v13 =	vld.idx.msk [tilespmem:v41+s30+$0x0], $0xffff  }
0x17f: {  	s19 =	sadd.s32 $0x40, s19;
	v7 =	vmul.f32 v7, v18;
	v14 =	vsub.f32 v16, v22;
	v15 =	vsub.f32 v31, v20;
	v10 =	vld.idx.msk [tilespmem:v23+s30+$0x0], $0xffff  }
0x180: {  	v6 =	vadd.f32 v12, v6;
	v0 =	vadd.f32 v0, v11;
	v8 =	vmul.f32 v8, v32;
	v16 =	vld [tilespmem:s19+$0x10]  }
0x181: {  	s14 =	sadd.s32 $0x40, s14;
	v11 =	vsub.f32 v37, v27;
	v12 =	vmul.f32 v15, v14;
	v15 =	vsub.f32 v35, v19;
	v18 =	vld.idx.msk [tilespmem:v26+s30+$0x0], $0xffff  }
0x182: {  	v1 =	vadd.f32 v1, v9;
	v6 =	vadd.f32 v7, v6;
	v5 =	vmul.f32 v5, v36;
	v22 =	vld [tilespmem:s14+$0x10]  }
0x183: {  	v7 =	vmul.f32 v14, v11;
	v9 =	vadd.f32 v12, v20;
	v11 =	vmul.f32 v15, v14;
	v23 =	vld.idx.msk [tilespmem:v30+s30+$0x0], $0xffff  }
0x184: {  	v0 =	vadd.f32 v8, v0;
	v1 =	vadd.f32 v5, v1;
	v20 =	vld.idx.msk [tilespmem:v40+s31+$0x0], $0xffff;
	[tilespmem:s20+$0xFFFFFFE0] =	vst v6  }
0x185: {  	v7 =	vadd.f32 v7, v27;
	v8 =	vadd.f32 v11, v19;
	v5 =	vld.idx.msk [tilespmem:v43+s31+$0x0], $0xffff;
	v11 =	vmul.f32 v9, v16  }
0x186: {  	v12 =	vsub.f32 v33, v10;
	v9 =	vld.idx.msk [tilespmem:v44+s31+$0x0], $0xffff;
	[tilespmem:s20+$0xFFFFFFF0] =	vst v0  }
0x187: {  	v0 =	vsub.f32 v17, v18;
	v6 =	vld.idx.msk [tilespmem:v29+s31+$0x0], $0xffff;
	v7 =	vadd.f32 v11, v7;
	v8 =	vmul.f32 v8, v22  }
0x188: {  	v14 =	vmul.f32 v12, v2;
	v12 =	vld.idx.msk [tilespmem:v42+s30+$0x0], $0xffff;
	[tilespmem:s20+$0x0] =	vst v1  }
0x189: {  	v0 =	vmul.f32 v0, v4;
	v1 =	vsub.f32 v13, v23;
	v11 =	vld.idx.msk [tilespmem:v34+s31+$0x0], $0xffff;
	v7 =	vadd.f32 v8, v7  }
0x18a: {  	v14 =	vadd.f32 v14, v10;
	s20 =	sadd.s32 $0x40, s20;
	v13 =	vld.idx.msk [tilespmem:v45+s30+$0x0], $0xffff  }
0x18b: {  	s21 =	simm.s32 $0x0;
	v0 =	vadd.f32 v0, v18;
	v1 =	vmul.f32 v1, v3;
	v10 =	vld.idx.msk [tilespmem:v39+s31+$0x0], $0xffff;
	[tilespmem:s20+$0x10] =	vst v7  }
.Ltmp5:
0x18c: {  	v15 =	vld.idx.msk [tilespmem:v46+s30+$0x0], $0xffff;
	(pc) =	sbr.rel @p0 .LBB2_10-.Ltmp5, $4  }
0x18d: {  	v16 =	vsub.f32 v20, v6;
	v1 =	vadd.f32 v1, v23;
	v7 =	vld.idx.msk [tilespmem:v21+s30+$0x0], $0xffff  }
0x18e: {  	v8 =	vld.idx.msk [tilespmem:v24+s30+$0x0], $0xffff  }
0x18f: {  	v17 =	vmul.f32 v2, v16;
	v18 =	vsub.f32 v5, v11;
	v5 =	vld.idx.msk [tilespmem:v28+s30+$0x0], $0xffff  }
0x190: {  	s15 =	sadd.s32 $0x40, s15;
	v16 =	vld [tilespmem:s19+$0xFFFFFFE0]  }
0x191: {  	v19 =	vld [tilespmem:s19+$0xFFFFFFF0]  }
0x192: {  	v9 =	vsub.f32 v9, v10;
	v20 =	vld [tilespmem:s19+$0x0];
	v12 =	vsub.f32 v12, v7  }
0x193: {  	v18 =	vmul.f32 v4, v18;
	v21 =	vld [tilespmem:s14+$0xFFFFFFE0];
	v6 =	vadd.f32 v17, v6;
	v13 =	vsub.f32 v13, v8  }
0x194: {  	v59 =	vld [tilespmem:s14+$0xFFFFFFF0];
	v9 =	vmul.f32 v3, v9;
	v15 =	vsub.f32 v15, v5;
	v2 =	vmul.f32 v12, v2  }
0x195: {  	v62 =	vld [tilespmem:s14+$0x0];
	v11 =	vadd.f32 v18, v11;
	v60 =	vmul.f32 v13, v4;
	v14 =	vmul.f32 v14, v16  }
0x196: {  	v9 =	vadd.f32 v9, v10;
	v61 =	vmul.f32 v15, v3;
	v2 =	vadd.f32 v2, v7  }
0x197: {  	v0 =	vmul.f32 v0, v19;
	v1 =	vmul.f32 v1, v20;
	v4 =	vadd.f32 v60, v8  }
0x198: {  	v63 =	vadd.f32 v14, v6;
	v3 =	vadd.f32 v61, v5;
	v2 =	vmul.f32 v2, v21  }
0x199: {  	v0 =	vadd.f32 v0, v11;
	v4 =	vmul.f32 v4, v59  }
0x19a: {  	v1 =	vadd.f32 v1, v9;
	v2 =	vadd.f32 v2, v63;
	v3 =	vmul.f32 v3, v62  }
0x19b: {  	v0 =	vadd.f32 v4, v0  }
0x19c: {  	[tilespmem:s20+$0xFFFFFFE0] =	vst v2;
	v1 =	vadd.f32 v3, v1  }
0x19d: {  	[tilespmem:s20+$0xFFFFFFF0] =	vst v0  }
0x19e: {  	[tilespmem:s20+$0x0] =	vst v1  }
.LBB2_12:
0x19f: {  	s1 =	sshra.s32 s21, $0x2  }
0x1a0: {  	v0 =	vld [tilespmem:s1+$0x1B400];
	_ =	sdelay $0x4  }
0x1a1: {  	v0 =	vmax.f32 v0, $0.0e+00  }
0x1a2: {  	v1 =	vld [tilespmem:s1+$0x1BE80];
	v0 =	vmin.f32 v0, $5.999999520e+00  }
0x1a3: {  	v2 =	vld [tilespmem:s1+$0x1C200];
	v0 =	vmul.f32 $1.365166630e+03, v0;
	_ =	sdelay $0x1  }
0x1a4: {  	v3 =	vtrunc.f32 v0  }
0x1a5: {  	v3 =	vcvt.f32.s32 v3;
	_ =	sdelay $0x1  }
0x1a6: {  	v4 =	vmul.u32 $0x3, v1;
	v2 =	vadd.s32 v3, v2  }
0x1a7: {  	v1 =	vadd.s32 v3, v1  }
0x1a8: {  	v4 =	vadd.s32 v4, v2  }
0x1a9: {  	v6 =	vadd.s32 $0x1, v2  }
0x1aa: {  	v7 =	vadd.s32 $0x1, v1  }
0x1ab: {  	v5 =	vadd.s32 $0x1, v4;
	v2 =	vld.idx.msk [tilespmem:v2+s30+$0x0], $0xffff  }
0x1ac: {  	v1 =	vld.idx.msk [tilespmem:v1+s30+$0x0], $0xffff  }
0x1ad: {  	v4 =	vld.idx.msk [tilespmem:v4+s31+$0x0], $0xffff  }
0x1ae: {  	v6 =	vld.idx.msk [tilespmem:v6+s30+$0x0], $0xffff  }
0x1af: {  	v7 =	vld.idx.msk [tilespmem:v7+s30+$0x0], $0xffff  }
0x1b0: {  	v5 =	vld.idx.msk [tilespmem:v5+s31+$0x0], $0xffff  }
0x1b1: {  	v3 =	vcvt.s32.f32 v3;
	_ =	sdelay $0x1  }
0x1b2: {  	v0 =	vsub.f32 v0, v3;
	v60 =	vsub.f32 v6, v2  }
0x1b3: {  	v61 =	vld [tilespmem:s1+$0x1C580]  }
0x1b4: {  	v7 =	vsub.f32 v7, v1;
	v5 =	vsub.f32 v5, v4;
	v3 =	vmul.f32 v60, v0  }
0x1b5: {  	v8 =	vld [tilespmem:s1+$0x1C900]  }
0x1b6: {  	v62 =	vmul.f32 v0, v5;
	v0 =	vmul.f32 v7, v0;
	v2 =	vadd.f32 v3, v2;
	_ =	sdelay $0x1  }
0x1b7: {  	v3 =	vadd.f32 v62, v4;
	v0 =	vadd.f32 v0, v1;
	v63 =	vmul.f32 v2, v61  }
0x1b8: {  	p0 =	sne.s32 s21, $0x40  }
.Ltmp6:
0x1b9: {  	v0 =	vmul.f32 v0, v8;
	v1 =	vadd.f32 v63, v3;
	(pc) =	sbr.rel @p0 .LBB2_12-.Ltmp6, $3  }
0x1ba: {  	_ = 	snop  }
0x1bb: {  	v0 =	vadd.f32 v0, v1;
	_ =	sdelay $0x1  }
0x1bc: {  	s21 =	sadd.s32 $0x40, s21;
	[tilespmem:s1+$0x1D000] =	vst v0  }
0x1bd: {  	s22 =	sadd.s32 $0x1, s22  }
0x1be: {  	p0 =	sne.s32 s22, $0x3E  }
.Ltmp7:
0x1bf: {  	_ = 	snop;
	(pc) =	sbr.rel @p0 .LBB2_5-.Ltmp7, $4  }
0x1c0: {  	s1 =	sadd.s32 s25, s28  }
0x1c1: {  	s1 =	sshrl.u32 s1, $0x3  }
0x1c2: {  	s3 =	simm.s32 $0x1CD00;
	s1 =	sadd.s32 s2, s1  }
0x1c3: {  	[hbm4b:s1+s5] =	stream.linear.scatter [tilespmem:s3], [sflag:$0x3], $0x320, $0x38;
	[tilespmem:$0x1D080] =	vst v63  }
0x1c4: {  	s22 =	simm.s32 $0x3  }
0x1c5: {  	_ =	swait.ge [sflag:s22], $0x320  }
0x1c6: {  	[sflag:s22] =	ssyncset.done $0x0  }
0x1c7: {  	[sflag:s22] =	ssyncadd.s32 $0xFFFFFCE0  }
0x1c8: {  	_ =	swait.ge [sflag:s16], $0x320  }
0x1c9: {  	[sflag:s16] =	ssyncset.done $0x0  }
0x1ca: {  	[sflag:s16] =	ssyncadd.s32 $0xFFFFFCE0  }
0x1cb: {  	_ =	swait.ge [sflag:s16], $0x320  }
0x1cc: {  	[sflag:s16] =	ssyncset.done $0x0  }
0x1cd: {  	s1 =	simm.s32 $0x198A0;
	[sflag:s16] =	ssyncadd.s32 $0xFFFFFCE0  }
0x1ce: {  	v0 =	vld [tilespmem:s1+$0x10]  }
0x1cf: {  	v1 =	vld [tilespmem:s1+$0xFFFFFFF0]  }
0x1d0: {  	v2 =	vld [tilespmem:s1+$0xFFFFFFE0]  }
0x1d1: {  	v3 =	vld [tilespmem:s1+$0x0];
	_ =	sdelay $0x1  }
0x1d2: {  	s3 =	simm.s32 $0x1A320;
	v0 =	vmax.f32 v0, $0.0e+00  }
0x1d3: {  	v4 =	vld [tilespmem:s3+$0x10];
	v0 =	vmin.f32 v0, $5.999999520e+00  }
0x1d4: {  	s13 =	simm.s32 $0x1A6A0;
	v2 =	vmax.f32 v2, $0.0e+00;
	v0 =	vmul.f32 $1.365166630e+03, v0  }
0x1d5: {  	v5 =	vld [tilespmem:s13+$0x10];
	v1 =	vmax.f32 v1, $0.0e+00;
	v3 =	vmax.f32 v3, $0.0e+00;
	v2 =	vmin.f32 v2, $5.999999520e+00  }
0x1d6: {  	v8 =	vld [tilespmem:s13+$0xFFFFFFE0];
	v1 =	vmin.f32 v1, $5.999999520e+00;
	v2 =	vmul.f32 $1.365166630e+03, v2;
	v6 =	vtrunc.f32 v0  }
0x1d7: {  	v10 =	vld [tilespmem:s13+$0xFFFFFFF0];
	v3 =	vmin.f32 v3, $5.999999520e+00;
	v1 =	vmul.f32 $1.365166630e+03, v1;
	v6 =	vcvt.f32.s32 v6  }
0x1d8: {  	v12 =	vld [tilespmem:s13+$0x0];
	v9 =	vmul.u32 $0x3, v4;
	v3 =	vmul.f32 $1.365166630e+03, v3;
	v11 =	vtrunc.f32 v2  }
0x1d9: {  	v7 =	vld [tilespmem:s3+$0xFFFFFFE0];
	v13 =	vtrunc.f32 v1;
	v11 =	vcvt.f32.s32 v11;
	v4 =	vadd.s32 v6, v4  }
0x1da: {  	v14 =	vld [tilespmem:s3+$0xFFFFFFF0];
	v16 =	vtrunc.f32 v3;
	v13 =	vcvt.f32.s32 v13;
	v5 =	vadd.s32 v6, v5  }
0x1db: {  	s19 =	simm.s32 $0x1AA20;
	v17 =	vld [tilespmem:s3+$0x0];
	v16 =	vcvt.f32.s32 v16;
	v8 =	vadd.s32 v11, v8  }
0x1dc: {  	s14 =	simm.s32 $0x1ADA0;
	v63 =	vld [tilespmem:s19+$0x10];
	v10 =	vadd.s32 v13, v10  }
0x1dd: {  	v31 =	vld [tilespmem:s14+$0x10];
	v12 =	vadd.s32 v16, v12  }
0x1de: {  	v9 =	vadd.s32 v9, v5;
	v20 =	vld.idx.msk [tilespmem:v4+s30+$0x0], $0xffff  }
0x1df: {  	v15 =	vadd.s32 $0x1, v5;
	v5 =	vld.idx.msk [tilespmem:v5+s30+$0x0], $0xffff  }
0x1e0: {  	v18 =	vadd.s32 $0x1, v4;
	v4 =	vadd.s32 $0x1, v8;
	v28 =	vld.idx.msk [tilespmem:v8+s30+$0x0], $0xffff  }
0x1e1: {  	v30 =	vld.idx.msk [tilespmem:v10+s30+$0x0], $0xffff  }
0x1e2: {  	v19 =	vadd.s32 $0x1, v9;
	v32 =	vld.idx.msk [tilespmem:v12+s30+$0x0], $0xffff  }
0x1e3: {  	v21 =	vadd.s32 $0x1, v10;
	v22 =	vld.idx.msk [tilespmem:v9+s31+$0x0], $0xffff  }
0x1e4: {  	v23 =	vmul.u32 $0x3, v7;
	v9 =	vadd.s32 $0x1, v12;
	v15 =	vld.idx.msk [tilespmem:v15+s30+$0x0], $0xffff  }
0x1e5: {  	v7 =	vadd.s32 v11, v7;
	v24 =	vld.idx.msk [tilespmem:v4+s30+$0x0], $0xffff;
	v4 =	vmul.u32 $0x3, v14  }
0x1e6: {  	v6 =	vcvt.s32.f32 v6;
	v23 =	vadd.s32 v23, v8;
	v18 =	vld.idx.msk [tilespmem:v18+s30+$0x0], $0xffff  }
0x1e7: {  	v25 =	vmul.u32 $0x3, v17;
	v19 =	vld.idx.msk [tilespmem:v19+s31+$0x0], $0xffff;
	v27 =	vadd.s32 v4, v10;
	v4 =	vadd.s32 $0x1, v23  }
0x1e8: {  	v11 =	vcvt.s32.f32 v11;
	v0 =	vsub.f32 v0, v6;
	v21 =	vld.idx.msk [tilespmem:v21+s30+$0x0], $0xffff  }
0x1e9: {  	v8 =	vadd.s32 v25, v12;
	v26 =	vld.idx.msk [tilespmem:v9+s30+$0x0], $0xffff;
	v6 =	vsub.f32 v15, v5;
	v9 =	vadd.s32 $0x1, v27  }
0x1ea: {  	v17 =	vadd.s32 v16, v17;
	v29 =	vadd.s32 $0x1, v8;
	v10 =	vadd.s32 $0x1, v7;
	v7 =	vld.idx.msk [tilespmem:v7+s30+$0x0], $0xffff  }
0x1eb: {  	v2 =	vsub.f32 v2, v11;
	v14 =	vadd.s32 v13, v14;
	v11 =	vmul.f32 v6, v0;
	v6 =	vld.idx.msk [tilespmem:v23+s31+$0x0], $0xffff  }
0x1ec: {  	v15 =	vadd.s32 $0x1, v14;
	v12 =	vsub.f32 v18, v20;
	v33 =	vld.idx.msk [tilespmem:v4+s31+$0x0], $0xffff;
	v4 =	vsub.f32 v19, v22  }
0x1ed: {  	v16 =	vcvt.s32.f32 v16;
	v13 =	vcvt.s32.f32 v13;
	v5 =	vadd.f32 v11, v5;
	v11 =	vld.idx.msk [tilespmem:v27+s31+$0x0], $0xffff  }
0x1ee: {  	v18 =	vadd.s32 $0x1, v17;
	v34 =	vld.idx.msk [tilespmem:v9+s31+$0x0], $0xffff;
	v19 =	vmul.f32 v0, v4;
	v0 =	vmul.f32 v12, v0  }
0x1ef: {  	v3 =	vsub.f32 v3, v16;
	v9 =	vld.idx.msk [tilespmem:v29+s31+$0x0], $0xffff;
	v4 =	vsub.f32 v1, v13  }
0x1f0: {  	v5 =	vmul.f32 v5, v63;
	v12 =	vld.idx.msk [tilespmem:v10+s30+$0x0], $0xffff;
	v1 =	vadd.f32 v19, v22;
	v0 =	vadd.f32 v0, v20  }
0x1f1: {  	v16 =	vsub.f32 v24, v28;
	v13 =	vld.idx.msk [tilespmem:v15+s30+$0x0], $0xffff;
	v19 =	vsub.f32 v21, v30  }
0x1f2: {  	v10 =	vld.idx.msk [tilespmem:v8+s31+$0x0], $0xffff;
	v1 =	vadd.f32 v5, v1;
	v0 =	vmul.f32 v0, v31;
	v5 =	vsub.f32 v26, v32  }
0x1f3: {  	v15 =	vld.idx.msk [tilespmem:v18+s30+$0x0], $0xffff;
	v20 =	vsub.f32 v33, v6;
	v18 =	vmul.f32 v19, v4  }
0x1f4: {  	v16 =	vmul.f32 v16, v2;
	v8 =	vld.idx.msk [tilespmem:v14+s30+$0x0], $0xffff;
	v1 =	vadd.f32 v0, v1;
	v19 =	vmul.f32 v5, v3  }
0x1f5: {  	s20 =	simm.s32 $0x1C9A0;
	v0 =	vadd.f32 v18, v30;
	v5 =	vld.idx.msk [tilespmem:v17+s30+$0x0], $0xffff;
	v17 =	vmul.f32 v2, v20;
	v18 =	vsub.f32 v34, v11  }
0x1f6: {  	s15 =	simm.s32 $0x198E0;
	s1 =	simm.s32 $0x0;
	v14 =	vadd.f32 v16, v28;
	v16 =	vld [tilespmem:s19+$0xFFFFFFE0];
	[tilespmem:s20+$0x10] =	vst v1;
	v1 =	vadd.f32 v19, v32  }
.LBB2_15:
0x1f7: {  	v19 =	vld [tilespmem:s15+$0x10];
	v6 =	vadd.f32 v17, v6;
	v17 =	vmul.f32 v4, v18;
	v9 =	vsub.f32 v9, v10  }
0x1f8: {  	v18 =	vld [tilespmem:s15+$0xFFFFFFF0]  }
0x1f9: {  	s1 =	sadd.s32 $0x4, s1;
	v12 =	vsub.f32 v12, v7;
	v20 =	vld [tilespmem:s15+$0x0];
	v11 =	vadd.f32 v17, v11;
	v9 =	vmul.f32 v3, v9  }
0x1fa: {  	p0 =	slt.u32 s1, $0x2C;
	v13 =	vsub.f32 v13, v8;
	v17 =	vld [tilespmem:s15+$0xFFFFFFE0]  }
0x1fb: {  	v2 =	vmul.f32 v12, v2;
	v15 =	vsub.f32 v15, v5;
	v12 =	vmul.f32 v14, v16;
	v14 =	vld [tilespmem:s19+$0xFFFFFFF0]  }
0x1fc: {  	v4 =	vmul.f32 v13, v4;
	v9 =	vadd.f32 v9, v10;
	v16 =	vmax.f32 v19, $0.0e+00;
	v10 =	vld [tilespmem:s19+$0x0]  }
0x1fd: {  	s3 =	sadd.s32 $0x40, s3;
	v3 =	vmul.f32 v15, v3;
	v13 =	vmax.f32 v18, $0.0e+00;
	v16 =	vmin.f32 v16, $5.999999520e+00;
	v18 =	vld [tilespmem:s14+$0xFFFFFFE0]  }
0x1fe: {  	s13 =	sadd.s32 $0x40, s13;
	v13 =	vmin.f32 v13, $5.999999520e+00;
	v15 =	vmax.f32 v20, $0.0e+00;
	v16 =	vmul.f32 $1.365166630e+03, v16;
	v19 =	vld [tilespmem:s3+$0x10]  }
0x1ff: {  	v17 =	vmax.f32 v17, $0.0e+00;
	v13 =	vmul.f32 $1.365166630e+03, v13;
	v15 =	vmin.f32 v15, $5.999999520e+00;
	v20 =	vld [tilespmem:s13+$0x10]  }
0x200: {  	v17 =	vmin.f32 v17, $5.999999520e+00;
	v21 =	vld [tilespmem:s3+$0xFFFFFFE0];
	v15 =	vmul.f32 $1.365166630e+03, v15;
	v22 =	vtrunc.f32 v16  }
0x201: {  	v7 =	vadd.f32 v2, v7;
	v17 =	vmul.f32 $1.365166630e+03, v17;
	v23 =	vld [tilespmem:s13+$0xFFFFFFE0];
	v22 =	vcvt.f32.s32 v22  }
0x202: {  	v8 =	vadd.f32 v4, v8;
	v2 =	vtrunc.f32 v13;
	v24 =	vld [tilespmem:s3+$0xFFFFFFF0];
	v25 =	vtrunc.f32 v15  }
0x203: {  	v4 =	vtrunc.f32 v17;
	v26 =	vld [tilespmem:s13+$0xFFFFFFF0];
	v27 =	vmul.u32 $0x3, v19;
	v19 =	vadd.s32 v22, v19  }
0x204: {  	v2 =	vcvt.f32.s32 v2;
	v4 =	vcvt.f32.s32 v4;
	v28 =	vld [tilespmem:s3+$0x0];
	v20 =	vadd.s32 v22, v20  }
0x205: {  	v25 =	vcvt.f32.s32 v25;
	v29 =	vmul.u32 $0x3, v21;
	v30 =	vld [tilespmem:s13+$0x0];
	v27 =	vadd.s32 v27, v20  }
0x206: {  	v31 =	vadd.s32 $0x1, v20;
	v23 =	vadd.s32 v4, v23;
	v21 =	vadd.s32 v4, v21;
	v32 =	vld [tilespmem:s14+$0xFFFFFFF0]  }
0x207: {  	v35 =	vadd.s32 $0x1, v19;
	v33 =	vadd.s32 $0x1, v23;
	v34 =	vmul.u32 $0x3, v24;
	v36 =	vld [tilespmem:s14+$0x0]  }
0x208: {  	v37 =	vadd.s32 $0x1, v27;
	v29 =	vadd.s32 v29, v23;
	v26 =	vadd.s32 v2, v26;
	v19 =	vld.idx.msk [tilespmem:v19+s30+$0x0], $0xffff  }
0x209: {  	v34 =	vadd.s32 v34, v26;
	v38 =	vadd.s32 $0x1, v26;
	v39 =	vmul.u32 $0x3, v28;
	v20 =	vld.idx.msk [tilespmem:v20+s30+$0x0], $0xffff  }
0x20a: {  	v24 =	vadd.s32 v2, v24;
	v28 =	vadd.s32 v25, v28;
	v30 =	vadd.s32 v25, v30;
	v27 =	vld.idx.msk [tilespmem:v27+s31+$0x0], $0xffff  }
0x20b: {  	v40 =	vadd.s32 $0x1, v29;
	v39 =	vadd.s32 v39, v30;
	v41 =	vadd.s32 $0x1, v30;
	v31 =	vld.idx.msk [tilespmem:v31+s30+$0x0], $0xffff  }
0x20c: {  	v42 =	vadd.s32 $0x1, v21;
	v43 =	vadd.s32 $0x1, v34;
	v44 =	vadd.s32 $0x1, v39;
	v35 =	vld.idx.msk [tilespmem:v35+s30+$0x0], $0xffff  }
0x20d: {  	v4 =	vcvt.s32.f32 v4;
	v45 =	vadd.s32 $0x1, v24;
	v46 =	vadd.s32 $0x1, v28;
	v37 =	vld.idx.msk [tilespmem:v37+s31+$0x0], $0xffff  }
0x20e: {  	v5 =	vadd.f32 v3, v5;
	v47 =	vcvt.s32.f32 v2;
	v25 =	vcvt.s32.f32 v25;
	v33 =	vld.idx.msk [tilespmem:v33+s30+$0x0], $0xffff  }
0x20f: {  	v0 =	vmul.f32 v0, v14;
	v22 =	vcvt.s32.f32 v22;
	v2 =	vsub.f32 v17, v4;
	v17 =	vld.idx.msk [tilespmem:v38+s30+$0x0], $0xffff  }
0x210: {  	v1 =	vmul.f32 v1, v10;
	v4 =	vsub.f32 v13, v47;
	v3 =	vsub.f32 v15, v25;
	v13 =	vld.idx.msk [tilespmem:v41+s30+$0x0], $0xffff  }
0x211: {  	s19 =	sadd.s32 $0x40, s19;
	v7 =	vmul.f32 v7, v18;
	v14 =	vsub.f32 v16, v22;
	v15 =	vsub.f32 v31, v20;
	v10 =	vld.idx.msk [tilespmem:v23+s30+$0x0], $0xffff  }
0x212: {  	v6 =	vadd.f32 v12, v6;
	v0 =	vadd.f32 v0, v11;
	v8 =	vmul.f32 v8, v32;
	v16 =	vld [tilespmem:s19+$0x10]  }
0x213: {  	s14 =	sadd.s32 $0x40, s14;
	v11 =	vsub.f32 v37, v27;
	v12 =	vmul.f32 v15, v14;
	v15 =	vsub.f32 v35, v19;
	v18 =	vld.idx.msk [tilespmem:v26+s30+$0x0], $0xffff  }
0x214: {  	v1 =	vadd.f32 v1, v9;
	v6 =	vadd.f32 v7, v6;
	v5 =	vmul.f32 v5, v36;
	v22 =	vld [tilespmem:s14+$0x10]  }
0x215: {  	v7 =	vmul.f32 v14, v11;
	v9 =	vadd.f32 v12, v20;
	v11 =	vmul.f32 v15, v14;
	v23 =	vld.idx.msk [tilespmem:v30+s30+$0x0], $0xffff  }
0x216: {  	v0 =	vadd.f32 v8, v0;
	v1 =	vadd.f32 v5, v1;
	v20 =	vld.idx.msk [tilespmem:v40+s31+$0x0], $0xffff;
	[tilespmem:s20+$0xFFFFFFE0] =	vst v6  }
0x217: {  	v7 =	vadd.f32 v7, v27;
	v8 =	vadd.f32 v11, v19;
	v5 =	vld.idx.msk [tilespmem:v43+s31+$0x0], $0xffff;
	v11 =	vmul.f32 v9, v16  }
0x218: {  	v12 =	vsub.f32 v33, v10;
	v9 =	vld.idx.msk [tilespmem:v44+s31+$0x0], $0xffff;
	[tilespmem:s20+$0xFFFFFFF0] =	vst v0  }
0x219: {  	v0 =	vsub.f32 v17, v18;
	v6 =	vld.idx.msk [tilespmem:v29+s31+$0x0], $0xffff;
	v7 =	vadd.f32 v11, v7;
	v8 =	vmul.f32 v8, v22  }
0x21a: {  	v14 =	vmul.f32 v12, v2;
	v12 =	vld.idx.msk [tilespmem:v42+s30+$0x0], $0xffff;
	[tilespmem:s20+$0x0] =	vst v1  }
0x21b: {  	v0 =	vmul.f32 v0, v4;
	v1 =	vsub.f32 v13, v23;
	v11 =	vld.idx.msk [tilespmem:v34+s31+$0x0], $0xffff;
	v7 =	vadd.f32 v8, v7  }
0x21c: {  	v14 =	vadd.f32 v14, v10;
	s20 =	sadd.s32 $0x40, s20;
	v13 =	vld.idx.msk [tilespmem:v45+s30+$0x0], $0xffff  }
0x21d: {  	s21 =	simm.s32 $0x0;
	v0 =	vadd.f32 v0, v18;
	v1 =	vmul.f32 v1, v3;
	v10 =	vld.idx.msk [tilespmem:v39+s31+$0x0], $0xffff;
	[tilespmem:s20+$0x10] =	vst v7  }
.Ltmp8:
0x21e: {  	v15 =	vld.idx.msk [tilespmem:v46+s30+$0x0], $0xffff;
	(pc) =	sbr.rel @p0 .LBB2_15-.Ltmp8, $4  }
0x21f: {  	v16 =	vsub.f32 v20, v6;
	v1 =	vadd.f32 v1, v23;
	v7 =	vld.idx.msk [tilespmem:v21+s30+$0x0], $0xffff  }
0x220: {  	v8 =	vld.idx.msk [tilespmem:v24+s30+$0x0], $0xffff  }
0x221: {  	v17 =	vmul.f32 v2, v16;
	v18 =	vsub.f32 v5, v11;
	v5 =	vld.idx.msk [tilespmem:v28+s30+$0x0], $0xffff  }
0x222: {  	s15 =	sadd.s32 $0x40, s15;
	v16 =	vld [tilespmem:s19+$0xFFFFFFE0]  }
0x223: {  	v19 =	vld [tilespmem:s19+$0xFFFFFFF0]  }
0x224: {  	v9 =	vsub.f32 v9, v10;
	v20 =	vld [tilespmem:s19+$0x0];
	v12 =	vsub.f32 v12, v7  }
0x225: {  	v18 =	vmul.f32 v4, v18;
	v21 =	vld [tilespmem:s14+$0xFFFFFFE0];
	v6 =	vadd.f32 v17, v6;
	v13 =	vsub.f32 v13, v8  }
0x226: {  	v59 =	vld [tilespmem:s14+$0xFFFFFFF0];
	v9 =	vmul.f32 v3, v9;
	v15 =	vsub.f32 v15, v5;
	v2 =	vmul.f32 v12, v2  }
0x227: {  	v62 =	vld [tilespmem:s14+$0x0];
	v11 =	vadd.f32 v18, v11;
	v60 =	vmul.f32 v13, v4;
	v14 =	vmul.f32 v14, v16  }
0x228: {  	v9 =	vadd.f32 v9, v10;
	v61 =	vmul.f32 v15, v3;
	v2 =	vadd.f32 v2, v7  }
0x229: {  	v0 =	vmul.f32 v0, v19;
	v1 =	vmul.f32 v1, v20;
	v4 =	vadd.f32 v60, v8  }
0x22a: {  	v63 =	vadd.f32 v14, v6;
	v3 =	vadd.f32 v61, v5;
	v2 =	vmul.f32 v2, v21  }
0x22b: {  	v0 =	vadd.f32 v0, v11;
	v4 =	vmul.f32 v4, v59  }
0x22c: {  	v1 =	vadd.f32 v1, v9;
	v2 =	vadd.f32 v2, v63;
	v3 =	vmul.f32 v3, v62  }
0x22d: {  	v0 =	vadd.f32 v4, v0  }
0x22e: {  	[tilespmem:s20+$0xFFFFFFE0] =	vst v2;
	v1 =	vadd.f32 v3, v1  }
0x22f: {  	[tilespmem:s20+$0xFFFFFFF0] =	vst v0  }
0x230: {  	[tilespmem:s20+$0x0] =	vst v1  }
0x231: {  	s14 =	rddreg [dreg:$0xe]  }
0x232: {  	s15 =	rddreg [dreg:$0x14]  }
.LBB2_17:
0x233: {  	s1 =	sshra.s32 s21, $0x2  }
0x234: {  	v0 =	vld [tilespmem:s1+$0x19B80];
	_ =	sdelay $0x4  }
0x235: {  	v0 =	vmax.f32 v0, $0.0e+00  }
0x236: {  	v1 =	vld [tilespmem:s1+$0x1A600];
	v0 =	vmin.f32 v0, $5.999999520e+00  }
0x237: {  	v2 =	vld [tilespmem:s1+$0x1A980];
	v0 =	vmul.f32 $1.365166630e+03, v0;
	_ =	sdelay $0x1  }
0x238: {  	v3 =	vtrunc.f32 v0  }
0x239: {  	v3 =	vcvt.f32.s32 v3;
	_ =	sdelay $0x1  }
0x23a: {  	v4 =	vmul.u32 $0x3, v1;
	v2 =	vadd.s32 v3, v2  }
0x23b: {  	v1 =	vadd.s32 v3, v1  }
0x23c: {  	v4 =	vadd.s32 v4, v2  }
0x23d: {  	v6 =	vadd.s32 $0x1, v2  }
0x23e: {  	v7 =	vadd.s32 $0x1, v1  }
0x23f: {  	v5 =	vadd.s32 $0x1, v4;
	v2 =	vld.idx.msk [tilespmem:v2+s30+$0x0], $0xffff  }
0x240: {  	v1 =	vld.idx.msk [tilespmem:v1+s30+$0x0], $0xffff  }
0x241: {  	v4 =	vld.idx.msk [tilespmem:v4+s31+$0x0], $0xffff  }
0x242: {  	v6 =	vld.idx.msk [tilespmem:v6+s30+$0x0], $0xffff  }
0x243: {  	v7 =	vld.idx.msk [tilespmem:v7+s30+$0x0], $0xffff  }
0x244: {  	v5 =	vld.idx.msk [tilespmem:v5+s31+$0x0], $0xffff  }
0x245: {  	v3 =	vcvt.s32.f32 v3;
	_ =	sdelay $0x1  }
0x246: {  	v0 =	vsub.f32 v0, v3;
	v60 =	vsub.f32 v6, v2  }
0x247: {  	v61 =	vld [tilespmem:s1+$0x1AD00]  }
0x248: {  	v7 =	vsub.f32 v7, v1;
	v5 =	vsub.f32 v5, v4;
	v3 =	vmul.f32 v60, v0  }
0x249: {  	v8 =	vld [tilespmem:s1+$0x1B080]  }
0x24a: {  	v62 =	vmul.f32 v0, v5;
	v0 =	vmul.f32 v7, v0;
	v2 =	vadd.f32 v3, v2;
	_ =	sdelay $0x1  }
0x24b: {  	v3 =	vadd.f32 v62, v4;
	v0 =	vadd.f32 v0, v1;
	v63 =	vmul.f32 v2, v61  }
0x24c: {  	p0 =	sne.s32 s21, $0x40  }
.Ltmp9:
0x24d: {  	v0 =	vmul.f32 v0, v8;
	v1 =	vadd.f32 v63, v3;
	(pc) =	sbr.rel @p0 .LBB2_17-.Ltmp9, $3  }
0x24e: {  	_ = 	snop  }
0x24f: {  	v0 =	vadd.f32 v0, v1;
	_ =	sdelay $0x1  }
0x250: {  	s21 =	sadd.s32 $0x40, s21;
	[tilespmem:s1+$0x1CC80] =	vst v0  }
0x251: {  	s1 =	rddreg [dreg:$0x10]  }
0x252: {  	[hbm4b:s1+s5] =	stream.linear.scatter [tilespmem:s0], [sflag:$0x3], $0x320, $0x38;
	[tilespmem:$0x1D080] =	vst v63  }
0x253: {  	_ =	swait.ge [sflag:s22], $0x320  }
0x254: {  	[sflag:s22] =	ssyncset.done $0x0  }
0x255: {  	[sflag:s22] =	ssyncadd.s32 $0xFFFFFCE0  }
0x256: {  	_ =	swait.ge [sflag:s22], $0x320  }
0x257: {  	s15 =	sadd.s32 $0x1, s15;
	s25 =	rddreg [dreg:$0x11]  }
0x258: {  	p0 =	sne.s32 s15, s25  }
.Ltmp10:
0x259: {  	_ = 	snop;
	(pc) =	sbr.rel @p0 .LBB2_1-.Ltmp10, $3  }
0x25a: {  	_ =	sdelay $0x1  }
0x25b: {  	[sflag:s22] =	ssyncset.done $0x0  }
0x25c: {  	[sflag:s22] =	ssyncadd.s32 $0xFFFFFCE0  }
0x25d: {  	_ =	sfence.sel $0x180000  }
0x25e: {  	[bflag:$0x0] =	sbarrier.arrive $0xFFFF  }
0x25f: {  	_ =	strace $0x9000004D  }
0x260: {  	s0 =	stileid.u32;
	[bflag:$0x2] =	sbarrier.arrive $0xFFFF  }
0x261: {  	p0 =	sne.s32 s0, $0x0;
	s0 =	rddreg [dreg:$0x4]  }
0x262: {  	s0 =	sadd.s32 @!p0 $0x100000, s0  }
0x263: {  	[sflag:s0] =	ssyncadd.tile.s32 @!p0 $0x1;
	_ =	shalt  }
.Lfunc_end2:
_tile_overlayer_lowered:
.L_overlay_start_2:
0x264: {  	(tag) =	ssettag $0x2  }
0x265: {  	s0 =	rddreg [dreg:$0x0];
	s2 =	stileid.u32  }
0x266: {  	s1 =	rddreg [dreg:$0x1];
	p0 =	sne.s32 s2, $0x0  }
0x267: {  	s3 =	rddreg [dreg:$0x2];
	[bflag:$0x3] =	sbarrier.arrive $0xFFFF;
	s2 =	simm.s32 @!p0 $0x1C04  }
0x268: {  	[timem:s3], [sflag:s2] =	dma.local @!p0 [hbm:s0], s1  }
0x269: {  	s0 =	simm.s32 @!p0 $0x4  }
0x26a: {  	_ =	swait.ge @!p0 [sflag:s0], s1  }
0x26b: {  	s1 =	ssub.s32 @!p0 $0x0, s1;
	[sflag:s0] =	ssyncset.done @!p0 $0x0  }
0x26c: {  	[sflag:s0] =	ssyncadd.s32 @!p0 s1  }
0x26d: {  	[bflag:$0x3] =	sbarrier.arrive $0xFFFF  }
0x26e: {  	_ =	shalt  }

// kernel: kernel.5.cloned.1.call-start
scs
__scs_entry_jumppad:
0x0: {  	(pc) =	sbr.rel $0x88, $3  }
0x1: {  	(tag) =	ssettag $0x0;
	lr =	simm.s32 $0x1  }
0x2: {  	[smem:$0x3F96] =	sst lr;
	_ =	strace $0xD0000000  }
0x3: {  	_ = 	snop  }
0x4: {  	_ = 	snop  }
0x5: {  	_ = 	snop  }
0x6: {  	_ = 	snop  }
0x7: {  	_ = 	snop  }
__scs_overlays_trampoline_lowered:
0x8: {  	[smem:$0x3FA5] =	sst s0  }
0x9: {  	[smem:$0x3FA6] =	sst s1  }
0xa: {  	[smem:$0x3FA7] =	sst s2  }
0xb: {  	[smem:$0x3FA8] =	sst s3  }
0xc: {  	[smem:$0x3FA9] =	sst s4  }
0xd: {  	[smem:$0x3FAA] =	sst s5  }
0xe: {  	[smem:$0x3FAB] =	sst s6  }
0xf: {  	[smem:$0x3FAC] =	sst s7  }
0x10: {  	[smem:$0x3FAD] =	sst s8  }
0x11: {  	[smem:$0x3FAE] =	sst s9;
	s0 =	simm.s32 @!p0 $0x0  }
0x12: {  	s1 =	sld [smem:$0x3F94];
	s0 =	simm.s32 @p0 $0x1  }
0x13: {  	[smem:$0x3FAF] =	sst s0;
	s0 =	simm.s32 @!p1 $0x0  }
0x14: {  	s2 =	sld [smem:$0x3F93];
	s0 =	simm.s32 @p1 $0x1  }
0x15: {  	[smem:$0x3FB0] =	sst s0;
	s0 =	simm.s32 @!p2 $0x0  }
0x16: {  	s3 =	sld [smem:$0x3FDB];
	s0 =	simm.s32 @p2 $0x1  }
0x17: {  	s4 =	simm.s32 $0x1BF5;
	[smem:$0x3FB2] =	sst s0  }
0x18: {  	s0 =	sld [smem:$0x3F95];
	_ =	swait.ge [sflag:s4], $0x0  }
0x19: {  	s7 =	sld [smem:$0x3F96]  }
0x1a: {  	s8 =	sadd.s32 $0xFFFFE003, lr  }
0x1b: {  	s9 =	sadd.s32 $0xFFFFFEF7, lr;
	s5 =	simm.s32 $0xFFFFFFFF;
	p2 =	slt.u32 s8, $0xFFFFF086  }
0x1c: {  	p1 =	slt.u32 s9, $0xF7A;
	s5 =	simm.s32 @!p2 $0x0  }
0x1d: {  	s5 =	simm.s32 @p1 $0x1;
	p0 =	seq.s32 s7, s2  }
0x1e: {  	s7 =	smul.u32 @!p0 $0xF7A, s2;
	p2 =	seq.s32 @!p0 s5, $0x0  }
0x1f: {  	s9 =	smul.u32 $0xF7A, s1;
	s8 =	simm.s32 @!p0 $0x1BF5;
	p2 =	por !p2, p0  }
0x20: {  	[sflag:s8] =	ssyncset.s32 @!p0 $0xFFFFF086;
	s6 =	sadd.s32 @!p0 s3, s7;
	s7 =	simm.s32 @!p0 $0x108  }
0x21: {  	s3 =	sadd.s32 s3, s9;
	s6 =	sadd.s32 @!p0 $0x88, s6;
	s7 =	simm.s32 @p2 $0x1082  }
0x22: {  	[simem:s7], [sflag:s8] =	dma.local @!p0 [hbm:s6], $0xF7A  }
0x23: {  	s9 =	sor.u32 $0xD0000000, s2;
	s6 =	simm.s32 $0x108;
	_ =	swait.ge @!p0 [sflag:s8], $0x0  }
0x24: {  	s3 =	sadd.s32 $0x88, s3;
	s6 =	simm.s32 @!p1 $0x1082;
	[sflag:s4] =	ssyncset.s32 $0xFFFFF086  }
0x25: {  	[simem:s6], [sflag:s4] =	dma.local [hbm:s3], $0xF7A  }
0x26: {  	[smem:$0x3F96] =	sst s1;
	(tag) =	ssettag s2;
	_ =	strace s9  }
0x27: {  	s1 =	sld [smem:$0x3FA6]  }
0x28: {  	s2 =	sld [smem:$0x3FA7]  }
0x29: {  	s4 =	sld [smem:$0x3FA9]  }
0x2a: {  	p0 =	seq.s32 s5, $0x0;
	s5 =	sld [smem:$0x3FAA]  }
0x2b: {  	s6 =	sld [smem:$0x3FAB]  }
0x2c: {  	s7 =	sld [smem:$0x3FAC]  }
0x2d: {  	s3 =	simm.s32 $0x108;
	s8 =	sld [smem:$0x3FAD]  }
0x2e: {  	s3 =	simm.s32 @!p0 $0x1082;
	s9 =	sld [smem:$0x3FAE]  }
0x2f: {  	lr =	sadd.s32 s0, s3;
	s0 =	sld [smem:$0x3FA5]  }
0x30: {  	s3 =	sld [smem:$0x3FA8]  }
0x31: {  	[smem:$0x3FB1] =	sst s10  }
0x32: {  	s10 =	sld [smem:$0x3FAF];
	_ =	sdelay $0x3  }
0x33: {  	p0 =	seq.s32 s10, $0x1;
	s10 =	sld [smem:$0x3FB1];
	_ =	sdelay $0x3  }
0x34: {  	[smem:$0x3FB1] =	sst s10  }
0x35: {  	s10 =	sld [smem:$0x3FB0];
	_ =	sdelay $0x3  }
0x36: {  	p1 =	seq.s32 s10, $0x1;
	s10 =	sld [smem:$0x3FB1];
	_ =	sdelay $0x3  }
0x37: {  	[smem:$0x3FB1] =	sst s10  }
0x38: {  	s10 =	sld [smem:$0x3FB2]  }
0x39: {  	_ = 	snop;
	(pc) =	sbr.ind lr, $3  }
0x3a: {  	_ = 	snop  }
0x3b: {  	_ = 	snop  }
0x3c: {  	p2 =	seq.s32 s10, $0x1;
	s10 =	sld [smem:$0x3FB1]  }
0x3d: {  	_ =	shalt  }
0x3e: {  	_ =	shalt  }
0x3f: {  	_ =	shalt  }
0x40: {  	_ =	shalt  }
0x41: {  	_ =	shalt  }
0x42: {  	_ =	shalt  }
0x43: {  	_ =	shalt  }
0x44: {  	_ =	shalt  }
0x45: {  	_ =	shalt  }
0x46: {  	_ =	shalt  }
0x47: {  	_ =	shalt  }
0x48: {  	_ =	shalt  }
0x49: {  	_ =	shalt  }
0x4a: {  	_ =	shalt  }
0x4b: {  	_ =	shalt  }
0x4c: {  	_ =	shalt  }
0x4d: {  	_ =	shalt  }
0x4e: {  	_ =	shalt  }
0x4f: {  	_ =	shalt  }
0x50: {  	_ =	shalt  }
0x51: {  	_ =	shalt  }
0x52: {  	_ =	shalt  }
0x53: {  	_ =	shalt  }
0x54: {  	_ =	shalt  }
0x55: {  	_ =	shalt  }
0x56: {  	_ =	shalt  }
0x57: {  	_ =	shalt  }
0x58: {  	_ =	shalt  }
0x59: {  	_ =	shalt  }
0x5a: {  	_ =	shalt  }
0x5b: {  	_ =	shalt  }
0x5c: {  	_ =	shalt  }
0x5d: {  	_ =	shalt  }
0x5e: {  	_ =	shalt  }
0x5f: {  	_ =	shalt  }
0x60: {  	_ =	shalt  }
0x61: {  	_ =	shalt  }
0x62: {  	_ =	shalt  }
0x63: {  	_ =	shalt  }
0x64: {  	_ =	shalt  }
0x65: {  	_ =	shalt  }
0x66: {  	_ =	shalt  }
0x67: {  	_ =	shalt  }
0x68: {  	_ =	shalt  }
0x69: {  	_ =	shalt  }
0x6a: {  	_ =	shalt  }
0x6b: {  	_ =	shalt  }
0x6c: {  	_ =	shalt  }
0x6d: {  	_ =	shalt  }
0x6e: {  	_ =	shalt  }
0x6f: {  	_ =	shalt  }
0x70: {  	_ =	shalt  }
0x71: {  	_ =	shalt  }
0x72: {  	_ =	shalt  }
0x73: {  	_ =	shalt  }
0x74: {  	_ =	shalt  }
0x75: {  	_ =	shalt  }
0x76: {  	_ =	shalt  }
0x77: {  	_ =	shalt  }
0x78: {  	_ =	shalt  }
0x79: {  	_ =	shalt  }
0x7a: {  	_ =	shalt  }
0x7b: {  	_ =	shalt  }
0x7c: {  	_ =	shalt  }
0x7d: {  	_ =	shalt  }
0x7e: {  	_ =	shalt  }
0x7f: {  	_ =	shalt  }
0x80: {  	_ =	shalt  }
0x81: {  	_ =	shalt  }
0x82: {  	_ =	shalt  }
0x83: {  	_ =	shalt  }
0x84: {  	_ =	shalt  }
0x85: {  	_ =	shalt  }
0x86: {  	_ =	shalt  }
0x87: {  	_ =	shalt  }
.Lfunc_end0:
.L_simem_size_0:
called_computation_lowered:
.L_overlay_start_0:
0x88: {  	s2 =	sld [smem:$0x3FD9]  }
0x89: {  	s3 =	sld [smem:$0x3FFE];
	_ =	sdelay $0x1  }
0x8a: {  	s1 =	srdreg.scid  }
0x8b: {  	s0 =	sand.u32 $0x1, s1  }
0x8c: {  	s17 =	sshll.u32 s0, $0xA;
	s2 =	sadd.s32 s3, s2  }
0x8d: {  	s2 =	sadd.s32 s2, s17  }
0x8e: {  	[smem:$0x3FBD] =	sst s2  }
0x8f: {  	_ = 	snop  }
0x90: {  	s2 =	sld [smem:$0x3FC9]  }
0x91: {  	s18 =	sld [smem:$0x3FD0];
	(tm) =	ssettm $0x1  }
0x92: {  	s4 =	sld [smem:$0x3FFB];
	_ =	sdelay $0x3  }
0x93: {  	_ =	strace s4  }
0x94: {  	s4 =	sld [smem:$0x3FFC];
	_ =	sdelay $0x3  }
0x95: {  	_ =	strace s4  }
0x96: {  	s4 =	sld [smem:$0x3FFD];
	_ =	sdelay $0x3  }
0x97: {  	_ =	strace s4  }
0x98: {  	_ =	strace $0x8FFFFFFF  }
0x99: {  	s19 =	sld [smem:$0x3FDB];
	_ =	sdelay $0x1  }
0x9a: {  	s5 =	simm.s32 $_scs_section_size  }
0x9b: {  	s6 =	simm.s32 $_size__tile_overlayer_lowered;
	s7 =	simm.s32 $_tile_overlayer_lowered  }
0x9c: {  	s22 =	simm.s32 $0x1BFF;
	s21 =	sshll.u32 s7, $0x1;
	s4 =	sadd.s32 s5, s19  }
0x9d: {  	s8 =	simm.s32 $0x0;
	s20 =	sshll.u32 s6, $0x1;
	s6 =	sadd.s32 s21, s4  }
0x9e: {  	[timem:s8], [sflag:s22] =	dma.local [hbm:s6], s20  }
0x9f: {  	_ =	swait.ge [sflag:s22], s20  }
0xa0: {  	s5 =	ssub.s32 $0x0, s20;
	[sflag:s22] =	ssyncset.done $0x0  }
0xa1: {  	[sflag:s22] =	ssyncadd.s32 s5;
	_ =	sdelay $0x1  }
0xa2: {  	s23 =	simm.s32 $0x1B8B  }
0xa3: {  	_ =	swait.ge [sflag:s23], $0x1  }
0xa4: {  	[sflag:s23] =	ssyncset.done $0x0  }
0xa5: {  	s25 =	simm.s32 $0x1B8E;
	s24 =	sld [smem:$0x3FFE];
	[sflag:s23] =	ssyncadd.s32 $0xFFFFFFFF  }
0xa6: {  	s26 =	simm.s32 $execute0_lowered;
	[smem:$0x3FD2] =	sst s25  }
0xa7: {  	s6 =	sshll.u32 s26, $0x1;
	_ =	strace $0x80000046;
	[dreg:$0x1] =	wrdreg $0xFFFFFFFF  }
0xa8: {  	s28 =	simm.s32 $_size_execute0_lowered;
	s4 =	sadd.s32 s4, s6;
	[dreg:$0x0] =	wrdreg $0x0  }
0xa9: {  	s6 =	sshll.u32 s28, $0x1;
	[dreg:$0x2] =	wrdreg s4  }
0xaa: {  	[dreg:$0x3] =	wrdreg s6  }
0xab: {  	[dreg:$0x4] =	wrdreg $0xC0  }
0xac: {  	_ =	task [dreg:s8], $0x5FFFF  }
0xad: {  	[dreg:$0x1] =	wrdreg $0xFFFFFFFF  }
0xae: {  	[dreg:$0x0] =	wrdreg $0x60  }
0xaf: {  	[dreg:$0x2] =	wrdreg s2  }
0xb0: {  	[dreg:$0x3] =	wrdreg s24  }
0xb1: {  	[dreg:$0x4] =	wrdreg s18  }
0xb2: {  	[dreg:$0x5] =	wrdreg $0x0  }
0xb3: {  	[dreg:$0x6] =	wrdreg $0x18800  }
0xb4: {  	[dreg:$0x7] =	wrdreg $0x1E800  }
0xb5: {  	[dreg:$0x8] =	wrdreg $0x9  }
0xb6: {  	_ =	task.clear_ibuf [dreg:s8], $0x9FFFF;
	_ =	strace $0x90000046  }
0xb7: {  	s29 =	simm.s32 $0x9;
	_ =	strace $0x80000048  }
0xb8: {  	_ =	swait.ge [sflag:s29], $0x1  }
0xb9: {  	[sflag:s29] =	ssyncadd.s32 $0xFFFFFFFF  }
0xba: {  	_ =	strace $0x90000048  }
0xbb: {  	_ =	sfence  }
0xbc: {  	s30 =	sld [smem:$0x0];
	_ =	sdelay $0x2  }
0xbd: {  	s31 =	sshll.u32 s1, $0xD;
	s1 =	sshrl.u32 s1, $0x2  }
0xbe: {  	s3 =	sand.u32 $0x4000, s31;
	s1 =	sadd.s32 s1, s30  }
0xbf: {  	s0 =	sor.u32 s3, s0;
	s1 =	sshll.u32 s1, $0x11  }
0xc0: {  	s0 =	sor.u32 s1, s0  }
0xc1: {  	s0 =	sadd.s32 $0x8F2B, s0  }
0xc2: {  	[sflag:s0] =	ssyncadd.remote.s32 $0x1  }
0xc3: {  	_ =	sfence.sel $0xFFFF  }
0xc4: {  	[dreg:$0x0] =	wrdreg $0xFFFFFFFF;
	(pc) =	sbr.abs _section_cstart, $3  }
0xc5: {  	[dreg:$0x1] =	wrdreg $0xFFFFFFFF  }
0xc6: {  	_ =	task.clear_ibuf [dreg:s8], $0x2FFFF;
	_ =	strace $0x9FFFFFFF  }
0xc7: {  	(tm) =	ssettm $0x7FFFFFFF  }
tec
execute0_lowered:
.L_overlay_start_1:
0x0: {  	(tag) =	ssettag $0x1  }
0x1: {  	s31 =	rddreg [dreg:$0x0]  }
0x2: {  	s0 =	rddreg [dreg:$0x1]  }
0x3: {  	s24 =	rddreg [dreg:$0x3]  }
0x4: {  	s18 =	rddreg [dreg:$0x4]  }
0x5: {  	s14 =	rddreg [dreg:$0x5];
	s13 =	stileid.u32  }
0x6: {  	s7 =	simm.s32 $0x0;
	s10 =	srdreg.scid;
	s1 =	smul.u32 $0x1880, s13  }
0x7: {  	[smem:$0x7FF] =	sst s7;
	s8 =	sadd.s32 $0x64400, s0;
	s2 =	smul.u32 $0x600, s13  }
0x8: {  	s9 =	sadd.s32 $0x2800, s0;
	s5 =	smul.u32 $0x1200, s13;
	s10 =	sand.u32 $0x1, s10  }
0x9: {  	s12 =	sadd.s32 $0xCC200, s0;
	s15 =	sadd.s32 $0xFD200, s0;
	s3 =	sshll.u32 s13, $0x6  }
0xa: {  	s16 =	smul.u32 $0x30D40, s13;
	_ =	strace $0x80000047;
	[dreg:$0x7] =	wrdreg s12  }
0xb: {  	s28 =	ssub.s32 $0x2, s10;
	[dreg:$0x8] =	wrdreg s15;
	s15 =	sor.u32 $0x1C05, s3  }
0xc: {  	p0 =	seq.s32 s10, $0x1;
	s10 =	simm.s32 $0x1BC00;
	s3 =	simm.s32 $0x1D100  }
0xd: {  	s12 =	simm.s32 $0x1C300;
	s4 =	sshrl.u32 s1, $0x3;
	s6 =	sshrl.u32 s2, $0x3  }
0xe: {  	s11 =	sshrl.u32 s5, $0x3;
	s29 =	sshrl.u32 s28, $0x1;
	s1 =	sadd.s32 s1, s24  }
0xf: {  	[dreg:$0xb] =	wrdreg s15;
	s2 =	sadd.s32 s2, s18;
	s19 =	sadd.s32 s5, s14  }
0x10: {  	s21 =	sshrl.u32 s16, $0x3;
	[dreg:$0xc] =	wrdreg s16;
	s30 =	sadd.s32 $0x640, s16  }
0x11: {  	s15 =	simm.s32 $0x1CA00;
	s4 =	sadd.s32 s4, s0;
	s6 =	sadd.s32 s6, s0  }
0x12: {  	s11 =	sadd.s32 s11, s0;
	s0 =	sadd.s32 $0x15EE00, s0;
	s22 =	sadd.s32 s31, s21  }
0x13: {  	s23 =	sadd.s32 s8, s21;
	s5 =	sadd.s32 s9, s21;
	[dreg:$0x9] =	wrdreg s0  }
0x14: {  	s25 =	sshrl.u32 s1, $0x3;
	s26 =	sshrl.u32 s2, $0x3;
	[dreg:$0xf] =	wrdreg s22  }
0x15: {  	s2 =	simm.s32 $0x320;
	s21 =	simm.s32 $0x1D480;
	[dreg:$0x10] =	wrdreg s23  }
0x16: {  	s0 =	ssub.s32 s28, s29;
	s4 =	sadd.s32 $0xC9000, s4;
	[dreg:$0x11] =	wrdreg s5  }
0x17: {  	s17 =	sadd.s32 $0xC8400, s6;
	s20 =	sadd.s32 $0xC6000, s11;
	[dreg:$0x13] =	wrdreg s25  }
0x18: {  	s11 =	sadd.s32 $0x320, s16;
	[dreg:$0x14] =	wrdreg s26;
	s28 =	sshrl.u32 s19, $0x3  }
0x19: {  	s29 =	smul.u32 $0x3100, s13;
	s6 =	simm.s32 $0x5;
	[dreg:$0xa] =	wrdreg s4  }
.Ltmp0:
0x1a: {  	s13 =	simm.s32 $0x2;
	[dreg:$0xd] =	wrdreg s17;
	(pc) =	sbr.rel .LBB2_1-.Ltmp0, $4  }
0x1b: {  	s23 =	simm.s32 $0x1DB80;
	s25 =	simm.s32 $0x1D800;
	[dreg:$0xe] =	wrdreg s20  }
0x1c: {  	s26 =	simm.s32 $0x1DF00;
	s0 =	smax.u32 s0, $0x1;
	[dreg:$0x15] =	wrdreg s28  }
0x1d: {  	s22 =	simm.s32 $0x3080;
	s5 =	simm.s32 $0x0;
	[dreg:$0x12] =	wrdreg s0  }
0x1e: {  	v0 =	vimm.f32 $0.0e+00;
	s4 =	simm.s32 $0x1;
	s20 =	simm.s32 $0x3;
	[dreg:$0x16] =	wrdreg s29  }
.LBB2_42:
0x1f: {  	s1 =	rddreg [dreg:$0x16]  }
0x20: {  	s6 =	simm.s32 $0x5;
	s0 =	sadd.s32 s0, s1  }
0x21: {  	[hbm4b:s0+s7] =	stream.linear.scatter [tilespmem:s22], [sflag:$0x5], $0x18800, $0x38;
	[tilespmem:$0x1E280] =	vst v63  }
0x22: {  	_ =	swait.ge [sflag:s6], $0x18800  }
0x23: {  	s5 =	sadd.s32 $0x1, s5;
	s29 =	rddreg [dreg:$0x12]  }
0x24: {  	p1 =	sne.s32 s5, s29  }
.Ltmp1:
0x25: {  	_ = 	snop;
	(pc) =	sbr.rel @!p1 .LBB2_43-.Ltmp1, $3  }
0x26: {  	_ =	sdelay $0x1  }
0x27: {  	[sflag:s6] =	ssyncset.done $0x0  }
0x28: {  	s10 =	simm.s32 $0x1BC00;
	[sflag:s6] =	ssyncadd.s32 $0xFFFE7800  }
.LBB2_1:
0x29: {  	[dreg:$0x17] =	wrdreg s5  }
0x2a: {  	s0 =	rddreg [dreg:$0xa]  }
0x2b: {  	s1 =	rddreg [dreg:$0xb]  }
0x2c: {  	s16 =	rddreg [dreg:$0x13]  }
0x2d: {  	[spmem:s16], [sflag:s1] =	dma.local [hbm:s0], $0x310  }
0x2e: {  	_ =	swait.ge [sflag:s6], $0x310  }
0x2f: {  	[sflag:s6] =	ssyncset.done $0x0;
	s17 =	rddreg [dreg:$0xd]  }
0x30: {  	s19 =	rddreg [dreg:$0x14];
	[sflag:s6] =	ssyncadd.s32 $0xFFFFFCF0  }
0x31: {  	[spmem:s19], [sflag:s1] =	dma.local [hbm:s17], $0xC0  }
0x32: {  	_ =	swait.ge [sflag:s6], $0xC0  }
0x33: {  	[sflag:s6] =	ssyncset.done $0x0;
	s28 =	rddreg [dreg:$0xe]  }
0x34: {  	s29 =	rddreg [dreg:$0x15];
	[sflag:s6] =	ssyncadd.s32 $0xFFFFFF40  }
0x35: {  	[spmem:s29], [sflag:s1] =	dma.local [hbm:s28], $0x240  }
0x36: {  	_ =	swait.ge [sflag:s6], $0x240  }
0x37: {  	[sflag:s6] =	ssyncset.done $0x0  }
0x38: {  	s0 =	simm.s32 $0x40;
	s1 =	simm.s32 $0x0;
	[sflag:s6] =	ssyncadd.s32 $0xFFFFFDC0  }
.LBB2_2:
0x39: {  	p1 =	sne.s32 s0, $0x61FC0;
	[tilespmem:s1+$0x3080] =	vst v0;
	s1 =	smov.u32 s0;
	s0 =	sadd.s32 $0x40, s0  }
.Ltmp2:
0x3a: {  	(pc) =	sbr.rel @p1 .LBB2_2-.Ltmp2, $2  }
0x3b: {  	_ =	sdelay $0x2  }
0x3c: {  	s1 =	sshra.s32 s1, $0x2  }
0x3d: {  	[tilespmem:s1+$0x3080] =	vst v0  }
0x3e: {  	[bflag:$0x0] =	sbarrier.arrive $0xFFFF  }
0x3f: {  	s17 =	simm.s32 $0x1B880;
	s0 =	rddreg [dreg:$0xf]  }
0x40: {  	[tilespmem:s17], [sflag:$0x1] =	stream.linear.gather [hbm4b:s0+s7], $0x320, $0x38;
	[tilespmem:$0x1E280] =	vst v63  }
0x41: {  	s19 =	rddreg [dreg:$0x10]  }
0x42: {  	[tilespmem:s10], [sflag:$0x1] =	stream.linear.gather [hbm4b:s19+s7], $0x320, $0x38;
	[tilespmem:$0x1E280] =	vst v63  }
0x43: {  	s29 =	simm.s32 $0x1BF80;
	s28 =	rddreg [dreg:$0x11]  }
0x44: {  	[tilespmem:s29], [sflag:$0x1] =	stream.linear.gather [hbm4b:s28+s7], $0x320, $0x38;
	[tilespmem:$0x1E280] =	vst v63  }
0x45: {  	_ =	swait.ge [sflag:s4], $0x320  }
0x46: {  	[sflag:s4] =	ssyncset.done $0x0  }
0x47: {  	[sflag:s4] =	ssyncadd.s32 $0xFFFFFCE0  }
0x48: {  	_ =	swait.ge [sflag:s4], $0x320  }
.Ltmp3:
0x49: {  	[sflag:s4] =	ssyncset.done $0x0;
	(pc) =	sbr.rel @!p0 .LBB2_4-.Ltmp3, $4  }
0x4a: {  	[sflag:s4] =	ssyncadd.s32 $0xFFFFFCE0  }
0x4b: {  	_ =	swait.ge [sflag:s4], $0x320  }
0x4c: {  	[sflag:s4] =	ssyncset.done $0x0  }
0x4d: {  	s0 =	simm.s32 $0x1BF80;
	[sflag:s4] =	ssyncadd.s32 $0xFFFFFCE0  }
0x4e: {  	[tilespmem:s3], [sflag:$0x2] =	stream.indirect.gather [spmem:s24], $0x1, s0, s2, $0xb8;
	[tilespmem:$0x1E280] =	vst v63  }
0x4f: {  	s14 =	simm.s32 $0x0  }
.LBB2_24:
0x50: {  	s28 =	smul.u32 $0x640, s14;
	_ =	sdelay $0x1  }
0x51: {  	s0 =	sadd.s32 s28, s11  }
0x52: {  	s0 =	sshrl.u32 s0, $0x3  }
0x53: {  	s1 =	sadd.s32 s31, s0  }
0x54: {  	[tilespmem:s12], [sflag:$0x1] =	stream.linear.gather [hbm4b:s1+s7], $0x320, $0x38;
	[tilespmem:$0x1E280] =	vst v63  }
0x55: {  	s5 =	simm.s32 $0x1C680;
	s16 =	sadd.s32 s8, s0  }
0x56: {  	[tilespmem:s5], [sflag:$0x1] =	stream.linear.gather [hbm4b:s16+s7], $0x320, $0x38;
	[tilespmem:$0x1E280] =	vst v63  }
0x57: {  	s0 =	sadd.s32 s9, s0  }
0x58: {  	[tilespmem:s15], [sflag:$0x1] =	stream.linear.gather [hbm4b:s0+s7], $0x320, $0x38;
	[tilespmem:$0x1E280] =	vst v63  }
0x59: {  	_ =	swait.ge [sflag:s13], $0x320  }
0x5a: {  	[sflag:s13] =	ssyncset.done $0x0  }
0x5b: {  	s17 =	simm.s32 $0x1B8A0;
	[sflag:s13] =	ssyncadd.s32 $0xFFFFFCE0  }
0x5c: {  	v1 =	vld [tilespmem:s17+$0x10]  }
0x5d: {  	v2 =	vld [tilespmem:s17+$0x0]  }
0x5e: {  	v3 =	vld [tilespmem:s17+$0xFFFFFFF0]  }
0x5f: {  	v4 =	vld [tilespmem:s17+$0xFFFFFFE0]  }
0x60: {  	s19 =	simm.s32 $0x1D120  }
0x61: {  	v5 =	vld [tilespmem:s19+$0x10];
	v1 =	vmax.f32 v1, $0.0e+00  }
0x62: {  	v6 =	vld [tilespmem:s19+$0x0];
	v1 =	vmin.f32 v1, $5.999999520e+00  }
0x63: {  	v2 =	vmax.f32 v2, $0.0e+00;
	v1 =	vmul.f32 $1.365166630e+03, v1  }
0x64: {  	v7 =	vld [tilespmem:s19+$0xFFFFFFE0];
	v3 =	vmax.f32 v3, $0.0e+00;
	v4 =	vmax.f32 v4, $0.0e+00;
	v2 =	vmin.f32 v2, $5.999999520e+00  }
0x65: {  	s29 =	simm.s32 $0x1B8E0;
	v8 =	vld [tilespmem:s19+$0xFFFFFFF0];
	v3 =	vmin.f32 v3, $5.999999520e+00;
	v2 =	vmul.f32 $1.365166630e+03, v2;
	v1 =	vtrunc.f32 v1  }
0x66: {  	v10 =	vld [tilespmem:s29+$0x10];
	v4 =	vmin.f32 v4, $5.999999520e+00;
	v3 =	vmul.f32 $1.365166630e+03, v3;
	v1 =	vcvt.f32.s32 v1  }
0x67: {  	v9 =	vld [tilespmem:s29+$0x0];
	v5 =	vshll.u32 v5, $0xD;
	v11 =	vshll.u32 v6, $0xD;
	v4 =	vmul.f32 $1.365166630e+03, v4  }
0x68: {  	v2 =	vtrunc.f32 v2;
	v3 =	vtrunc.f32 v3;
	v1 =	vadd.s32 v1, v5  }
0x69: {  	s0 =	simm.s32 $0x1D4A0;
	v12 =	vld [tilespmem:s29+$0xFFFFFFE0];
	v4 =	vtrunc.f32 v4;
	v3 =	vcvt.f32.s32 v3;
	v6 =	vadd.s32 $0x1, v1  }
0x6a: {  	s1 =	simm.s32 $0x1D820;
	v5 =	vld [tilespmem:s29+$0xFFFFFFF0];
	[tilespmem:s0+$0x10] =	vst v1;
	v1 =	vcvt.f32.s32 v4;
	v4 =	vshll.u32 v7, $0xD;
	v7 =	vshll.u32 v8, $0xD  }
0x6b: {  	v8 =	vcvt.f32.s32 v2;
	v2 =	vmax.f32 v10, $0.0e+00;
	[tilespmem:s1+$0x10] =	vst v6;
	v3 =	vadd.s32 v3, v7  }
0x6c: {  	s5 =	simm.s32 $0x1D160;
	v6 =	vmax.f32 v9, $0.0e+00;
	v2 =	vmin.f32 v2, $5.999999520e+00;
	v1 =	vadd.s32 v1, v4;
	[tilespmem:s0+$0xFFFFFFF0] =	vst v3  }
0x6d: {  	v3 =	vadd.s32 $0x1, v3;
	v6 =	vmin.f32 v6, $5.999999520e+00;
	v4 =	vld [tilespmem:s5+$0x10];
	v10 =	vmul.f32 $1.365166630e+03, v2;
	[tilespmem:s0+$0xFFFFFFE0] =	vst v1  }
0x6e: {  	v11 =	vadd.s32 v8, v11;
	v7 =	vadd.s32 $0x1, v1;
	v9 =	vmul.f32 $1.365166630e+03, v6;
	v1 =	vld [tilespmem:s5+$0x0];
	[tilespmem:s1+$0xFFFFFFF0] =	vst v3  }
0x6f: {  	v2 =	vld [tilespmem:s5+$0xFFFFFFE0];
	v6 =	vmax.f32 v12, $0.0e+00;
	[tilespmem:s0+$0x0] =	vst v11;
	v5 =	vmax.f32 v5, $0.0e+00;
	v8 =	vtrunc.f32 v10  }
0x70: {  	s6 =	simm.s32 $0x4;
	s10 =	simm.s32 $0x1B920;
	[tilespmem:s1+$0xFFFFFFE0] =	vst v7;
	v7 =	vmin.f32 v5, $5.999999520e+00;
	v5 =	vld [tilespmem:s5+$0xFFFFFFF0];
	v3 =	vtrunc.f32 v9;
	v9 =	vadd.s32 $0x1, v11  }
.LBB2_25:
0x71: {  	v10 =	vld [tilespmem:s10+$0x0];
	s6 =	sadd.s32 $0x4, s6;
	v6 =	vmin.f32 v6, $5.999999520e+00;
	v7 =	vmul.f32 $1.365166630e+03, v7;
	v8 =	vcvt.f32.s32 v8;
	[tilespmem:s1+$0x0] =	vst v9;
	s1 =	sadd.s32 $0x40, s1;
	s0 =	sadd.s32 $0x40, s0  }
0x72: {  	v9 =	vld [tilespmem:s10+$0x10];
	p1 =	slt.u32 s6, $0x2C;
	v6 =	vmul.f32 $1.365166630e+03, v6;
	v4 =	vshll.u32 v4, $0xD  }
0x73: {  	v11 =	vld [tilespmem:s10+$0xFFFFFFF0];
	v7 =	vtrunc.f32 v7;
	v12 =	vshll.u32 v1, $0xD;
	v1 =	vadd.s32 v8, v4  }
0x74: {  	v8 =	vld [tilespmem:s10+$0xFFFFFFE0];
	v4 =	vtrunc.f32 v6;
	v6 =	vcvt.f32.s32 v7;
	[tilespmem:s0+$0x10] =	vst v1;
	v1 =	vadd.s32 $0x1, v1  }
0x75: {  	v2 =	vshll.u32 v2, $0xD;
	v4 =	vcvt.f32.s32 v4;
	v5 =	vshll.u32 v5, $0xD;
	[tilespmem:s1+$0x10] =	vst v1  }
0x76: {  	v3 =	vcvt.f32.s32 v3;
	v1 =	vmax.f32 v10, $0.0e+00;
	v5 =	vadd.s32 v6, v5  }
.Ltmp4:
0x77: {  	s5 =	sadd.s32 $0x40, s5;
	v6 =	vmax.f32 v9, $0.0e+00;
	v2 =	vadd.s32 v4, v2;
	[tilespmem:s0+$0xFFFFFFF0] =	vst v5;
	v5 =	vadd.s32 $0x1, v5;
	(pc) =	sbr.rel @p1 .LBB2_25-.Ltmp4, $4  }
0x78: {  	v1 =	vmin.f32 v1, $5.999999520e+00;
	v6 =	vmin.f32 v6, $5.999999520e+00;
	v4 =	vld [tilespmem:s5+$0x10];
	[tilespmem:s0+$0xFFFFFFE0] =	vst v2;
	v2 =	vadd.s32 $0x1, v2  }
0x79: {  	v7 =	vmax.f32 v11, $0.0e+00;
	v9 =	vmul.f32 $1.365166630e+03, v1;
	v1 =	vld [tilespmem:s5+$0x0];
	v10 =	vmul.f32 $1.365166630e+03, v6;
	[tilespmem:s1+$0xFFFFFFE0] =	vst v2  }
0x7a: {  	v11 =	vadd.s32 v3, v12;
	v6 =	vmax.f32 v8, $0.0e+00;
	v7 =	vmin.f32 v7, $5.999999520e+00;
	v2 =	vld [tilespmem:s5+$0xFFFFFFE0];
	[tilespmem:s1+$0xFFFFFFF0] =	vst v5  }
0x7b: {  	s10 =	sadd.s32 $0x40, s10;
	v3 =	vtrunc.f32 v9;
	v9 =	vadd.s32 $0x1, v11;
	v5 =	vld [tilespmem:s5+$0xFFFFFFF0];
	v8 =	vtrunc.f32 v10;
	[tilespmem:s0+$0x0] =	vst v11  }
0x7c: {  	v8 =	vcvt.f32.s32 v8  }
0x7d: {  	v6 =	vmin.f32 v6, $5.999999520e+00;
	v7 =	vmul.f32 $1.365166630e+03, v7;
	v4 =	vshll.u32 v4, $0xD  }
0x7e: {  	[tilespmem:s1+$0x0] =	vst v9;
	s0 =	sadd.s32 $0x40, s0;
	v3 =	vcvt.f32.s32 v3;
	v6 =	vmul.f32 $1.365166630e+03, v6;
	v4 =	vadd.s32 v8, v4  }
0x7f: {  	s29 =	sadd.s32 $0x40, s1;
	v7 =	vtrunc.f32 v7;
	v1 =	vshll.u32 v1, $0xD;
	[tilespmem:s0+$0x10] =	vst v4;
	v4 =	vadd.s32 $0x1, v4  }
0x80: {  	v6 =	vtrunc.f32 v6;
	v7 =	vcvt.f32.s32 v7;
	v1 =	vadd.s32 v3, v1;
	[tilespmem:s29+$0x10] =	vst v4  }
0x81: {  	v6 =	vcvt.f32.s32 v6;
	v5 =	vshll.u32 v5, $0xD;
	[tilespmem:s0+$0x0] =	vst v1;
	v1 =	vadd.s32 $0x1, v1  }
0x82: {  	v2 =	vshll.u32 v2, $0xD;
	v63 =	vadd.s32 v7, v5;
	[tilespmem:s29+$0x0] =	vst v1  }
0x83: {  	v2 =	vadd.s32 v6, v2;
	[tilespmem:s0+$0xFFFFFFF0] =	vst v63  }
0x84: {  	v4 =	vadd.s32 $0x1, v63;
	[tilespmem:s0+$0xFFFFFFE0] =	vst v2  }
0x85: {  	v2 =	vadd.s32 $0x1, v2;
	[tilespmem:s29+$0xFFFFFFF0] =	vst v4  }
0x86: {  	s0 =	simm.s32 $0x0;
	[tilespmem:s29+$0xFFFFFFE0] =	vst v2  }
.LBB2_27:
0x87: {  	s1 =	sshra.s32 s0, $0x2  }
0x88: {  	v1 =	vld [tilespmem:s1+$0x1BB80];
	_ =	sdelay $0x4  }
0x89: {  	v1 =	vmax.f32 v1, $0.0e+00  }
0x8a: {  	v2 =	vld [tilespmem:s1+$0x1D400];
	v1 =	vmin.f32 v1, $5.999999520e+00  }
0x8b: {  	v1 =	vmul.f32 $1.365166630e+03, v1;
	_ =	sdelay $0x1  }
0x8c: {  	p1 =	sne.s32 s0, $0x40;
	v1 =	vtrunc.f32 v1  }
.Ltmp5:
0x8d: {  	v1 =	vcvt.f32.s32 v1;
	(pc) =	sbr.rel @p1 .LBB2_27-.Ltmp5, $4  }
0x8e: {  	v2 =	vshll.u32 v2, $0xD  }
0x8f: {  	v1 =	vadd.s32 v1, v2  }
0x90: {  	[tilespmem:s1+$0x1D780] =	vst v1;
	v1 =	vadd.s32 $0x1, v1  }
0x91: {  	s0 =	sadd.s32 $0x40, s0;
	[tilespmem:s1+$0x1DB00] =	vst v1  }
0x92: {  	[tilespmem:s23], [sflag:$0x3] =	stream.indirect.gather [spmem:s18], $0x1, s21, s2, $0xb8;
	[tilespmem:$0x1E280] =	vst v63  }
0x93: {  	_ = 	snop  }
0x94: {  	[tilespmem:s26], [sflag:$0x3] =	stream.indirect.gather [spmem:s18], $0x1, s25, s2, $0xb8;
	[tilespmem:$0x1E280] =	vst v63  }
0x95: {  	_ =	swait.ge [sflag:s4], $0x320  }
0x96: {  	[sflag:s4] =	ssyncset.done $0x0  }
0x97: {  	[sflag:s4] =	ssyncadd.s32 $0xFFFFFCE0  }
0x98: {  	_ =	swait.ge [sflag:s4], $0x320  }
0x99: {  	[sflag:s4] =	ssyncset.done $0x0  }
0x9a: {  	[sflag:s4] =	ssyncadd.s32 $0xFFFFFCE0  }
0x9b: {  	_ =	swait.ge [sflag:s4], $0x320  }
0x9c: {  	[sflag:s4] =	ssyncset.done $0x0  }
0x9d: {  	[sflag:s4] =	ssyncadd.s32 $0xFFFFFCE0  }
0x9e: {  	[tilespmem:s3], [sflag:$0x2] =	stream.indirect.gather [spmem:s24], $0x1, s15, s2, $0xb8;
	[tilespmem:$0x1E280] =	vst v63  }
0x9f: {  	_ =	swait.ge [sflag:s20], $0x320  }
0xa0: {  	[sflag:s20] =	ssyncset.done $0x0  }
0xa1: {  	[sflag:s20] =	ssyncadd.s32 $0xFFFFFCE0  }
0xa2: {  	_ =	swait.ge [sflag:s20], $0x320  }
0xa3: {  	[sflag:s20] =	ssyncset.done $0x0  }
0xa4: {  	s0 =	simm.s32 $0x1B8A0;
	[sflag:s20] =	ssyncadd.s32 $0xFFFFFCE0  }
0xa5: {  	v1 =	vld [tilespmem:s0+$0x10]  }
0xa6: {  	v2 =	vld [tilespmem:s0+$0xFFFFFFF0]  }
0xa7: {  	v3 =	vld [tilespmem:s0+$0xFFFFFFE0];
	_ =	sdelay $0x1  }
0xa8: {  	s19 =	simm.s32 $0x1DBA0;
	v4 =	vld [tilespmem:s0+$0x0]  }
0xa9: {  	s1 =	simm.s32 $0x1DF20;
	v5 =	vld [tilespmem:s19+$0x10];
	v1 =	vmax.f32 v1, $0.0e+00  }
0xaa: {  	v6 =	vld [tilespmem:s1+$0x10];
	v2 =	vmax.f32 v2, $0.0e+00;
	v1 =	vmin.f32 v1, $5.999999520e+00  }
0xab: {  	v7 =	vld [tilespmem:s19+$0xFFFFFFE0];
	v3 =	vmax.f32 v3, $0.0e+00;
	v2 =	vmin.f32 v2, $5.999999520e+00;
	v1 =	vmul.f32 $1.365166630e+03, v1  }
0xac: {  	s5 =	simm.s32 $0x1BC20;
	v8 =	vld [tilespmem:s1+$0xFFFFFFE0];
	v3 =	vmin.f32 v3, $5.999999520e+00;
	v2 =	vmul.f32 $1.365166630e+03, v2  }
0xad: {  	v10 =	vld [tilespmem:s5+$0x10];
	v3 =	vmul.f32 $1.365166630e+03, v3;
	v9 =	vtrunc.f32 v1  }
0xae: {  	v11 =	vld [tilespmem:s19+$0xFFFFFFF0];
	v9 =	vcvt.f32.s32 v9  }
0xaf: {  	v14 =	vld [tilespmem:s1+$0xFFFFFFF0];
	v12 =	vtrunc.f32 v2;
	v13 =	vtrunc.f32 v3  }
0xb0: {  	v15 =	vld [tilespmem:s19+$0x0];
	v4 =	vmax.f32 v4, $0.0e+00;
	v13 =	vcvt.f32.s32 v13;
	v9 =	vcvt.s32.f32 v9  }
0xb1: {  	s29 =	simm.s32 $0x1B8E0;
	v17 =	vld [tilespmem:s5+$0xFFFFFFE0];
	v6 =	vsub.f32 v6, v5;
	v4 =	vmin.f32 v4, $5.999999520e+00;
	v12 =	vcvt.f32.s32 v12  }
0xb2: {  	v18 =	vld [tilespmem:s29+$0x10];
	v4 =	vmul.f32 $1.365166630e+03, v4;
	v1 =	vsub.f32 v1, v9;
	v9 =	vcvt.s32.f32 v13  }
0xb3: {  	v8 =	vsub.f32 v8, v7;
	v12 =	vcvt.s32.f32 v12;
	v13 =	vld [tilespmem:s5+$0xFFFFFFF0]  }
0xb4: {  	v16 =	vtrunc.f32 v4;
	v1 =	vmul.f32 v1, v6;
	v3 =	vsub.f32 v3, v9;
	v6 =	vld [tilespmem:s29+$0xFFFFFFF0]  }
0xb5: {  	v16 =	vcvt.f32.s32 v16;
	v2 =	vsub.f32 v2, v12;
	v12 =	vsub.f32 v14, v11;
	v9 =	vld [tilespmem:s1+$0x0]  }
0xb6: {  	v1 =	vadd.f32 v1, v5;
	v3 =	vmul.f32 v3, v8;
	v5 =	vld [tilespmem:s29+$0x0]  }
0xb7: {  	v14 =	vcvt.s32.f32 v16;
	v2 =	vmul.f32 v2, v12;
	v8 =	vld [tilespmem:s29+$0xFFFFFFE0]  }
0xb8: {  	s1 =	simm.s32 $0x1DBE0;
	v3 =	vadd.f32 v3, v7  }
0xb9: {  	v4 =	vsub.f32 v4, v14;
	v16 =	vld [tilespmem:s1+$0x10];
	v2 =	vadd.f32 v2, v11;
	v7 =	vmax.f32 v18, $0.0e+00  }
0xba: {  	v6 =	vmax.f32 v6, $0.0e+00;
	v9 =	vsub.f32 v9, v15;
	[tilespmem:v17+s22+$0x0] =	vst.idx.add.f32.msk $0xffff, v3;
	v3 =	vmin.f32 v7, $5.999999520e+00  }
0xbb: {  	v6 =	vmin.f32 v6, $5.999999520e+00;
	[tilespmem:v13+s22+$0x0] =	vst.idx.add.f32.msk $0xffff, v2;
	v2 =	vmax.f32 v5, $0.0e+00;
	v7 =	vmul.f32 $1.365166630e+03, v3  }
0xbc: {  	[tilespmem:v10+s22+$0x0] =	vst.idx.add.f32.msk $0xffff, v1;
	v11 =	vmul.f32 $1.365166630e+03, v6;
	v3 =	vmax.f32 v8, $0.0e+00;
	v2 =	vmin.f32 v2, $5.999999520e+00  }
0xbd: {  	v1 =	vld [tilespmem:s5+$0x0];
	s5 =	simm.s32 $0x1DF60;
	v6 =	vmul.f32 v4, v9;
	v3 =	vmin.f32 v3, $5.999999520e+00;
	v17 =	vmul.f32 $1.365166630e+03, v2  }
0xbe: {  	v8 =	vld [tilespmem:s5+$0x10];
	v2 =	vtrunc.f32 v7;
	v13 =	vmul.f32 $1.365166630e+03, v3  }
0xbf: {  	v10 =	vld [tilespmem:s5+$0xFFFFFFE0];
	v4 =	vtrunc.f32 v11;
	v2 =	vcvt.f32.s32 v2  }
0xc0: {  	s0 =	simm.s32 $0x1BC60;
	v3 =	vld [tilespmem:s1+$0xFFFFFFE0];
	v61 =	vcvt.f32.s32 v4  }
0xc1: {  	v5 =	vld [tilespmem:s0+$0x10];
	v9 =	vtrunc.f32 v13;
	v2 =	vcvt.s32.f32 v2  }
0xc2: {  	v4 =	vld [tilespmem:s1+$0xFFFFFFF0];
	v12 =	vtrunc.f32 v17;
	v14 =	vcvt.f32.s32 v9  }
0xc3: {  	v9 =	vld [tilespmem:s5+$0xFFFFFFF0];
	v19 =	vcvt.f32.s32 v12;
	v8 =	vsub.f32 v8, v16;
	v7 =	vsub.f32 v7, v2  }
0xc4: {  	v2 =	vadd.f32 v6, v15;
	v14 =	vcvt.s32.f32 v14;
	v15 =	vcvt.s32.f32 v61;
	v6 =	vld [tilespmem:s1+$0x0]  }
0xc5: {  	v12 =	vsub.f32 v10, v3;
	v62 =	vcvt.s32.f32 v19;
	v10 =	vld [tilespmem:s5+$0x0];
	v63 =	vmul.f32 v7, v8  }
0xc6: {  	v14 =	vsub.f32 v13, v14;
	v8 =	vld [tilespmem:s0+$0xFFFFFFE0];
	v13 =	vsub.f32 v11, v15  }
0xc7: {  	s6 =	simm.s32 $0x4;
	s10 =	simm.s32 $0x1B920;
	v7 =	vld [tilespmem:s0+$0xFFFFFFF0];
	v11 =	vsub.f32 v17, v62;
	v15 =	vadd.f32 v63, v16  }
.LBB2_29:
0xc8: {  	v16 =	vld [tilespmem:s10+$0x10];
	v12 =	vmul.f32 v14, v12;
	v9 =	vsub.f32 v9, v4  }
0xc9: {  	s6 =	sadd.s32 $0x4, s6;
	[tilespmem:v5+s22+$0x0] =	vst.idx.add.f32.msk $0xffff, v15  }
0xca: {  	p1 =	slt.u32 s6, $0x2C;
	v5 =	vld [tilespmem:s10+$0xFFFFFFF0];
	v3 =	vadd.f32 v12, v3;
	v9 =	vmul.f32 v13, v9;
	v10 =	vsub.f32 v10, v6  }
0xcb: {  	v12 =	vld [tilespmem:s10+$0x0]  }
0xcc: {  	v13 =	vld [tilespmem:s10+$0xFFFFFFE0];
	v4 =	vadd.f32 v9, v4;
	v9 =	vmul.f32 v11, v10  }
0xcd: {  	v10 =	vld [tilespmem:s0+$0x0]  }
0xce: {  	v11 =	vmax.f32 v16, $0.0e+00;
	[tilespmem:v8+s22+$0x0] =	vst.idx.add.f32.msk $0xffff, v3;
	v3 =	vadd.f32 v9, v6  }
0xcf: {  	v6 =	vmin.f32 v11, $5.999999520e+00;
	v5 =	vmax.f32 v5, $0.0e+00;
	[tilespmem:v7+s22+$0x0] =	vst.idx.add.f32.msk $0xffff, v4  }
0xd0: {  	s1 =	sadd.s32 $0x40, s1;
	v6 =	vmul.f32 $1.365166630e+03, v6;
	v4 =	vmin.f32 v5, $5.999999520e+00;
	v5 =	vmax.f32 v12, $0.0e+00;
	[tilespmem:v1+s22+$0x0] =	vst.idx.add.f32.msk $0xffff, v2;
	v2 =	vmovc v3  }
0xd1: {  	s5 =	sadd.s32 $0x40, s5;
	v9 =	vmax.f32 v13, $0.0e+00;
	v7 =	vmul.f32 $1.365166630e+03, v4;
	v3 =	vmin.f32 v5, $5.999999520e+00;
	v15 =	vld [tilespmem:s1+$0x10]  }
0xd2: {  	v5 =	vtrunc.f32 v6;
	v4 =	vmin.f32 v9, $5.999999520e+00;
	v11 =	vmul.f32 $1.365166630e+03, v3;
	v8 =	vld [tilespmem:s5+$0x10];
	v1 =	vmovc v10  }
0xd3: {  	v13 =	vmul.f32 $1.365166630e+03, v4;
	v3 =	vld [tilespmem:s1+$0xFFFFFFE0];
	v4 =	vcvt.f32.s32 v5  }
0xd4: {  	s0 =	sadd.s32 $0x40, s0;
	v9 =	vtrunc.f32 v7;
	v10 =	vld [tilespmem:s5+$0xFFFFFFE0];
	v12 =	vtrunc.f32 v11  }
0xd5: {  	v14 =	vtrunc.f32 v13;
	v16 =	vcvt.s32.f32 v4;
	v5 =	vld [tilespmem:s0+$0x10]  }
0xd6: {  	v17 =	vcvt.f32.s32 v9;
	v14 =	vcvt.f32.s32 v14;
	v4 =	vld [tilespmem:s1+$0xFFFFFFF0]  }
.Ltmp6:
0xd7: {  	v18 =	vcvt.f32.s32 v12;
	v9 =	vld [tilespmem:s5+$0xFFFFFFF0];
	v16 =	vsub.f32 v6, v16;
	v8 =	vsub.f32 v8, v15;
	(pc) =	sbr.rel @p1 .LBB2_29-.Ltmp6, $4  }
0xd8: {  	v17 =	vcvt.s32.f32 v17;
	v14 =	vcvt.s32.f32 v14;
	v6 =	vld [tilespmem:s1+$0x0]  }
0xd9: {  	v18 =	vcvt.s32.f32 v18;
	v12 =	vsub.f32 v10, v3;
	v10 =	vld [tilespmem:s5+$0x0];
	v16 =	vmul.f32 v16, v8  }
0xda: {  	v14 =	vsub.f32 v13, v14;
	v8 =	vld [tilespmem:s0+$0xFFFFFFE0];
	v13 =	vsub.f32 v7, v17  }
0xdb: {  	s10 =	sadd.s32 $0x40, s10;
	v11 =	vsub.f32 v11, v18;
	v7 =	vld [tilespmem:s0+$0xFFFFFFF0];
	v15 =	vadd.f32 v16, v15  }
0xdc: {  	_ = 	snop  }
0xdd: {  	v16 =	vld [tilespmem:s0+$0x0]  }
0xde: {  	v9 =	vsub.f32 v9, v4  }
0xdf: {  	v12 =	vmul.f32 v14, v12;
	v10 =	vsub.f32 v10, v6  }
0xe0: {  	v9 =	vmul.f32 v13, v9  }
0xe1: {  	[tilespmem:v1+s22+$0x0] =	vst.idx.add.f32.msk $0xffff, v2;
	v3 =	vadd.f32 v12, v3;
	v63 =	vmul.f32 v11, v10  }
0xe2: {  	[tilespmem:v5+s22+$0x0] =	vst.idx.add.f32.msk $0xffff, v15;
	v62 =	vadd.f32 v9, v4  }
0xe3: {  	[tilespmem:v8+s22+$0x0] =	vst.idx.add.f32.msk $0xffff, v3;
	v3 =	vadd.f32 v63, v6  }
0xe4: {  	[tilespmem:v7+s22+$0x0] =	vst.idx.add.f32.msk $0xffff, v62  }
0xe5: {  	s0 =	simm.s32 $0x0;
	[tilespmem:v16+s22+$0x0] =	vst.idx.add.f32.msk $0xffff, v3  }
.LBB2_31:
0xe6: {  	s1 =	sshra.s32 s0, $0x2  }
0xe7: {  	v1 =	vld [tilespmem:s1+$0x1BB80];
	_ =	sdelay $0x4  }
0xe8: {  	v1 =	vmax.f32 v1, $0.0e+00  }
0xe9: {  	v1 =	vmin.f32 v1, $5.999999520e+00  }
0xea: {  	v1 =	vmul.f32 $1.365166630e+03, v1  }
0xeb: {  	v2 =	vld [tilespmem:s1+$0x1DE80]  }
0xec: {  	v4 =	vld [tilespmem:s1+$0x1E200];
	v3 =	vtrunc.f32 v1  }
0xed: {  	v3 =	vcvt.f32.s32 v3;
	_ =	sdelay $0x1  }
0xee: {  	v5 =	vld [tilespmem:s1+$0x1BF00];
	v3 =	vcvt.s32.f32 v3;
	_ =	sdelay $0x1  }
0xef: {  	v1 =	vsub.f32 v1, v3;
	v3 =	vsub.f32 v4, v2  }
0xf0: {  	p1 =	sne.s32 s0, $0x40  }
.Ltmp7:
0xf1: {  	v1 =	vmul.f32 v1, v3;
	(pc) =	sbr.rel @p1 .LBB2_31-.Ltmp7, $3  }
0xf2: {  	_ = 	snop  }
0xf3: {  	v1 =	vadd.f32 v1, v2;
	_ =	sdelay $0x1  }
0xf4: {  	s0 =	sadd.s32 $0x40, s0;
	[tilespmem:v5+s22+$0x0] =	vst.idx.add.f32.msk $0xffff, v1  }
0xf5: {  	p1 =	seq.s32 s14, $0x7C  }
0xf6: {  	s0 =	sadd.s32 @!p1 s28, s30  }
0xf7: {  	s0 =	sshrl.u32 @!p1 s0, $0x3  }
0xf8: {  	s5 =	simm.s32 @!p1 $0x0;
	s6 =	simm.s32 @!p1 $0x1B880;
	s1 =	sadd.s32 @!p1 s31, s0  }
0xf9: {  	[tilespmem:s6], [sflag:$0x1] =	stream.linear.gather @!p1 [hbm4b:s1+s5], $0x320, $0x38;
	[tilespmem:$0x1E280] =	vst v63  }
0xfa: {  	s1 =	sadd.s32 @!p1 s8, s0;
	s6 =	simm.s32 @!p1 $0x1BC00  }
0xfb: {  	[tilespmem:s6], [sflag:$0x1] =	stream.linear.gather @!p1 [hbm4b:s1+s5], $0x320, $0x38;
	[tilespmem:$0x1E280] =	vst v63  }
0xfc: {  	s0 =	sadd.s32 @!p1 s9, s0;
	s1 =	simm.s32 @!p1 $0x1BF80  }
0xfd: {  	[tilespmem:s1], [sflag:$0x1] =	stream.linear.gather @!p1 [hbm4b:s0+s5], $0x320, $0x38;
	[tilespmem:$0x1E280] =	vst v63  }
0xfe: {  	_ =	swait.ge [sflag:s13], $0x320  }
0xff: {  	[sflag:s13] =	ssyncset.done $0x0  }
0x100: {  	s19 =	simm.s32 $0x1C320;
	[sflag:s13] =	ssyncadd.s32 $0xFFFFFCE0  }
0x101: {  	v1 =	vld [tilespmem:s19+$0x10]  }
0x102: {  	v2 =	vld [tilespmem:s19+$0x0]  }
0x103: {  	v3 =	vld [tilespmem:s19+$0xFFFFFFF0]  }
0x104: {  	v4 =	vld [tilespmem:s19+$0xFFFFFFE0]  }
0x105: {  	s28 =	simm.s32 $0x1D120  }
0x106: {  	v5 =	vld [tilespmem:s28+$0x10];
	v1 =	vmax.f32 v1, $0.0e+00  }
0x107: {  	v6 =	vld [tilespmem:s28+$0x0];
	v1 =	vmin.f32 v1, $5.999999520e+00  }
0x108: {  	v2 =	vmax.f32 v2, $0.0e+00;
	v1 =	vmul.f32 $1.365166630e+03, v1  }
0x109: {  	v7 =	vld [tilespmem:s28+$0xFFFFFFE0];
	v3 =	vmax.f32 v3, $0.0e+00;
	v4 =	vmax.f32 v4, $0.0e+00;
	v2 =	vmin.f32 v2, $5.999999520e+00  }
0x10a: {  	s29 =	simm.s32 $0x1C360;
	v8 =	vld [tilespmem:s28+$0xFFFFFFF0];
	v3 =	vmin.f32 v3, $5.999999520e+00;
	v2 =	vmul.f32 $1.365166630e+03, v2;
	v1 =	vtrunc.f32 v1  }
0x10b: {  	v10 =	vld [tilespmem:s29+$0x10];
	v4 =	vmin.f32 v4, $5.999999520e+00;
	v3 =	vmul.f32 $1.365166630e+03, v3;
	v1 =	vcvt.f32.s32 v1  }
0x10c: {  	v9 =	vld [tilespmem:s29+$0x0];
	v5 =	vshll.u32 v5, $0xD;
	v11 =	vshll.u32 v6, $0xD;
	v4 =	vmul.f32 $1.365166630e+03, v4  }
0x10d: {  	v2 =	vtrunc.f32 v2;
	v3 =	vtrunc.f32 v3;
	v1 =	vadd.s32 v1, v5  }
0x10e: {  	s0 =	simm.s32 $0x1D4A0;
	v12 =	vld [tilespmem:s29+$0xFFFFFFE0];
	v4 =	vtrunc.f32 v4;
	v3 =	vcvt.f32.s32 v3;
	v6 =	vadd.s32 $0x1, v1  }
0x10f: {  	s1 =	simm.s32 $0x1D820;
	v5 =	vld [tilespmem:s29+$0xFFFFFFF0];
	[tilespmem:s0+$0x10] =	vst v1;
	v1 =	vcvt.f32.s32 v4;
	v4 =	vshll.u32 v7, $0xD;
	v7 =	vshll.u32 v8, $0xD  }
0x110: {  	v8 =	vcvt.f32.s32 v2;
	v2 =	vmax.f32 v10, $0.0e+00;
	[tilespmem:s1+$0x10] =	vst v6;
	v3 =	vadd.s32 v3, v7  }
0x111: {  	s5 =	simm.s32 $0x1D160;
	v6 =	vmax.f32 v9, $0.0e+00;
	v2 =	vmin.f32 v2, $5.999999520e+00;
	v1 =	vadd.s32 v1, v4;
	[tilespmem:s0+$0xFFFFFFF0] =	vst v3  }
0x112: {  	v3 =	vadd.s32 $0x1, v3;
	v6 =	vmin.f32 v6, $5.999999520e+00;
	v4 =	vld [tilespmem:s5+$0x10];
	v10 =	vmul.f32 $1.365166630e+03, v2;
	[tilespmem:s0+$0xFFFFFFE0] =	vst v1  }
0x113: {  	v11 =	vadd.s32 v8, v11;
	v7 =	vadd.s32 $0x1, v1;
	v9 =	vmul.f32 $1.365166630e+03, v6;
	v1 =	vld [tilespmem:s5+$0x0];
	[tilespmem:s1+$0xFFFFFFF0] =	vst v3  }
0x114: {  	v2 =	vld [tilespmem:s5+$0xFFFFFFE0];
	v6 =	vmax.f32 v12, $0.0e+00;
	[tilespmem:s0+$0x0] =	vst v11;
	v5 =	vmax.f32 v5, $0.0e+00;
	v8 =	vtrunc.f32 v10  }
0x115: {  	s10 =	simm.s32 $0x1C3A0;
	s6 =	simm.s32 $0x4;
	[tilespmem:s1+$0xFFFFFFE0] =	vst v7;
	v7 =	vmin.f32 v5, $5.999999520e+00;
	v5 =	vld [tilespmem:s5+$0xFFFFFFF0];
	v3 =	vtrunc.f32 v9;
	v9 =	vadd.s32 $0x1, v11  }
.LBB2_33:
0x116: {  	v10 =	vld [tilespmem:s10+$0x0];
	s6 =	sadd.s32 $0x4, s6;
	v6 =	vmin.f32 v6, $5.999999520e+00;
	v7 =	vmul.f32 $1.365166630e+03, v7;
	v8 =	vcvt.f32.s32 v8;
	[tilespmem:s1+$0x0] =	vst v9;
	s1 =	sadd.s32 $0x40, s1;
	s0 =	sadd.s32 $0x40, s0  }
0x117: {  	v9 =	vld [tilespmem:s10+$0x10];
	p2 =	slt.u32 s6, $0x2C;
	v6 =	vmul.f32 $1.365166630e+03, v6;
	v4 =	vshll.u32 v4, $0xD  }
0x118: {  	v11 =	vld [tilespmem:s10+$0xFFFFFFF0];
	v7 =	vtrunc.f32 v7;
	v12 =	vshll.u32 v1, $0xD;
	v1 =	vadd.s32 v8, v4  }
0x119: {  	v8 =	vld [tilespmem:s10+$0xFFFFFFE0];
	v4 =	vtrunc.f32 v6;
	v6 =	vcvt.f32.s32 v7;
	[tilespmem:s0+$0x10] =	vst v1;
	v1 =	vadd.s32 $0x1, v1  }
0x11a: {  	v2 =	vshll.u32 v2, $0xD;
	v4 =	vcvt.f32.s32 v4;
	v5 =	vshll.u32 v5, $0xD;
	[tilespmem:s1+$0x10] =	vst v1  }
0x11b: {  	v3 =	vcvt.f32.s32 v3;
	v1 =	vmax.f32 v10, $0.0e+00;
	v5 =	vadd.s32 v6, v5  }
.Ltmp8:
0x11c: {  	s5 =	sadd.s32 $0x40, s5;
	v6 =	vmax.f32 v9, $0.0e+00;
	v2 =	vadd.s32 v4, v2;
	[tilespmem:s0+$0xFFFFFFF0] =	vst v5;
	v5 =	vadd.s32 $0x1, v5;
	(pc) =	sbr.rel @p2 .LBB2_33-.Ltmp8, $4  }
0x11d: {  	v1 =	vmin.f32 v1, $5.999999520e+00;
	v6 =	vmin.f32 v6, $5.999999520e+00;
	v4 =	vld [tilespmem:s5+$0x10];
	[tilespmem:s0+$0xFFFFFFE0] =	vst v2;
	v2 =	vadd.s32 $0x1, v2  }
0x11e: {  	v7 =	vmax.f32 v11, $0.0e+00;
	v9 =	vmul.f32 $1.365166630e+03, v1;
	v1 =	vld [tilespmem:s5+$0x0];
	v10 =	vmul.f32 $1.365166630e+03, v6;
	[tilespmem:s1+$0xFFFFFFE0] =	vst v2  }
0x11f: {  	v11 =	vadd.s32 v3, v12;
	v6 =	vmax.f32 v8, $0.0e+00;
	v7 =	vmin.f32 v7, $5.999999520e+00;
	v2 =	vld [tilespmem:s5+$0xFFFFFFE0];
	[tilespmem:s1+$0xFFFFFFF0] =	vst v5  }
0x120: {  	s10 =	sadd.s32 $0x40, s10;
	v3 =	vtrunc.f32 v9;
	v9 =	vadd.s32 $0x1, v11;
	v5 =	vld [tilespmem:s5+$0xFFFFFFF0];
	v8 =	vtrunc.f32 v10;
	[tilespmem:s0+$0x0] =	vst v11  }
0x121: {  	v8 =	vcvt.f32.s32 v8  }
0x122: {  	v6 =	vmin.f32 v6, $5.999999520e+00;
	v7 =	vmul.f32 $1.365166630e+03, v7;
	v4 =	vshll.u32 v4, $0xD  }
0x123: {  	[tilespmem:s1+$0x0] =	vst v9;
	s0 =	sadd.s32 $0x40, s0;
	v3 =	vcvt.f32.s32 v3;
	v6 =	vmul.f32 $1.365166630e+03, v6;
	v4 =	vadd.s32 v8, v4  }
0x124: {  	s29 =	sadd.s32 $0x40, s1;
	v7 =	vtrunc.f32 v7;
	v1 =	vshll.u32 v1, $0xD;
	[tilespmem:s0+$0x10] =	vst v4;
	v4 =	vadd.s32 $0x1, v4  }
0x125: {  	v6 =	vtrunc.f32 v6;
	v7 =	vcvt.f32.s32 v7;
	v1 =	vadd.s32 v3, v1;
	[tilespmem:s29+$0x10] =	vst v4  }
0x126: {  	v6 =	vcvt.f32.s32 v6;
	v5 =	vshll.u32 v5, $0xD;
	[tilespmem:s0+$0x0] =	vst v1;
	v1 =	vadd.s32 $0x1, v1  }
0x127: {  	v2 =	vshll.u32 v2, $0xD;
	v63 =	vadd.s32 v7, v5;
	[tilespmem:s29+$0x0] =	vst v1  }
0x128: {  	v2 =	vadd.s32 v6, v2;
	[tilespmem:s0+$0xFFFFFFF0] =	vst v63  }
0x129: {  	v4 =	vadd.s32 $0x1, v63;
	[tilespmem:s0+$0xFFFFFFE0] =	vst v2  }
0x12a: {  	v2 =	vadd.s32 $0x1, v2;
	[tilespmem:s29+$0xFFFFFFF0] =	vst v4  }
0x12b: {  	s0 =	simm.s32 $0x0;
	[tilespmem:s29+$0xFFFFFFE0] =	vst v2  }
.LBB2_35:
0x12c: {  	s1 =	sshra.s32 s0, $0x2  }
0x12d: {  	v1 =	vld [tilespmem:s1+$0x1C600];
	_ =	sdelay $0x4  }
0x12e: {  	v1 =	vmax.f32 v1, $0.0e+00  }
0x12f: {  	v2 =	vld [tilespmem:s1+$0x1D400];
	v1 =	vmin.f32 v1, $5.999999520e+00  }
0x130: {  	v1 =	vmul.f32 $1.365166630e+03, v1;
	_ =	sdelay $0x1  }
0x131: {  	p2 =	sne.s32 s0, $0x40;
	v1 =	vtrunc.f32 v1  }
.Ltmp9:
0x132: {  	v1 =	vcvt.f32.s32 v1;
	(pc) =	sbr.rel @p2 .LBB2_35-.Ltmp9, $4  }
0x133: {  	v2 =	vshll.u32 v2, $0xD  }
0x134: {  	v1 =	vadd.s32 v1, v2  }
0x135: {  	[tilespmem:s1+$0x1D780] =	vst v1;
	v1 =	vadd.s32 $0x1, v1  }
0x136: {  	s0 =	sadd.s32 $0x40, s0;
	[tilespmem:s1+$0x1DB00] =	vst v1  }
0x137: {  	[tilespmem:s23], [sflag:$0x3] =	stream.indirect.gather [spmem:s18], $0x1, s21, s2, $0xb8;
	[tilespmem:$0x1E280] =	vst v63  }
0x138: {  	s0 =	simm.s32 @!p1 $0x1  }
0x139: {  	[tilespmem:s26], [sflag:$0x3] =	stream.indirect.gather [spmem:s18], $0x1, s25, s2, $0xb8;
	[tilespmem:$0x1E280] =	vst v63  }
0x13a: {  	_ =	swait.ge @!p1 [sflag:s0], $0x320  }
0x13b: {  	[sflag:s0] =	ssyncset.done @!p1 $0x0  }
0x13c: {  	[sflag:s0] =	ssyncadd.s32 @!p1 $0xFFFFFCE0  }
0x13d: {  	_ =	swait.ge @!p1 [sflag:s0], $0x320  }
0x13e: {  	[sflag:s0] =	ssyncset.done @!p1 $0x0  }
0x13f: {  	[sflag:s0] =	ssyncadd.s32 @!p1 $0xFFFFFCE0  }
0x140: {  	_ =	swait.ge @!p1 [sflag:s0], $0x320  }
0x141: {  	s1 =	simm.s32 @!p1 $0x1BF80;
	[sflag:s0] =	ssyncset.done @!p1 $0x0  }
0x142: {  	s5 =	simm.s32 @!p1 $0x1D100;
	[sflag:s0] =	ssyncadd.s32 @!p1 $0xFFFFFCE0;
	s0 =	simm.s32 @!p1 $0x320  }
0x143: {  	[tilespmem:s5], [sflag:$0x2] =	stream.indirect.gather @!p1 [spmem:s24], $0x1, s1, s0, $0xb8;
	[tilespmem:$0x1E280] =	vst v63  }
0x144: {  	_ =	swait.ge [sflag:s20], $0x320  }
0x145: {  	[sflag:s20] =	ssyncset.done $0x0  }
0x146: {  	[sflag:s20] =	ssyncadd.s32 $0xFFFFFCE0  }
0x147: {  	_ =	swait.ge [sflag:s20], $0x320  }
0x148: {  	[sflag:s20] =	ssyncset.done $0x0  }
0x149: {  	s16 =	simm.s32 $0x1C320;
	[sflag:s20] =	ssyncadd.s32 $0xFFFFFCE0  }
0x14a: {  	v1 =	vld [tilespmem:s16+$0x10]  }
0x14b: {  	v2 =	vld [tilespmem:s16+$0xFFFFFFF0]  }
0x14c: {  	v3 =	vld [tilespmem:s16+$0xFFFFFFE0];
	_ =	sdelay $0x1  }
0x14d: {  	s17 =	simm.s32 $0x1DBA0;
	v4 =	vld [tilespmem:s16+$0x0]  }
0x14e: {  	s19 =	simm.s32 $0x1DF20;
	v5 =	vld [tilespmem:s17+$0x10];
	v1 =	vmax.f32 v1, $0.0e+00  }
0x14f: {  	v6 =	vld [tilespmem:s19+$0x10];
	v2 =	vmax.f32 v2, $0.0e+00;
	v1 =	vmin.f32 v1, $5.999999520e+00  }
0x150: {  	v7 =	vld [tilespmem:s17+$0xFFFFFFE0];
	v3 =	vmax.f32 v3, $0.0e+00;
	v2 =	vmin.f32 v2, $5.999999520e+00;
	v1 =	vmul.f32 $1.365166630e+03, v1  }
0x151: {  	s28 =	simm.s32 $0x1C6A0;
	v8 =	vld [tilespmem:s19+$0xFFFFFFE0];
	v3 =	vmin.f32 v3, $5.999999520e+00;
	v2 =	vmul.f32 $1.365166630e+03, v2  }
0x152: {  	v10 =	vld [tilespmem:s28+$0x10];
	v3 =	vmul.f32 $1.365166630e+03, v3;
	v9 =	vtrunc.f32 v1  }
0x153: {  	v11 =	vld [tilespmem:s17+$0xFFFFFFF0];
	v9 =	vcvt.f32.s32 v9  }
0x154: {  	v14 =	vld [tilespmem:s19+$0xFFFFFFF0];
	v12 =	vtrunc.f32 v2;
	v13 =	vtrunc.f32 v3  }
0x155: {  	v15 =	vld [tilespmem:s17+$0x0];
	v4 =	vmax.f32 v4, $0.0e+00;
	v13 =	vcvt.f32.s32 v13;
	v9 =	vcvt.s32.f32 v9  }
0x156: {  	s29 =	simm.s32 $0x1C360;
	v17 =	vld [tilespmem:s28+$0xFFFFFFE0];
	v6 =	vsub.f32 v6, v5;
	v4 =	vmin.f32 v4, $5.999999520e+00;
	v12 =	vcvt.f32.s32 v12  }
0x157: {  	v18 =	vld [tilespmem:s29+$0x10];
	v4 =	vmul.f32 $1.365166630e+03, v4;
	v1 =	vsub.f32 v1, v9;
	v9 =	vcvt.s32.f32 v13  }
0x158: {  	v8 =	vsub.f32 v8, v7;
	v12 =	vcvt.s32.f32 v12;
	v13 =	vld [tilespmem:s28+$0xFFFFFFF0]  }
0x159: {  	v16 =	vtrunc.f32 v4;
	v1 =	vmul.f32 v1, v6;
	v3 =	vsub.f32 v3, v9;
	v6 =	vld [tilespmem:s29+$0xFFFFFFF0]  }
0x15a: {  	v16 =	vcvt.f32.s32 v16;
	v2 =	vsub.f32 v2, v12;
	v12 =	vsub.f32 v14, v11;
	v9 =	vld [tilespmem:s19+$0x0]  }
0x15b: {  	v1 =	vadd.f32 v1, v5;
	v3 =	vmul.f32 v3, v8;
	v5 =	vld [tilespmem:s29+$0x0]  }
0x15c: {  	v14 =	vcvt.s32.f32 v16;
	v2 =	vmul.f32 v2, v12;
	v8 =	vld [tilespmem:s29+$0xFFFFFFE0]  }
0x15d: {  	s1 =	simm.s32 $0x1DBE0;
	v3 =	vadd.f32 v3, v7  }
0x15e: {  	v16 =	vld [tilespmem:s1+$0x10];
	v4 =	vsub.f32 v4, v14;
	v2 =	vadd.f32 v2, v11;
	v7 =	vmax.f32 v18, $0.0e+00  }
0x15f: {  	v6 =	vmax.f32 v6, $0.0e+00;
	v9 =	vsub.f32 v9, v15;
	[tilespmem:v17+s22+$0x0] =	vst.idx.add.f32.msk $0xffff, v3;
	v3 =	vmin.f32 v7, $5.999999520e+00  }
0x160: {  	v6 =	vmin.f32 v6, $5.999999520e+00;
	[tilespmem:v13+s22+$0x0] =	vst.idx.add.f32.msk $0xffff, v2;
	v2 =	vmax.f32 v5, $0.0e+00;
	v7 =	vmul.f32 $1.365166630e+03, v3  }
0x161: {  	[tilespmem:v10+s22+$0x0] =	vst.idx.add.f32.msk $0xffff, v1;
	v11 =	vmul.f32 $1.365166630e+03, v6;
	v3 =	vmax.f32 v8, $0.0e+00;
	v2 =	vmin.f32 v2, $5.999999520e+00  }
0x162: {  	s5 =	simm.s32 $0x1DF60;
	v1 =	vld [tilespmem:s28+$0x0];
	v6 =	vmul.f32 v4, v9;
	v3 =	vmin.f32 v3, $5.999999520e+00;
	v17 =	vmul.f32 $1.365166630e+03, v2  }
0x163: {  	v8 =	vld [tilespmem:s5+$0x10];
	v2 =	vtrunc.f32 v7;
	v13 =	vmul.f32 $1.365166630e+03, v3  }
0x164: {  	v10 =	vld [tilespmem:s5+$0xFFFFFFE0];
	v4 =	vtrunc.f32 v11;
	v2 =	vcvt.f32.s32 v2  }
0x165: {  	s0 =	simm.s32 $0x1C6E0;
	v3 =	vld [tilespmem:s1+$0xFFFFFFE0];
	v61 =	vcvt.f32.s32 v4  }
0x166: {  	v5 =	vld [tilespmem:s0+$0x10];
	v9 =	vtrunc.f32 v13;
	v2 =	vcvt.s32.f32 v2  }
0x167: {  	v4 =	vld [tilespmem:s1+$0xFFFFFFF0];
	v12 =	vtrunc.f32 v17;
	v14 =	vcvt.f32.s32 v9  }
0x168: {  	v9 =	vld [tilespmem:s5+$0xFFFFFFF0];
	v19 =	vcvt.f32.s32 v12;
	v8 =	vsub.f32 v8, v16;
	v7 =	vsub.f32 v7, v2  }
0x169: {  	v2 =	vadd.f32 v6, v15;
	v14 =	vcvt.s32.f32 v14;
	v15 =	vcvt.s32.f32 v61;
	v6 =	vld [tilespmem:s1+$0x0]  }
0x16a: {  	v12 =	vsub.f32 v10, v3;
	v62 =	vcvt.s32.f32 v19;
	v10 =	vld [tilespmem:s5+$0x0];
	v63 =	vmul.f32 v7, v8  }
0x16b: {  	v14 =	vsub.f32 v13, v14;
	v8 =	vld [tilespmem:s0+$0xFFFFFFE0];
	v13 =	vsub.f32 v11, v15  }
0x16c: {  	s6 =	simm.s32 $0x4;
	s10 =	simm.s32 $0x1C3A0;
	v7 =	vld [tilespmem:s0+$0xFFFFFFF0];
	v11 =	vsub.f32 v17, v62;
	v15 =	vadd.f32 v63, v16  }
.LBB2_37:
0x16d: {  	v16 =	vld [tilespmem:s10+$0x10];
	v12 =	vmul.f32 v14, v12;
	v9 =	vsub.f32 v9, v4  }
0x16e: {  	s6 =	sadd.s32 $0x4, s6;
	[tilespmem:v5+s22+$0x0] =	vst.idx.add.f32.msk $0xffff, v15  }
0x16f: {  	p1 =	slt.u32 s6, $0x2C;
	v5 =	vld [tilespmem:s10+$0xFFFFFFF0];
	v3 =	vadd.f32 v12, v3;
	v9 =	vmul.f32 v13, v9;
	v10 =	vsub.f32 v10, v6  }
0x170: {  	v12 =	vld [tilespmem:s10+$0x0]  }
0x171: {  	v13 =	vld [tilespmem:s10+$0xFFFFFFE0];
	v4 =	vadd.f32 v9, v4;
	v9 =	vmul.f32 v11, v10  }
0x172: {  	v10 =	vld [tilespmem:s0+$0x0]  }
0x173: {  	v11 =	vmax.f32 v16, $0.0e+00;
	[tilespmem:v8+s22+$0x0] =	vst.idx.add.f32.msk $0xffff, v3;
	v3 =	vadd.f32 v9, v6  }
0x174: {  	v6 =	vmin.f32 v11, $5.999999520e+00;
	v5 =	vmax.f32 v5, $0.0e+00;
	[tilespmem:v7+s22+$0x0] =	vst.idx.add.f32.msk $0xffff, v4  }
0x175: {  	s1 =	sadd.s32 $0x40, s1;
	v6 =	vmul.f32 $1.365166630e+03, v6;
	v4 =	vmin.f32 v5, $5.999999520e+00;
	v5 =	vmax.f32 v12, $0.0e+00;
	[tilespmem:v1+s22+$0x0] =	vst.idx.add.f32.msk $0xffff, v2;
	v2 =	vmovc v3  }
0x176: {  	s5 =	sadd.s32 $0x40, s5;
	v9 =	vmax.f32 v13, $0.0e+00;
	v7 =	vmul.f32 $1.365166630e+03, v4;
	v3 =	vmin.f32 v5, $5.999999520e+00;
	v15 =	vld [tilespmem:s1+$0x10]  }
0x177: {  	v5 =	vtrunc.f32 v6;
	v4 =	vmin.f32 v9, $5.999999520e+00;
	v11 =	vmul.f32 $1.365166630e+03, v3;
	v8 =	vld [tilespmem:s5+$0x10];
	v1 =	vmovc v10  }
0x178: {  	v13 =	vmul.f32 $1.365166630e+03, v4;
	v3 =	vld [tilespmem:s1+$0xFFFFFFE0];
	v4 =	vcvt.f32.s32 v5  }
0x179: {  	s0 =	sadd.s32 $0x40, s0;
	v9 =	vtrunc.f32 v7;
	v10 =	vld [tilespmem:s5+$0xFFFFFFE0];
	v12 =	vtrunc.f32 v11  }
0x17a: {  	v14 =	vtrunc.f32 v13;
	v16 =	vcvt.s32.f32 v4;
	v5 =	vld [tilespmem:s0+$0x10]  }
0x17b: {  	v17 =	vcvt.f32.s32 v9;
	v14 =	vcvt.f32.s32 v14;
	v4 =	vld [tilespmem:s1+$0xFFFFFFF0]  }
.Ltmp10:
0x17c: {  	v18 =	vcvt.f32.s32 v12;
	v9 =	vld [tilespmem:s5+$0xFFFFFFF0];
	v16 =	vsub.f32 v6, v16;
	v8 =	vsub.f32 v8, v15;
	(pc) =	sbr.rel @p1 .LBB2_37-.Ltmp10, $4  }
0x17d: {  	v17 =	vcvt.s32.f32 v17;
	v14 =	vcvt.s32.f32 v14;
	v6 =	vld [tilespmem:s1+$0x0]  }
0x17e: {  	v18 =	vcvt.s32.f32 v18;
	v12 =	vsub.f32 v10, v3;
	v10 =	vld [tilespmem:s5+$0x0];
	v16 =	vmul.f32 v16, v8  }
0x17f: {  	v14 =	vsub.f32 v13, v14;
	v8 =	vld [tilespmem:s0+$0xFFFFFFE0];
	v13 =	vsub.f32 v7, v17  }
0x180: {  	s10 =	sadd.s32 $0x40, s10;
	v11 =	vsub.f32 v11, v18;
	v7 =	vld [tilespmem:s0+$0xFFFFFFF0];
	v15 =	vadd.f32 v16, v15  }
0x181: {  	_ = 	snop  }
0x182: {  	v16 =	vld [tilespmem:s0+$0x0]  }
0x183: {  	v9 =	vsub.f32 v9, v4  }
0x184: {  	v12 =	vmul.f32 v14, v12;
	v10 =	vsub.f32 v10, v6  }
0x185: {  	v9 =	vmul.f32 v13, v9  }
0x186: {  	[tilespmem:v1+s22+$0x0] =	vst.idx.add.f32.msk $0xffff, v2;
	v3 =	vadd.f32 v12, v3;
	v63 =	vmul.f32 v11, v10  }
0x187: {  	[tilespmem:v5+s22+$0x0] =	vst.idx.add.f32.msk $0xffff, v15;
	v62 =	vadd.f32 v9, v4  }
0x188: {  	[tilespmem:v8+s22+$0x0] =	vst.idx.add.f32.msk $0xffff, v3;
	v3 =	vadd.f32 v63, v6  }
0x189: {  	[tilespmem:v7+s22+$0x0] =	vst.idx.add.f32.msk $0xffff, v62  }
0x18a: {  	s0 =	simm.s32 $0x0;
	[tilespmem:v16+s22+$0x0] =	vst.idx.add.f32.msk $0xffff, v3  }
.LBB2_39:
0x18b: {  	s1 =	sshra.s32 s0, $0x2  }
0x18c: {  	v1 =	vld [tilespmem:s1+$0x1C600];
	_ =	sdelay $0x4  }
0x18d: {  	v1 =	vmax.f32 v1, $0.0e+00  }
0x18e: {  	v1 =	vmin.f32 v1, $5.999999520e+00  }
0x18f: {  	v1 =	vmul.f32 $1.365166630e+03, v1  }
0x190: {  	v2 =	vld [tilespmem:s1+$0x1DE80]  }
0x191: {  	v4 =	vld [tilespmem:s1+$0x1E200];
	v3 =	vtrunc.f32 v1  }
0x192: {  	v3 =	vcvt.f32.s32 v3;
	_ =	sdelay $0x1  }
0x193: {  	v5 =	vld [tilespmem:s1+$0x1C980];
	v3 =	vcvt.s32.f32 v3;
	_ =	sdelay $0x1  }
0x194: {  	v1 =	vsub.f32 v1, v3;
	v3 =	vsub.f32 v4, v2  }
0x195: {  	p1 =	sne.s32 s0, $0x40  }
.Ltmp11:
0x196: {  	v1 =	vmul.f32 v1, v3;
	(pc) =	sbr.rel @p1 .LBB2_39-.Ltmp11, $3  }
0x197: {  	_ = 	snop  }
0x198: {  	v1 =	vadd.f32 v1, v2;
	_ =	sdelay $0x1  }
0x199: {  	s0 =	sadd.s32 $0x40, s0;
	[tilespmem:v5+s22+$0x0] =	vst.idx.add.f32.msk $0xffff, v1  }
0x19a: {  	s14 =	sadd.s32 $0x1, s14  }
0x19b: {  	p1 =	sne.s32 s14, $0x7D  }
.Ltmp12:
0x19c: {  	_ = 	snop;
	(pc) =	sbr.rel @p1 .LBB2_24-.Ltmp12, $1  }
0x19d: {  	_ =	sdelay $0x3  }
.Ltmp13:
0x19e: {  	(pc) =	sbr.rel .LBB2_42-.Ltmp13, $3  }
0x19f: {  	_ =	sdelay $0x1  }
0x1a0: {  	s0 =	rddreg [dreg:$0x2]  }
0x1a1: {  	s5 =	rddreg [dreg:$0x17]  }
.LBB2_4:
0x1a2: {  	s1 =	simm.s32 $0x1CD80  }
0x1a3: {  	[tilespmem:s1], [sflag:$0x2] =	stream.indirect.gather [spmem:s24], $0x1, s10, s2, $0xb8;
	[tilespmem:$0x1E280] =	vst v63  }
0x1a4: {  	s28 =	simm.s32 $0x0  }
0x1a5: {  	[tilespmem:s3], [sflag:$0x2] =	stream.indirect.gather [spmem:s24], $0x1, s0, s2, $0xb8;
	[tilespmem:$0x1E280] =	vst v63  }
.LBB2_5:
0x1a6: {  	s29 =	smul.u32 $0x640, s28;
	_ =	sdelay $0x1  }
0x1a7: {  	s0 =	sadd.s32 s29, s11  }
0x1a8: {  	s14 =	sshrl.u32 s0, $0x3  }
0x1a9: {  	s0 =	sadd.s32 s31, s14  }
0x1aa: {  	[tilespmem:s12], [sflag:$0x1] =	stream.linear.gather [hbm4b:s0+s7], $0x320, $0x38;
	[tilespmem:$0x1E280] =	vst v63  }
0x1ab: {  	s1 =	simm.s32 $0x1C680;
	s25 =	sadd.s32 s8, s14  }
0x1ac: {  	[tilespmem:s1], [sflag:$0x1] =	stream.linear.gather [hbm4b:s25+s7], $0x320, $0x38;
	[tilespmem:$0x1E280] =	vst v63  }
0x1ad: {  	s26 =	sadd.s32 s9, s14  }
0x1ae: {  	[tilespmem:s15], [sflag:$0x1] =	stream.linear.gather [hbm4b:s26+s7], $0x320, $0x38;
	[tilespmem:$0x1E280] =	vst v63  }
0x1af: {  	_ =	swait.ge [sflag:s13], $0x320  }
0x1b0: {  	[sflag:s13] =	ssyncset.done $0x0  }
0x1b1: {  	[sflag:s13] =	ssyncadd.s32 $0xFFFFFCE0  }
0x1b2: {  	_ =	swait.ge [sflag:s13], $0x320  }
0x1b3: {  	[sflag:s13] =	ssyncset.done $0x0  }
0x1b4: {  	s1 =	simm.s32 $0x1B8A0;
	[sflag:s13] =	ssyncadd.s32 $0xFFFFFCE0  }
0x1b5: {  	s15 =	simm.s32 $0x1D120;
	v1 =	vld [tilespmem:s1+$0xFFFFFFE0]  }
0x1b6: {  	v2 =	vld [tilespmem:s15+$0x0]  }
0x1b7: {  	s3 =	simm.s32 $0x1CDA0;
	v3 =	vld [tilespmem:s15+$0x10]  }
0x1b8: {  	v4 =	vld [tilespmem:s3+$0x10]  }
0x1b9: {  	v5 =	vld [tilespmem:s3+$0x0]  }
0x1ba: {  	v12 =	vld [tilespmem:s3+$0xFFFFFFE0]  }
0x1bb: {  	v6 =	vld [tilespmem:s15+$0xFFFFFFE0]  }
0x1bc: {  	v9 =	vld [tilespmem:s1+$0xFFFFFFF0]  }
0x1bd: {  	s16 =	simm.s32 $0x1B8E0;
	v7 =	vld [tilespmem:s1+$0x10]  }
0x1be: {  	v26 =	vld [tilespmem:s16+$0xFFFFFFF0]  }
0x1bf: {  	v21 =	vld [tilespmem:s3+$0xFFFFFFF0];
	v1 =	vmax.f32 v1, $0.0e+00  }
0x1c0: {  	v8 =	vld [tilespmem:s1+$0x0];
	v11 =	vmul.u32 $0x6000, v12;
	v15 =	vmul.u32 $0x6000, v4;
	v20 =	vshll.u32 v6, $0xD  }
0x1c1: {  	v13 =	vld [tilespmem:s16+$0xFFFFFFE0];
	v6 =	vmul.u32 $0x6000, v5;
	v25 =	vshll.u32 v2, $0xD;
	v9 =	vmax.f32 v9, $0.0e+00  }
0x1c2: {  	s17 =	smov.u32 s31;
	s31 =	simm.s32 $0x1CDE0;
	v10 =	vld [tilespmem:s15+$0xFFFFFFF0];
	v28 =	vshll.u32 v4, $0xD;
	v27 =	vshll.u32 v5, $0xD;
	v1 =	vmin.f32 v1, $5.999999520e+00  }
0x1c3: {  	v17 =	vld [tilespmem:s31+$0x10];
	v26 =	vmax.f32 v26, $0.0e+00;
	v58 =	vshll.u32 v12, $0xD;
	v1 =	vmul.f32 $1.365166630e+03, v1  }
0x1c4: {  	s25 =	simm.s32 $0x1D160;
	v22 =	vld [tilespmem:s31+$0x0];
	v63 =	vshll.u32 v21, $0xD;
	v11 =	vadd.s32 v11, v20;
	v18 =	vadd.s32 v6, v25  }
0x1c5: {  	s10 =	simm.s32 $0x1D1A0;
	v19 =	vld [tilespmem:s25+$0xFFFFFFE0];
	v6 =	vmax.f32 v7, $0.0e+00;
	v14 =	vtrunc.f32 v1;
	v1 =	vshll.u32 v3, $0xD  }
0x1c6: {  	v59 =	vld [tilespmem:s10+$0xFFFFFFE0];
	v3 =	vmax.f32 v8, $0.0e+00;
	v8 =	vmax.f32 v13, $0.0e+00;
	v13 =	vmin.f32 v6, $5.999999520e+00  }
0x1c7: {  	v6 =	vshll.u32 v10, $0xD;
	v15 =	vadd.s32 v15, v1;
	v2 =	vcvt.f32.s32 v14  }
0x1c8: {  	v30 =	vld [tilespmem:s16+$0x0];
	v7 =	vmin.f32 v3, $5.999999520e+00;
	v14 =	vmul.u32 $0x6000, v21;
	v8 =	vmin.f32 v8, $5.999999520e+00  }
0x1c9: {  	v10 =	vld [tilespmem:s25+$0x10];
	v35 =	vmul.f32 $1.365166630e+03, v13;
	v13 =	vshll.u32 v17, $0xD;
	v21 =	vmin.f32 v26, $5.999999520e+00  }
0x1ca: {  	v3 =	vld [tilespmem:s31+$0xFFFFFFE0];
	v4 =	vmul.f32 $1.365166630e+03, v8;
	v7 =	vmul.f32 $1.365166630e+03, v7;
	v8 =	vshll.u32 v19, $0xD  }
0x1cb: {  	v19 =	vmul.u32 $0x6000, v22;
	v39 =	vmul.f32 $1.365166630e+03, v21;
	v21 =	vshll.u32 v59, $0xD  }
0x1cc: {  	v16 =	vld [tilespmem:s25+$0x0];
	v11 =	vadd.s32 v2, v11;
	v23 =	vadd.s32 v14, v6;
	v2 =	vmin.f32 v9, $5.999999520e+00  }
0x1cd: {  	v24 =	vld [tilespmem:s16+$0x10];
	v9 =	vmul.u32 $0x6000, v17;
	v29 =	vadd.s32 $0x1, v11;
	v7 =	vtrunc.f32 v7  }
0x1ce: {  	s26 =	simm.s32 $0x1D4A0;
	v31 =	vld [tilespmem:s25+$0xFFFFFFF0];
	v32 =	vmul.f32 $1.365166630e+03, v2;
	v2 =	vshll.u32 v10, $0xD;
	v7 =	vcvt.f32.s32 v7  }
0x1cf: {  	s5 =	simm.s32 $0x1D820;
	v36 =	vld [tilespmem:s10+$0x10];
	[tilespmem:s26+$0xFFFFFFE0] =	vst v11;
	v5 =	vmul.u32 $0x6000, v3;
	v10 =	vadd.s32 v9, v2;
	v9 =	vmax.f32 v30, $0.0e+00  }
0x1d0: {  	s23 =	simm.s32 $0x1CE20;
	v14 =	vtrunc.f32 v4;
	v4 =	vld [tilespmem:s31+$0xFFFFFFF0];
	[tilespmem:s5+$0xFFFFFFE0] =	vst v29;
	v32 =	vtrunc.f32 v32;
	v30 =	vmin.f32 v9, $5.999999520e+00  }
0x1d1: {  	s21 =	simm.s32 $0x1B920;
	v11 =	vld [tilespmem:s23+$0x0];
	[tilespmem:s3+$0xFFFFFFE0] =	vst v58;
	v37 =	vadd.s32 v7, v18;
	v32 =	vcvt.f32.s32 v32;
	v33 =	vadd.s32 v5, v8  }
0x1d2: {  	v61 =	vld [tilespmem:s21+$0x0];
	[tilespmem:s15+$0xFFFFFFE0] =	vst v20;
	v5 =	vshll.u32 v16, $0xD;
	v16 =	vcvt.f32.s32 v14;
	v29 =	vadd.s32 $0x1, v37  }
0x1d3: {  	[tilespmem:s26+$0x0] =	vst v37;
	v14 =	vadd.s32 v19, v5;
	v19 =	vmax.f32 v24, $0.0e+00;
	v24 =	vld [tilespmem:s21+$0xFFFFFFE0];
	v23 =	vadd.s32 v32, v23  }
0x1d4: {  	v12 =	vld [tilespmem:s23+$0xFFFFFFE0];
	[tilespmem:s5+$0x0] =	vst v29;
	v18 =	vadd.s32 v16, v33;
	v16 =	vshll.u32 v22, $0xD;
	v22 =	vtrunc.f32 v35  }
0x1d5: {  	v60 =	vld [tilespmem:s21+$0x10];
	v9 =	vshll.u32 v31, $0xD;
	v62 =	vmul.f32 $1.365166630e+03, v30;
	[tilespmem:s26+$0xFFFFFFF0] =	vst v23;
	v22 =	vcvt.f32.s32 v22  }
0x1d6: {  	v38 =	vld [tilespmem:s21+$0xFFFFFFF0];
	v34 =	vmul.u32 $0x6000, v4;
	v30 =	vmul.u32 $0x6000, v11;
	v20 =	vadd.s32 $0x1, v23;
	[tilespmem:s3+$0x0] =	vst v27  }
0x1d7: {  	v7 =	vld [tilespmem:s23+$0x10];
	v32 =	vtrunc.f32 v39;
	v19 =	vmin.f32 v19, $5.999999520e+00;
	[tilespmem:s5+$0xFFFFFFF0] =	vst v20;
	v15 =	vadd.s32 v22, v15  }
0x1d8: {  	v31 =	vld [tilespmem:s10+$0x0];
	v33 =	vtrunc.f32 v62;
	v24 =	vmax.f32 v24, $0.0e+00;
	v23 =	vadd.s32 $0x1, v15;
	[tilespmem:s26+$0x10] =	vst v15  }
0x1d9: {  	v27 =	vld [tilespmem:s10+$0xFFFFFFF0];
	v20 =	vmax.f32 v61, $0.0e+00;
	v15 =	vmul.u32 $0x6000, v12;
	v24 =	vmin.f32 v24, $5.999999520e+00;
	[tilespmem:s5+$0x10] =	vst v23  }
0x1da: {  	v17 =	vadd.s32 v34, v9;
	v22 =	vmul.f32 $1.365166630e+03, v24;
	[tilespmem:s3+$0x10] =	vst v28;
	v28 =	vmin.f32 v20, $5.999999520e+00;
	v20 =	vld [tilespmem:s23+$0xFFFFFFF0]  }
0x1db: {  	[tilespmem:s15+$0x0] =	vst v25;
	v25 =	vmax.f32 v60, $0.0e+00;
	v23 =	vshll.u32 v36, $0xD;
	v24 =	vadd.s32 $0x1, v18  }
0x1dc: {  	s19 =	smov.u32 s11;
	s6 =	simm.s32 $0x1D860;
	s11 =	simm.s32 $0x1D4E0;
	v26 =	vadd.s32 v15, v21;
	v29 =	vtrunc.f32 v22;
	v22 =	vmul.u32 $0x6000, v7  }
0x1dd: {  	s0 =	simm.s32 $0x1CE60;
	s1 =	simm.s32 $0x1D8A0;
	s16 =	simm.s32 $0x1B960;
	v15 =	vshll.u32 v31, $0xD;
	v31 =	vmin.f32 v25, $5.999999520e+00;
	v25 =	vmax.f32 v38, $0.0e+00  }
0x1de: {  	s21 =	simm.s32 $0x8;
	[tilespmem:s3+$0xFFFFFFF0] =	vst v63;
	s26 =	simm.s32 $0x1D1E0;
	s5 =	simm.s32 $0x1D520;
	v30 =	vadd.s32 v30, v15;
	v29 =	vcvt.f32.s32 v29;
	v22 =	vadd.s32 v22, v23  }
.LBB2_6:
0x1df: {  	v34 =	vld [tilespmem:s16+$0xFFFFFFE0];
	s21 =	sadd.s32 $0x4, s21;
	v35 =	vmul.u32 $0x6000, v20;
	v33 =	vcvt.f32.s32 v33;
	[tilespmem:s15+$0xFFFFFFF0] =	vst v6;
	v6 =	vmovc v9;
	v9 =	vshll.u32 v27, $0xD;
	s12 =	smov.u32 s31  }
0x1e0: {  	v37 =	vshll.u32 v7, $0xD;
	v27 =	vcvt.f32.s32 v32;
	v38 =	vmul.f32 $1.365166630e+03, v19;
	v36 =	vld [tilespmem:s26+$0x0];
	p1 =	slt.u32 s21, $0x2C;
	[tilespmem:s15+$0x10] =	vst v1;
	v1 =	vmovc v2;
	v2 =	vmovc v23;
	s15 =	smov.u32 s25;
	s25 =	smov.u32 s10  }
0x1e1: {  	v32 =	vshll.u32 v11, $0xD;
	s31 =	smov.u32 s23;
	s23 =	smov.u32 s0;
	s10 =	smov.u32 s26;
	v23 =	vld [tilespmem:s26+$0x10];
	[tilespmem:s11+$0xFFFFFFE0] =	vst v18;
	v18 =	vadd.s32 v29, v26;
	v11 =	vadd.s32 v33, v14;
	v14 =	vmovc v30  }
0x1e2: {  	v19 =	vmovc v31;
	v26 =	vadd.s32 v35, v9;
	v30 =	vtrunc.f32 v38;
	v7 =	vld [tilespmem:s0+$0x10];
	[tilespmem:s11+$0x0] =	vst v11;
	v29 =	vadd.s32 $0x1, v11  }
0x1e3: {  	v31 =	vshll.u32 v3, $0xD;
	v3 =	vmovc v12;
	v11 =	vld [tilespmem:s0+$0x0];
	[tilespmem:s6+$0xFFFFFFE0] =	vst v24;
	v24 =	vadd.s32 v27, v17;
	v27 =	vcvt.f32.s32 v30;
	v17 =	vmovc v26  }
0x1e4: {  	v26 =	vmax.f32 v34, $0.0e+00;
	v12 =	vld [tilespmem:s0+$0xFFFFFFE0];
	[tilespmem:s12+$0xFFFFFFE0] =	vst v31;
	v30 =	vadd.s32 $0x1, v24  }
0x1e5: {  	v26 =	vmin.f32 v26, $5.999999520e+00;
	v31 =	vld [tilespmem:s26+$0xFFFFFFE0];
	[tilespmem:s15+$0xFFFFFFE0] =	vst v8;
	v27 =	vadd.s32 v27, v10;
	v8 =	vmovc v21;
	v10 =	vmov v22  }
0x1e6: {  	v21 =	vmul.f32 $1.365166630e+03, v26;
	v33 =	vld [tilespmem:s16+$0x10];
	[tilespmem:s11+$0xFFFFFFF0] =	vst v24;
	v22 =	vadd.s32 $0x1, v27  }
0x1e7: {  	v35 =	vmul.f32 $1.365166630e+03, v28;
	v38 =	vshll.u32 v4, $0xD;
	v4 =	vmov v20;
	v34 =	vld [tilespmem:s16+$0x0];
	[tilespmem:s6+$0x0] =	vst v29  }
0x1e8: {  	v20 =	vmin.f32 v25, $5.999999520e+00;
	v24 =	vadd.s32 $0x1, v18;
	v28 =	vtrunc.f32 v21;
	v39 =	vld [tilespmem:s16+$0xFFFFFFF0];
	[tilespmem:s11+$0x10] =	vst v27;
	s11 =	smov.u32 s5  }
0x1e9: {  	v40 =	vmul.f32 $1.365166630e+03, v20;
	v29 =	vmul.u32 $0x6000, v7;
	v25 =	vmul.u32 $0x6000, v12;
	v27 =	vld [tilespmem:s26+$0xFFFFFFF0];
	[tilespmem:s6+$0x10] =	vst v22  }
.Ltmp14:
0x1ea: {  	v23 =	vshll.u32 v23, $0xD;
	v21 =	vshll.u32 v31, $0xD;
	v20 =	vld [tilespmem:s0+$0xFFFFFFF0];
	v31 =	vmul.u32 $0x6000, v11;
	[tilespmem:s6+$0xFFFFFFF0] =	vst v30;
	s6 =	smov.u32 s1;
	(pc) =	sbr.rel @p1 .LBB2_6-.Ltmp14, $4  }
0x1eb: {  	v22 =	vadd.s32 v29, v23;
	v26 =	vadd.s32 v25, v21;
	v25 =	vshll.u32 v36, $0xD;
	[tilespmem:s12+$0x0] =	vst v16;
	v16 =	vmovc v32  }
0x1ec: {  	s5 =	sadd.s32 $0x40, s5;
	v29 =	vcvt.f32.s32 v28;
	v32 =	vtrunc.f32 v40;
	v30 =	vadd.s32 v31, v25;
	[tilespmem:s15+$0x0] =	vst v5;
	v5 =	vmovc v15;
	v15 =	vmovc v25  }
0x1ed: {  	s1 =	sadd.s32 $0x40, s1;
	v28 =	vmax.f32 v34, $0.0e+00;
	v31 =	vmax.f32 v33, $0.0e+00;
	v25 =	vmax.f32 v39, $0.0e+00;
	[tilespmem:s12+$0x10] =	vst v13;
	v13 =	vmovc v37  }
0x1ee: {  	s16 =	sadd.s32 $0x40, s16;
	s26 =	sadd.s32 $0x40, s26;
	s0 =	sadd.s32 $0x40, s0;
	v33 =	vtrunc.f32 v35;
	v28 =	vmin.f32 v28, $5.999999520e+00;
	v31 =	vmin.f32 v31, $5.999999520e+00;
	[tilespmem:s12+$0xFFFFFFF0] =	vst v38  }
0x1ef: {  	[tilespmem:s15+$0xFFFFFFF0] =	vst v6  }
0x1f0: {  	[tilespmem:s15+$0x10] =	vst v1  }
0x1f1: {  	[tilespmem:s11+$0xFFFFFFE0] =	vst v18  }
0x1f2: {  	v33 =	vcvt.f32.s32 v33;
	v59 =	vadd.s32 v29, v26;
	[tilespmem:s6+$0xFFFFFFE0] =	vst v24  }
0x1f3: {  	v3 =	vshll.u32 v3, $0xD;
	[tilespmem:s5+$0xFFFFFFE0] =	vst v59  }
0x1f4: {  	v58 =	vcvt.f32.s32 v32;
	v1 =	vadd.s32 v33, v14;
	[tilespmem:s31+$0xFFFFFFE0] =	vst v3  }
0x1f5: {  	[tilespmem:s11+$0x0] =	vst v1  }
0x1f6: {  	v3 =	vadd.s32 v58, v17;
	[tilespmem:s25+$0xFFFFFFE0] =	vst v8  }
0x1f7: {  	v57 =	vmul.f32 $1.365166630e+03, v19;
	v1 =	vadd.s32 $0x1, v1;
	[tilespmem:s11+$0xFFFFFFF0] =	vst v3  }
0x1f8: {  	v3 =	vadd.s32 $0x1, v3;
	[tilespmem:s6+$0x0] =	vst v1  }
0x1f9: {  	v6 =	vtrunc.f32 v57;
	[tilespmem:s6+$0xFFFFFFF0] =	vst v3  }
0x1fa: {  	v6 =	vcvt.f32.s32 v6;
	v3 =	vshll.u32 v4, $0xD;
	[tilespmem:s31+$0x0] =	vst v16  }
0x1fb: {  	v4 =	vadd.s32 $0x1, v59;
	[tilespmem:s31+$0xFFFFFFF0] =	vst v3  }
0x1fc: {  	v6 =	vadd.s32 v6, v10;
	[tilespmem:s1+$0xFFFFFFE0] =	vst v4  }
0x1fd: {  	[tilespmem:s11+$0x10] =	vst v6  }
0x1fe: {  	v1 =	vadd.s32 $0x1, v6;
	[tilespmem:s25+$0x0] =	vst v5  }
0x1ff: {  	v3 =	vmin.f32 v25, $5.999999520e+00;
	[tilespmem:s6+$0x10] =	vst v1;
	v1 =	vmul.f32 $1.365166630e+03, v28  }
0x200: {  	[tilespmem:s25+$0xFFFFFFF0] =	vst v9;
	v3 =	vmul.f32 $1.365166630e+03, v3  }
0x201: {  	v62 =	vshll.u32 v12, $0xD;
	[tilespmem:s31+$0x10] =	vst v13;
	v1 =	vtrunc.f32 v1  }
0x202: {  	v3 =	vtrunc.f32 v3;
	[tilespmem:s25+$0x10] =	vst v2;
	v2 =	vmul.u32 $0x6000, v20;
	v1 =	vcvt.f32.s32 v1  }
0x203: {  	v60 =	vmul.f32 $1.365166630e+03, v31;
	v61 =	vshll.u32 v27, $0xD;
	[tilespmem:s23+$0xFFFFFFE0] =	vst v62;
	v3 =	vcvt.f32.s32 v3  }
0x204: {  	[tilespmem:s10+$0xFFFFFFE0] =	vst v21;
	v2 =	vadd.s32 v2, v61;
	v1 =	vadd.s32 v1, v30  }
0x205: {  	v63 =	vtrunc.f32 v60;
	v2 =	vadd.s32 v3, v2;
	[tilespmem:s5+$0x0] =	vst v1  }
0x206: {  	v3 =	vcvt.f32.s32 v63;
	v1 =	vadd.s32 $0x1, v1;
	[tilespmem:s5+$0xFFFFFFF0] =	vst v2  }
0x207: {  	v2 =	vadd.s32 $0x1, v2;
	[tilespmem:s1+$0x0] =	vst v1  }
0x208: {  	v3 =	vadd.s32 v3, v22;
	[tilespmem:s1+$0xFFFFFFF0] =	vst v2  }
0x209: {  	v2 =	vshll.u32 v20, $0xD;
	[tilespmem:s5+$0x10] =	vst v3  }
0x20a: {  	v1 =	vadd.s32 $0x1, v3;
	[tilespmem:s23+$0xFFFFFFF0] =	vst v2  }
0x20b: {  	[tilespmem:s1+$0x10] =	vst v1  }
0x20c: {  	v1 =	vshll.u32 v11, $0xD;
	[tilespmem:s10+$0xFFFFFFF0] =	vst v61  }
0x20d: {  	[tilespmem:s23+$0x0] =	vst v1  }
0x20e: {  	v1 =	vshll.u32 v7, $0xD;
	[tilespmem:s10+$0x0] =	vst v15  }
0x20f: {  	[tilespmem:s23+$0x10] =	vst v1  }
0x210: {  	s0 =	simm.s32 $0x0;
	[tilespmem:s10+$0x10] =	vst v23  }
.LBB2_8:
0x211: {  	s1 =	sshra.s32 s0, $0x2  }
0x212: {  	v1 =	vld [tilespmem:s1+$0x1BB80];
	_ =	sdelay $0x3  }
0x213: {  	v2 =	vld [tilespmem:s1+$0x1D080]  }
0x214: {  	v3 =	vld [tilespmem:s1+$0x1D400];
	v1 =	vmax.f32 v1, $0.0e+00  }
0x215: {  	v1 =	vmin.f32 v1, $5.999999520e+00  }
0x216: {  	v1 =	vmul.f32 $1.365166630e+03, v1;
	_ =	sdelay $0x1  }
0x217: {  	p1 =	sne.s32 s0, $0x40;
	v4 =	vmul.u32 $0x6000, v2;
	v1 =	vtrunc.f32 v1  }
.Ltmp15:
0x218: {  	v3 =	vshll.u32 v3, $0xD;
	v2 =	vshll.u32 v2, $0xD;
	v1 =	vcvt.f32.s32 v1;
	(pc) =	sbr.rel @p1 .LBB2_8-.Ltmp15, $4  }
0x219: {  	[tilespmem:s1+$0x1D080] =	vst v2;
	v4 =	vadd.s32 v4, v3  }
0x21a: {  	[tilespmem:s1+$0x1D400] =	vst v3;
	v1 =	vadd.s32 v1, v4  }
0x21b: {  	[tilespmem:s1+$0x1D780] =	vst v1;
	v1 =	vadd.s32 $0x1, v1  }
0x21c: {  	s0 =	sadd.s32 $0x40, s0;
	[tilespmem:s1+$0x1DB00] =	vst v1  }
0x21d: {  	s0 =	rddreg [dreg:$0x5];
	s1 =	simm.s32 $0x1D480;
	s3 =	simm.s32 $0x1DB80  }
0x21e: {  	[tilespmem:s3], [sflag:$0x3] =	stream.indirect.gather [spmem:s0], $0x1, s1, s2, $0xb8;
	[tilespmem:$0x1E280] =	vst v63  }
0x21f: {  	s25 =	simm.s32 $0x1D800;
	s26 =	simm.s32 $0x1DF00;
	s3 =	rddreg [dreg:$0xc]  }
0x220: {  	[tilespmem:s26], [sflag:$0x3] =	stream.indirect.gather [spmem:s0], $0x1, s25, s2, $0xb8;
	[tilespmem:$0x1E280] =	vst v63  }
0x221: {  	s0 =	sadd.s32 s3, s29  }
0x222: {  	s5 =	rddreg [dreg:$0x8];
	s0 =	sshrl.u32 s0, $0x3  }
0x223: {  	s6 =	rddreg [dreg:$0x9];
	s1 =	sadd.s32 s5, s0;
	s5 =	simm.s32 $0x1CD80  }
0x224: {  	[hbm4b:s1+s7] =	stream.linear.scatter [tilespmem:s5], [sflag:$0x4], $0x320, $0x38;
	[tilespmem:$0x1E280] =	vst v63  }
0x225: {  	s10 =	simm.s32 $0x1D100;
	s0 =	sadd.s32 s6, s0  }
0x226: {  	[hbm4b:s0+s7] =	stream.linear.scatter [tilespmem:s10], [sflag:$0x4], $0x320, $0x38;
	[tilespmem:$0x1E280] =	vst v63  }
0x227: {  	_ =	swait.ge [sflag:s4], $0x320  }
0x228: {  	[sflag:s4] =	ssyncset.done $0x0  }
0x229: {  	[sflag:s4] =	ssyncadd.s32 $0xFFFFFCE0  }
0x22a: {  	_ =	swait.ge [sflag:s4], $0x320  }
0x22b: {  	[sflag:s4] =	ssyncset.done $0x0  }
0x22c: {  	[sflag:s4] =	ssyncadd.s32 $0xFFFFFCE0  }
0x22d: {  	_ =	swait.ge [sflag:s4], $0x320  }
0x22e: {  	[sflag:s4] =	ssyncset.done $0x0  }
0x22f: {  	s11 =	simm.s32 $0x4;
	[sflag:s4] =	ssyncadd.s32 $0xFFFFFCE0  }
0x230: {  	_ =	swait.ge [sflag:s11], $0x320  }
0x231: {  	[sflag:s11] =	ssyncset.done $0x0  }
0x232: {  	[sflag:s11] =	ssyncadd.s32 $0xFFFFFCE0  }
0x233: {  	_ =	swait.ge [sflag:s11], $0x320  }
0x234: {  	[sflag:s11] =	ssyncset.done $0x0  }
0x235: {  	s12 =	simm.s32 $0x1C680;
	[sflag:s11] =	ssyncadd.s32 $0xFFFFFCE0  }
0x236: {  	[tilespmem:s5], [sflag:$0x2] =	stream.indirect.gather [spmem:s24], $0x1, s12, s2, $0xb8;
	[tilespmem:$0x1E280] =	vst v63  }
0x237: {  	s15 =	simm.s32 $0x1CA00  }
0x238: {  	[tilespmem:s10], [sflag:$0x2] =	stream.indirect.gather [spmem:s24], $0x1, s15, s2, $0xb8;
	[tilespmem:$0x1E280] =	vst v63  }
0x239: {  	_ =	swait.ge [sflag:s20], $0x320  }
0x23a: {  	[sflag:s20] =	ssyncset.done $0x0  }
0x23b: {  	[sflag:s20] =	ssyncadd.s32 $0xFFFFFCE0  }
0x23c: {  	_ =	swait.ge [sflag:s20], $0x320  }
0x23d: {  	[sflag:s20] =	ssyncset.done $0x0  }
0x23e: {  	s16 =	simm.s32 $0x1B8A0;
	[sflag:s20] =	ssyncadd.s32 $0xFFFFFCE0  }
0x23f: {  	v1 =	vld [tilespmem:s16+$0x10]  }
0x240: {  	v2 =	vld [tilespmem:s16+$0xFFFFFFE0]  }
0x241: {  	v3 =	vld [tilespmem:s16+$0xFFFFFFF0];
	_ =	sdelay $0x2  }
0x242: {  	s21 =	simm.s32 $0x1DBA0;
	v4 =	vld [tilespmem:s16+$0x0];
	v1 =	vmax.f32 v1, $0.0e+00  }
0x243: {  	s23 =	simm.s32 $0x1DF20;
	v5 =	vld [tilespmem:s21+$0x10];
	v2 =	vmax.f32 v2, $0.0e+00;
	v1 =	vmin.f32 v1, $5.999999520e+00  }
0x244: {  	v6 =	vld [tilespmem:s23+$0x10];
	v3 =	vmax.f32 v3, $0.0e+00;
	v2 =	vmin.f32 v2, $5.999999520e+00;
	v1 =	vmul.f32 $1.365166630e+03, v1  }
0x245: {  	v7 =	vld [tilespmem:s21+$0xFFFFFFE0];
	v3 =	vmin.f32 v3, $5.999999520e+00;
	v2 =	vmul.f32 $1.365166630e+03, v2  }
0x246: {  	v9 =	vld [tilespmem:s23+$0xFFFFFFE0];
	v3 =	vmul.f32 $1.365166630e+03, v3;
	v8 =	vtrunc.f32 v1  }
0x247: {  	v10 =	vld [tilespmem:s21+$0xFFFFFFF0];
	v11 =	vtrunc.f32 v2;
	v8 =	vcvt.f32.s32 v8  }
0x248: {  	s25 =	simm.s32 $0x1BC20;
	v13 =	vld [tilespmem:s23+$0xFFFFFFF0];
	v11 =	vcvt.f32.s32 v11  }
0x249: {  	v14 =	vld [tilespmem:s25+$0x10];
	v4 =	vmax.f32 v4, $0.0e+00;
	v12 =	vtrunc.f32 v3;
	v8 =	vcvt.s32.f32 v8  }
0x24a: {  	v15 =	vld [tilespmem:s21+$0x0];
	v4 =	vmin.f32 v4, $5.999999520e+00;
	v12 =	vcvt.f32.s32 v12;
	v11 =	vcvt.s32.f32 v11  }
0x24b: {  	v16 =	vld [tilespmem:s25+$0xFFFFFFE0];
	v6 =	vsub.f32 v6, v5;
	v4 =	vmul.f32 $1.365166630e+03, v4;
	v1 =	vsub.f32 v1, v8  }
0x24c: {  	v9 =	vsub.f32 v9, v7;
	v8 =	vcvt.s32.f32 v12;
	v12 =	vld [tilespmem:s23+$0x0];
	v2 =	vsub.f32 v2, v11  }
0x24d: {  	s26 =	simm.s32 $0x1B8E0;
	v11 =	vtrunc.f32 v4;
	v1 =	vmul.f32 v1, v6;
	v6 =	vld [tilespmem:s25+$0xFFFFFFF0]  }
0x24e: {  	v3 =	vsub.f32 v3, v8;
	v8 =	vsub.f32 v13, v10;
	v13 =	vld [tilespmem:s26+$0x10];
	v2 =	vmul.f32 v2, v9  }
0x24f: {  	v9 =	vcvt.f32.s32 v11;
	v11 =	vld [tilespmem:s26+$0xFFFFFFF0];
	v5 =	vadd.f32 v1, v5  }
0x250: {  	v3 =	vmul.f32 v3, v8;
	v1 =	vld [tilespmem:s25+$0x0];
	v2 =	vadd.f32 v2, v7  }
0x251: {  	v7 =	vcvt.s32.f32 v9;
	v8 =	vld [tilespmem:s26+$0x0];
	v5 =	vmul.f32 $5.000000000e-01, v5  }
0x252: {  	v9 =	vld [tilespmem:s26+$0xFFFFFFE0];
	v3 =	vadd.f32 v3, v10;
	v2 =	vmul.f32 $5.000000000e-01, v2  }
0x253: {  	v4 =	vsub.f32 v4, v7;
	v7 =	vsub.f32 v12, v15;
	[tilespmem:v14+s22+$0x0] =	vst.idx.add.f32.msk $0xffff, v5;
	v5 =	vmax.f32 v13, $0.0e+00  }
0x254: {  	s1 =	simm.s32 $0x1DBE0;
	v10 =	vmax.f32 v11, $0.0e+00;
	v3 =	vmul.f32 $5.000000000e-01, v3;
	[tilespmem:v16+s22+$0x0] =	vst.idx.add.f32.msk $0xffff, v2;
	v5 =	vmin.f32 v5, $5.999999520e+00  }
0x255: {  	v2 =	vmin.f32 v10, $5.999999520e+00;
	v13 =	vld [tilespmem:s1+$0x10];
	v5 =	vmul.f32 $1.365166630e+03, v5  }
0x256: {  	s5 =	simm.s32 $0x1DF60;
	v2 =	vmul.f32 $1.365166630e+03, v2;
	[tilespmem:v6+s22+$0x0] =	vst.idx.add.f32.msk $0xffff, v3;
	v6 =	vmul.f32 v4, v7;
	v3 =	vmax.f32 v8, $0.0e+00  }
0x257: {  	v4 =	vmax.f32 v9, $0.0e+00;
	v9 =	vld [tilespmem:s5+$0x10];
	v7 =	vmin.f32 v3, $5.999999520e+00;
	v8 =	vtrunc.f32 v5  }
0x258: {  	v11 =	vld [tilespmem:s5+$0xFFFFFFE0];
	v4 =	vmin.f32 v4, $5.999999520e+00;
	v17 =	vmul.f32 $1.365166630e+03, v7;
	v7 =	vcvt.f32.s32 v8  }
0x259: {  	v16 =	vld [tilespmem:s5+$0xFFFFFFF0];
	v10 =	vtrunc.f32 v2;
	v8 =	vmul.f32 $1.365166630e+03, v4  }
0x25a: {  	v3 =	vld [tilespmem:s1+$0xFFFFFFE0];
	v10 =	vcvt.f32.s32 v10;
	v7 =	vcvt.s32.f32 v7  }
0x25b: {  	s0 =	simm.s32 $0x1BC60;
	v4 =	vld [tilespmem:s1+$0xFFFFFFF0];
	v12 =	vtrunc.f32 v17;
	v14 =	vtrunc.f32 v8  }
0x25c: {  	v9 =	vsub.f32 v9, v13;
	v14 =	vcvt.f32.s32 v14;
	v18 =	vsub.f32 v5, v7;
	v7 =	vld [tilespmem:s0+$0x10]  }
0x25d: {  	v19 =	vcvt.s32.f32 v10;
	v10 =	vld [tilespmem:s5+$0x0];
	v20 =	vcvt.f32.s32 v12  }
0x25e: {  	v21 =	vadd.f32 v6, v15;
	v5 =	vld [tilespmem:s1+$0x0];
	v14 =	vcvt.s32.f32 v14;
	v9 =	vmul.f32 v18, v9  }
0x25f: {  	v6 =	vld [tilespmem:s0+$0xFFFFFFE0];
	v11 =	vsub.f32 v11, v3;
	v12 =	vsub.f32 v2, v19;
	v18 =	vcvt.s32.f32 v20  }
0x260: {  	s31 =	smov.u32 s17;
	v14 =	vsub.f32 v8, v14;
	v8 =	vld [tilespmem:s0+$0xFFFFFFF0];
	v15 =	vadd.f32 v9, v13  }
0x261: {  	s3 =	simm.s32 $0x1D100;
	s6 =	simm.s32 $0x4;
	s10 =	simm.s32 $0x1B920;
	v2 =	vmul.f32 $5.000000000e-01, v21;
	v16 =	vsub.f32 v16, v4;
	v13 =	vsub.f32 v17, v18;
	v9 =	vld [tilespmem:s0+$0x0]  }
.LBB2_10:
0x262: {  	v17 =	vld [tilespmem:s10+$0x10];
	s6 =	sadd.s32 $0x4, s6;
	v11 =	vmul.f32 v14, v11;
	v14 =	vmul.f32 $5.000000000e-01, v15  }
0x263: {  	v15 =	vld [tilespmem:s10+$0xFFFFFFF0];
	p1 =	slt.u32 s6, $0x2C;
	v12 =	vmul.f32 v12, v16;
	v10 =	vsub.f32 v10, v5  }
0x264: {  	v3 =	vadd.f32 v11, v3;
	[tilespmem:v7+s22+$0x0] =	vst.idx.add.f32.msk $0xffff, v14  }
0x265: {  	v7 =	vld [tilespmem:s10+$0x0];
	v4 =	vadd.f32 v12, v4;
	v10 =	vmul.f32 v13, v10  }
0x266: {  	v11 =	vld [tilespmem:s10+$0xFFFFFFE0];
	v3 =	vmul.f32 $5.000000000e-01, v3  }
0x267: {  	v12 =	vmax.f32 v17, $0.0e+00;
	v4 =	vmul.f32 $5.000000000e-01, v4;
	v5 =	vadd.f32 v10, v5;
	[tilespmem:v1+s22+$0x0] =	vst.idx.add.f32.msk $0xffff, v2;
	v1 =	vmovc v9  }
0x268: {  	v2 =	vmax.f32 v15, $0.0e+00;
	v9 =	vmin.f32 v12, $5.999999520e+00;
	[tilespmem:v6+s22+$0x0] =	vst.idx.add.f32.msk $0xffff, v3  }
0x269: {  	s1 =	sadd.s32 $0x40, s1;
	v3 =	vmin.f32 v2, $5.999999520e+00;
	v6 =	vmul.f32 $1.365166630e+03, v9;
	[tilespmem:v8+s22+$0x0] =	vst.idx.add.f32.msk $0xffff, v4;
	v2 =	vmul.f32 $5.000000000e-01, v5  }
0x26a: {  	s5 =	sadd.s32 $0x40, s5;
	v8 =	vmul.f32 $1.365166630e+03, v3;
	v3 =	vmax.f32 v7, $0.0e+00;
	v9 =	vld [tilespmem:s1+$0x10]  }
0x26b: {  	v4 =	vmax.f32 v11, $0.0e+00;
	v5 =	vmin.f32 v3, $5.999999520e+00;
	v7 =	vtrunc.f32 v6;
	v10 =	vld [tilespmem:s5+$0x10]  }
0x26c: {  	v4 =	vmin.f32 v4, $5.999999520e+00;
	v3 =	vld [tilespmem:s1+$0xFFFFFFE0];
	v13 =	vmul.f32 $1.365166630e+03, v5;
	v5 =	vcvt.f32.s32 v7  }
0x26d: {  	v7 =	vtrunc.f32 v8;
	v14 =	vmul.f32 $1.365166630e+03, v4;
	v11 =	vld [tilespmem:s5+$0xFFFFFFE0]  }
0x26e: {  	v4 =	vld [tilespmem:s1+$0xFFFFFFF0];
	v12 =	vtrunc.f32 v13;
	v5 =	vcvt.s32.f32 v5  }
0x26f: {  	s0 =	sadd.s32 $0x40, s0;
	v16 =	vcvt.f32.s32 v7;
	v15 =	vtrunc.f32 v14;
	v17 =	vld [tilespmem:s5+$0xFFFFFFF0]  }
0x270: {  	v15 =	vcvt.f32.s32 v15;
	v6 =	vsub.f32 v6, v5;
	v18 =	vsub.f32 v10, v9;
	v7 =	vld [tilespmem:s0+$0x10]  }
.Ltmp16:
0x271: {  	v16 =	vcvt.s32.f32 v16;
	v19 =	vcvt.f32.s32 v12;
	v5 =	vld [tilespmem:s1+$0x0];
	(pc) =	sbr.rel @p1 .LBB2_10-.Ltmp16, $4  }
0x272: {  	v15 =	vcvt.s32.f32 v15;
	v11 =	vsub.f32 v11, v3;
	v10 =	vld [tilespmem:s5+$0x0];
	v18 =	vmul.f32 v6, v18  }
0x273: {  	v12 =	vsub.f32 v8, v16;
	v19 =	vcvt.s32.f32 v19;
	v6 =	vld [tilespmem:s0+$0xFFFFFFE0]  }
0x274: {  	v14 =	vsub.f32 v14, v15;
	v8 =	vld [tilespmem:s0+$0xFFFFFFF0];
	v15 =	vadd.f32 v18, v9  }
0x275: {  	s10 =	sadd.s32 $0x40, s10;
	v13 =	vsub.f32 v13, v19;
	v16 =	vsub.f32 v17, v4;
	v9 =	vld [tilespmem:s0+$0x0]  }
0x276: {  	_ = 	snop  }
0x277: {  	v11 =	vmul.f32 v14, v11;
	v10 =	vsub.f32 v10, v5  }
0x278: {  	v12 =	vmul.f32 v12, v16  }
0x279: {  	v3 =	vadd.f32 v11, v3;
	v10 =	vmul.f32 v13, v10  }
0x27a: {  	v62 =	vmul.f32 $5.000000000e-01, v15;
	v4 =	vadd.f32 v12, v4  }
0x27b: {  	[tilespmem:v1+s22+$0x0] =	vst.idx.add.f32.msk $0xffff, v2;
	v3 =	vmul.f32 $5.000000000e-01, v3;
	v63 =	vadd.f32 v10, v5  }
0x27c: {  	[tilespmem:v7+s22+$0x0] =	vst.idx.add.f32.msk $0xffff, v62;
	v4 =	vmul.f32 $5.000000000e-01, v4  }
0x27d: {  	[tilespmem:v6+s22+$0x0] =	vst.idx.add.f32.msk $0xffff, v3;
	v1 =	vmul.f32 $5.000000000e-01, v63  }
0x27e: {  	[tilespmem:v8+s22+$0x0] =	vst.idx.add.f32.msk $0xffff, v4  }
0x27f: {  	s0 =	simm.s32 $0x0;
	[tilespmem:v9+s22+$0x0] =	vst.idx.add.f32.msk $0xffff, v1  }
.LBB2_12:
0x280: {  	s1 =	sshra.s32 s0, $0x2  }
0x281: {  	v1 =	vld [tilespmem:s1+$0x1BB80];
	_ =	sdelay $0x4  }
0x282: {  	v1 =	vmax.f32 v1, $0.0e+00  }
0x283: {  	v1 =	vmin.f32 v1, $5.999999520e+00  }
0x284: {  	v1 =	vmul.f32 $1.365166630e+03, v1  }
0x285: {  	v2 =	vld [tilespmem:s1+$0x1DE80]  }
0x286: {  	v4 =	vld [tilespmem:s1+$0x1E200];
	v3 =	vtrunc.f32 v1  }
0x287: {  	v3 =	vcvt.f32.s32 v3;
	_ =	sdelay $0x1  }
0x288: {  	v3 =	vcvt.s32.f32 v3;
	_ =	sdelay $0x1  }
0x289: {  	v63 =	vld [tilespmem:s1+$0x1BF00];
	v1 =	vsub.f32 v1, v3;
	v3 =	vsub.f32 v4, v2;
	_ =	sdelay $0x1  }
0x28a: {  	v1 =	vmul.f32 v1, v3  }
0x28b: {  	p1 =	sne.s32 s0, $0x40  }
.Ltmp17:
0x28c: {  	v1 =	vadd.f32 v1, v2;
	(pc) =	sbr.rel @p1 .LBB2_12-.Ltmp17, $3  }
0x28d: {  	_ = 	snop  }
0x28e: {  	v1 =	vmul.f32 $5.000000000e-01, v1;
	_ =	sdelay $0x1  }
0x28f: {  	s0 =	sadd.s32 $0x40, s0;
	[tilespmem:v63+s22+$0x0] =	vst.idx.add.f32.msk $0xffff, v1  }
0x290: {  	p1 =	seq.s32 s28, $0x7C  }
0x291: {  	s0 =	sadd.s32 @!p1 s29, s30  }
0x292: {  	s0 =	sshrl.u32 @!p1 s0, $0x3  }
0x293: {  	s5 =	simm.s32 @!p1 $0x0;
	s6 =	simm.s32 @!p1 $0x1B880;
	s1 =	sadd.s32 @!p1 s31, s0  }
0x294: {  	[tilespmem:s6], [sflag:$0x1] =	stream.linear.gather @!p1 [hbm4b:s1+s5], $0x320, $0x38;
	[tilespmem:$0x1E280] =	vst v63  }
0x295: {  	s1 =	sadd.s32 @!p1 s8, s0;
	s6 =	simm.s32 @!p1 $0x1BC00  }
0x296: {  	[tilespmem:s6], [sflag:$0x1] =	stream.linear.gather @!p1 [hbm4b:s1+s5], $0x320, $0x38;
	[tilespmem:$0x1E280] =	vst v63  }
0x297: {  	s0 =	sadd.s32 @!p1 s9, s0;
	s1 =	simm.s32 @!p1 $0x1BF80  }
0x298: {  	[tilespmem:s1], [sflag:$0x1] =	stream.linear.gather @!p1 [hbm4b:s0+s5], $0x320, $0x38;
	[tilespmem:$0x1E280] =	vst v63  }
0x299: {  	_ =	swait.ge [sflag:s13], $0x320  }
0x29a: {  	[sflag:s13] =	ssyncset.done $0x0  }
0x29b: {  	[sflag:s13] =	ssyncadd.s32 $0xFFFFFCE0  }
0x29c: {  	_ =	swait.ge [sflag:s13], $0x320  }
0x29d: {  	[sflag:s13] =	ssyncset.done $0x0  }
0x29e: {  	s11 =	simm.s32 $0x1C320;
	[sflag:s13] =	ssyncadd.s32 $0xFFFFFCE0  }
0x29f: {  	s15 =	simm.s32 $0x1D120;
	v1 =	vld [tilespmem:s11+$0xFFFFFFE0]  }
0x2a0: {  	v2 =	vld [tilespmem:s15+$0x0]  }
0x2a1: {  	s12 =	simm.s32 $0x1CDA0;
	v3 =	vld [tilespmem:s15+$0x10]  }
0x2a2: {  	v4 =	vld [tilespmem:s12+$0x10]  }
0x2a3: {  	v5 =	vld [tilespmem:s12+$0x0]  }
0x2a4: {  	v12 =	vld [tilespmem:s12+$0xFFFFFFE0]  }
0x2a5: {  	v6 =	vld [tilespmem:s15+$0xFFFFFFE0]  }
0x2a6: {  	v9 =	vld [tilespmem:s11+$0xFFFFFFF0]  }
0x2a7: {  	s16 =	simm.s32 $0x1C360;
	v7 =	vld [tilespmem:s11+$0x10]  }
0x2a8: {  	v26 =	vld [tilespmem:s16+$0xFFFFFFF0]  }
0x2a9: {  	v21 =	vld [tilespmem:s12+$0xFFFFFFF0];
	v1 =	vmax.f32 v1, $0.0e+00  }
0x2aa: {  	v8 =	vld [tilespmem:s11+$0x0];
	v11 =	vmul.u32 $0x6000, v12;
	v15 =	vmul.u32 $0x6000, v4;
	v20 =	vshll.u32 v6, $0xD  }
0x2ab: {  	v13 =	vld [tilespmem:s16+$0xFFFFFFE0];
	v6 =	vmul.u32 $0x6000, v5;
	v25 =	vshll.u32 v2, $0xD;
	v9 =	vmax.f32 v9, $0.0e+00  }
0x2ac: {  	s29 =	simm.s32 $0x1CDE0;
	v10 =	vld [tilespmem:s15+$0xFFFFFFF0];
	v28 =	vshll.u32 v4, $0xD;
	v27 =	vshll.u32 v5, $0xD;
	v1 =	vmin.f32 v1, $5.999999520e+00  }
0x2ad: {  	v17 =	vld [tilespmem:s29+$0x10];
	v26 =	vmax.f32 v26, $0.0e+00;
	v58 =	vshll.u32 v12, $0xD;
	v1 =	vmul.f32 $1.365166630e+03, v1  }
0x2ae: {  	s25 =	simm.s32 $0x1D160;
	v22 =	vld [tilespmem:s29+$0x0];
	v63 =	vshll.u32 v21, $0xD;
	v11 =	vadd.s32 v11, v20;
	v18 =	vadd.s32 v6, v25  }
0x2af: {  	s10 =	simm.s32 $0x1D1A0;
	v19 =	vld [tilespmem:s25+$0xFFFFFFE0];
	v6 =	vmax.f32 v7, $0.0e+00;
	v14 =	vtrunc.f32 v1;
	v1 =	vshll.u32 v3, $0xD  }
0x2b0: {  	v59 =	vld [tilespmem:s10+$0xFFFFFFE0];
	v3 =	vmax.f32 v8, $0.0e+00;
	v8 =	vmax.f32 v13, $0.0e+00;
	v13 =	vmin.f32 v6, $5.999999520e+00  }
0x2b1: {  	v6 =	vshll.u32 v10, $0xD;
	v15 =	vadd.s32 v15, v1;
	v2 =	vcvt.f32.s32 v14  }
0x2b2: {  	v30 =	vld [tilespmem:s16+$0x0];
	v7 =	vmin.f32 v3, $5.999999520e+00;
	v14 =	vmul.u32 $0x6000, v21;
	v8 =	vmin.f32 v8, $5.999999520e+00  }
0x2b3: {  	v10 =	vld [tilespmem:s25+$0x10];
	v35 =	vmul.f32 $1.365166630e+03, v13;
	v13 =	vshll.u32 v17, $0xD;
	v21 =	vmin.f32 v26, $5.999999520e+00  }
0x2b4: {  	v3 =	vld [tilespmem:s29+$0xFFFFFFE0];
	v4 =	vmul.f32 $1.365166630e+03, v8;
	v7 =	vmul.f32 $1.365166630e+03, v7;
	v8 =	vshll.u32 v19, $0xD  }
0x2b5: {  	v19 =	vmul.u32 $0x6000, v22;
	v39 =	vmul.f32 $1.365166630e+03, v21;
	v21 =	vshll.u32 v59, $0xD  }
0x2b6: {  	v16 =	vld [tilespmem:s25+$0x0];
	v11 =	vadd.s32 v2, v11;
	v23 =	vadd.s32 v14, v6;
	v2 =	vmin.f32 v9, $5.999999520e+00  }
0x2b7: {  	v24 =	vld [tilespmem:s16+$0x10];
	v9 =	vmul.u32 $0x6000, v17;
	v29 =	vadd.s32 $0x1, v11;
	v7 =	vtrunc.f32 v7  }
0x2b8: {  	s21 =	simm.s32 $0x1D4A0;
	v31 =	vld [tilespmem:s25+$0xFFFFFFF0];
	v32 =	vmul.f32 $1.365166630e+03, v2;
	v2 =	vshll.u32 v10, $0xD;
	v7 =	vcvt.f32.s32 v7  }
0x2b9: {  	s26 =	simm.s32 $0x1D820;
	v36 =	vld [tilespmem:s10+$0x10];
	[tilespmem:s21+$0xFFFFFFE0] =	vst v11;
	v5 =	vmul.u32 $0x6000, v3;
	v10 =	vadd.s32 v9, v2;
	v9 =	vmax.f32 v30, $0.0e+00  }
0x2ba: {  	s23 =	simm.s32 $0x1CE20;
	v14 =	vtrunc.f32 v4;
	v4 =	vld [tilespmem:s29+$0xFFFFFFF0];
	[tilespmem:s26+$0xFFFFFFE0] =	vst v29;
	v32 =	vtrunc.f32 v32;
	v30 =	vmin.f32 v9, $5.999999520e+00  }
0x2bb: {  	s17 =	simm.s32 $0x1C3A0;
	v11 =	vld [tilespmem:s23+$0x0];
	[tilespmem:s12+$0xFFFFFFE0] =	vst v58;
	v37 =	vadd.s32 v7, v18;
	v32 =	vcvt.f32.s32 v32;
	v33 =	vadd.s32 v5, v8  }
0x2bc: {  	v61 =	vld [tilespmem:s17+$0x0];
	[tilespmem:s15+$0xFFFFFFE0] =	vst v20;
	v5 =	vshll.u32 v16, $0xD;
	v16 =	vcvt.f32.s32 v14;
	v29 =	vadd.s32 $0x1, v37  }
0x2bd: {  	[tilespmem:s21+$0x0] =	vst v37;
	v14 =	vadd.s32 v19, v5;
	v19 =	vmax.f32 v24, $0.0e+00;
	v24 =	vld [tilespmem:s17+$0xFFFFFFE0];
	v23 =	vadd.s32 v32, v23  }
0x2be: {  	v12 =	vld [tilespmem:s23+$0xFFFFFFE0];
	[tilespmem:s26+$0x0] =	vst v29;
	v18 =	vadd.s32 v16, v33;
	v16 =	vshll.u32 v22, $0xD;
	v22 =	vtrunc.f32 v35  }
0x2bf: {  	v60 =	vld [tilespmem:s17+$0x10];
	v9 =	vshll.u32 v31, $0xD;
	v62 =	vmul.f32 $1.365166630e+03, v30;
	[tilespmem:s21+$0xFFFFFFF0] =	vst v23;
	v22 =	vcvt.f32.s32 v22  }
0x2c0: {  	v38 =	vld [tilespmem:s17+$0xFFFFFFF0];
	v34 =	vmul.u32 $0x6000, v4;
	v30 =	vmul.u32 $0x6000, v11;
	v20 =	vadd.s32 $0x1, v23;
	[tilespmem:s12+$0x0] =	vst v27  }
0x2c1: {  	v7 =	vld [tilespmem:s23+$0x10];
	v32 =	vtrunc.f32 v39;
	v19 =	vmin.f32 v19, $5.999999520e+00;
	[tilespmem:s26+$0xFFFFFFF0] =	vst v20;
	v15 =	vadd.s32 v22, v15  }
0x2c2: {  	v31 =	vld [tilespmem:s10+$0x0];
	v33 =	vtrunc.f32 v62;
	v24 =	vmax.f32 v24, $0.0e+00;
	v23 =	vadd.s32 $0x1, v15;
	[tilespmem:s21+$0x10] =	vst v15  }
0x2c3: {  	v27 =	vld [tilespmem:s10+$0xFFFFFFF0];
	v20 =	vmax.f32 v61, $0.0e+00;
	v15 =	vmul.u32 $0x6000, v12;
	v24 =	vmin.f32 v24, $5.999999520e+00;
	[tilespmem:s26+$0x10] =	vst v23  }
0x2c4: {  	v17 =	vadd.s32 v34, v9;
	v22 =	vmul.f32 $1.365166630e+03, v24;
	[tilespmem:s12+$0x10] =	vst v28;
	v28 =	vmin.f32 v20, $5.999999520e+00;
	v20 =	vld [tilespmem:s23+$0xFFFFFFF0]  }
0x2c5: {  	[tilespmem:s15+$0x0] =	vst v25;
	v25 =	vmax.f32 v60, $0.0e+00;
	v23 =	vshll.u32 v36, $0xD;
	v24 =	vadd.s32 $0x1, v18  }
0x2c6: {  	s6 =	simm.s32 $0x1D860;
	s5 =	simm.s32 $0x1D520;
	v26 =	vadd.s32 v15, v21;
	v29 =	vtrunc.f32 v22;
	v22 =	vmul.u32 $0x6000, v7  }
0x2c7: {  	s1 =	simm.s32 $0x1D8A0;
	s0 =	simm.s32 $0x1CE60;
	s11 =	simm.s32 $0x1D4E0;
	v15 =	vshll.u32 v31, $0xD;
	v31 =	vmin.f32 v25, $5.999999520e+00;
	v25 =	vmax.f32 v38, $0.0e+00  }
0x2c8: {  	s16 =	simm.s32 $0x1C3E0;
	[tilespmem:s12+$0xFFFFFFF0] =	vst v63;
	s21 =	simm.s32 $0x8;
	s26 =	simm.s32 $0x1D1E0;
	v30 =	vadd.s32 v30, v15;
	v29 =	vcvt.f32.s32 v29;
	v22 =	vadd.s32 v22, v23  }
.LBB2_14:
0x2c9: {  	v34 =	vld [tilespmem:s16+$0xFFFFFFE0];
	s21 =	sadd.s32 $0x4, s21;
	v35 =	vmul.u32 $0x6000, v20;
	v33 =	vcvt.f32.s32 v33;
	[tilespmem:s15+$0xFFFFFFF0] =	vst v6;
	v6 =	vmovc v9;
	v9 =	vshll.u32 v27, $0xD;
	s12 =	smov.u32 s29  }
0x2ca: {  	v37 =	vshll.u32 v7, $0xD;
	v27 =	vcvt.f32.s32 v32;
	v38 =	vmul.f32 $1.365166630e+03, v19;
	v36 =	vld [tilespmem:s26+$0x0];
	p2 =	slt.u32 s21, $0x2C;
	[tilespmem:s15+$0x10] =	vst v1;
	v1 =	vmovc v2;
	v2 =	vmovc v23;
	s15 =	smov.u32 s25;
	s25 =	smov.u32 s10  }
0x2cb: {  	v32 =	vshll.u32 v11, $0xD;
	s29 =	smov.u32 s23;
	s23 =	smov.u32 s0;
	s10 =	smov.u32 s26;
	v23 =	vld [tilespmem:s26+$0x10];
	[tilespmem:s11+$0xFFFFFFE0] =	vst v18;
	v18 =	vadd.s32 v29, v26;
	v11 =	vadd.s32 v33, v14;
	v14 =	vmovc v30  }
0x2cc: {  	v19 =	vmovc v31;
	v26 =	vadd.s32 v35, v9;
	v30 =	vtrunc.f32 v38;
	v7 =	vld [tilespmem:s0+$0x10];
	[tilespmem:s11+$0x0] =	vst v11;
	v29 =	vadd.s32 $0x1, v11  }
0x2cd: {  	v31 =	vshll.u32 v3, $0xD;
	v3 =	vmovc v12;
	v11 =	vld [tilespmem:s0+$0x0];
	[tilespmem:s6+$0xFFFFFFE0] =	vst v24;
	v24 =	vadd.s32 v27, v17;
	v27 =	vcvt.f32.s32 v30;
	v17 =	vmovc v26  }
0x2ce: {  	v26 =	vmax.f32 v34, $0.0e+00;
	v12 =	vld [tilespmem:s0+$0xFFFFFFE0];
	[tilespmem:s12+$0xFFFFFFE0] =	vst v31;
	v30 =	vadd.s32 $0x1, v24  }
0x2cf: {  	v26 =	vmin.f32 v26, $5.999999520e+00;
	v31 =	vld [tilespmem:s26+$0xFFFFFFE0];
	[tilespmem:s15+$0xFFFFFFE0] =	vst v8;
	v27 =	vadd.s32 v27, v10;
	v8 =	vmovc v21;
	v10 =	vmov v22  }
0x2d0: {  	v21 =	vmul.f32 $1.365166630e+03, v26;
	v33 =	vld [tilespmem:s16+$0x10];
	[tilespmem:s11+$0xFFFFFFF0] =	vst v24;
	v22 =	vadd.s32 $0x1, v27  }
0x2d1: {  	v35 =	vmul.f32 $1.365166630e+03, v28;
	v38 =	vshll.u32 v4, $0xD;
	v4 =	vmov v20;
	v34 =	vld [tilespmem:s16+$0x0];
	[tilespmem:s6+$0x0] =	vst v29  }
0x2d2: {  	v20 =	vmin.f32 v25, $5.999999520e+00;
	v24 =	vadd.s32 $0x1, v18;
	v28 =	vtrunc.f32 v21;
	v39 =	vld [tilespmem:s16+$0xFFFFFFF0];
	[tilespmem:s11+$0x10] =	vst v27;
	s11 =	smov.u32 s5  }
0x2d3: {  	v40 =	vmul.f32 $1.365166630e+03, v20;
	v29 =	vmul.u32 $0x6000, v7;
	v25 =	vmul.u32 $0x6000, v12;
	v27 =	vld [tilespmem:s26+$0xFFFFFFF0];
	[tilespmem:s6+$0x10] =	vst v22  }
.Ltmp18:
0x2d4: {  	v23 =	vshll.u32 v23, $0xD;
	v21 =	vshll.u32 v31, $0xD;
	v20 =	vld [tilespmem:s0+$0xFFFFFFF0];
	v31 =	vmul.u32 $0x6000, v11;
	[tilespmem:s6+$0xFFFFFFF0] =	vst v30;
	s6 =	smov.u32 s1;
	(pc) =	sbr.rel @p2 .LBB2_14-.Ltmp18, $4  }
0x2d5: {  	v22 =	vadd.s32 v29, v23;
	v26 =	vadd.s32 v25, v21;
	v25 =	vshll.u32 v36, $0xD;
	[tilespmem:s12+$0x0] =	vst v16;
	v16 =	vmovc v32  }
0x2d6: {  	s5 =	sadd.s32 $0x40, s5;
	v29 =	vcvt.f32.s32 v28;
	v32 =	vtrunc.f32 v40;
	v30 =	vadd.s32 v31, v25;
	[tilespmem:s15+$0x0] =	vst v5;
	v5 =	vmovc v15;
	v15 =	vmovc v25  }
0x2d7: {  	s1 =	sadd.s32 $0x40, s1;
	v28 =	vmax.f32 v34, $0.0e+00;
	v31 =	vmax.f32 v33, $0.0e+00;
	v25 =	vmax.f32 v39, $0.0e+00;
	[tilespmem:s12+$0x10] =	vst v13;
	v13 =	vmovc v37  }
0x2d8: {  	s16 =	sadd.s32 $0x40, s16;
	s26 =	sadd.s32 $0x40, s26;
	s0 =	sadd.s32 $0x40, s0;
	v33 =	vtrunc.f32 v35;
	v28 =	vmin.f32 v28, $5.999999520e+00;
	v31 =	vmin.f32 v31, $5.999999520e+00;
	[tilespmem:s12+$0xFFFFFFF0] =	vst v38  }
0x2d9: {  	[tilespmem:s15+$0xFFFFFFF0] =	vst v6  }
0x2da: {  	[tilespmem:s15+$0x10] =	vst v1  }
0x2db: {  	[tilespmem:s11+$0xFFFFFFE0] =	vst v18  }
0x2dc: {  	v33 =	vcvt.f32.s32 v33;
	v59 =	vadd.s32 v29, v26;
	[tilespmem:s6+$0xFFFFFFE0] =	vst v24  }
0x2dd: {  	v3 =	vshll.u32 v3, $0xD;
	[tilespmem:s5+$0xFFFFFFE0] =	vst v59  }
0x2de: {  	v58 =	vcvt.f32.s32 v32;
	v1 =	vadd.s32 v33, v14;
	[tilespmem:s29+$0xFFFFFFE0] =	vst v3  }
0x2df: {  	[tilespmem:s11+$0x0] =	vst v1  }
0x2e0: {  	v3 =	vadd.s32 v58, v17;
	[tilespmem:s25+$0xFFFFFFE0] =	vst v8  }
0x2e1: {  	v57 =	vmul.f32 $1.365166630e+03, v19;
	v1 =	vadd.s32 $0x1, v1;
	[tilespmem:s11+$0xFFFFFFF0] =	vst v3  }
0x2e2: {  	v3 =	vadd.s32 $0x1, v3;
	[tilespmem:s6+$0x0] =	vst v1  }
0x2e3: {  	v6 =	vtrunc.f32 v57;
	[tilespmem:s6+$0xFFFFFFF0] =	vst v3  }
0x2e4: {  	v6 =	vcvt.f32.s32 v6;
	v3 =	vshll.u32 v4, $0xD;
	[tilespmem:s29+$0x0] =	vst v16  }
0x2e5: {  	v4 =	vadd.s32 $0x1, v59;
	[tilespmem:s29+$0xFFFFFFF0] =	vst v3  }
0x2e6: {  	v6 =	vadd.s32 v6, v10;
	[tilespmem:s1+$0xFFFFFFE0] =	vst v4  }
0x2e7: {  	[tilespmem:s11+$0x10] =	vst v6  }
0x2e8: {  	v1 =	vadd.s32 $0x1, v6;
	[tilespmem:s25+$0x0] =	vst v5  }
0x2e9: {  	v3 =	vmin.f32 v25, $5.999999520e+00;
	[tilespmem:s6+$0x10] =	vst v1;
	v1 =	vmul.f32 $1.365166630e+03, v28  }
0x2ea: {  	[tilespmem:s25+$0xFFFFFFF0] =	vst v9;
	v3 =	vmul.f32 $1.365166630e+03, v3  }
0x2eb: {  	v62 =	vshll.u32 v12, $0xD;
	[tilespmem:s29+$0x10] =	vst v13;
	v1 =	vtrunc.f32 v1  }
0x2ec: {  	v3 =	vtrunc.f32 v3;
	[tilespmem:s25+$0x10] =	vst v2;
	v2 =	vmul.u32 $0x6000, v20;
	v1 =	vcvt.f32.s32 v1  }
0x2ed: {  	v60 =	vmul.f32 $1.365166630e+03, v31;
	v61 =	vshll.u32 v27, $0xD;
	[tilespmem:s23+$0xFFFFFFE0] =	vst v62;
	v3 =	vcvt.f32.s32 v3  }
0x2ee: {  	[tilespmem:s10+$0xFFFFFFE0] =	vst v21;
	v2 =	vadd.s32 v2, v61;
	v1 =	vadd.s32 v1, v30  }
0x2ef: {  	v63 =	vtrunc.f32 v60;
	v2 =	vadd.s32 v3, v2;
	[tilespmem:s5+$0x0] =	vst v1  }
0x2f0: {  	v3 =	vcvt.f32.s32 v63;
	v1 =	vadd.s32 $0x1, v1;
	[tilespmem:s5+$0xFFFFFFF0] =	vst v2  }
0x2f1: {  	v2 =	vadd.s32 $0x1, v2;
	[tilespmem:s1+$0x0] =	vst v1  }
0x2f2: {  	v3 =	vadd.s32 v3, v22;
	[tilespmem:s1+$0xFFFFFFF0] =	vst v2  }
0x2f3: {  	v2 =	vshll.u32 v20, $0xD;
	[tilespmem:s5+$0x10] =	vst v3  }
0x2f4: {  	v1 =	vadd.s32 $0x1, v3;
	[tilespmem:s23+$0xFFFFFFF0] =	vst v2  }
0x2f5: {  	[tilespmem:s1+$0x10] =	vst v1  }
0x2f6: {  	v1 =	vshll.u32 v11, $0xD;
	[tilespmem:s10+$0xFFFFFFF0] =	vst v61  }
0x2f7: {  	[tilespmem:s23+$0x0] =	vst v1  }
0x2f8: {  	v1 =	vshll.u32 v7, $0xD;
	[tilespmem:s10+$0x0] =	vst v15  }
0x2f9: {  	[tilespmem:s23+$0x10] =	vst v1  }
0x2fa: {  	s0 =	simm.s32 $0x0;
	[tilespmem:s10+$0x10] =	vst v23  }
.LBB2_16:
0x2fb: {  	s1 =	sshra.s32 s0, $0x2  }
0x2fc: {  	v1 =	vld [tilespmem:s1+$0x1C600];
	_ =	sdelay $0x3  }
0x2fd: {  	v2 =	vld [tilespmem:s1+$0x1D080]  }
0x2fe: {  	v3 =	vld [tilespmem:s1+$0x1D400];
	v1 =	vmax.f32 v1, $0.0e+00  }
0x2ff: {  	v1 =	vmin.f32 v1, $5.999999520e+00  }
0x300: {  	v1 =	vmul.f32 $1.365166630e+03, v1;
	_ =	sdelay $0x1  }
0x301: {  	p2 =	sne.s32 s0, $0x40;
	v4 =	vmul.u32 $0x6000, v2;
	v1 =	vtrunc.f32 v1  }
.Ltmp19:
0x302: {  	v3 =	vshll.u32 v3, $0xD;
	v2 =	vshll.u32 v2, $0xD;
	v1 =	vcvt.f32.s32 v1;
	(pc) =	sbr.rel @p2 .LBB2_16-.Ltmp19, $4  }
0x303: {  	[tilespmem:s1+$0x1D080] =	vst v2;
	v4 =	vadd.s32 v4, v3  }
0x304: {  	[tilespmem:s1+$0x1D400] =	vst v3;
	v1 =	vadd.s32 v1, v4  }
0x305: {  	[tilespmem:s1+$0x1D780] =	vst v1;
	v1 =	vadd.s32 $0x1, v1  }
0x306: {  	s0 =	sadd.s32 $0x40, s0;
	[tilespmem:s1+$0x1DB00] =	vst v1  }
0x307: {  	s0 =	rddreg [dreg:$0x5];
	s21 =	simm.s32 $0x1D480;
	s23 =	simm.s32 $0x1DB80  }
0x308: {  	[tilespmem:s23], [sflag:$0x3] =	stream.indirect.gather [spmem:s0], $0x1, s21, s2, $0xb8;
	[tilespmem:$0x1E280] =	vst v63  }
0x309: {  	s25 =	simm.s32 $0x1D800;
	s26 =	simm.s32 $0x1DF00;
	s11 =	rddreg [dreg:$0x8]  }
0x30a: {  	[tilespmem:s26], [sflag:$0x3] =	stream.indirect.gather [spmem:s0], $0x1, s25, s2, $0xb8;
	[tilespmem:$0x1E280] =	vst v63  }
0x30b: {  	s1 =	simm.s32 $0x1CD80;
	s12 =	rddreg [dreg:$0x9];
	s0 =	sadd.s32 s11, s14  }
0x30c: {  	[hbm4b:s0+s7] =	stream.linear.scatter [tilespmem:s1], [sflag:$0x4], $0x320, $0x38;
	[tilespmem:$0x1E280] =	vst v63  }
0x30d: {  	s0 =	sadd.s32 s12, s14  }
0x30e: {  	[hbm4b:s0+s7] =	stream.linear.scatter [tilespmem:s3], [sflag:$0x4], $0x320, $0x38;
	[tilespmem:$0x1E280] =	vst v63  }
0x30f: {  	s0 =	simm.s32 @p1 $0x4  }
0x310: {  	_ =	swait.ge @p1 [sflag:s0], $0x320  }
0x311: {  	[sflag:s0] =	ssyncset.done @p1 $0x0  }
0x312: {  	[sflag:s0] =	ssyncadd.s32 @p1 $0xFFFFFCE0  }
0x313: {  	_ =	swait.ge @p1 [sflag:s0], $0x320  }
0x314: {  	[sflag:s0] =	ssyncset.done @p1 $0x0  }
0x315: {  	[sflag:s0] =	ssyncadd.s32 @p1 $0xFFFFFCE0;
	s0 =	simm.s32 @!p1 $0x1  }
0x316: {  	_ =	swait.ge @!p1 [sflag:s0], $0x320  }
0x317: {  	[sflag:s0] =	ssyncset.done @!p1 $0x0  }
0x318: {  	[sflag:s0] =	ssyncadd.s32 @!p1 $0xFFFFFCE0  }
0x319: {  	_ =	swait.ge @!p1 [sflag:s0], $0x320  }
0x31a: {  	[sflag:s0] =	ssyncset.done @!p1 $0x0  }
0x31b: {  	[sflag:s0] =	ssyncadd.s32 @!p1 $0xFFFFFCE0  }
0x31c: {  	_ =	swait.ge @!p1 [sflag:s0], $0x320  }
0x31d: {  	[sflag:s0] =	ssyncset.done @!p1 $0x0  }
0x31e: {  	[sflag:s0] =	ssyncadd.s32 @!p1 $0xFFFFFCE0;
	s0 =	simm.s32 @!p1 $0x4  }
0x31f: {  	_ =	swait.ge @!p1 [sflag:s0], $0x320  }
0x320: {  	[sflag:s0] =	ssyncset.done @!p1 $0x0  }
0x321: {  	[sflag:s0] =	ssyncadd.s32 @!p1 $0xFFFFFCE0  }
0x322: {  	_ =	swait.ge @!p1 [sflag:s0], $0x320  }
0x323: {  	s5 =	simm.s32 @!p1 $0x1CD80;
	[sflag:s0] =	ssyncset.done @!p1 $0x0  }
0x324: {  	s1 =	simm.s32 @!p1 $0x1BC00;
	[sflag:s0] =	ssyncadd.s32 @!p1 $0xFFFFFCE0;
	s0 =	simm.s32 @!p1 $0x320  }
0x325: {  	[tilespmem:s5], [sflag:$0x2] =	stream.indirect.gather @!p1 [spmem:s24], $0x1, s1, s0, $0xb8;
	[tilespmem:$0x1E280] =	vst v63  }
0x326: {  	s1 =	simm.s32 @!p1 $0x1BF80;
	s5 =	simm.s32 @!p1 $0x1D100  }
0x327: {  	[tilespmem:s5], [sflag:$0x2] =	stream.indirect.gather @!p1 [spmem:s24], $0x1, s1, s0, $0xb8;
	[tilespmem:$0x1E280] =	vst v63  }
0x328: {  	_ =	swait.ge [sflag:s20], $0x320  }
0x329: {  	[sflag:s20] =	ssyncset.done $0x0  }
0x32a: {  	[sflag:s20] =	ssyncadd.s32 $0xFFFFFCE0  }
0x32b: {  	_ =	swait.ge [sflag:s20], $0x320  }
0x32c: {  	[sflag:s20] =	ssyncset.done $0x0  }
0x32d: {  	s14 =	simm.s32 $0x1C320;
	[sflag:s20] =	ssyncadd.s32 $0xFFFFFCE0  }
0x32e: {  	v1 =	vld [tilespmem:s14+$0x10]  }
0x32f: {  	v2 =	vld [tilespmem:s14+$0xFFFFFFE0]  }
0x330: {  	v3 =	vld [tilespmem:s14+$0xFFFFFFF0];
	_ =	sdelay $0x2  }
0x331: {  	s15 =	simm.s32 $0x1DBA0;
	v4 =	vld [tilespmem:s14+$0x0];
	v1 =	vmax.f32 v1, $0.0e+00  }
0x332: {  	s16 =	simm.s32 $0x1DF20;
	v5 =	vld [tilespmem:s15+$0x10];
	v2 =	vmax.f32 v2, $0.0e+00;
	v1 =	vmin.f32 v1, $5.999999520e+00  }
0x333: {  	v6 =	vld [tilespmem:s16+$0x10];
	v3 =	vmax.f32 v3, $0.0e+00;
	v2 =	vmin.f32 v2, $5.999999520e+00;
	v1 =	vmul.f32 $1.365166630e+03, v1  }
0x334: {  	v7 =	vld [tilespmem:s15+$0xFFFFFFE0];
	v3 =	vmin.f32 v3, $5.999999520e+00;
	v2 =	vmul.f32 $1.365166630e+03, v2  }
0x335: {  	v9 =	vld [tilespmem:s16+$0xFFFFFFE0];
	v3 =	vmul.f32 $1.365166630e+03, v3;
	v8 =	vtrunc.f32 v1  }
0x336: {  	v10 =	vld [tilespmem:s15+$0xFFFFFFF0];
	v11 =	vtrunc.f32 v2;
	v8 =	vcvt.f32.s32 v8  }
0x337: {  	s17 =	simm.s32 $0x1C6A0;
	v13 =	vld [tilespmem:s16+$0xFFFFFFF0];
	v11 =	vcvt.f32.s32 v11  }
0x338: {  	v14 =	vld [tilespmem:s17+$0x10];
	v4 =	vmax.f32 v4, $0.0e+00;
	v12 =	vtrunc.f32 v3;
	v8 =	vcvt.s32.f32 v8  }
0x339: {  	v15 =	vld [tilespmem:s15+$0x0];
	v4 =	vmin.f32 v4, $5.999999520e+00;
	v12 =	vcvt.f32.s32 v12;
	v11 =	vcvt.s32.f32 v11  }
0x33a: {  	v16 =	vld [tilespmem:s17+$0xFFFFFFE0];
	v6 =	vsub.f32 v6, v5;
	v4 =	vmul.f32 $1.365166630e+03, v4;
	v1 =	vsub.f32 v1, v8  }
0x33b: {  	v9 =	vsub.f32 v9, v7;
	v8 =	vcvt.s32.f32 v12;
	v12 =	vld [tilespmem:s16+$0x0];
	v2 =	vsub.f32 v2, v11  }
0x33c: {  	s29 =	simm.s32 $0x1C360;
	v11 =	vtrunc.f32 v4;
	v1 =	vmul.f32 v1, v6;
	v6 =	vld [tilespmem:s17+$0xFFFFFFF0]  }
0x33d: {  	v3 =	vsub.f32 v3, v8;
	v8 =	vsub.f32 v13, v10;
	v13 =	vld [tilespmem:s29+$0x10];
	v2 =	vmul.f32 v2, v9  }
0x33e: {  	v9 =	vcvt.f32.s32 v11;
	v11 =	vld [tilespmem:s29+$0xFFFFFFF0];
	v5 =	vadd.f32 v1, v5  }
0x33f: {  	v3 =	vmul.f32 v3, v8;
	v1 =	vld [tilespmem:s17+$0x0];
	v2 =	vadd.f32 v2, v7  }
0x340: {  	v7 =	vcvt.s32.f32 v9;
	v8 =	vld [tilespmem:s29+$0x0];
	v5 =	vmul.f32 $5.000000000e-01, v5  }
0x341: {  	v9 =	vld [tilespmem:s29+$0xFFFFFFE0];
	v3 =	vadd.f32 v3, v10;
	v2 =	vmul.f32 $5.000000000e-01, v2  }
0x342: {  	v4 =	vsub.f32 v4, v7;
	v7 =	vsub.f32 v12, v15;
	[tilespmem:v14+s22+$0x0] =	vst.idx.add.f32.msk $0xffff, v5;
	v5 =	vmax.f32 v13, $0.0e+00  }
0x343: {  	s1 =	simm.s32 $0x1DBE0;
	v10 =	vmax.f32 v11, $0.0e+00;
	v3 =	vmul.f32 $5.000000000e-01, v3;
	[tilespmem:v16+s22+$0x0] =	vst.idx.add.f32.msk $0xffff, v2;
	v5 =	vmin.f32 v5, $5.999999520e+00  }
0x344: {  	v2 =	vmin.f32 v10, $5.999999520e+00;
	v13 =	vld [tilespmem:s1+$0x10];
	v5 =	vmul.f32 $1.365166630e+03, v5  }
0x345: {  	s5 =	simm.s32 $0x1DF60;
	v2 =	vmul.f32 $1.365166630e+03, v2;
	[tilespmem:v6+s22+$0x0] =	vst.idx.add.f32.msk $0xffff, v3;
	v6 =	vmul.f32 v4, v7;
	v3 =	vmax.f32 v8, $0.0e+00  }
0x346: {  	v4 =	vmax.f32 v9, $0.0e+00;
	v9 =	vld [tilespmem:s5+$0x10];
	v7 =	vmin.f32 v3, $5.999999520e+00;
	v8 =	vtrunc.f32 v5  }
0x347: {  	v11 =	vld [tilespmem:s5+$0xFFFFFFE0];
	v4 =	vmin.f32 v4, $5.999999520e+00;
	v17 =	vmul.f32 $1.365166630e+03, v7;
	v7 =	vcvt.f32.s32 v8  }
0x348: {  	v16 =	vld [tilespmem:s5+$0xFFFFFFF0];
	v10 =	vtrunc.f32 v2;
	v8 =	vmul.f32 $1.365166630e+03, v4  }
0x349: {  	v3 =	vld [tilespmem:s1+$0xFFFFFFE0];
	v10 =	vcvt.f32.s32 v10;
	v7 =	vcvt.s32.f32 v7  }
0x34a: {  	s0 =	simm.s32 $0x1C6E0;
	v4 =	vld [tilespmem:s1+$0xFFFFFFF0];
	v12 =	vtrunc.f32 v17;
	v14 =	vtrunc.f32 v8  }
0x34b: {  	v9 =	vsub.f32 v9, v13;
	v14 =	vcvt.f32.s32 v14;
	v18 =	vsub.f32 v5, v7;
	v7 =	vld [tilespmem:s0+$0x10]  }
0x34c: {  	v19 =	vcvt.s32.f32 v10;
	v10 =	vld [tilespmem:s5+$0x0];
	v20 =	vcvt.f32.s32 v12  }
0x34d: {  	v21 =	vadd.f32 v6, v15;
	v5 =	vld [tilespmem:s1+$0x0];
	v14 =	vcvt.s32.f32 v14;
	v9 =	vmul.f32 v18, v9  }
0x34e: {  	v6 =	vld [tilespmem:s0+$0xFFFFFFE0];
	v11 =	vsub.f32 v11, v3;
	v12 =	vsub.f32 v2, v19;
	v18 =	vcvt.s32.f32 v20  }
0x34f: {  	s6 =	simm.s32 $0x4;
	s10 =	simm.s32 $0x1C3A0;
	v14 =	vsub.f32 v8, v14;
	v8 =	vld [tilespmem:s0+$0xFFFFFFF0];
	v15 =	vadd.f32 v9, v13  }
0x350: {  	s11 =	smov.u32 s19;
	s12 =	simm.s32 $0x1C300;
	s15 =	simm.s32 $0x1CA00;
	v2 =	vmul.f32 $5.000000000e-01, v21;
	v16 =	vsub.f32 v16, v4;
	v13 =	vsub.f32 v17, v18;
	v9 =	vld [tilespmem:s0+$0x0]  }
.LBB2_18:
0x351: {  	v17 =	vld [tilespmem:s10+$0x10];
	s6 =	sadd.s32 $0x4, s6;
	v11 =	vmul.f32 v14, v11;
	v14 =	vmul.f32 $5.000000000e-01, v15  }
0x352: {  	v15 =	vld [tilespmem:s10+$0xFFFFFFF0];
	p1 =	slt.u32 s6, $0x2C;
	v12 =	vmul.f32 v12, v16;
	v10 =	vsub.f32 v10, v5  }
0x353: {  	v3 =	vadd.f32 v11, v3;
	[tilespmem:v7+s22+$0x0] =	vst.idx.add.f32.msk $0xffff, v14  }
0x354: {  	v7 =	vld [tilespmem:s10+$0x0];
	v4 =	vadd.f32 v12, v4;
	v10 =	vmul.f32 v13, v10  }
0x355: {  	v11 =	vld [tilespmem:s10+$0xFFFFFFE0];
	v3 =	vmul.f32 $5.000000000e-01, v3  }
0x356: {  	v12 =	vmax.f32 v17, $0.0e+00;
	v4 =	vmul.f32 $5.000000000e-01, v4;
	v5 =	vadd.f32 v10, v5;
	[tilespmem:v1+s22+$0x0] =	vst.idx.add.f32.msk $0xffff, v2;
	v1 =	vmovc v9  }
0x357: {  	v2 =	vmax.f32 v15, $0.0e+00;
	v9 =	vmin.f32 v12, $5.999999520e+00;
	[tilespmem:v6+s22+$0x0] =	vst.idx.add.f32.msk $0xffff, v3  }
0x358: {  	s1 =	sadd.s32 $0x40, s1;
	v3 =	vmin.f32 v2, $5.999999520e+00;
	v6 =	vmul.f32 $1.365166630e+03, v9;
	[tilespmem:v8+s22+$0x0] =	vst.idx.add.f32.msk $0xffff, v4;
	v2 =	vmul.f32 $5.000000000e-01, v5  }
0x359: {  	s5 =	sadd.s32 $0x40, s5;
	v8 =	vmul.f32 $1.365166630e+03, v3;
	v3 =	vmax.f32 v7, $0.0e+00;
	v9 =	vld [tilespmem:s1+$0x10]  }
0x35a: {  	v4 =	vmax.f32 v11, $0.0e+00;
	v5 =	vmin.f32 v3, $5.999999520e+00;
	v7 =	vtrunc.f32 v6;
	v10 =	vld [tilespmem:s5+$0x10]  }
0x35b: {  	v4 =	vmin.f32 v4, $5.999999520e+00;
	v3 =	vld [tilespmem:s1+$0xFFFFFFE0];
	v13 =	vmul.f32 $1.365166630e+03, v5;
	v5 =	vcvt.f32.s32 v7  }
0x35c: {  	v7 =	vtrunc.f32 v8;
	v14 =	vmul.f32 $1.365166630e+03, v4;
	v11 =	vld [tilespmem:s5+$0xFFFFFFE0]  }
0x35d: {  	v4 =	vld [tilespmem:s1+$0xFFFFFFF0];
	v12 =	vtrunc.f32 v13;
	v5 =	vcvt.s32.f32 v5  }
0x35e: {  	s0 =	sadd.s32 $0x40, s0;
	v16 =	vcvt.f32.s32 v7;
	v15 =	vtrunc.f32 v14;
	v17 =	vld [tilespmem:s5+$0xFFFFFFF0]  }
0x35f: {  	v15 =	vcvt.f32.s32 v15;
	v6 =	vsub.f32 v6, v5;
	v18 =	vsub.f32 v10, v9;
	v7 =	vld [tilespmem:s0+$0x10]  }
.Ltmp20:
0x360: {  	v16 =	vcvt.s32.f32 v16;
	v19 =	vcvt.f32.s32 v12;
	v5 =	vld [tilespmem:s1+$0x0];
	(pc) =	sbr.rel @p1 .LBB2_18-.Ltmp20, $4  }
0x361: {  	v15 =	vcvt.s32.f32 v15;
	v11 =	vsub.f32 v11, v3;
	v10 =	vld [tilespmem:s5+$0x0];
	v18 =	vmul.f32 v6, v18  }
0x362: {  	v12 =	vsub.f32 v8, v16;
	v19 =	vcvt.s32.f32 v19;
	v6 =	vld [tilespmem:s0+$0xFFFFFFE0]  }
0x363: {  	v14 =	vsub.f32 v14, v15;
	v8 =	vld [tilespmem:s0+$0xFFFFFFF0];
	v15 =	vadd.f32 v18, v9  }
0x364: {  	s10 =	sadd.s32 $0x40, s10;
	v13 =	vsub.f32 v13, v19;
	v16 =	vsub.f32 v17, v4;
	v9 =	vld [tilespmem:s0+$0x0]  }
0x365: {  	_ = 	snop  }
0x366: {  	v11 =	vmul.f32 v14, v11;
	v10 =	vsub.f32 v10, v5  }
0x367: {  	v12 =	vmul.f32 v12, v16  }
0x368: {  	v3 =	vadd.f32 v11, v3;
	v10 =	vmul.f32 v13, v10  }
0x369: {  	v62 =	vmul.f32 $5.000000000e-01, v15;
	v4 =	vadd.f32 v12, v4  }
0x36a: {  	[tilespmem:v1+s22+$0x0] =	vst.idx.add.f32.msk $0xffff, v2;
	v3 =	vmul.f32 $5.000000000e-01, v3;
	v63 =	vadd.f32 v10, v5  }
0x36b: {  	[tilespmem:v7+s22+$0x0] =	vst.idx.add.f32.msk $0xffff, v62;
	v4 =	vmul.f32 $5.000000000e-01, v4  }
0x36c: {  	[tilespmem:v6+s22+$0x0] =	vst.idx.add.f32.msk $0xffff, v3;
	v1 =	vmul.f32 $5.000000000e-01, v63  }
0x36d: {  	[tilespmem:v8+s22+$0x0] =	vst.idx.add.f32.msk $0xffff, v4  }
0x36e: {  	s0 =	simm.s32 $0x0;
	[tilespmem:v9+s22+$0x0] =	vst.idx.add.f32.msk $0xffff, v1  }
.LBB2_20:
0x36f: {  	s1 =	sshra.s32 s0, $0x2  }
0x370: {  	v1 =	vld [tilespmem:s1+$0x1C600];
	_ =	sdelay $0x4  }
0x371: {  	v1 =	vmax.f32 v1, $0.0e+00  }
0x372: {  	v1 =	vmin.f32 v1, $5.999999520e+00  }
0x373: {  	v1 =	vmul.f32 $1.365166630e+03, v1  }
0x374: {  	v2 =	vld [tilespmem:s1+$0x1DE80]  }
0x375: {  	v4 =	vld [tilespmem:s1+$0x1E200];
	v3 =	vtrunc.f32 v1  }
0x376: {  	v3 =	vcvt.f32.s32 v3;
	_ =	sdelay $0x1  }
0x377: {  	v3 =	vcvt.s32.f32 v3;
	_ =	sdelay $0x1  }
0x378: {  	v63 =	vld [tilespmem:s1+$0x1C980];
	v1 =	vsub.f32 v1, v3;
	v3 =	vsub.f32 v4, v2;
	_ =	sdelay $0x1  }
0x379: {  	v1 =	vmul.f32 v1, v3  }
0x37a: {  	p1 =	sne.s32 s0, $0x40  }
.Ltmp21:
0x37b: {  	v1 =	vadd.f32 v1, v2;
	(pc) =	sbr.rel @p1 .LBB2_20-.Ltmp21, $3  }
0x37c: {  	_ = 	snop  }
0x37d: {  	v1 =	vmul.f32 $5.000000000e-01, v1;
	_ =	sdelay $0x1  }
0x37e: {  	s0 =	sadd.s32 $0x40, s0;
	[tilespmem:v63+s22+$0x0] =	vst.idx.add.f32.msk $0xffff, v1  }
0x37f: {  	s28 =	sadd.s32 $0x1, s28  }
0x380: {  	p1 =	seq.s32 s28, $0x7D  }
.Ltmp22:
0x381: {  	_ = 	snop;
	(pc) =	sbr.rel @!p1 .LBB2_5-.Ltmp22, $1  }
0x382: {  	_ =	sdelay $0x3  }
.Ltmp23:
0x383: {  	(pc) =	sbr.rel .LBB2_42-.Ltmp23, $3  }
0x384: {  	_ =	sdelay $0x1  }
0x385: {  	s0 =	rddreg [dreg:$0x7]  }
0x386: {  	s5 =	rddreg [dreg:$0x17]  }
.LBB2_43:
0x387: {  	_ =	sfence.sel $0x180000  }
0x388: {  	[bflag:$0x0] =	sbarrier.arrive $0xFFFF  }
0x389: {  	_ =	strace $0x90000047  }
0x38a: {  	s0 =	stileid.u32;
	[bflag:$0x2] =	sbarrier.arrive $0xFFFF  }
0x38b: {  	p0 =	sne.s32 s0, $0x0;
	s0 =	rddreg [dreg:$0x6]  }
0x38c: {  	s0 =	sadd.s32 @!p0 $0x100000, s0  }
0x38d: {  	[sflag:s0] =	ssyncadd.tile.s32 @!p0 $0x1;
	_ =	shalt  }
.Lfunc_end2:
_tile_overlayer_lowered:
.L_overlay_start_2:
0x38e: {  	(tag) =	ssettag $0x2  }
0x38f: {  	s0 =	rddreg [dreg:$0x0];
	s2 =	stileid.u32  }
0x390: {  	s1 =	rddreg [dreg:$0x1];
	p0 =	sne.s32 s2, $0x0  }
0x391: {  	s3 =	rddreg [dreg:$0x2];
	[bflag:$0x3] =	sbarrier.arrive $0xFFFF;
	s2 =	simm.s32 @!p0 $0x1C05  }
0x392: {  	[timem:s3], [sflag:s2] =	dma.local @!p0 [hbm:s0], s1  }
0x393: {  	s0 =	simm.s32 @!p0 $0x5  }
0x394: {  	_ =	swait.ge @!p0 [sflag:s0], s1  }
0x395: {  	s1 =	ssub.s32 @!p0 $0x0, s1;
	[sflag:s0] =	ssyncset.done @!p0 $0x0  }
0x396: {  	[sflag:s0] =	ssyncadd.s32 @!p0 s1  }
0x397: {  	[bflag:$0x3] =	sbarrier.arrive $0xFFFF  }
0x398: {  	_ =	shalt  }

// kernel: kernel.8.cloned.1.call-start
scs
__scs_entry_jumppad:
0x0: {  	(pc) =	sbr.rel $0x88, $3  }
0x1: {  	(tag) =	ssettag $0x0;
	lr =	simm.s32 $0x1  }
0x2: {  	[smem:$0x3F96] =	sst lr;
	_ =	strace $0xD0000000  }
0x3: {  	_ = 	snop  }
0x4: {  	_ = 	snop  }
0x5: {  	_ = 	snop  }
0x6: {  	_ = 	snop  }
0x7: {  	_ = 	snop  }
__scs_overlays_trampoline_lowered:
0x8: {  	[smem:$0x3FA5] =	sst s0  }
0x9: {  	[smem:$0x3FA6] =	sst s1  }
0xa: {  	[smem:$0x3FA7] =	sst s2  }
0xb: {  	[smem:$0x3FA8] =	sst s3  }
0xc: {  	[smem:$0x3FA9] =	sst s4  }
0xd: {  	[smem:$0x3FAA] =	sst s5  }
0xe: {  	[smem:$0x3FAB] =	sst s6  }
0xf: {  	[smem:$0x3FAC] =	sst s7  }
0x10: {  	[smem:$0x3FAD] =	sst s8  }
0x11: {  	[smem:$0x3FAE] =	sst s9;
	s0 =	simm.s32 @!p0 $0x0  }
0x12: {  	s1 =	sld [smem:$0x3F94];
	s0 =	simm.s32 @p0 $0x1  }
0x13: {  	[smem:$0x3FAF] =	sst s0;
	s0 =	simm.s32 @!p1 $0x0  }
0x14: {  	s2 =	sld [smem:$0x3F93];
	s0 =	simm.s32 @p1 $0x1  }
0x15: {  	[smem:$0x3FB0] =	sst s0;
	s0 =	simm.s32 @!p2 $0x0  }
0x16: {  	s3 =	sld [smem:$0x3FDB];
	s0 =	simm.s32 @p2 $0x1  }
0x17: {  	s4 =	simm.s32 $0x1BF5;
	[smem:$0x3FB2] =	sst s0  }
0x18: {  	s0 =	sld [smem:$0x3F95];
	_ =	swait.ge [sflag:s4], $0x0  }
0x19: {  	s7 =	sld [smem:$0x3F96]  }
0x1a: {  	s8 =	sadd.s32 $0xFFFFE003, lr  }
0x1b: {  	s9 =	sadd.s32 $0xFFFFFEF7, lr;
	s5 =	simm.s32 $0xFFFFFFFF;
	p2 =	slt.u32 s8, $0xFFFFF086  }
0x1c: {  	p1 =	slt.u32 s9, $0xF7A;
	s5 =	simm.s32 @!p2 $0x0  }
0x1d: {  	s5 =	simm.s32 @p1 $0x1;
	p0 =	seq.s32 s7, s2  }
0x1e: {  	s7 =	smul.u32 @!p0 $0xF7A, s2;
	p2 =	seq.s32 @!p0 s5, $0x0  }
0x1f: {  	s9 =	smul.u32 $0xF7A, s1;
	s8 =	simm.s32 @!p0 $0x1BF5;
	p2 =	por !p2, p0  }
0x20: {  	[sflag:s8] =	ssyncset.s32 @!p0 $0xFFFFF086;
	s6 =	sadd.s32 @!p0 s3, s7;
	s7 =	simm.s32 @!p0 $0x108  }
0x21: {  	s3 =	sadd.s32 s3, s9;
	s6 =	sadd.s32 @!p0 $0x88, s6;
	s7 =	simm.s32 @p2 $0x1082  }
0x22: {  	[simem:s7], [sflag:s8] =	dma.local @!p0 [hbm:s6], $0xF7A  }
0x23: {  	s9 =	sor.u32 $0xD0000000, s2;
	s6 =	simm.s32 $0x108;
	_ =	swait.ge @!p0 [sflag:s8], $0x0  }
0x24: {  	s3 =	sadd.s32 $0x88, s3;
	s6 =	simm.s32 @!p1 $0x1082;
	[sflag:s4] =	ssyncset.s32 $0xFFFFF086  }
0x25: {  	[simem:s6], [sflag:s4] =	dma.local [hbm:s3], $0xF7A  }
0x26: {  	[smem:$0x3F96] =	sst s1;
	(tag) =	ssettag s2;
	_ =	strace s9  }
0x27: {  	s1 =	sld [smem:$0x3FA6]  }
0x28: {  	s2 =	sld [smem:$0x3FA7]  }
0x29: {  	s4 =	sld [smem:$0x3FA9]  }
0x2a: {  	p0 =	seq.s32 s5, $0x0;
	s5 =	sld [smem:$0x3FAA]  }
0x2b: {  	s6 =	sld [smem:$0x3FAB]  }
0x2c: {  	s7 =	sld [smem:$0x3FAC]  }
0x2d: {  	s3 =	simm.s32 $0x108;
	s8 =	sld [smem:$0x3FAD]  }
0x2e: {  	s3 =	simm.s32 @!p0 $0x1082;
	s9 =	sld [smem:$0x3FAE]  }
0x2f: {  	lr =	sadd.s32 s0, s3;
	s0 =	sld [smem:$0x3FA5]  }
0x30: {  	s3 =	sld [smem:$0x3FA8]  }
0x31: {  	[smem:$0x3FB1] =	sst s10  }
0x32: {  	s10 =	sld [smem:$0x3FAF];
	_ =	sdelay $0x3  }
0x33: {  	p0 =	seq.s32 s10, $0x1;
	s10 =	sld [smem:$0x3FB1];
	_ =	sdelay $0x3  }
0x34: {  	[smem:$0x3FB1] =	sst s10  }
0x35: {  	s10 =	sld [smem:$0x3FB0];
	_ =	sdelay $0x3  }
0x36: {  	p1 =	seq.s32 s10, $0x1;
	s10 =	sld [smem:$0x3FB1];
	_ =	sdelay $0x3  }
0x37: {  	[smem:$0x3FB1] =	sst s10  }
0x38: {  	s10 =	sld [smem:$0x3FB2]  }
0x39: {  	_ = 	snop;
	(pc) =	sbr.ind lr, $3  }
0x3a: {  	_ = 	snop  }
0x3b: {  	_ = 	snop  }
0x3c: {  	p2 =	seq.s32 s10, $0x1;
	s10 =	sld [smem:$0x3FB1]  }
0x3d: {  	_ =	shalt  }
0x3e: {  	_ =	shalt  }
0x3f: {  	_ =	shalt  }
0x40: {  	_ =	shalt  }
0x41: {  	_ =	shalt  }
0x42: {  	_ =	shalt  }
0x43: {  	_ =	shalt  }
0x44: {  	_ =	shalt  }
0x45: {  	_ =	shalt  }
0x46: {  	_ =	shalt  }
0x47: {  	_ =	shalt  }
0x48: {  	_ =	shalt  }
0x49: {  	_ =	shalt  }
0x4a: {  	_ =	shalt  }
0x4b: {  	_ =	shalt  }
0x4c: {  	_ =	shalt  }
0x4d: {  	_ =	shalt  }
0x4e: {  	_ =	shalt  }
0x4f: {  	_ =	shalt  }
0x50: {  	_ =	shalt  }
0x51: {  	_ =	shalt  }
0x52: {  	_ =	shalt  }
0x53: {  	_ =	shalt  }
0x54: {  	_ =	shalt  }
0x55: {  	_ =	shalt  }
0x56: {  	_ =	shalt  }
0x57: {  	_ =	shalt  }
0x58: {  	_ =	shalt  }
0x59: {  	_ =	shalt  }
0x5a: {  	_ =	shalt  }
0x5b: {  	_ =	shalt  }
0x5c: {  	_ =	shalt  }
0x5d: {  	_ =	shalt  }
0x5e: {  	_ =	shalt  }
0x5f: {  	_ =	shalt  }
0x60: {  	_ =	shalt  }
0x61: {  	_ =	shalt  }
0x62: {  	_ =	shalt  }
0x63: {  	_ =	shalt  }
0x64: {  	_ =	shalt  }
0x65: {  	_ =	shalt  }
0x66: {  	_ =	shalt  }
0x67: {  	_ =	shalt  }
0x68: {  	_ =	shalt  }
0x69: {  	_ =	shalt  }
0x6a: {  	_ =	shalt  }
0x6b: {  	_ =	shalt  }
0x6c: {  	_ =	shalt  }
0x6d: {  	_ =	shalt  }
0x6e: {  	_ =	shalt  }
0x6f: {  	_ =	shalt  }
0x70: {  	_ =	shalt  }
0x71: {  	_ =	shalt  }
0x72: {  	_ =	shalt  }
0x73: {  	_ =	shalt  }
0x74: {  	_ =	shalt  }
0x75: {  	_ =	shalt  }
0x76: {  	_ =	shalt  }
0x77: {  	_ =	shalt  }
0x78: {  	_ =	shalt  }
0x79: {  	_ =	shalt  }
0x7a: {  	_ =	shalt  }
0x7b: {  	_ =	shalt  }
0x7c: {  	_ =	shalt  }
0x7d: {  	_ =	shalt  }
0x7e: {  	_ =	shalt  }
0x7f: {  	_ =	shalt  }
0x80: {  	_ =	shalt  }
0x81: {  	_ =	shalt  }
0x82: {  	_ =	shalt  }
0x83: {  	_ =	shalt  }
0x84: {  	_ =	shalt  }
0x85: {  	_ =	shalt  }
0x86: {  	_ =	shalt  }
0x87: {  	_ =	shalt  }
.Lfunc_end0:
.L_simem_size_0:
called_computation.1_lowered:
.L_overlay_start_0:
0x88: {  	s2 =	sld [smem:$0x3FD9]  }
0x89: {  	s3 =	sld [smem:$0x3FFE];
	_ =	sdelay $0x1  }
0x8a: {  	s1 =	srdreg.scid  }
0x8b: {  	s0 =	sand.u32 $0x1, s1  }
0x8c: {  	s17 =	sshll.u32 s0, $0xA;
	s2 =	sadd.s32 s3, s2  }
0x8d: {  	s2 =	sadd.s32 s2, s17  }
0x8e: {  	[smem:$0x3FBD] =	sst s2  }
0x8f: {  	_ = 	snop  }
0x90: {  	s2 =	sld [smem:$0x3FD0];
	(tm) =	ssettm $0x1  }
0x91: {  	s18 =	sld [smem:$0x3FFB];
	_ =	sdelay $0x3  }
0x92: {  	_ =	strace s18  }
0x93: {  	s3 =	sld [smem:$0x3FFC];
	_ =	sdelay $0x3  }
0x94: {  	_ =	strace s3  }
0x95: {  	s3 =	sld [smem:$0x3FFD];
	_ =	sdelay $0x3  }
0x96: {  	_ =	strace s3  }
0x97: {  	_ =	strace $0x8FFFFFFF  }
0x98: {  	s19 =	sld [smem:$0x3FDB];
	_ =	sdelay $0x1  }
0x99: {  	s4 =	simm.s32 $_scs_section_size  }
0x9a: {  	s5 =	simm.s32 $_size__tile_overlayer_lowered;
	s6 =	simm.s32 $_tile_overlayer_lowered  }
0x9b: {  	s22 =	simm.s32 $0x1BFF;
	s21 =	sshll.u32 s6, $0x1;
	s3 =	sadd.s32 s4, s19  }
0x9c: {  	s7 =	simm.s32 $0x0;
	s20 =	sshll.u32 s5, $0x1;
	s5 =	sadd.s32 s21, s3  }
0x9d: {  	[timem:s7], [sflag:s22] =	dma.local [hbm:s5], s20  }
0x9e: {  	_ =	swait.ge [sflag:s22], s20  }
0x9f: {  	s4 =	ssub.s32 $0x0, s20;
	[sflag:s22] =	ssyncset.done $0x0  }
0xa0: {  	[sflag:s22] =	ssyncadd.s32 s4;
	_ =	sdelay $0x1  }
0xa1: {  	s23 =	simm.s32 $0x1B8B  }
0xa2: {  	_ =	swait.ge [sflag:s23], $0x1  }
0xa3: {  	[sflag:s23] =	ssyncset.done $0x0  }
0xa4: {  	s25 =	simm.s32 $0x1B8E;
	s24 =	sld [smem:$0x3FFE];
	[sflag:s23] =	ssyncadd.s32 $0xFFFFFFFF  }
0xa5: {  	s26 =	simm.s32 $execute0_lowered;
	[smem:$0x3FD2] =	sst s25  }
0xa6: {  	s5 =	sshll.u32 s26, $0x1;
	_ =	strace $0x80000049;
	[dreg:$0x1] =	wrdreg $0xFFFFFFFF  }
0xa7: {  	s28 =	simm.s32 $_size_execute0_lowered;
	s3 =	sadd.s32 s3, s5;
	[dreg:$0x0] =	wrdreg $0x0  }
0xa8: {  	s5 =	sshll.u32 s28, $0x1;
	[dreg:$0x2] =	wrdreg s3  }
0xa9: {  	[dreg:$0x3] =	wrdreg s5  }
0xaa: {  	[dreg:$0x4] =	wrdreg $0xC0  }
0xab: {  	_ =	task [dreg:s7], $0x5FFFF  }
0xac: {  	[dreg:$0x1] =	wrdreg $0xFFFFFFFF  }
0xad: {  	[dreg:$0x0] =	wrdreg $0x60  }
0xae: {  	[dreg:$0x2] =	wrdreg s2  }
0xaf: {  	[dreg:$0x3] =	wrdreg s24  }
0xb0: {  	[dreg:$0x4] =	wrdreg $0x9  }
0xb1: {  	_ =	task.clear_ibuf [dreg:s7], $0x5FFFF;
	_ =	strace $0x90000049  }
0xb2: {  	s29 =	simm.s32 $0x9;
	_ =	strace $0x8000004B  }
0xb3: {  	_ =	swait.ge [sflag:s29], $0x1  }
0xb4: {  	[sflag:s29] =	ssyncadd.s32 $0xFFFFFFFF  }
0xb5: {  	_ =	strace $0x9000004B  }
0xb6: {  	_ =	sfence  }
0xb7: {  	s30 =	sld [smem:$0x0];
	_ =	sdelay $0x2  }
0xb8: {  	s31 =	sshll.u32 s1, $0xD;
	s1 =	sshrl.u32 s1, $0x2  }
0xb9: {  	s3 =	sand.u32 $0x4000, s31;
	s1 =	sadd.s32 s1, s30  }
0xba: {  	s0 =	sor.u32 s3, s0;
	s1 =	sshll.u32 s1, $0x11  }
0xbb: {  	s0 =	sor.u32 s1, s0  }
0xbc: {  	s0 =	sadd.s32 $0x8F2B, s0  }
0xbd: {  	[sflag:s0] =	ssyncadd.remote.s32 $0x1  }
0xbe: {  	_ =	sfence.sel $0xFFFF  }
0xbf: {  	[dreg:$0x0] =	wrdreg $0xFFFFFFFF;
	(pc) =	sbr.abs _section_cstart, $3  }
0xc0: {  	[dreg:$0x1] =	wrdreg $0xFFFFFFFF  }
0xc1: {  	_ =	task.clear_ibuf [dreg:s7], $0x2FFFF;
	_ =	strace $0x9FFFFFFF  }
0xc2: {  	(tm) =	ssettm $0x7FFFFFFF  }
0xc3: {  	_ =	shalt  }
tec
execute0_lowered:
.L_overlay_start_1:
0x0: {  	(tag) =	ssettag $0x1  }
0x1: {  	s1 =	rddreg [dreg:$0x0]  }
0x2: {  	s0 =	rddreg [dreg:$0x1];
	s2 =	srdreg.scid  }
0x3: {  	s3 =	simm.s32 $0x0;
	s5 =	stileid.u32;
	s16 =	simm.s32 $0x2  }
0x4: {  	s17 =	simm.s32 $0x3000;
	s18 =	simm.s32 $0x6000;
	s19 =	simm.s32 $0x6080  }
0x5: {  	s23 =	simm.s32 $0x7A00;
	s24 =	simm.s32 $0x8680;
	s2 =	sand.u32 $0x1, s2  }
0x6: {  	s25 =	simm.s32 $0x1;
	s28 =	simm.s32 $0xAC00;
	s4 =	sshll.u32 s2, $0x4  }
0x7: {  	s29 =	simm.s32 $0x0;
	[smem:$0x7FF] =	sst s3;
	s4 =	sor.u32 s5, s4  }
0x8: {  	s6 =	sadd.s32 $0x1C0A00, s0;
	s7 =	sadd.s32 $0x1C1000, s0;
	s4 =	smul.u32 $0xC40, s4  }
0x9: {  	s8 =	sadd.s32 $0x1C1600, s0;
	s9 =	sadd.s32 $0x1C1800, s0;
	s2 =	ssub.s32 $0x2, s2  }
0xa: {  	_ =	strace $0x8000004A;
	s10 =	sshrl.u32 s2, $0x1;
	s12 =	sshrl.u32 s4, $0x3  }
0xb: {  	s5 =	sadd.s32 $0xCC200, s0;
	s31 =	ssub.s32 s2, s10;
	s14 =	sadd.s32 s12, s0  }
0xc: {  	s15 =	smax.u32 s31, $0x1;
	s11 =	sadd.s32 s1, s12;
	s10 =	sadd.s32 $0xC9000, s14  }
0xd: {  	s12 =	sadd.s32 s5, s12;
	s13 =	sadd.s32 $0x1C1A00, s14;
	s14 =	sadd.s32 $0x1C4C00, s14  }
.LBB2_1:
0xe: {  	[tilespmem:s3], [sflag:$0x2] =	stream.linear.gather [hbm4b:s6+s3], $0x3000, $0x38;
	[tilespmem:$0xB880] =	vst v63  }
0xf: {  	_ =	swait.ge [sflag:s16], $0x3000  }
0x10: {  	[sflag:s16] =	ssyncset.done $0x0  }
0x11: {  	[sflag:s16] =	ssyncadd.s32 $0xFFFFD000  }
0x12: {  	[tilespmem:s17], [sflag:$0x2] =	stream.linear.gather [hbm4b:s7+s3], $0x3000, $0x38;
	[tilespmem:$0xB880] =	vst v63  }
0x13: {  	_ =	swait.ge [sflag:s16], $0x3000  }
0x14: {  	[sflag:s16] =	ssyncset.done $0x0  }
0x15: {  	[sflag:s16] =	ssyncadd.s32 $0xFFFFD000  }
0x16: {  	[tilespmem:s18], [sflag:$0x2] =	stream.linear.gather [hbm4b:s8+s3], $0x80, $0x38;
	[tilespmem:$0xB880] =	vst v63  }
0x17: {  	_ =	swait.ge [sflag:s16], $0x80  }
0x18: {  	[sflag:s16] =	ssyncset.done $0x0  }
0x19: {  	[sflag:s16] =	ssyncadd.s32 $0xFFFFFF80  }
0x1a: {  	[tilespmem:s19], [sflag:$0x2] =	stream.linear.gather [hbm4b:s9+s3], $0x80, $0x38;
	[tilespmem:$0xB880] =	vst v63  }
0x1b: {  	_ =	swait.ge [sflag:s16], $0x80  }
0x1c: {  	[sflag:s16] =	ssyncset.done $0x0  }
0x1d: {  	s0 =	simm.s32 $0x9300;
	[sflag:s16] =	ssyncadd.s32 $0xFFFFFF80  }
0x1e: {  	[tilespmem:s0], [sflag:$0x2] =	stream.linear.gather [hbm4b:s10+s3], $0xC40, $0x38;
	[tilespmem:$0xB880] =	vst v63  }
0x1f: {  	_ =	swait.ge [sflag:s16], $0xC40  }
0x20: {  	[sflag:s16] =	ssyncset.done $0x0  }
0x21: {  	s30 =	simm.s32 $0x6100;
	[sflag:s16] =	ssyncadd.s32 $0xFFFFF3C0  }
0x22: {  	[tilespmem:s30], [sflag:$0x2] =	stream.linear.gather [hbm4b:s11+s3], $0xC40, $0x38;
	[tilespmem:$0xB880] =	vst v63  }
0x23: {  	_ =	swait.ge [sflag:s16], $0xC40  }
0x24: {  	[sflag:s16] =	ssyncset.done $0x0  }
0x25: {  	s31 =	simm.s32 $0x6D80;
	[sflag:s16] =	ssyncadd.s32 $0xFFFFF3C0  }
0x26: {  	[tilespmem:s31], [sflag:$0x2] =	stream.linear.gather [hbm4b:s12+s3], $0xC40, $0x38;
	[tilespmem:$0xB880] =	vst v63  }
0x27: {  	_ =	swait.ge [sflag:s16], $0xC40  }
0x28: {  	[sflag:s16] =	ssyncset.done $0x0  }
0x29: {  	s0 =	simm.s32 $0x0;
	[sflag:s16] =	ssyncadd.s32 $0xFFFFF3C0  }
.LBB2_2:
0x2a: {  	s0 =	sadd.s32 $0x1, s0  }
0x2b: {  	s2 =	smul.u32 $0x18800, s0;
	_ =	sdelay $0x1  }
0x2c: {  	s2 =	sadd.s32 s4, s2  }
0x2d: {  	s2 =	sshrl.u32 s2, $0x3  }
0x2e: {  	s20 =	sadd.s32 s1, s2  }
0x2f: {  	[tilespmem:s23], [sflag:$0x1] =	stream.linear.gather [hbm4b:s20+s3], $0xC40, $0x38;
	[tilespmem:$0xB880] =	vst v63  }
0x30: {  	s2 =	sadd.s32 s5, s2  }
0x31: {  	[tilespmem:s24], [sflag:$0x1] =	stream.linear.gather [hbm4b:s2+s3], $0xC40, $0x38;
	[tilespmem:$0xB880] =	vst v63  }
0x32: {  	_ =	swait.ge [sflag:s25], $0xC40  }
0x33: {  	[sflag:s25] =	ssyncset.done $0x0  }
0x34: {  	s2 =	simm.s32 $0x6120;
	[sflag:s25] =	ssyncadd.s32 $0xFFFFF3C0  }
0x35: {  	s20 =	simm.s32 $0x7A20;
	v5 =	vld [tilespmem:s2+$0x10]  }
0x36: {  	v6 =	vld [tilespmem:s20+$0x10]  }
0x37: {  	v2 =	vld [tilespmem:s20+$0xFFFFFFE0]  }
0x38: {  	v0 =	vld [tilespmem:s2+$0xFFFFFFF0]  }
0x39: {  	v4 =	vld [tilespmem:s20+$0xFFFFFFF0]  }
0x3a: {  	v1 =	vld [tilespmem:s2+$0x0]  }
0x3b: {  	v3 =	vld [tilespmem:s20+$0x0];
	v6 =	vadd.f32 v6, v5  }
0x3c: {  	s21 =	simm.s32 $0x0;
	s22 =	simm.s32 $0x6160;
	v5 =	vld [tilespmem:s2+$0xFFFFFFE0]  }
.LBB2_3:
0x3d: {  	v7 =	vld [tilespmem:s22+$0x10];
	[tilespmem:s2+$0x10] =	vst v6;
	s20 =	sadd.s32 $0x40, s20  }
0x3e: {  	s21 =	sadd.s32 $0x4, s21;
	v6 =	vld [tilespmem:s20+$0x10];
	v4 =	vadd.f32 v4, v0  }
0x3f: {  	p0 =	slt.u32 s21, $0xC0;
	v8 =	vld [tilespmem:s20+$0xFFFFFFE0]  }
.Ltmp0:
0x40: {  	v0 =	vld [tilespmem:s22+$0xFFFFFFF0];
	[tilespmem:s2+$0xFFFFFFF0] =	vst v4;
	v3 =	vadd.f32 v3, v1;
	(pc) =	sbr.rel @p0 .LBB2_3-.Ltmp0, $4  }
0x41: {  	v4 =	vld [tilespmem:s20+$0xFFFFFFF0];
	v9 =	vadd.f32 v2, v5  }
0x42: {  	v1 =	vld [tilespmem:s22+$0x0];
	[tilespmem:s2+$0x0] =	vst v3  }
0x43: {  	v3 =	vld [tilespmem:s20+$0x0];
	v6 =	vadd.f32 v6, v7;
	[tilespmem:s2+$0xFFFFFFE0] =	vst v9;
	s2 =	smov.u32 s22  }
0x44: {  	s22 =	sadd.s32 $0x40, s22;
	v5 =	vld [tilespmem:s2+$0xFFFFFFE0];
	v2 =	vmov v8  }
0x45: {  	_ =	sdelay $0x1  }
0x46: {  	v0 =	vadd.f32 v4, v0  }
0x47: {  	[tilespmem:s2+$0x10] =	vst v6;
	v1 =	vadd.f32 v3, v1  }
0x48: {  	[tilespmem:s2+$0xFFFFFFF0] =	vst v0;
	v0 =	vadd.f32 v2, v5  }
0x49: {  	[tilespmem:s2+$0x0] =	vst v1  }
0x4a: {  	[tilespmem:s2+$0xFFFFFFE0] =	vst v0  }
0x4b: {  	_ =	swait.ge [sflag:s25], $0xC40  }
0x4c: {  	[sflag:s25] =	ssyncset.done $0x0  }
0x4d: {  	s2 =	simm.s32 $0x6DA0;
	[sflag:s25] =	ssyncadd.s32 $0xFFFFF3C0  }
0x4e: {  	s20 =	simm.s32 $0x86A0;
	v5 =	vld [tilespmem:s2+$0x10]  }
0x4f: {  	v6 =	vld [tilespmem:s20+$0x10]  }
0x50: {  	v2 =	vld [tilespmem:s20+$0xFFFFFFE0]  }
0x51: {  	v0 =	vld [tilespmem:s2+$0xFFFFFFF0]  }
0x52: {  	v4 =	vld [tilespmem:s20+$0xFFFFFFF0]  }
0x53: {  	v1 =	vld [tilespmem:s2+$0x0]  }
0x54: {  	v3 =	vld [tilespmem:s20+$0x0];
	v6 =	vadd.f32 v6, v5  }
0x55: {  	s21 =	simm.s32 $0x0;
	s22 =	simm.s32 $0x6DE0;
	v5 =	vld [tilespmem:s2+$0xFFFFFFE0]  }
.LBB2_5:
0x56: {  	v7 =	vld [tilespmem:s22+$0x10];
	[tilespmem:s2+$0x10] =	vst v6;
	s20 =	sadd.s32 $0x40, s20  }
0x57: {  	s21 =	sadd.s32 $0x4, s21;
	v6 =	vld [tilespmem:s20+$0x10];
	v4 =	vadd.f32 v4, v0  }
0x58: {  	p0 =	slt.u32 s21, $0xC0;
	v8 =	vld [tilespmem:s20+$0xFFFFFFE0]  }
.Ltmp1:
0x59: {  	v0 =	vld [tilespmem:s22+$0xFFFFFFF0];
	[tilespmem:s2+$0xFFFFFFF0] =	vst v4;
	v3 =	vadd.f32 v3, v1;
	(pc) =	sbr.rel @p0 .LBB2_5-.Ltmp1, $4  }
0x5a: {  	v4 =	vld [tilespmem:s20+$0xFFFFFFF0];
	v9 =	vadd.f32 v2, v5  }
0x5b: {  	v1 =	vld [tilespmem:s22+$0x0];
	[tilespmem:s2+$0x0] =	vst v3  }
0x5c: {  	v3 =	vld [tilespmem:s20+$0x0];
	v6 =	vadd.f32 v6, v7;
	[tilespmem:s2+$0xFFFFFFE0] =	vst v9;
	s2 =	smov.u32 s22  }
0x5d: {  	s22 =	sadd.s32 $0x40, s22;
	v5 =	vld [tilespmem:s2+$0xFFFFFFE0];
	v2 =	vmov v8  }
0x5e: {  	_ = 	snop  }
0x5f: {  	p0 =	seq.s32 s0, $0xF  }
.Ltmp2:
0x60: {  	v0 =	vadd.f32 v4, v0;
	(pc) =	sbr.rel @!p0 .LBB2_2-.Ltmp2, $4  }
0x61: {  	[tilespmem:s2+$0x10] =	vst v6;
	v1 =	vadd.f32 v3, v1  }
0x62: {  	[tilespmem:s2+$0xFFFFFFF0] =	vst v0;
	v63 =	vadd.f32 v2, v5  }
0x63: {  	[tilespmem:s2+$0x0] =	vst v1  }
0x64: {  	[tilespmem:s2+$0xFFFFFFE0] =	vst v63  }
0x65: {  	s20 =	simm.s32 $0x9320  }
0x66: {  	v0 =	vld [tilespmem:s20+$0x10]  }
0x67: {  	v1 =	vld [tilespmem:s20+$0xFFFFFFE0]  }
0x68: {  	v2 =	vld [tilespmem:s20+$0xFFFFFFF0]  }
0x69: {  	s0 =	simm.s32 $0x6120;
	v3 =	vld [tilespmem:s20+$0x0]  }
0x6a: {  	v5 =	vld [tilespmem:s0+$0x10]  }
0x6b: {  	v9 =	vld [tilespmem:s0+$0xFFFFFFE0]  }
0x6c: {  	s26 =	simm.s32 $0x9360;
	v10 =	vld [tilespmem:s0+$0x0]  }
0x6d: {  	v17 =	vld [tilespmem:s26+$0x10]  }
0x6e: {  	v4 =	vld.idx.msk [tilespmem:v0+s18+$0x0], $0xffff  }
0x6f: {  	v22 =	vld [tilespmem:s26+$0xFFFFFFF0]  }
0x70: {  	v6 =	vld.idx.msk [tilespmem:v0+s19+$0x0], $0xffff  }
0x71: {  	v23 =	vld [tilespmem:s26+$0x0]  }
0x72: {  	v24 =	vld [tilespmem:s26+$0xFFFFFFE0]  }
0x73: {  	v7 =	vld.idx.msk [tilespmem:v1+s18+$0x0], $0xffff;
	v4 =	vsub.f32 v5, v4  }
0x74: {  	v8 =	vld.idx.msk [tilespmem:v2+s18+$0x0], $0xffff  }
0x75: {  	v11 =	vld.idx.msk [tilespmem:v1+s19+$0x0], $0xffff;
	v4 =	vmul.f32 v6, v4  }
0x76: {  	v5 =	vld.idx.msk [tilespmem:v3+s18+$0x0], $0xffff  }
0x77: {  	v6 =	vld [tilespmem:s0+$0xFFFFFFF0];
	v4 =	vmax.f32 v4, $0.0e+00  }
0x78: {  	v14 =	vld.idx.msk [tilespmem:v3+s19+$0x0], $0xffff;
	v4 =	vmin.f32 v4, $4.095000000e+03  }
0x79: {  	v12 =	vld.idx.msk [tilespmem:v2+s19+$0x0], $0xffff;
	v7 =	vsub.f32 v9, v7;
	v13 =	vtrunc.f32 v4  }
0x7a: {  	v13 =	vcvt.f32.s32 v13  }
0x7b: {  	v0 =	vshll.u32 v0, $0xC;
	v29 =	vld.idx.msk [tilespmem:v17+s19+$0x0], $0xffff;
	v7 =	vmul.f32 v11, v7;
	v5 =	vsub.f32 v10, v5  }
0x7c: {  	v30 =	vld.idx.msk [tilespmem:v24+s18+$0x0], $0xffff;
	v6 =	vsub.f32 v6, v8;
	v0 =	vadd.s32 v13, v0  }
0x7d: {  	v31 =	vld.idx.msk [tilespmem:v22+s18+$0x0], $0xffff;
	v7 =	vmax.f32 v7, $0.0e+00;
	v5 =	vmul.f32 v14, v5  }
0x7e: {  	v32 =	vld.idx.msk [tilespmem:v23+s18+$0x0], $0xffff;
	s0 =	simm.s32 $0x6160;
	v7 =	vmin.f32 v7, $4.095000000e+03;
	v6 =	vmul.f32 v12, v6;
	v8 =	vadd.s32 $0x1, v0  }
0x7f: {  	v33 =	vld [tilespmem:s0+$0xFFFFFFE0];
	v9 =	vtrunc.f32 v7;
	v5 =	vmax.f32 v5, $0.0e+00  }
0x80: {  	v34 =	vld [tilespmem:s0+$0xFFFFFFF0];
	v9 =	vcvt.f32.s32 v9;
	v5 =	vmin.f32 v5, $4.095000000e+03;
	v6 =	vmax.f32 v6, $0.0e+00  }
0x81: {  	v1 =	vshll.u32 v1, $0xC;
	v14 =	vtrunc.f32 v5;
	v6 =	vmin.f32 v6, $4.095000000e+03;
	v10 =	vld.idx.msk [tilespmem:v0+s3+$0x0], $0xffff  }
0x82: {  	v18 =	vadd.s32 v9, v1;
	v1 =	vcvt.f32.s32 v14;
	v11 =	vtrunc.f32 v6;
	v15 =	vld.idx.msk [tilespmem:v0+s17+$0x0], $0xffff  }
0x83: {  	v11 =	vcvt.f32.s32 v11;
	v0 =	vshll.u32 v2, $0xC;
	v2 =	vshll.u32 v3, $0xC;
	v12 =	vld.idx.msk [tilespmem:v8+s3+$0x0], $0xffff  }
0x84: {  	v20 =	vadd.s32 v1, v2;
	v2 =	vld [tilespmem:s0+$0x10]  }
0x85: {  	v3 =	vadd.s32 $0x1, v18;
	v19 =	vadd.s32 v11, v0;
	v0 =	vld.idx.msk [tilespmem:v17+s18+$0x0], $0xffff  }
0x86: {  	s2 =	simm.s32 $0x6DA0;
	v8 =	vld.idx.msk [tilespmem:v8+s17+$0x0], $0xffff;
	v21 =	vadd.s32 $0x1, v20  }
0x87: {  	v13 =	vcvt.s32.f32 v13;
	v14 =	vld [tilespmem:s2+$0x10];
	v1 =	vcvt.s32.f32 v1  }
0x88: {  	v28 =	vld.idx.msk [tilespmem:v18+s3+$0x0], $0xffff  }
0x89: {  	v9 =	vcvt.s32.f32 v9;
	v4 =	vsub.f32 v4, v13;
	v1 =	vsub.f32 v5, v1;
	v5 =	vld.idx.msk [tilespmem:v22+s19+$0x0], $0xffff  }
0x8a: {  	v16 =	vadd.s32 $0x1, v19;
	v25 =	vld.idx.msk [tilespmem:v3+s3+$0x0], $0xffff;
	v12 =	vsub.f32 v12, v10;
	v0 =	vsub.f32 v2, v0  }
0x8b: {  	v27 =	vld.idx.msk [tilespmem:v21+s3+$0x0], $0xffff;
	v2 =	vsub.f32 v7, v9;
	v7 =	vsub.f32 v8, v15  }
0x8c: {  	v11 =	vcvt.s32.f32 v11;
	v8 =	vld [tilespmem:s0+$0x0];
	v12 =	vmul.f32 v4, v12  }
0x8d: {  	v13 =	vld.idx.msk [tilespmem:v19+s3+$0x0], $0xffff;
	v9 =	vmul.f32 v29, v0;
	v4 =	vmul.f32 v4, v7  }
0x8e: {  	v17 =	vshll.u32 v17, $0xC;
	v0 =	vsub.f32 v6, v11;
	v6 =	vadd.f32 v12, v10;
	v10 =	vld.idx.msk [tilespmem:v24+s19+$0x0], $0xffff  }
0x8f: {  	v26 =	vld.idx.msk [tilespmem:v16+s3+$0x0], $0xffff;
	v7 =	vmax.f32 v9, $0.0e+00;
	v36 =	vadd.f32 v4, v15;
	v4 =	vsub.f32 v25, v28  }
0x90: {  	v25 =	vshll.u32 v23, $0xC;
	v12 =	vadd.f32 v6, v14;
	v6 =	vld.idx.msk [tilespmem:v23+s19+$0x0], $0xffff;
	v35 =	vmin.f32 v7, $4.095000000e+03  }
0x91: {  	v16 =	vld.idx.msk [tilespmem:v16+s17+$0x0], $0xffff;
	v9 =	vsub.f32 v33, v30;
	v7 =	vtrunc.f32 v35;
	v4 =	vmul.f32 v2, v4  }
0x92: {  	v15 =	vld.idx.msk [tilespmem:v3+s17+$0x0], $0xffff;
	v3 =	vsub.f32 v8, v32;
	v29 =	vcvt.f32.s32 v7;
	v7 =	vsub.f32 v34, v31  }
0x93: {  	v14 =	vld.idx.msk [tilespmem:v20+s3+$0x0], $0xffff;
	v9 =	vmul.f32 v10, v9;
	v10 =	vshll.u32 v24, $0xC;
	v8 =	vadd.f32 v4, v28  }
0x94: {  	v23 =	vld [tilespmem:s2+$0xFFFFFFE0];
	v28 =	vsub.f32 v26, v13;
	v30 =	vadd.s32 v29, v17;
	v5 =	vmul.f32 v5, v7  }
0x95: {  	v17 =	vld.idx.msk [tilespmem:v21+s17+$0x0], $0xffff;
	v24 =	vadd.s32 $0x1, v30;
	v4 =	vmax.f32 v9, $0.0e+00;
	v3 =	vmul.f32 v6, v3  }
0x96: {  	v63 =	vcvt.s32.f32 v29;
	v9 =	vld.idx.msk [tilespmem:v18+s17+$0x0], $0xffff;
	v18 =	vmin.f32 v4, $4.095000000e+03;
	v4 =	vmax.f32 v5, $0.0e+00  }
0x97: {  	v6 =	vld.idx.msk [tilespmem:v19+s17+$0x0], $0xffff;
	v5 =	vtrunc.f32 v18;
	v19 =	vmin.f32 v4, $4.095000000e+03;
	v3 =	vmax.f32 v3, $0.0e+00  }
0x98: {  	v7 =	vld.idx.msk [tilespmem:v20+s17+$0x0], $0xffff;
	v4 =	vcvt.f32.s32 v5;
	v5 =	vtrunc.f32 v19;
	v31 =	vmin.f32 v3, $4.095000000e+03  }
0x99: {  	v11 =	vshll.u32 v22, $0xC;
	v22 =	vld.idx.msk [tilespmem:v30+s3+$0x0], $0xffff;
	v3 =	vcvt.f32.s32 v5;
	v20 =	vtrunc.f32 v31  }
0x9a: {  	v62 =	vsub.f32 v27, v14;
	v29 =	vmul.f32 v0, v28;
	v61 =	vld.idx.msk [tilespmem:v24+s3+$0x0], $0xffff;
	v26 =	vcvt.f32.s32 v20  }
0x9b: {  	v21 =	vcvt.s32.f32 v4;
	v5 =	vadd.s32 v4, v10;
	v20 =	vld.idx.msk [tilespmem:v30+s17+$0x0], $0xffff;
	v4 =	vadd.s32 v3, v11  }
0x9c: {  	v27 =	vcvt.s32.f32 v3;
	v3 =	vadd.s32 v26, v25;
	v30 =	vcvt.s32.f32 v26;
	v26 =	vld.idx.msk [tilespmem:v24+s17+$0x0], $0xffff  }
0x9d: {  	s30 =	simm.s32 $0x9FA0;
	v28 =	vsub.f32 v35, v63;
	v10 =	vadd.s32 $0x1, v5;
	v21 =	vsub.f32 v18, v21;
	v25 =	vld [tilespmem:s2+$0xFFFFFFF0]  }
0x9e: {  	s31 =	simm.s32 $0xAC20;
	s22 =	simm.s32 $0x4;
	[tilespmem:s30+$0x10] =	vst v12;
	v11 =	vadd.s32 $0x1, v4;
	v24 =	vld [tilespmem:s2+$0x0];
	s2 =	simm.s32 $0x6DE0;
	v19 =	vsub.f32 v19, v27;
	v12 =	vadd.s32 $0x1, v3  }
0x9f: {  	s21 =	simm.s32 $0x9FA0;
	s26 =	simm.s32 $0x93A0;
	s20 =	simm.s32 $0xAC20;
	[tilespmem:s31+$0x10] =	vst v36;
	v27 =	vld [tilespmem:s2+$0x10];
	v18 =	vsub.f32 v31, v30;
	v30 =	vmul.f32 v1, v62;
	v31 =	vsub.f32 v61, v22  }
.LBB2_8:
0xa0: {  	v32 =	vld [tilespmem:s26+$0x10];
	v15 =	vsub.f32 v15, v9;
	v16 =	vsub.f32 v16, v6  }
0xa1: {  	s22 =	sadd.s32 $0x4, s22;
	v13 =	vadd.f32 v29, v13;
	v17 =	vsub.f32 v17, v7;
	v33 =	vld [tilespmem:s26+$0xFFFFFFF0];
	v31 =	vmul.f32 v28, v31  }
0xa2: {  	p0 =	slt.u32 s22, $0xC0;
	v26 =	vsub.f32 v26, v20;
	v14 =	vadd.f32 v30, v14;
	v29 =	vld [tilespmem:s26+$0x0];
	v15 =	vmul.f32 v2, v15;
	v2 =	vmovc v21  }
0xa3: {  	v16 =	vmul.f32 v0, v16;
	v17 =	vmul.f32 v1, v17;
	v0 =	vmovc v19;
	v21 =	vld [tilespmem:s26+$0xFFFFFFE0];
	v22 =	vadd.f32 v31, v22  }
0xa4: {  	v8 =	vadd.f32 v8, v23;
	v13 =	vadd.f32 v13, v25;
	v26 =	vmul.f32 v28, v26;
	v19 =	vld.idx.msk [tilespmem:v10+s3+$0x0], $0xffff  }
0xa5: {  	v1 =	vmov v18;
	v14 =	vadd.f32 v14, v24;
	v23 =	vld.idx.msk [tilespmem:v11+s3+$0x0], $0xffff;
	v22 =	vadd.f32 v22, v27  }
0xa6: {  	s21 =	sadd.s32 $0x40, s21;
	v20 =	vadd.f32 v26, v20;
	v18 =	vshll.u32 v33, $0xC;
	v24 =	vld.idx.msk [tilespmem:v12+s3+$0x0], $0xffff;
	[tilespmem:s30+$0xFFFFFFE0] =	vst v8;
	v8 =	vadd.f32 v15, v9  }
0xa7: {  	s31 =	sadd.s32 $0x40, s31;
	v6 =	vadd.f32 v16, v6;
	v7 =	vadd.f32 v17, v7;
	v25 =	vshll.u32 v29, $0xC;
	v9 =	vld.idx.msk [tilespmem:v5+s3+$0x0], $0xffff;
	[tilespmem:s21+$0x10] =	vst v22  }
0xa8: {  	s0 =	sadd.s32 $0x40, s0;
	v26 =	vshll.u32 v21, $0xC;
	v15 =	vld.idx.msk [tilespmem:v32+s18+$0x0], $0xffff;
	[tilespmem:s31+$0x10] =	vst v20  }
0xa9: {  	v16 =	vld [tilespmem:s0+$0x10];
	[tilespmem:s20+$0xFFFFFFE0] =	vst v8  }
0xaa: {  	v8 =	vld.idx.msk [tilespmem:v32+s19+$0x0], $0xffff;
	[tilespmem:s30+$0xFFFFFFF0] =	vst v13  }
0xab: {  	v13 =	vld.idx.msk [tilespmem:v21+s18+$0x0], $0xffff;
	[tilespmem:s20+$0xFFFFFFF0] =	vst v6  }
0xac: {  	v6 =	vld.idx.msk [tilespmem:v33+s18+$0x0], $0xffff;
	[tilespmem:s30+$0x0] =	vst v14;
	s30 =	smov.u32 s21  }
0xad: {  	v17 =	vsub.f32 v19, v9;
	v14 =	vld.idx.msk [tilespmem:v29+s18+$0x0], $0xffff;
	[tilespmem:s20+$0x0] =	vst v7;
	s20 =	smov.u32 s31  }
0xae: {  	v7 =	vld [tilespmem:s0+$0xFFFFFFE0];
	v15 =	vsub.f32 v16, v15  }
0xaf: {  	v17 =	vmul.f32 v2, v17;
	v16 =	vld [tilespmem:s0+$0xFFFFFFF0]  }
0xb0: {  	v19 =	vld [tilespmem:s0+$0x0];
	v15 =	vmul.f32 v8, v15  }
0xb1: {  	v8 =	vadd.f32 v17, v9;
	v20 =	vld.idx.msk [tilespmem:v21+s19+$0x0], $0xffff  }
0xb2: {  	v9 =	vld.idx.msk [tilespmem:v33+s19+$0x0], $0xffff;
	v15 =	vmax.f32 v15, $0.0e+00  }
0xb3: {  	v7 =	vsub.f32 v7, v13;
	v21 =	vld.idx.msk [tilespmem:v29+s19+$0x0], $0xffff;
	v27 =	vmin.f32 v15, $4.095000000e+03  }
0xb4: {  	v6 =	vsub.f32 v16, v6;
	v15 =	vtrunc.f32 v27;
	v13 =	vld.idx.msk [tilespmem:v4+s3+$0x0], $0xffff  }
0xb5: {  	v19 =	vsub.f32 v19, v14;
	v28 =	vcvt.f32.s32 v15;
	v14 =	vld.idx.msk [tilespmem:v3+s3+$0x0], $0xffff  }
0xb6: {  	v16 =	vshll.u32 v32, $0xC;
	v15 =	vld.idx.msk [tilespmem:v10+s17+$0x0], $0xffff  }
0xb7: {  	v7 =	vmul.f32 v20, v7;
	v20 =	vadd.s32 v28, v16;
	v16 =	vld.idx.msk [tilespmem:v11+s17+$0x0], $0xffff  }
0xb8: {  	v6 =	vmul.f32 v9, v6;
	v29 =	vadd.s32 $0x1, v20;
	v17 =	vld.idx.msk [tilespmem:v12+s17+$0x0], $0xffff  }
0xb9: {  	v7 =	vmax.f32 v7, $0.0e+00;
	v10 =	vmul.f32 v21, v19;
	v9 =	vld.idx.msk [tilespmem:v5+s17+$0x0], $0xffff  }
0xba: {  	v12 =	vmin.f32 v7, $4.095000000e+03;
	v5 =	vmax.f32 v6, $0.0e+00;
	v30 =	vsub.f32 v23, v13;
	v6 =	vld.idx.msk [tilespmem:v4+s17+$0x0], $0xffff  }
0xbb: {  	v4 =	vtrunc.f32 v12;
	v19 =	vmin.f32 v5, $4.095000000e+03;
	v5 =	vmax.f32 v10, $0.0e+00;
	v7 =	vld.idx.msk [tilespmem:v3+s17+$0x0], $0xffff  }
0xbc: {  	v3 =	vcvt.f32.s32 v4;
	v4 =	vtrunc.f32 v19;
	v31 =	vmin.f32 v5, $4.095000000e+03;
	v22 =	vld.idx.msk [tilespmem:v20+s3+$0x0], $0xffff  }
0xbd: {  	v33 =	vsub.f32 v24, v14;
	v4 =	vcvt.f32.s32 v4;
	v10 =	vtrunc.f32 v31;
	v32 =	vld.idx.msk [tilespmem:v29+s3+$0x0], $0xffff  }
0xbe: {  	v21 =	vcvt.s32.f32 v3;
	v5 =	vadd.s32 v3, v26;
	v3 =	vcvt.f32.s32 v10;
	v23 =	vld [tilespmem:s2+$0xFFFFFFE0]  }
.Ltmp3:
0xbf: {  	v10 =	vadd.s32 $0x1, v5;
	v24 =	vcvt.s32.f32 v4;
	v4 =	vadd.s32 v4, v18;
	v20 =	vld.idx.msk [tilespmem:v20+s17+$0x0], $0xffff;
	(pc) =	sbr.rel @p0 .LBB2_8-.Ltmp3, $4  }
0xc0: {  	v11 =	vadd.s32 $0x1, v4;
	v18 =	vcvt.s32.f32 v3;
	v3 =	vadd.s32 v3, v25;
	v26 =	vld.idx.msk [tilespmem:v29+s17+$0x0], $0xffff  }
0xc1: {  	v28 =	vcvt.s32.f32 v28;
	v21 =	vsub.f32 v12, v21;
	v12 =	vadd.s32 $0x1, v3;
	v25 =	vld [tilespmem:s2+$0xFFFFFFF0]  }
0xc2: {  	v19 =	vsub.f32 v19, v24;
	v29 =	vmul.f32 v0, v30;
	v18 =	vsub.f32 v31, v18;
	v24 =	vld [tilespmem:s2+$0x0];
	s2 =	sadd.s32 $0x40, s2  }
0xc3: {  	s26 =	sadd.s32 $0x40, s26;
	v28 =	vsub.f32 v27, v28;
	v30 =	vmul.f32 v1, v33;
	v31 =	vsub.f32 v32, v22;
	v27 =	vld [tilespmem:s2+$0x10]  }
0xc4: {  	_ =	sdelay $0x3  }
0xc5: {  	v32 =	vld.idx.msk [tilespmem:v10+s3+$0x0], $0xffff  }
0xc6: {  	v33 =	vld.idx.msk [tilespmem:v11+s3+$0x0], $0xffff  }
0xc7: {  	v34 =	vld.idx.msk [tilespmem:v12+s3+$0x0], $0xffff  }
0xc8: {  	v35 =	vld.idx.msk [tilespmem:v5+s3+$0x0], $0xffff  }
0xc9: {  	v36 =	vld.idx.msk [tilespmem:v4+s3+$0x0], $0xffff  }
0xca: {  	v42 =	vld.idx.msk [tilespmem:v3+s3+$0x0], $0xffff  }
0xcb: {  	v43 =	vld.idx.msk [tilespmem:v10+s17+$0x0], $0xffff  }
0xcc: {  	v13 =	vadd.f32 v29, v13;
	v8 =	vadd.f32 v8, v23;
	v44 =	vld.idx.msk [tilespmem:v11+s17+$0x0], $0xffff  }
0xcd: {  	v15 =	vsub.f32 v15, v9;
	v16 =	vsub.f32 v16, v6;
	v46 =	vld.idx.msk [tilespmem:v5+s17+$0x0], $0xffff  }
0xce: {  	v17 =	vsub.f32 v17, v7;
	v48 =	vld.idx.msk [tilespmem:v12+s17+$0x0], $0xffff;
	v31 =	vmul.f32 v28, v31;
	v14 =	vadd.f32 v30, v14  }
0xcf: {  	v51 =	vld.idx.msk [tilespmem:v4+s17+$0x0], $0xffff;
	v26 =	vsub.f32 v26, v20;
	v2 =	vmul.f32 v2, v15;
	v13 =	vadd.f32 v13, v25  }
0xd0: {  	v54 =	vld.idx.msk [tilespmem:v3+s17+$0x0], $0xffff;
	v0 =	vmul.f32 v0, v16;
	v22 =	vadd.f32 v31, v22;
	v14 =	vadd.f32 v14, v24  }
0xd1: {  	[tilespmem:s30+$0xFFFFFFE0] =	vst v8;
	v1 =	vmul.f32 v1, v17;
	v2 =	vadd.f32 v2, v9;
	v50 =	vsub.f32 v32, v35  }
0xd2: {  	v52 =	vld [tilespmem:s2+$0xFFFFFFE0];
	v45 =	vmul.f32 v28, v26;
	v0 =	vadd.f32 v0, v6;
	[tilespmem:s30+$0xFFFFFFF0] =	vst v13;
	v53 =	vsub.f32 v33, v36  }
0xd3: {  	v55 =	vld [tilespmem:s2+$0xFFFFFFF0];
	v1 =	vadd.f32 v1, v7;
	v57 =	vsub.f32 v34, v42;
	[tilespmem:s30+$0x0] =	vst v14;
	v8 =	vmul.f32 v21, v50  }
0xd4: {  	v59 =	vld [tilespmem:s2+$0x0];
	v47 =	vadd.f32 v22, v27;
	v49 =	vadd.f32 v45, v20;
	[tilespmem:s20+$0xFFFFFFE0] =	vst v2;
	v58 =	vmul.f32 v19, v53  }
0xd5: {  	v56 =	vsub.f32 v43, v46;
	[tilespmem:s20+$0xFFFFFFF0] =	vst v0;
	v10 =	vmul.f32 v18, v57;
	v8 =	vadd.f32 v8, v35  }
0xd6: {  	s0 =	sadd.s32 $0x40, s21;
	v60 =	vsub.f32 v44, v51;
	[tilespmem:s20+$0x0] =	vst v1;
	v61 =	vadd.f32 v58, v36  }
0xd7: {  	s26 =	sadd.s32 $0x40, s31;
	[tilespmem:s0+$0x10] =	vst v47;
	v63 =	vadd.f32 v10, v42;
	v8 =	vadd.f32 v8, v52  }
0xd8: {  	v62 =	vsub.f32 v48, v54;
	v6 =	vmul.f32 v21, v56;
	[tilespmem:s26+$0x10] =	vst v49;
	v2 =	vadd.f32 v61, v55  }
0xd9: {  	v7 =	vmul.f32 v19, v60;
	v0 =	vadd.f32 v63, v59;
	[tilespmem:s0+$0xFFFFFFE0] =	vst v8  }
0xda: {  	v1 =	vmul.f32 v18, v62;
	v5 =	vadd.f32 v6, v46;
	[tilespmem:s0+$0xFFFFFFF0] =	vst v2  }
0xdb: {  	v4 =	vadd.f32 v7, v51;
	[tilespmem:s0+$0x0] =	vst v0  }
0xdc: {  	v1 =	vadd.f32 v1, v54;
	[tilespmem:s26+$0xFFFFFFE0] =	vst v5  }
0xdd: {  	[tilespmem:s26+$0xFFFFFFF0] =	vst v4  }
0xde: {  	s31 =	simm.s32 $0x9F80;
	[tilespmem:s26+$0x0] =	vst v1  }
0xdf: {  	[hbm4b:s13+s3] =	stream.linear.scatter [tilespmem:s31], [sflag:$0x2], $0xC40, $0x38;
	[tilespmem:$0xB880] =	vst v63  }
0xe0: {  	s29 =	sadd.s32 $0x1, s29;
	_ =	swait.ge [sflag:s16], $0xC40  }
0xe1: {  	p0 =	sne.s32 s29, s15;
	[sflag:s16] =	ssyncset.done $0x0  }
.Ltmp4:
0xe2: {  	[sflag:s16] =	ssyncadd.s32 $0xFFFFF3C0;
	(pc) =	sbr.rel @p0 .LBB2_1-.Ltmp4, $4  }
0xe3: {  	[hbm4b:s14+s3] =	stream.linear.scatter [tilespmem:s28], [sflag:$0x2], $0xC40, $0x38;
	[tilespmem:$0xB880] =	vst v63  }
0xe4: {  	_ =	swait.ge [sflag:s16], $0xC40  }
0xe5: {  	[sflag:s16] =	ssyncset.done $0x0  }
0xe6: {  	[sflag:s16] =	ssyncadd.s32 $0xFFFFF3C0  }
0xe7: {  	_ =	sfence.sel $0x180000  }
0xe8: {  	[bflag:$0x0] =	sbarrier.arrive $0xFFFF  }
0xe9: {  	_ =	strace $0x9000004A  }
0xea: {  	s0 =	stileid.u32;
	[bflag:$0x2] =	sbarrier.arrive $0xFFFF  }
0xeb: {  	p0 =	sne.s32 s0, $0x0;
	s0 =	rddreg [dreg:$0x2]  }
0xec: {  	s0 =	sadd.s32 @!p0 $0x100000, s0  }
0xed: {  	[sflag:s0] =	ssyncadd.tile.s32 @!p0 $0x1;
	_ =	shalt  }
.Lfunc_end2:
_tile_overlayer_lowered:
.L_overlay_start_2:
0xee: {  	(tag) =	ssettag $0x2  }
0xef: {  	s0 =	rddreg [dreg:$0x0];
	s2 =	stileid.u32  }
0xf0: {  	s1 =	rddreg [dreg:$0x1];
	p0 =	sne.s32 s2, $0x0  }
0xf1: {  	s3 =	rddreg [dreg:$0x2];
	[bflag:$0x3] =	sbarrier.arrive $0xFFFF;
	s2 =	simm.s32 @!p0 $0x1C02  }
0xf2: {  	[timem:s3], [sflag:s2] =	dma.local @!p0 [hbm:s0], s1  }
0xf3: {  	s0 =	simm.s32 @!p0 $0x2  }
0xf4: {  	_ =	swait.ge @!p0 [sflag:s0], s1  }
0xf5: {  	s1 =	ssub.s32 @!p0 $0x0, s1;
	[sflag:s0] =	ssyncset.done @!p0 $0x0  }
0xf6: {  	[sflag:s0] =	ssyncadd.s32 @!p0 s1  }
0xf7: {  	[bflag:$0x3] =	sbarrier.arrive $0xFFFF  }
0xf8: {  	_ =	shalt  }

</sc_bundles>
